<compile_context>
chip_gen: v7x
topology: tpu7x:2x2x1
jax: 0.10.2.dev20260603
libtpu: 0.0.44.dev20260713+nightly
codegen_flags: <defaults>
</compile_context>

<pallas_src>
import functools

import jax
import jax.numpy as jnp
import numpy as np
from jax import lax
from jax.experimental import pallas as pl
from jax.experimental.pallas import tpu as pltpu
from jax.experimental.pallas import tpu_sc as plsc

N = 10000
E = 320000
D = 128
H = 128
NUM_MASK = 5000

N_PAD = 10240
NC = 2
NS = 16
NW = NC * NS
R_PT = N_PAD // NS
CH = 128
NCH = 80
E_PT = NCH * CH
E_PAD = NW * E_PT
G_PAD = 5120
G_PT = G_PAD // NW
GCH = 80

_EPAD_IDX = (np.arange(E_PAD - E, dtype=np.int32) % (N_PAD - N)) + N


def _threefry2x32_np(k1, k2, x0, x1):
    x0 = x0.astype(np.uint32).copy()
    x1 = x1.astype(np.uint32).copy()
    ks = [np.uint32(k1), np.uint32(k2), np.uint32(k1 ^ k2 ^ 0x1BD11BDA)]

    def rotl(v, r):
        return (v << r) | (v >> np.uint32(32 - r))

    rots = [(13, 15, 26, 6), (17, 29, 16, 24)]
    kidx = [(1, 2), (2, 0), (0, 1), (1, 2), (2, 0)]
    with np.errstate(over="ignore"):
        x0 = x0 + ks[0]
        x1 = x1 + ks[1]
        for i in range(5):
            for r in rots[i % 2]:
                x0 = x0 + x1
                x1 = rotl(x1, np.uint32(r))
                x1 = x0 ^ x1
            a, b = kidx[i]
            x0 = x0 + ks[a]
            x1 = x1 + ks[b] + np.uint32(i + 1)
    return x0, x1


def _permutation_np(seed, n):
    key = (np.uint32((seed >> 32) & 0xFFFFFFFF), np.uint32(seed & 0xFFFFFFFF))
    x = np.arange(n)
    num_rounds = int(np.ceil(3 * np.log(max(1, n))
                             / np.log(np.iinfo(np.uint32).max)))
    for _ in range(num_rounds):
        b1, b2 = _threefry2x32_np(key[0], key[1],
                                  np.array([0, 0]), np.array([0, 1]))
        key, sub = (b1[0], b2[0]), (b1[1], b2[1])
        h1, h2 = _threefry2x32_np(sub[0], sub[1],
                                  np.zeros(n, np.uint32),
                                  np.arange(n, dtype=np.uint32))
        x = x[np.argsort(h1 ^ h2, kind="stable")]
    return x


@functools.cache
def _mask_consts():
    perm = _permutation_np(42, N)
    mask_nodes = perm[:NUM_MASK].astype(np.int32)
    mask_vec = np.zeros((N_PAD, 1), np.float32)
    mask_vec[mask_nodes, 0] = 1.0
    gidx = np.concatenate(
        [mask_nodes, (np.arange(G_PAD - NUM_MASK, dtype=np.int32) * 83) % N]
    )
    return mask_vec, gidx

_f32 = jnp.float32


def _worker_id():
    return lax.axis_index("c") * NS + lax.axis_index("s")


@functools.cache
def _sc_kernels():
    mesh = plsc.VectorSubcoreMesh(core_axis_name="c", subcore_axis_name="s",
                                  num_cores=NC, num_subcores=NS)

    @functools.partial(
        pl.kernel,
        out_type=jax.ShapeDtypeStruct((NC, N_PAD, H), _f32),
        mesh=mesh,
        scratch_types=(
            [pltpu.VMEM((NCH, CH), jnp.int32)]
            + [pltpu.VMEM((CH,), jnp.int32) for _ in range(4)]
            + [pltpu.VMEM((CH, H), _f32) for _ in range(2)]
            + [pltpu.VMEM_SHARED((N_PAD, H), _f32)]
            + [pltpu.SemaphoreType.DMA for _ in range(8)]
        ),
    )
    def scatter_kernel(hs_hbm, src_hbm, dst_hbm, zeros_hbm, out_hbm,
                       sidx_v, di0, di1, di2, di3, rows0, rows1, acc_sh,
                       mi0, mi1, mi2, mi3, mg0, mg1, ms0, ms1):
        c = lax.axis_index("c")
        s = lax.axis_index("s")
        w = _worker_id()
        didx = (di0, di1, di2, di3)
        rows = (rows0, rows1)
        semi = (mi0, mi1, mi2, mi3)
        semg = (mg0, mg1)
        sems = (ms0, ms1)

        def start_didx(k, q):
            off = w * E_PT + k * CH
            pltpu.async_copy(dst_hbm.at[pl.ds(off, CH)], didx[q], semi[q])

        def wait_didx(k, q):
            off = w * E_PT + k * CH
            pltpu.make_async_copy(dst_hbm.at[pl.ds(off, CH)], didx[q],
                                  semi[q]).wait()

        def chunk_step(k, q, b, has_prev2=True, has_prev=True,
                       prefetch=True):
            wait_didx(k, q)
            if has_prev2:
                pltpu.make_async_copy(rows[b], acc_sh.at[didx[(q + 2) % 4]],
                                      sems[b]).wait()
            pltpu.async_copy(hs_hbm.at[sidx_v.at[k]], rows[b], semg[b])
            if has_prev:
                pltpu.make_async_copy(hs_hbm.at[sidx_v.at[k - 1]],
                                      rows[1 - b], semg[1 - b]).wait()
                pltpu.async_copy(rows[1 - b], acc_sh.at[didx[(q + 3) % 4]],
                                 sems[1 - b], add=True)
            if prefetch:
                start_didx(k + 2, (q + 2) % 4)

        pltpu.sync_copy(src_hbm.at[w], sidx_v)
        start_didx(0, 0)
        start_didx(1, 1)
        pltpu.sync_copy(zeros_hbm.at[pl.ds(s * R_PT, R_PT)],
                        acc_sh.at[pl.ds(s * R_PT, R_PT)])
        plsc.subcore_barrier()

        chunk_step(0, 0, 0, has_prev2=False, has_prev=False)
        chunk_step(1, 1, 1, has_prev2=False)

        def body(j, carry):
            for i in range(4):
                k = 4 * j + 2 + i
                chunk_step(k, (2 + i) % 4, i % 2)
            return carry

        lax.fori_loop(0, (NCH - 4) // 4, body, 0)
        chunk_step(NCH - 2, (NCH - 2) % 4, 0, prefetch=False)
        chunk_step(NCH - 1, (NCH - 1) % 4, 1, prefetch=False)
        pltpu.make_async_copy(hs_hbm.at[sidx_v.at[NCH - 1]], rows[1],
                              semg[1]).wait()
        pltpu.async_copy(rows[1], acc_sh.at[didx[(NCH - 1) % 4]], sems[1],
                         add=True)
        pltpu.make_async_copy(rows[0], acc_sh.at[didx[(NCH - 2) % 4]],
                              sems[0]).wait()
        pltpu.make_async_copy(rows[1], acc_sh.at[didx[(NCH - 1) % 4]],
                              sems[1]).wait()
        plsc.subcore_barrier()
        pltpu.sync_copy(acc_sh.at[pl.ds(s * R_PT, R_PT)],
                        out_hbm.at[c, pl.ds(s * R_PT, R_PT)])

    @functools.partial(
        pl.kernel,
        out_type=jax.ShapeDtypeStruct((NC, N_PAD, H), _f32),
        mesh=mesh,
        scratch_types=(
            [pltpu.VMEM((CH,), jnp.int32) for _ in range(4)]
            + [pltpu.VMEM((CH, H), _f32)]
            + [pltpu.VMEM_SHARED((N_PAD, H), _f32)]
            + [pltpu.SemaphoreType.DMA for _ in range(6)]
        ),
    )
    def deg_kernel(dst_hbm, ones_hbm, zeros_hbm, out_hbm,
                   di0, di1, di2, di3, ones_v, acc_sh,
                   mi0, mi1, mi2, mi3, ms0, ms1):
        c = lax.axis_index("c")
        s = lax.axis_index("s")
        w = _worker_id()
        didx = (di0, di1, di2, di3)
        semi = (mi0, mi1, mi2, mi3)
        sems = (ms0, ms1)

        def start_didx(k, q):
            off = w * E_PT + k * CH
            pltpu.async_copy(dst_hbm.at[pl.ds(off, CH)], didx[q], semi[q])

        def wait_didx(k, q):
            off = w * E_PT + k * CH
            pltpu.make_async_copy(dst_hbm.at[pl.ds(off, CH)], didx[q],
                                  semi[q]).wait()

        def chunk_step(k, q, b, has_prev2=True, prefetch=True):
            wait_didx(k, q)
            if has_prev2:
                pltpu.make_async_copy(ones_v, acc_sh.at[didx[(q + 2) % 4]],
                                      sems[b]).wait()
            pltpu.async_copy(ones_v, acc_sh.at[didx[q]], sems[b], add=True)
            if prefetch:
                start_didx(k + 2, (q + 2) % 4)

        start_didx(0, 0)
        start_didx(1, 1)
        pltpu.sync_copy(ones_hbm, ones_v)
        pltpu.sync_copy(zeros_hbm.at[pl.ds(s * R_PT, R_PT)],
                        acc_sh.at[pl.ds(s * R_PT, R_PT)])
        plsc.subcore_barrier()

        chunk_step(0, 0, 0, has_prev2=False)
        chunk_step(1, 1, 1, has_prev2=False)

        def body(j, carry):
            for i in range(4):
                k = 4 * j + 2 + i
                chunk_step(k, (2 + i) % 4, i % 2)
            return carry

        lax.fori_loop(0, (NCH - 4) // 4, body, 0)
        chunk_step(NCH - 2, (NCH - 2) % 4, 0, prefetch=False)
        chunk_step(NCH - 1, (NCH - 1) % 4, 1, prefetch=False)
        for b in (0, 1):
            pltpu.make_async_copy(ones_v, acc_sh.at[didx[(NCH - 2 + b) % 4]],
                                  sems[b]).wait()
        plsc.subcore_barrier()
        pltpu.sync_copy(acc_sh.at[pl.ds(s * R_PT, R_PT)],
                        out_hbm.at[c, pl.ds(s * R_PT, R_PT)])

    @functools.partial(
        pl.kernel,
        out_type=(jax.ShapeDtypeStruct((G_PAD, D), _f32),
                  jax.ShapeDtypeStruct((G_PAD, D), _f32)),
        mesh=mesh,
        scratch_types=[
            pltpu.VMEM((GCH,), jnp.int32),
            pltpu.VMEM((GCH, D), _f32),
            pltpu.SemaphoreType.DMA,
        ],
    )
    def gather_kernel(x_hbm, r_hbm, gidx_hbm, out0_hbm, out1_hbm, idx_v, rows_v, sem):
        w = _worker_id()
        for part in range(G_PT // GCH):
            base = w * G_PT + part * GCH
            pltpu.sync_copy(gidx_hbm.at[pl.ds(base, GCH)], idx_v)
            pltpu.async_copy(x_hbm.at[idx_v], rows_v, sem).wait()
            pltpu.sync_copy(rows_v, out0_hbm.at[pl.ds(base, GCH)])
            pltpu.async_copy(r_hbm.at[idx_v], rows_v, sem).wait()
            pltpu.sync_copy(rows_v, out1_hbm.at[pl.ds(base, GCH)])

    return deg_kernel, scatter_kernel, gather_kernel


R_TC = 256
G_TC = N_PAD // R_TC


def _row_spec(width):
    return pl.BlockSpec((R_TC, width), lambda i: (i, 0))


def _full_spec(shape):
    nd = len(shape)
    return pl.BlockSpec(shape, lambda i: (0,) * nd)


def _pre_body(x_ref, m_ref, mt_ref, w_ref, dp_ref, hs_ref, dinv_ref):
    i = pl.program_id(0)
    dp = dp_ref[...]
    deg = dp[0, :, 0:1] + dp[1, :, 0:1] + 1.0
    rows = lax.broadcasted_iota(jnp.int32, (R_TC, 1), 0) + i * R_TC
    dinv = lax.rsqrt(deg) * (rows < N).astype(_f32)
    m = m_ref[...]
    z0 = x_ref[...] * (1.0 - m) + mt_ref[...] * m
    h = jnp.dot(z0, w_ref[...], preferred_element_type=_f32)
    hs_ref[...] = h * dinv
    dinv_ref[...] = dinv


def _tc_pre(x_pad, mvec, mt, W0, degp):
    return pl.pallas_call(
        _pre_body,
        grid=(G_TC,),
        in_specs=[
            _row_spec(D),
            _row_spec(1),
            _full_spec((1, D)),
            _full_spec((D, H)),
            pl.BlockSpec((NC, R_TC, H), lambda i: (0, i, 0)),
        ],
        out_specs=(_row_spec(H), _row_spec(1)),
        out_shape=(jax.ShapeDtypeStruct((N_PAD, H), _f32),
                   jax.ShapeDtypeStruct((N_PAD, 1), _f32)),
    )(x_pad, mvec, mt, W0, degp)


def _mid_body(p_ref, hs_ref, dinv_ref, b_ref, w_ref, out_ref):
    p = p_ref[...]
    acc = p[0] + p[1] + hs_ref[...]
    dinv = dinv_ref[...]
    z = jnp.maximum(dinv * acc + b_ref[...], 0.0)
    out_ref[...] = jnp.dot(z, w_ref[...], preferred_element_type=_f32) * dinv


def _tc_mid(p, hs_prev, dinv, b_prev, W_next):
    return pl.pallas_call(
        _mid_body,
        grid=(G_TC,),
        in_specs=[
            pl.BlockSpec((NC, R_TC, H), lambda i: (0, i, 0)),
            _row_spec(H),
            _row_spec(1),
            _full_spec((1, H)),
            _full_spec((H, H)),
        ],
        out_specs=_row_spec(H),
        out_shape=jax.ShapeDtypeStruct((N_PAD, H), _f32),
    )(p, hs_prev, dinv, b_prev, W_next)


def _post_body(p_ref, hs_ref, dinv_ref, b_ref, w0_ref, c0_ref, w1_ref, c1_ref,
               w2_ref, c2_ref, out_ref):
    p = p_ref[...]
    acc = p[0] + p[1] + hs_ref[...]
    z = jnp.maximum(dinv_ref[...] * acc + b_ref[...], 0.0)
    r = jnp.maximum(jnp.dot(z, w0_ref[...], preferred_element_type=_f32)
                    + c0_ref[...], 0.0)
    r = jnp.maximum(jnp.dot(r, w1_ref[...], preferred_element_type=_f32)
                    + c1_ref[...], 0.0)
    out_ref[...] = (jnp.dot(r, w2_ref[...], preferred_element_type=_f32)
                    + c2_ref[...])


def _tc_post(p, hs3, dinv, b2, Dw0, Db0, Dw1, Db1, Dw2, Db2):
    return pl.pallas_call(
        _post_body,
        grid=(G_TC,),
        in_specs=[
            pl.BlockSpec((NC, R_TC, H), lambda i: (0, i, 0)),
            _row_spec(H),
            _row_spec(1),
            _full_spec((1, H)),
            _full_spec((H, H)),
            _full_spec((1, H)),
            _full_spec((H, H)),
            _full_spec((1, H)),
            _full_spec((H, D)),
            _full_spec((1, D)),
        ],
        out_specs=_row_spec(D),
        out_shape=jax.ShapeDtypeStruct((N_PAD, D), _f32),
    )(p, hs3, dinv, b2, Dw0, Db0, Dw1, Db1, Dw2, Db2)


def kernel(x, edge_index, W0, b0, W1, b1, W2, b2,
           Dw0, Db0, Dw1, Db1, Dw2, Db2, mask_token):
    x_pad = jnp.concatenate([x, jnp.zeros((N_PAD - N, D), _f32)], axis=0)
    src = jnp.concatenate([edge_index[0], jnp.asarray(_EPAD_IDX)])
    dst = jnp.concatenate([edge_index[1], jnp.asarray(_EPAD_IDX)])
    mask_vec, gidx_np = _mask_consts()
    mvec = jnp.asarray(mask_vec)
    gidx = jnp.asarray(gidx_np)
    src3 = src.reshape(NW, NCH, CH)
    ones_ch = jnp.ones((CH, H), _f32)
    zerosH = jnp.zeros((N_PAD, H), _f32)

    _deg_kernel, _scatter_kernel, _gather_kernel = _sc_kernels()
    degp = _deg_kernel(dst, ones_ch, zerosH)
    hs1, dinv = _tc_pre(x_pad, mvec, mask_token, W0, degp)
    p1 = _scatter_kernel(hs1, src3, dst, zerosH)
    hs2 = _tc_mid(p1, hs1, dinv, b0.reshape(1, H), W1)
    p2 = _scatter_kernel(hs2, src3, dst, zerosH)
    hs3 = _tc_mid(p2, hs2, dinv, b1.reshape(1, H), W2)
    p3 = _scatter_kernel(hs3, src3, dst, zerosH)
    r = _tc_post(p3, hs3, dinv, b2.reshape(1, H),
                 Dw0, Db0.reshape(1, H), Dw1, Db1.reshape(1, H),
                 Dw2, Db2.reshape(1, D))
    out0, out1 = _gather_kernel(x_pad, r, gidx)
    return (out0[:NUM_MASK], out1[:NUM_MASK])

# --- scband reference (transcript-rebuilt; emitter-appended) ---
"""Pipeline reference for scband-graph-mae-84507776516699 (READ-ONLY COPY).

The authoritative reference and input builder live on the scoring server;
editing this copy changes nothing except your own understanding.
"""

import jax, jax.numpy as jnp
import numpy as np

N = 10000
E = 320000
D = 128
H = 128
MASK_RATIO = 0.5
NUM_MASK = int(MASK_RATIO * N)


def _mask_nodes():
    # torch.randperm replaced by a fixed-key jax permutation for determinism
    perm = jax.random.permutation(jax.random.key(42), N)
    return perm[:NUM_MASK]


def _gcn_conv(x, edge_index, W, b):
    # PyG GCNConv semantics: add self-loops, symmetric deg^{-1/2} normalization,
    # linear transform, scatter-add aggregation, then bias.
    src = edge_index[0]
    dst = edge_index[1]
    loop = jnp.arange(N, dtype=src.dtype)
    src = jnp.concatenate([src, loop])
    dst = jnp.concatenate([dst, loop])
    deg = jnp.zeros((N,), x.dtype).at[dst].add(1.0)
    dinv = jax.lax.rsqrt(jnp.maximum(deg, 1.0))
    norm = dinv[src] * dinv[dst]
    h = x @ W
    msg = jnp.take(h, src, axis=0) * norm[:, None]
    out = jnp.zeros((N, W.shape[1]), x.dtype).at[dst].add(msg)
    return out + b


def setup_inputs(seed: int = 0) -> dict:
    key = jax.random.key(seed)
    ks = jax.random.split(key, 20)
    inp = {}
    inp['x'] = jax.random.normal(ks[0], (N, D), dtype=jnp.float32)
    inp['edge_index'] = jax.random.randint(ks[1], (2, E), 0, N, dtype=jnp.int32)
    s_in = float(1.0 / np.sqrt(D))
    s_h = float(1.0 / np.sqrt(H))
    # encoder GCN layers
    inp['W0'] = jax.random.uniform(ks[2], (D, H), jnp.float32, -s_in, s_in)
    inp['b0'] = jnp.zeros((H,), jnp.float32)
    inp['W1'] = jax.random.uniform(ks[3], (H, H), jnp.float32, -s_h, s_h)
    inp['b1'] = jnp.zeros((H,), jnp.float32)
    inp['W2'] = jax.random.uniform(ks[4], (H, H), jnp.float32, -s_h, s_h)
    inp['b2'] = jnp.zeros((H,), jnp.float32)
    # decoder Linear layers
    inp['Dw0'] = jax.random.uniform(ks[5], (H, H), jnp.float32, -s_h, s_h)
    inp['Db0'] = jax.random.uniform(ks[6], (H,), jnp.float32, -s_h, s_h)
    inp['Dw1'] = jax.random.uniform(ks[7], (H, H), jnp.float32, -s_h, s_h)
    inp['Db1'] = jax.random.uniform(ks[8], (H,), jnp.float32, -s_h, s_h)
    inp['Dw2'] = jax.random.uniform(ks[9], (H, D), jnp.float32, -s_h, s_h)
    inp['Db2'] = jax.random.uniform(ks[10], (D,), jnp.float32, -s_h, s_h)
    # learned mask token (torch init: zeros)
    inp['mask_token'] = jnp.zeros((1, D), jnp.float32)
    return inp


def reference(x, edge_index, W0, b0, W1, b1, W2, b2, Dw0, Db0, Dw1, Db1, Dw2, Db2, mask_token):
    mask_nodes = _mask_nodes()
    # encoding_mask (replace_ratio == 0 path)
    out_x = x.at[mask_nodes].set(0.0)
    out_x = out_x.at[mask_nodes].add(mask_token)
    # encoder (dropout is identity in eval mode)
    z = out_x
    for (W, b) in ((W0, b0), (W1, b1), (W2, b2)):
        z = jax.nn.relu(_gcn_conv(z, edge_index, W, b))
    # decoder
    r = jax.nn.relu(z @ Dw0 + Db0)
    r = jax.nn.relu(r @ Dw1 + Db1)
    r = r @ Dw2 + Db2
    return (jnp.take(x, mask_nodes, axis=0), jnp.take(r, mask_nodes, axis=0))

if __name__ == "__main__":
    import jax
    _d = setup_inputs()
    print(jax.jit(kernel)(*tuple(_d.values())))

</pallas_src>

<mosaic_0001>
#map = affine_map<(d0, d1) -> (0)>
#map1 = affine_map<(d0, d1) -> (0, 0)>
#map2 = affine_map<(d0, d1) -> (0, 0, 0)>
module attributes {stable_mosaic.version = 14 : i64} {
  func.func @deg_kernel(%arg0: i32, %arg1: i32, %arg2: memref<327680xi32, #tpu.memory_space<hbm>>, %arg3: memref<128x128xf32, #tpu.memory_space<hbm>>, %arg4: memref<10240x128xf32, #tpu.memory_space<hbm>>, %arg5: memref<2x10240x128xf32, #tpu.memory_space<hbm>>, %arg6: memref<128xi32, #tpu.memory_space<vmem>>, %arg7: memref<128xi32, #tpu.memory_space<vmem>>, %arg8: memref<128xi32, #tpu.memory_space<vmem>>, %arg9: memref<128xi32, #tpu.memory_space<vmem>>, %arg10: memref<128x128xf32, #tpu.memory_space<vmem>>, %arg11: memref<10240x128xf32, #tpu.memory_space<vmem_shared>>, %arg12: memref<!tpu.dma_semaphore, #tpu.memory_space<semaphore_mem>>, %arg13: memref<!tpu.dma_semaphore, #tpu.memory_space<semaphore_mem>>, %arg14: memref<!tpu.dma_semaphore, #tpu.memory_space<semaphore_mem>>, %arg15: memref<!tpu.dma_semaphore, #tpu.memory_space<semaphore_mem>>, %arg16: memref<!tpu.dma_semaphore, #tpu.memory_space<semaphore_mem>>, %arg17: memref<!tpu.dma_semaphore, #tpu.memory_space<semaphore_mem>>) attributes {dimension_semantics = [#tpu.dimension_semantics<core_parallel>, #tpu.dimension_semantics<subcore_parallel>], iteration_bounds = array<i64: 2, 16>, scalar_prefetch = 0 : i64, scratch_operands = 12 : i64, tpu.core_type = #tpu.core_type<sc_vector_subcore>, window_params = [{transform_indices = #map}, {transform_indices = #map1}, {transform_indices = #map1}, {transform_indices = #map2}]} {
    %mul3A = arith.constant 16 : i32
    %mul3A_0 = arith.muli %arg0, %mul3A : i32
    %add3A = arith.addi %mul3A_0, %arg1 : i32
    %mul3A_1 = arith.constant 10240 : i32
    %mul3A_2 = arith.muli %add3A, %mul3A_1 : i32
    %add3A_3 = arith.constant 0 : i32
    %add3A_4 = arith.addi %mul3A_2, %add3A_3 : i32
    %dma_start3A = tpu.memref_slice %arg2[%add3A_4] : memref<327680xi32, #tpu.memory_space<hbm>> -> memref<128xi32, #tpu.memory_space<hbm>>
    %dma_start3A_5 = tpu.memref_slice %arg2[%add3A_4] : memref<327680xi32, #tpu.memory_space<hbm>> -> memref<128xi32, #tpu.memory_space<hbm>>
    tpu.enqueue_dma source(%dma_start3A_5 : memref<128xi32, #tpu.memory_space<hbm>>) target(%arg6 : memref<128xi32, #tpu.memory_space<vmem>>) target_semaphore(%arg12 : memref<!tpu.dma_semaphore, #tpu.memory_space<semaphore_mem>>)
    %mul3A_6 = arith.constant 10240 : i32
    %mul3A_7 = arith.muli %add3A, %mul3A_6 : i32
    %add3A_8 = arith.constant 128 : i32
    %add3A_9 = arith.addi %mul3A_7, %add3A_8 : i32
    %dma_start3A_10 = tpu.memref_slice %arg2[%add3A_9] : memref<327680xi32, #tpu.memory_space<hbm>> -> memref<128xi32, #tpu.memory_space<hbm>>
    %dma_start3A_11 = tpu.memref_slice %arg2[%add3A_9] : memref<327680xi32, #tpu.memory_space<hbm>> -> memref<128xi32, #tpu.memory_space<hbm>>
    tpu.enqueue_dma source(%dma_start3A_11 : memref<128xi32, #tpu.memory_space<hbm>>) target(%arg7 : memref<128xi32, #tpu.memory_space<vmem>>) target_semaphore(%arg13 : memref<!tpu.dma_semaphore, #tpu.memory_space<semaphore_mem>>)
    "tpu.region"() ({
      %run_scoped3A = tpu.sem_alloc : memref<!tpu.dma_semaphore, #tpu.memory_space<semaphore_mem>>
      tpu.enqueue_dma source(%arg3 : memref<128x128xf32, #tpu.memory_space<hbm>>) target(%arg10 : memref<128x128xf32, #tpu.memory_space<vmem>>) target_semaphore(%run_scoped3A : memref<!tpu.dma_semaphore, #tpu.memory_space<semaphore_mem>>)
      tpu.wait_dma2 semaphore(%run_scoped3A : memref<!tpu.dma_semaphore, #tpu.memory_space<semaphore_mem>>) src(%arg3 : memref<128x128xf32, #tpu.memory_space<hbm>>) dst(%arg10 : memref<128x128xf32, #tpu.memory_space<vmem>>)
      tpu.yield
    }) : () -> ()
    %mul3A_12 = arith.constant 640 : i32
    %mul3A_13 = arith.muli %arg1, %mul3A_12 : i32
    %mul3A_14 = arith.constant 640 : i32
    %mul3A_15 = arith.muli %arg1, %mul3A_14 : i32
    "tpu.region"() ({
      %run_scoped3A = tpu.sem_alloc : memref<!tpu.dma_semaphore, #tpu.memory_space<semaphore_mem>>
      %dma_start3A_85 = arith.constant 0 : i32
      %dma_start3A_86 = tpu.memref_slice %arg11[%mul3A_15, %dma_start3A_85] : memref<10240x128xf32, #tpu.memory_space<vmem_shared>> -> memref<640x128xf32, #tpu.memory_space<vmem_shared>>
      %dma_start3A_87 = arith.constant 0 : i32
      %dma_start3A_88 = tpu.memref_slice %arg4[%mul3A_13, %dma_start3A_87] : memref<10240x128xf32, #tpu.memory_space<hbm>> -> memref<640x128xf32, #tpu.memory_space<hbm>>
      tpu.enqueue_dma source(%dma_start3A_88 : memref<640x128xf32, #tpu.memory_space<hbm>>) target(%dma_start3A_86 : memref<640x128xf32, #tpu.memory_space<vmem_shared>>) target_semaphore(%run_scoped3A : memref<!tpu.dma_semaphore, #tpu.memory_space<semaphore_mem>>)
      %dma_wait3A_89 = arith.constant 0 : i32
      %dma_wait3A_90 = tpu.memref_slice %arg11[%mul3A_15, %dma_wait3A_89] : memref<10240x128xf32, #tpu.memory_space<vmem_shared>> -> memref<640x128xf32, #tpu.memory_space<vmem_shared>>
      %dma_wait3A_91 = arith.constant 0 : i32
      %dma_wait3A_92 = tpu.memref_slice %arg4[%mul3A_13, %dma_wait3A_91] : memref<10240x128xf32, #tpu.memory_space<hbm>> -> memref<640x128xf32, #tpu.memory_space<hbm>>
      tpu.wait_dma2 semaphore(%run_scoped3A : memref<!tpu.dma_semaphore, #tpu.memory_space<semaphore_mem>>) src(%dma_wait3A_92 : memref<640x128xf32, #tpu.memory_space<hbm>>) dst(%dma_wait3A_90 : memref<640x128xf32, #tpu.memory_space<vmem_shared>>)
      tpu.yield
    }) : () -> ()
    %barrier3A = arith.constant 0 : index
    tpu.barrier barrier_id(%barrier3A)
    %mul3A_16 = arith.constant 10240 : i32
    %mul3A_17 = arith.muli %add3A, %mul3A_16 : i32
    %add3A_18 = arith.constant 0 : i32
    %add3A_19 = arith.addi %mul3A_17, %add3A_18 : i32
    %dma_wait3A = tpu.memref_slice %arg2[%add3A_19] : memref<327680xi32, #tpu.memory_space<hbm>> -> memref<128xi32, #tpu.memory_space<hbm>>
    %dma_wait3A_20 = tpu.memref_slice %arg2[%add3A_19] : memref<327680xi32, #tpu.memory_space<hbm>> -> memref<128xi32, #tpu.memory_space<hbm>>
    tpu.wait_dma2 semaphore(%arg12 : memref<!tpu.dma_semaphore, #tpu.memory_space<semaphore_mem>>) src(%dma_wait3A_20 : memref<128xi32, #tpu.memory_space<hbm>>) dst(%arg6 : memref<128xi32, #tpu.memory_space<vmem>>)
    %dma_start3A_21 = arith.constant 0 : i32
    %dma_start3A_22 = arith.constant 0 : i32
    %dma_start3A_23 = tpu.memref_slice %arg11[%dma_start3A_21, %dma_start3A_22] : memref<10240x128xf32, #tpu.memory_space<vmem_shared>> -> memref<10240x128xf32, #tpu.memory_space<vmem_shared>>
    tpu.enqueue_indirect_dma source(%arg10 : memref<128x128xf32, #tpu.memory_space<vmem>>) target(%dma_start3A_23 : memref<10240x128xf32, #tpu.memory_space<vmem_shared>>) offsets(%arg6 : memref<128xi32, #tpu.memory_space<vmem>>) semaphore(%arg16 : memref<!tpu.dma_semaphore, #tpu.memory_space<semaphore_mem>>) {add = true}
    %mul3A_24 = arith.constant 10240 : i32
    %mul3A_25 = arith.muli %add3A, %mul3A_24 : i32
    %add3A_26 = arith.constant 256 : i32
    %add3A_27 = arith.addi %mul3A_25, %add3A_26 : i32
    %dma_start3A_28 = tpu.memref_slice %arg2[%add3A_27] : memref<327680xi32, #tpu.memory_space<hbm>> -> memref<128xi32, #tpu.memory_space<hbm>>
    %dma_start3A_29 = tpu.memref_slice %arg2[%add3A_27] : memref<327680xi32, #tpu.memory_space<hbm>> -> memref<128xi32, #tpu.memory_space<hbm>>
    tpu.enqueue_dma source(%dma_start3A_29 : memref<128xi32, #tpu.memory_space<hbm>>) target(%arg8 : memref<128xi32, #tpu.memory_space<vmem>>) target_semaphore(%arg14 : memref<!tpu.dma_semaphore, #tpu.memory_space<semaphore_mem>>)
    %mul3A_30 = arith.constant 10240 : i32
    %mul3A_31 = arith.muli %add3A, %mul3A_30 : i32
    %add3A_32 = arith.constant 128 : i32
    %add3A_33 = arith.addi %mul3A_31, %add3A_32 : i32
    %dma_wait3A_34 = tpu.memref_slice %arg2[%add3A_33] : memref<327680xi32, #tpu.memory_space<hbm>> -> memref<128xi32, #tpu.memory_space<hbm>>
    %dma_wait3A_35 = tpu.memref_slice %arg2[%add3A_33] : memref<327680xi32, #tpu.memory_space<hbm>> -> memref<128xi32, #tpu.memory_space<hbm>>
    tpu.wait_dma2 semaphore(%arg13 : memref<!tpu.dma_semaphore, #tpu.memory_space<semaphore_mem>>) src(%dma_wait3A_35 : memref<128xi32, #tpu.memory_space<hbm>>) dst(%arg7 : memref<128xi32, #tpu.memory_space<vmem>>)
    %dma_start3A_36 = arith.constant 0 : i32
    %dma_start3A_37 = arith.constant 0 : i32
    %dma_start3A_38 = tpu.memref_slice %arg11[%dma_start3A_36, %dma_start3A_37] : memref<10240x128xf32, #tpu.memory_space<vmem_shared>> -> memref<10240x128xf32, #tpu.memory_space<vmem_shared>>
    tpu.enqueue_indirect_dma source(%arg10 : memref<128x128xf32, #tpu.memory_space<vmem>>) target(%dma_start3A_38 : memref<10240x128xf32, #tpu.memory_space<vmem_shared>>) offsets(%arg7 : memref<128xi32, #tpu.memory_space<vmem>>) semaphore(%arg17 : memref<!tpu.dma_semaphore, #tpu.memory_space<semaphore_mem>>) {add = true}
    %mul3A_39 = arith.constant 10240 : i32
    %mul3A_40 = arith.muli %add3A, %mul3A_39 : i32
    %add3A_41 = arith.constant 384 : i32
    %add3A_42 = arith.addi %mul3A_40, %add3A_41 : i32
    %dma_start3A_43 = tpu.memref_slice %arg2[%add3A_42] : memref<327680xi32, #tpu.memory_space<hbm>> -> memref<128xi32, #tpu.memory_space<hbm>>
    %dma_start3A_44 = tpu.memref_slice %arg2[%add3A_42] : memref<327680xi32, #tpu.memory_space<hbm>> -> memref<128xi32, #tpu.memory_space<hbm>>
    tpu.enqueue_dma source(%dma_start3A_44 : memref<128xi32, #tpu.memory_space<hbm>>) target(%arg9 : memref<128xi32, #tpu.memory_space<vmem>>) target_semaphore(%arg15 : memref<!tpu.dma_semaphore, #tpu.memory_space<semaphore_mem>>)
    %scan3A = arith.constant 0 : i32
    %scan3A_45 = arith.constant 0 : i32
    %scan3A_46 = arith.constant 19 : i32
    %scan3A_47 = arith.addi %scan3A_45, %scan3A_46 : i32
    %scan3A_48 = arith.constant 1 : i32
    scf.for %scan3A_85 = %scan3A_45 to %scan3A_47 step %scan3A_48  : i32 {
      %mul3A_86 = arith.constant 4 : i32
      %mul3A_87 = arith.muli %mul3A_86, %scan3A_85 : i32
      %add3A_88 = arith.constant 2 : i32
      %add3A_89 = arith.addi %mul3A_87, %add3A_88 : i32
      %add3A_90 = arith.constant 0 : i32
      %add3A_91 = arith.addi %add3A_89, %add3A_90 : i32
      %mul3A_92 = arith.constant 10240 : i32
      %mul3A_93 = arith.muli %add3A, %mul3A_92 : i32
      %mul3A_94 = arith.constant 128 : i32
      %mul3A_95 = arith.muli %add3A_91, %mul3A_94 : i32
      %add3A_96 = arith.addi %mul3A_93, %mul3A_95 : i32
      %dma_wait3A_97 = tpu.memref_slice %arg2[%add3A_96] : memref<327680xi32, #tpu.memory_space<hbm>> -> memref<128xi32, #tpu.memory_space<hbm>>
      %dma_wait3A_98 = tpu.memref_slice %arg2[%add3A_96] : memref<327680xi32, #tpu.memory_space<hbm>> -> memref<128xi32, #tpu.memory_space<hbm>>
      tpu.wait_dma2 semaphore(%arg14 : memref<!tpu.dma_semaphore, #tpu.memory_space<semaphore_mem>>) src(%dma_wait3A_98 : memref<128xi32, #tpu.memory_space<hbm>>) dst(%arg8 : memref<128xi32, #tpu.memory_space<vmem>>)
      %dma_wait3A_99 = arith.constant 0 : i32
      %dma_wait3A_100 = arith.constant 0 : i32
      %dma_wait3A_101 = tpu.memref_slice %arg11[%dma_wait3A_99, %dma_wait3A_100] : memref<10240x128xf32, #tpu.memory_space<vmem_shared>> -> memref<10240x128xf32, #tpu.memory_space<vmem_shared>>
      tpu.wait_indirect_dma semaphore(%arg16 : memref<!tpu.dma_semaphore, #tpu.memory_space<semaphore_mem>>) src(%arg10 : memref<128x128xf32, #tpu.memory_space<vmem>>) dst(%dma_wait3A_101 : memref<10240x128xf32, #tpu.memory_space<vmem_shared>>)
      %dma_start3A_102 = arith.constant 0 : i32
      %dma_start3A_103 = arith.constant 0 : i32
      %dma_start3A_104 = tpu.memref_slice %arg11[%dma_start3A_102, %dma_start3A_103] : memref<10240x128xf32, #tpu.memory_space<vmem_shared>> -> memref<10240x128xf32, #tpu.memory_space<vmem_shared>>
      tpu.enqueue_indirect_dma source(%arg10 : memref<128x128xf32, #tpu.memory_space<vmem>>) target(%dma_start3A_104 : memref<10240x128xf32, #tpu.memory_space<vmem_shared>>) offsets(%arg8 : memref<128xi32, #tpu.memory_space<vmem>>) semaphore(%arg16 : memref<!tpu.dma_semaphore, #tpu.memory_space<semaphore_mem>>) {add = true}
      %add3A_105 = arith.constant 2 : i32
      %add3A_106 = arith.addi %add3A_91, %add3A_105 : i32
      %mul3A_107 = arith.constant 10240 : i32
      %mul3A_108 = arith.muli %add3A, %mul3A_107 : i32
      %mul3A_109 = arith.constant 128 : i32
      %mul3A_110 = arith.muli %add3A_106, %mul3A_109 : i32
      %add3A_111 = arith.addi %mul3A_108, %mul3A_110 : i32
      %dma_start3A_112 = tpu.memref_slice %arg2[%add3A_111] : memref<327680xi32, #tpu.memory_space<hbm>> -> memref<128xi32, #tpu.memory_space<hbm>>
      %dma_start3A_113 = tpu.memref_slice %arg2[%add3A_111] : memref<327680xi32, #tpu.memory_space<hbm>> -> memref<128xi32, #tpu.memory_space<hbm>>
      tpu.enqueue_dma source(%dma_start3A_113 : memref<128xi32, #tpu.memory_space<hbm>>) target(%arg6 : memref<128xi32, #tpu.memory_space<vmem>>) target_semaphore(%arg12 : memref<!tpu.dma_semaphore, #tpu.memory_space<semaphore_mem>>)
      %mul3A_114 = arith.constant 4 : i32
      %mul3A_115 = arith.muli %mul3A_114, %scan3A_85 : i32
      %add3A_116 = arith.constant 2 : i32
      %add3A_117 = arith.addi %mul3A_115, %add3A_116 : i32
      %add3A_118 = arith.constant 1 : i32
      %add3A_119 = arith.addi %add3A_117, %add3A_118 : i32
      %mul3A_120 = arith.constant 10240 : i32
      %mul3A_121 = arith.muli %add3A, %mul3A_120 : i32
      %mul3A_122 = arith.constant 128 : i32
      %mul3A_123 = arith.muli %add3A_119, %mul3A_122 : i32
      %add3A_124 = arith.addi %mul3A_121, %mul3A_123 : i32
      %dma_wait3A_125 = tpu.memref_slice %arg2[%add3A_124] : memref<327680xi32, #tpu.memory_space<hbm>> -> memref<128xi32, #tpu.memory_space<hbm>>
      %dma_wait3A_126 = tpu.memref_slice %arg2[%add3A_124] : memref<327680xi32, #tpu.memory_space<hbm>> -> memref<128xi32, #tpu.memory_space<hbm>>
      tpu.wait_dma2 semaphore(%arg15 : memref<!tpu.dma_semaphore, #tpu.memory_space<semaphore_mem>>) src(%dma_wait3A_126 : memref<128xi32, #tpu.memory_space<hbm>>) dst(%arg9 : memref<128xi32, #tpu.memory_space<vmem>>)
      %dma_wait3A_127 = arith.constant 0 : i32
      %dma_wait3A_128 = arith.constant 0 : i32
      %dma_wait3A_129 = tpu.memref_slice %arg11[%dma_wait3A_127, %dma_wait3A_128] : memref<10240x128xf32, #tpu.memory_space<vmem_shared>> -> memref<10240x128xf32, #tpu.memory_space<vmem_shared>>
      tpu.wait_indirect_dma semaphore(%arg17 : memref<!tpu.dma_semaphore, #tpu.memory_space<semaphore_mem>>) src(%arg10 : memref<128x128xf32, #tpu.memory_space<vmem>>) dst(%dma_wait3A_129 : memref<10240x128xf32, #tpu.memory_space<vmem_shared>>)
      %dma_start3A_130 = arith.constant 0 : i32
      %dma_start3A_131 = arith.constant 0 : i32
      %dma_start3A_132 = tpu.memref_slice %arg11[%dma_start3A_130, %dma_start3A_131] : memref<10240x128xf32, #tpu.memory_space<vmem_shared>> -> memref<10240x128xf32, #tpu.memory_space<vmem_shared>>
      tpu.enqueue_indirect_dma source(%arg10 : memref<128x128xf32, #tpu.memory_space<vmem>>) target(%dma_start3A_132 : memref<10240x128xf32, #tpu.memory_space<vmem_shared>>) offsets(%arg9 : memref<128xi32, #tpu.memory_space<vmem>>) semaphore(%arg17 : memref<!tpu.dma_semaphore, #tpu.memory_space<semaphore_mem>>) {add = true}
      %add3A_133 = arith.constant 2 : i32
      %add3A_134 = arith.addi %add3A_119, %add3A_133 : i32
      %mul3A_135 = arith.constant 10240 : i32
      %mul3A_136 = arith.muli %add3A, %mul3A_135 : i32
      %mul3A_137 = arith.constant 128 : i32
      %mul3A_138 = arith.muli %add3A_134, %mul3A_137 : i32
      %add3A_139 = arith.addi %mul3A_136, %mul3A_138 : i32
      %dma_start3A_140 = tpu.memref_slice %arg2[%add3A_139] : memref<327680xi32, #tpu.memory_space<hbm>> -> memref<128xi32, #tpu.memory_space<hbm>>
      %dma_start3A_141 = tpu.memref_slice %arg2[%add3A_139] : memref<327680xi32, #tpu.memory_space<hbm>> -> memref<128xi32, #tpu.memory_space<hbm>>
      tpu.enqueue_dma source(%dma_start3A_141 : memref<128xi32, #tpu.memory_space<hbm>>) target(%arg7 : memref<128xi32, #tpu.memory_space<vmem>>) target_semaphore(%arg13 : memref<!tpu.dma_semaphore, #tpu.memory_space<semaphore_mem>>)
      %mul3A_142 = arith.constant 4 : i32
      %mul3A_143 = arith.muli %mul3A_142, %scan3A_85 : i32
      %add3A_144 = arith.constant 2 : i32
      %add3A_145 = arith.addi %mul3A_143, %add3A_144 : i32
      %add3A_146 = arith.constant 2 : i32
      %add3A_147 = arith.addi %add3A_145, %add3A_146 : i32
      %mul3A_148 = arith.constant 10240 : i32
      %mul3A_149 = arith.muli %add3A, %mul3A_148 : i32
      %mul3A_150 = arith.constant 128 : i32
      %mul3A_151 = arith.muli %add3A_147, %mul3A_150 : i32
      %add3A_152 = arith.addi %mul3A_149, %mul3A_151 : i32
      %dma_wait3A_153 = tpu.memref_slice %arg2[%add3A_152] : memref<327680xi32, #tpu.memory_space<hbm>> -> memref<128xi32, #tpu.memory_space<hbm>>
      %dma_wait3A_154 = tpu.memref_slice %arg2[%add3A_152] : memref<327680xi32, #tpu.memory_space<hbm>> -> memref<128xi32, #tpu.memory_space<hbm>>
      tpu.wait_dma2 semaphore(%arg12 : memref<!tpu.dma_semaphore, #tpu.memory_space<semaphore_mem>>) src(%dma_wait3A_154 : memref<128xi32, #tpu.memory_space<hbm>>) dst(%arg6 : memref<128xi32, #tpu.memory_space<vmem>>)
      %dma_wait3A_155 = arith.constant 0 : i32
      %dma_wait3A_156 = arith.constant 0 : i32
      %dma_wait3A_157 = tpu.memref_slice %arg11[%dma_wait3A_155, %dma_wait3A_156] : memref<10240x128xf32, #tpu.memory_space<vmem_shared>> -> memref<10240x128xf32, #tpu.memory_space<vmem_shared>>
      tpu.wait_indirect_dma semaphore(%arg16 : memref<!tpu.dma_semaphore, #tpu.memory_space<semaphore_mem>>) src(%arg10 : memref<128x128xf32, #tpu.memory_space<vmem>>) dst(%dma_wait3A_157 : memref<10240x128xf32, #tpu.memory_space<vmem_shared>>)
      %dma_start3A_158 = arith.constant 0 : i32
      %dma_start3A_159 = arith.constant 0 : i32
      %dma_start3A_160 = tpu.memref_slice %arg11[%dma_start3A_158, %dma_start3A_159] : memref<10240x128xf32, #tpu.memory_space<vmem_shared>> -> memref<10240x128xf32, #tpu.memory_space<vmem_shared>>
      tpu.enqueue_indirect_dma source(%arg10 : memref<128x128xf32, #tpu.memory_space<vmem>>) target(%dma_start3A_160 : memref<10240x128xf32, #tpu.memory_space<vmem_shared>>) offsets(%arg6 : memref<128xi32, #tpu.memory_space<vmem>>) semaphore(%arg16 : memref<!tpu.dma_semaphore, #tpu.memory_space<semaphore_mem>>) {add = true}
      %add3A_161 = arith.constant 2 : i32
      %add3A_162 = arith.addi %add3A_147, %add3A_161 : i32
      %mul3A_163 = arith.constant 10240 : i32
      %mul3A_164 = arith.muli %add3A, %mul3A_163 : i32
      %mul3A_165 = arith.constant 128 : i32
      %mul3A_166 = arith.muli %add3A_162, %mul3A_165 : i32
      %add3A_167 = arith.addi %mul3A_164, %mul3A_166 : i32
      %dma_start3A_168 = tpu.memref_slice %arg2[%add3A_167] : memref<327680xi32, #tpu.memory_space<hbm>> -> memref<128xi32, #tpu.memory_space<hbm>>
      %dma_start3A_169 = tpu.memref_slice %arg2[%add3A_167] : memref<327680xi32, #tpu.memory_space<hbm>> -> memref<128xi32, #tpu.memory_space<hbm>>
      tpu.enqueue_dma source(%dma_start3A_169 : memref<128xi32, #tpu.memory_space<hbm>>) target(%arg8 : memref<128xi32, #tpu.memory_space<vmem>>) target_semaphore(%arg14 : memref<!tpu.dma_semaphore, #tpu.memory_space<semaphore_mem>>)
      %mul3A_170 = arith.constant 4 : i32
      %mul3A_171 = arith.muli %mul3A_170, %scan3A_85 : i32
      %add3A_172 = arith.constant 2 : i32
      %add3A_173 = arith.addi %mul3A_171, %add3A_172 : i32
      %add3A_174 = arith.constant 3 : i32
      %add3A_175 = arith.addi %add3A_173, %add3A_174 : i32
      %mul3A_176 = arith.constant 10240 : i32
      %mul3A_177 = arith.muli %add3A, %mul3A_176 : i32
      %mul3A_178 = arith.constant 128 : i32
      %mul3A_179 = arith.muli %add3A_175, %mul3A_178 : i32
      %add3A_180 = arith.addi %mul3A_177, %mul3A_179 : i32
      %dma_wait3A_181 = tpu.memref_slice %arg2[%add3A_180] : memref<327680xi32, #tpu.memory_space<hbm>> -> memref<128xi32, #tpu.memory_space<hbm>>
      %dma_wait3A_182 = tpu.memref_slice %arg2[%add3A_180] : memref<327680xi32, #tpu.memory_space<hbm>> -> memref<128xi32, #tpu.memory_space<hbm>>
      tpu.wait_dma2 semaphore(%arg13 : memref<!tpu.dma_semaphore, #tpu.memory_space<semaphore_mem>>) src(%dma_wait3A_182 : memref<128xi32, #tpu.memory_space<hbm>>) dst(%arg7 : memref<128xi32, #tpu.memory_space<vmem>>)
      %dma_wait3A_183 = arith.constant 0 : i32
      %dma_wait3A_184 = arith.constant 0 : i32
      %dma_wait3A_185 = tpu.memref_slice %arg11[%dma_wait3A_183, %dma_wait3A_184] : memref<10240x128xf32, #tpu.memory_space<vmem_shared>> -> memref<10240x128xf32, #tpu.memory_space<vmem_shared>>
      tpu.wait_indirect_dma semaphore(%arg17 : memref<!tpu.dma_semaphore, #tpu.memory_space<semaphore_mem>>) src(%arg10 : memref<128x128xf32, #tpu.memory_space<vmem>>) dst(%dma_wait3A_185 : memref<10240x128xf32, #tpu.memory_space<vmem_shared>>)
      %dma_start3A_186 = arith.constant 0 : i32
      %dma_start3A_187 = arith.constant 0 : i32
      %dma_start3A_188 = tpu.memref_slice %arg11[%dma_start3A_186, %dma_start3A_187] : memref<10240x128xf32, #tpu.memory_space<vmem_shared>> -> memref<10240x128xf32, #tpu.memory_space<vmem_shared>>
      tpu.enqueue_indirect_dma source(%arg10 : memref<128x128xf32, #tpu.memory_space<vmem>>) target(%dma_start3A_188 : memref<10240x128xf32, #tpu.memory_space<vmem_shared>>) offsets(%arg7 : memref<128xi32, #tpu.memory_space<vmem>>) semaphore(%arg17 : memref<!tpu.dma_semaphore, #tpu.memory_space<semaphore_mem>>) {add = true}
      %add3A_189 = arith.constant 2 : i32
      %add3A_190 = arith.addi %add3A_175, %add3A_189 : i32
      %mul3A_191 = arith.constant 10240 : i32
      %mul3A_192 = arith.muli %add3A, %mul3A_191 : i32
      %mul3A_193 = arith.constant 128 : i32
      %mul3A_194 = arith.muli %add3A_190, %mul3A_193 : i32
      %add3A_195 = arith.addi %mul3A_192, %mul3A_194 : i32
      %dma_start3A_196 = tpu.memref_slice %arg2[%add3A_195] : memref<327680xi32, #tpu.memory_space<hbm>> -> memref<128xi32, #tpu.memory_space<hbm>>
      %dma_start3A_197 = tpu.memref_slice %arg2[%add3A_195] : memref<327680xi32, #tpu.memory_space<hbm>> -> memref<128xi32, #tpu.memory_space<hbm>>
      tpu.enqueue_dma source(%dma_start3A_197 : memref<128xi32, #tpu.memory_space<hbm>>) target(%arg9 : memref<128xi32, #tpu.memory_space<vmem>>) target_semaphore(%arg15 : memref<!tpu.dma_semaphore, #tpu.memory_space<semaphore_mem>>)
    }
    %scan3A_49 = arith.constant 19 : i32
    %mul3A_50 = arith.constant 10240 : i32
    %mul3A_51 = arith.muli %add3A, %mul3A_50 : i32
    %add3A_52 = arith.constant 9984 : i32
    %add3A_53 = arith.addi %mul3A_51, %add3A_52 : i32
    %dma_wait3A_54 = tpu.memref_slice %arg2[%add3A_53] : memref<327680xi32, #tpu.memory_space<hbm>> -> memref<128xi32, #tpu.memory_space<hbm>>
    %dma_wait3A_55 = tpu.memref_slice %arg2[%add3A_53] : memref<327680xi32, #tpu.memory_space<hbm>> -> memref<128xi32, #tpu.memory_space<hbm>>
    tpu.wait_dma2 semaphore(%arg14 : memref<!tpu.dma_semaphore, #tpu.memory_space<semaphore_mem>>) src(%dma_wait3A_55 : memref<128xi32, #tpu.memory_space<hbm>>) dst(%arg8 : memref<128xi32, #tpu.memory_space<vmem>>)
    %dma_wait3A_56 = arith.constant 0 : i32
    %dma_wait3A_57 = arith.constant 0 : i32
    %dma_wait3A_58 = tpu.memref_slice %arg11[%dma_wait3A_56, %dma_wait3A_57] : memref<10240x128xf32, #tpu.memory_space<vmem_shared>> -> memref<10240x128xf32, #tpu.memory_space<vmem_shared>>
    tpu.wait_indirect_dma semaphore(%arg16 : memref<!tpu.dma_semaphore, #tpu.memory_space<semaphore_mem>>) src(%arg10 : memref<128x128xf32, #tpu.memory_space<vmem>>) dst(%dma_wait3A_58 : memref<10240x128xf32, #tpu.memory_space<vmem_shared>>)
    %dma_start3A_59 = arith.constant 0 : i32
    %dma_start3A_60 = arith.constant 0 : i32
    %dma_start3A_61 = tpu.memref_slice %arg11[%dma_start3A_59, %dma_start3A_60] : memref<10240x128xf32, #tpu.memory_space<vmem_shared>> -> memref<10240x128xf32, #tpu.memory_space<vmem_shared>>
    tpu.enqueue_indirect_dma source(%arg10 : memref<128x128xf32, #tpu.memory_space<vmem>>) target(%dma_start3A_61 : memref<10240x128xf32, #tpu.memory_space<vmem_shared>>) offsets(%arg8 : memref<128xi32, #tpu.memory_space<vmem>>) semaphore(%arg16 : memref<!tpu.dma_semaphore, #tpu.memory_space<semaphore_mem>>) {add = true}
    %mul3A_62 = arith.constant 10240 : i32
    %mul3A_63 = arith.muli %add3A, %mul3A_62 : i32
    %add3A_64 = arith.constant 10112 : i32
    %add3A_65 = arith.addi %mul3A_63, %add3A_64 : i32
    %dma_wait3A_66 = tpu.memref_slice %arg2[%add3A_65] : memref<327680xi32, #tpu.memory_space<hbm>> -> memref<128xi32, #tpu.memory_space<hbm>>
    %dma_wait3A_67 = tpu.memref_slice %arg2[%add3A_65] : memref<327680xi32, #tpu.memory_space<hbm>> -> memref<128xi32, #tpu.memory_space<hbm>>
    tpu.wait_dma2 semaphore(%arg15 : memref<!tpu.dma_semaphore, #tpu.memory_space<semaphore_mem>>) src(%dma_wait3A_67 : memref<128xi32, #tpu.memory_space<hbm>>) dst(%arg9 : memref<128xi32, #tpu.memory_space<vmem>>)
    %dma_wait3A_68 = arith.constant 0 : i32
    %dma_wait3A_69 = arith.constant 0 : i32
    %dma_wait3A_70 = tpu.memref_slice %arg11[%dma_wait3A_68, %dma_wait3A_69] : memref<10240x128xf32, #tpu.memory_space<vmem_shared>> -> memref<10240x128xf32, #tpu.memory_space<vmem_shared>>
    tpu.wait_indirect_dma semaphore(%arg17 : memref<!tpu.dma_semaphore, #tpu.memory_space<semaphore_mem>>) src(%arg10 : memref<128x128xf32, #tpu.memory_space<vmem>>) dst(%dma_wait3A_70 : memref<10240x128xf32, #tpu.memory_space<vmem_shared>>)
    %dma_start3A_71 = arith.constant 0 : i32
    %dma_start3A_72 = arith.constant 0 : i32
    %dma_start3A_73 = tpu.memref_slice %arg11[%dma_start3A_71, %dma_start3A_72] : memref<10240x128xf32, #tpu.memory_space<vmem_shared>> -> memref<10240x128xf32, #tpu.memory_space<vmem_shared>>
    tpu.enqueue_indirect_dma source(%arg10 : memref<128x128xf32, #tpu.memory_space<vmem>>) target(%dma_start3A_73 : memref<10240x128xf32, #tpu.memory_space<vmem_shared>>) offsets(%arg9 : memref<128xi32, #tpu.memory_space<vmem>>) semaphore(%arg17 : memref<!tpu.dma_semaphore, #tpu.memory_space<semaphore_mem>>) {add = true}
    %dma_wait3A_74 = arith.constant 0 : i32
    %dma_wait3A_75 = arith.constant 0 : i32
    %dma_wait3A_76 = tpu.memref_slice %arg11[%dma_wait3A_74, %dma_wait3A_75] : memref<10240x128xf32, #tpu.memory_space<vmem_shared>> -> memref<10240x128xf32, #tpu.memory_space<vmem_shared>>
    tpu.wait_indirect_dma semaphore(%arg16 : memref<!tpu.dma_semaphore, #tpu.memory_space<semaphore_mem>>) src(%arg10 : memref<128x128xf32, #tpu.memory_space<vmem>>) dst(%dma_wait3A_76 : memref<10240x128xf32, #tpu.memory_space<vmem_shared>>)
    %dma_wait3A_77 = arith.constant 0 : i32
    %dma_wait3A_78 = arith.constant 0 : i32
    %dma_wait3A_79 = tpu.memref_slice %arg11[%dma_wait3A_77, %dma_wait3A_78] : memref<10240x128xf32, #tpu.memory_space<vmem_shared>> -> memref<10240x128xf32, #tpu.memory_space<vmem_shared>>
    tpu.wait_indirect_dma semaphore(%arg17 : memref<!tpu.dma_semaphore, #tpu.memory_space<semaphore_mem>>) src(%arg10 : memref<128x128xf32, #tpu.memory_space<vmem>>) dst(%dma_wait3A_79 : memref<10240x128xf32, #tpu.memory_space<vmem_shared>>)
    %barrier3A_80 = arith.constant 0 : index
    tpu.barrier barrier_id(%barrier3A_80)
    %mul3A_81 = arith.constant 640 : i32
    %mul3A_82 = arith.muli %arg1, %mul3A_81 : i32
    %mul3A_83 = arith.constant 640 : i32
    %mul3A_84 = arith.muli %arg1, %mul3A_83 : i32
    "tpu.region"() ({
      %run_scoped3A = tpu.sem_alloc : memref<!tpu.dma_semaphore, #tpu.memory_space<semaphore_mem>>
      %dma_start3A_85 = arith.constant 0 : i32
      %dma_start3A_86 = tpu.memref_slice %arg5[%arg0, %mul3A_84, %dma_start3A_85] : memref<2x10240x128xf32, #tpu.memory_space<hbm>> -> memref<1x640x128xf32, #tpu.memory_space<hbm>>
      %dma_start3A_87 = tpu.memref_squeeze %dma_start3A_86 : memref<1x640x128xf32, #tpu.memory_space<hbm>> -> memref<640x128xf32, #tpu.memory_space<hbm>>
      %dma_start3A_88 = arith.constant 0 : i32
      %dma_start3A_89 = tpu.memref_slice %arg11[%mul3A_82, %dma_start3A_88] : memref<10240x128xf32, #tpu.memory_space<vmem_shared>> -> memref<640x128xf32, #tpu.memory_space<vmem_shared>>
      tpu.enqueue_dma source(%dma_start3A_89 : memref<640x128xf32, #tpu.memory_space<vmem_shared>>) target(%dma_start3A_87 : memref<640x128xf32, #tpu.memory_space<hbm>>) target_semaphore(%run_scoped3A : memref<!tpu.dma_semaphore, #tpu.memory_space<semaphore_mem>>)
      %dma_wait3A_90 = arith.constant 0 : i32
      %dma_wait3A_91 = tpu.memref_slice %arg5[%arg0, %mul3A_84, %dma_wait3A_90] : memref<2x10240x128xf32, #tpu.memory_space<hbm>> -> memref<1x640x128xf32, #tpu.memory_space<hbm>>
      %dma_wait3A_92 = tpu.memref_squeeze %dma_wait3A_91 : memref<1x640x128xf32, #tpu.memory_space<hbm>> -> memref<640x128xf32, #tpu.memory_space<hbm>>
      %dma_wait3A_93 = arith.constant 0 : i32
      %dma_wait3A_94 = tpu.memref_slice %arg11[%mul3A_82, %dma_wait3A_93] : memref<10240x128xf32, #tpu.memory_space<vmem_shared>> -> memref<640x128xf32, #tpu.memory_space<vmem_shared>>
      tpu.wait_dma2 semaphore(%run_scoped3A : memref<!tpu.dma_semaphore, #tpu.memory_space<semaphore_mem>>) src(%dma_wait3A_94 : memref<640x128xf32, #tpu.memory_space<vmem_shared>>) dst(%dma_wait3A_92 : memref<640x128xf32, #tpu.memory_space<hbm>>)
      tpu.yield
    }) : () -> ()
    return
  }
}

#map = affine_map<(d0, d1) -> (0, 0)>
#map1 = affine_map<(d0, d1) -> (0, 0, 0)>
#map2 = affine_map<(d0, d1) -> (0)>
module attributes {stable_mosaic.version = 14 : i64} {
  func.func @scatter_kernel(%arg0: i32, %arg1: i32, %arg2: memref<10240x128xf32, #tpu.memory_space<hbm>>, %arg3: memref<32x80x128xi32, #tpu.memory_space<hbm>>, %arg4: memref<327680xi32, #tpu.memory_space<hbm>>, %arg5: memref<10240x128xf32, #tpu.memory_space<hbm>>, %arg6: memref<2x10240x128xf32, #tpu.memory_space<hbm>>, %arg7: memref<80x128xi32, #tpu.memory_space<vmem>>, %arg8: memref<128xi32, #tpu.memory_space<vmem>>, %arg9: memref<128xi32, #tpu.memory_space<vmem>>, %arg10: memref<128xi32, #tpu.memory_space<vmem>>, %arg11: memref<128xi32, #tpu.memory_space<vmem>>, %arg12: memref<128x128xf32, #tpu.memory_space<vmem>>, %arg13: memref<128x128xf32, #tpu.memory_space<vmem>>, %arg14: memref<10240x128xf32, #tpu.memory_space<vmem_shared>>, %arg15: memref<!tpu.dma_semaphore, #tpu.memory_space<semaphore_mem>>, %arg16: memref<!tpu.dma_semaphore, #tpu.memory_space<semaphore_mem>>, %arg17: memref<!tpu.dma_semaphore, #tpu.memory_space<semaphore_mem>>, %arg18: memref<!tpu.dma_semaphore, #tpu.memory_space<semaphore_mem>>, %arg19: memref<!tpu.dma_semaphore, #tpu.memory_space<semaphore_mem>>, %arg20: memref<!tpu.dma_semaphore, #tpu.memory_space<semaphore_mem>>, %arg21: memref<!tpu.dma_semaphore, #tpu.memory_space<semaphore_mem>>, %arg22: memref<!tpu.dma_semaphore, #tpu.memory_space<semaphore_mem>>) attributes {dimension_semantics = [#tpu.dimension_semantics<core_parallel>, #tpu.dimension_semantics<subcore_parallel>], iteration_bounds = array<i64: 2, 16>, scalar_prefetch = 0 : i64, scratch_operands = 16 : i64, tpu.core_type = #tpu.core_type<sc_vector_subcore>, window_params = [{transform_indices = #map}, {transform_indices = #map1}, {transform_indices = #map2}, {transform_indices = #map}, {transform_indices = #map1}]} {
    %mul3A = arith.constant 16 : i32
    %mul3A_0 = arith.muli %arg0, %mul3A : i32
    %add3A = arith.addi %mul3A_0, %arg1 : i32
    "tpu.region"() ({
      %run_scoped3A = tpu.sem_alloc : memref<!tpu.dma_semaphore, #tpu.memory_space<semaphore_mem>>
      %dma_start3A_141 = arith.constant 0 : i32
      %dma_start3A_142 = arith.constant 0 : i32
      %dma_start3A_143 = tpu.memref_slice %arg3[%add3A, %dma_start3A_141, %dma_start3A_142] : memref<32x80x128xi32, #tpu.memory_space<hbm>> -> memref<1x80x128xi32, #tpu.memory_space<hbm>>
      %dma_start3A_144 = tpu.memref_squeeze %dma_start3A_143 : memref<1x80x128xi32, #tpu.memory_space<hbm>> -> memref<80x128xi32, #tpu.memory_space<hbm>>
      %dma_start3A_145 = arith.constant 0 : i32
      %dma_start3A_146 = arith.constant 0 : i32
      %dma_start3A_147 = tpu.memref_slice %arg3[%add3A, %dma_start3A_145, %dma_start3A_146] : memref<32x80x128xi32, #tpu.memory_space<hbm>> -> memref<1x80x128xi32, #tpu.memory_space<hbm>>
      %dma_start3A_148 = tpu.memref_squeeze %dma_start3A_147 : memref<1x80x128xi32, #tpu.memory_space<hbm>> -> memref<80x128xi32, #tpu.memory_space<hbm>>
      tpu.enqueue_dma source(%dma_start3A_148 : memref<80x128xi32, #tpu.memory_space<hbm>>) target(%arg7 : memref<80x128xi32, #tpu.memory_space<vmem>>) target_semaphore(%run_scoped3A : memref<!tpu.dma_semaphore, #tpu.memory_space<semaphore_mem>>)
      %dma_wait3A_149 = arith.constant 0 : i32
      %dma_wait3A_150 = arith.constant 0 : i32
      %dma_wait3A_151 = tpu.memref_slice %arg3[%add3A, %dma_wait3A_149, %dma_wait3A_150] : memref<32x80x128xi32, #tpu.memory_space<hbm>> -> memref<1x80x128xi32, #tpu.memory_space<hbm>>
      %dma_wait3A_152 = tpu.memref_squeeze %dma_wait3A_151 : memref<1x80x128xi32, #tpu.memory_space<hbm>> -> memref<80x128xi32, #tpu.memory_space<hbm>>
      %dma_wait3A_153 = arith.constant 0 : i32
      %dma_wait3A_154 = arith.constant 0 : i32
      %dma_wait3A_155 = tpu.memref_slice %arg3[%add3A, %dma_wait3A_153, %dma_wait3A_154] : memref<32x80x128xi32, #tpu.memory_space<hbm>> -> memref<1x80x128xi32, #tpu.memory_space<hbm>>
      %dma_wait3A_156 = tpu.memref_squeeze %dma_wait3A_155 : memref<1x80x128xi32, #tpu.memory_space<hbm>> -> memref<80x128xi32, #tpu.memory_space<hbm>>
      tpu.wait_dma2 semaphore(%run_scoped3A : memref<!tpu.dma_semaphore, #tpu.memory_space<semaphore_mem>>) src(%dma_wait3A_156 : memref<80x128xi32, #tpu.memory_space<hbm>>) dst(%arg7 : memref<80x128xi32, #tpu.memory_space<vmem>>)
      tpu.yield
    }) : () -> ()
    %mul3A_1 = arith.constant 10240 : i32
    %mul3A_2 = arith.muli %add3A, %mul3A_1 : i32
    %add3A_3 = arith.constant 0 : i32
    %add3A_4 = arith.addi %mul3A_2, %add3A_3 : i32
    %dma_start3A = tpu.memref_slice %arg4[%add3A_4] : memref<327680xi32, #tpu.memory_space<hbm>> -> memref<128xi32, #tpu.memory_space<hbm>>
    %dma_start3A_5 = tpu.memref_slice %arg4[%add3A_4] : memref<327680xi32, #tpu.memory_space<hbm>> -> memref<128xi32, #tpu.memory_space<hbm>>
    tpu.enqueue_dma source(%dma_start3A_5 : memref<128xi32, #tpu.memory_space<hbm>>) target(%arg8 : memref<128xi32, #tpu.memory_space<vmem>>) target_semaphore(%arg15 : memref<!tpu.dma_semaphore, #tpu.memory_space<semaphore_mem>>)
    %mul3A_6 = arith.constant 10240 : i32
    %mul3A_7 = arith.muli %add3A, %mul3A_6 : i32
    %add3A_8 = arith.constant 128 : i32
    %add3A_9 = arith.addi %mul3A_7, %add3A_8 : i32
    %dma_start3A_10 = tpu.memref_slice %arg4[%add3A_9] : memref<327680xi32, #tpu.memory_space<hbm>> -> memref<128xi32, #tpu.memory_space<hbm>>
    %dma_start3A_11 = tpu.memref_slice %arg4[%add3A_9] : memref<327680xi32, #tpu.memory_space<hbm>> -> memref<128xi32, #tpu.memory_space<hbm>>
    tpu.enqueue_dma source(%dma_start3A_11 : memref<128xi32, #tpu.memory_space<hbm>>) target(%arg9 : memref<128xi32, #tpu.memory_space<vmem>>) target_semaphore(%arg16 : memref<!tpu.dma_semaphore, #tpu.memory_space<semaphore_mem>>)
    %mul3A_12 = arith.constant 640 : i32
    %mul3A_13 = arith.muli %arg1, %mul3A_12 : i32
    %mul3A_14 = arith.constant 640 : i32
    %mul3A_15 = arith.muli %arg1, %mul3A_14 : i32
    "tpu.region"() ({
      %run_scoped3A = tpu.sem_alloc : memref<!tpu.dma_semaphore, #tpu.memory_space<semaphore_mem>>
      %dma_start3A_141 = arith.constant 0 : i32
      %dma_start3A_142 = tpu.memref_slice %arg14[%mul3A_15, %dma_start3A_141] : memref<10240x128xf32, #tpu.memory_space<vmem_shared>> -> memref<640x128xf32, #tpu.memory_space<vmem_shared>>
      %dma_start3A_143 = arith.constant 0 : i32
      %dma_start3A_144 = tpu.memref_slice %arg5[%mul3A_13, %dma_start3A_143] : memref<10240x128xf32, #tpu.memory_space<hbm>> -> memref<640x128xf32, #tpu.memory_space<hbm>>
      tpu.enqueue_dma source(%dma_start3A_144 : memref<640x128xf32, #tpu.memory_space<hbm>>) target(%dma_start3A_142 : memref<640x128xf32, #tpu.memory_space<vmem_shared>>) target_semaphore(%run_scoped3A : memref<!tpu.dma_semaphore, #tpu.memory_space<semaphore_mem>>)
      %dma_wait3A_145 = arith.constant 0 : i32
      %dma_wait3A_146 = tpu.memref_slice %arg14[%mul3A_15, %dma_wait3A_145] : memref<10240x128xf32, #tpu.memory_space<vmem_shared>> -> memref<640x128xf32, #tpu.memory_space<vmem_shared>>
      %dma_wait3A_147 = arith.constant 0 : i32
      %dma_wait3A_148 = tpu.memref_slice %arg5[%mul3A_13, %dma_wait3A_147] : memref<10240x128xf32, #tpu.memory_space<hbm>> -> memref<640x128xf32, #tpu.memory_space<hbm>>
      tpu.wait_dma2 semaphore(%run_scoped3A : memref<!tpu.dma_semaphore, #tpu.memory_space<semaphore_mem>>) src(%dma_wait3A_148 : memref<640x128xf32, #tpu.memory_space<hbm>>) dst(%dma_wait3A_146 : memref<640x128xf32, #tpu.memory_space<vmem_shared>>)
      tpu.yield
    }) : () -> ()
    %barrier3A = arith.constant 0 : index
    tpu.barrier barrier_id(%barrier3A)
    %mul3A_16 = arith.constant 10240 : i32
    %mul3A_17 = arith.muli %add3A, %mul3A_16 : i32
    %add3A_18 = arith.constant 0 : i32
    %add3A_19 = arith.addi %mul3A_17, %add3A_18 : i32
    %dma_wait3A = tpu.memref_slice %arg4[%add3A_19] : memref<327680xi32, #tpu.memory_space<hbm>> -> memref<128xi32, #tpu.memory_space<hbm>>
    %dma_wait3A_20 = tpu.memref_slice %arg4[%add3A_19] : memref<327680xi32, #tpu.memory_space<hbm>> -> memref<128xi32, #tpu.memory_space<hbm>>
    tpu.wait_dma2 semaphore(%arg15 : memref<!tpu.dma_semaphore, #tpu.memory_space<semaphore_mem>>) src(%dma_wait3A_20 : memref<128xi32, #tpu.memory_space<hbm>>) dst(%arg8 : memref<128xi32, #tpu.memory_space<vmem>>)
    %dma_start3A_21 = arith.constant 0 : i32
    %dma_start3A_22 = arith.constant 0 : i32
    %dma_start3A_23 = tpu.memref_slice %arg7[%dma_start3A_21, %dma_start3A_22] : memref<80x128xi32, #tpu.memory_space<vmem>> -> memref<1x128xi32, #tpu.memory_space<vmem>>
    %dma_start3A_24 = tpu.memref_squeeze %dma_start3A_23 : memref<1x128xi32, #tpu.memory_space<vmem>> -> memref<128xi32, #tpu.memory_space<vmem>>
    %dma_start3A_25 = arith.constant 0 : i32
    %dma_start3A_26 = arith.constant 0 : i32
    %dma_start3A_27 = tpu.memref_slice %arg2[%dma_start3A_25, %dma_start3A_26] : memref<10240x128xf32, #tpu.memory_space<hbm>> -> memref<10240x128xf32, #tpu.memory_space<hbm>>
    tpu.enqueue_indirect_dma source(%dma_start3A_27 : memref<10240x128xf32, #tpu.memory_space<hbm>>) target(%arg12 : memref<128x128xf32, #tpu.memory_space<vmem>>) offsets(%dma_start3A_24 : memref<128xi32, #tpu.memory_space<vmem>>) semaphore(%arg19 : memref<!tpu.dma_semaphore, #tpu.memory_space<semaphore_mem>>)
    %mul3A_28 = arith.constant 10240 : i32
    %mul3A_29 = arith.muli %add3A, %mul3A_28 : i32
    %add3A_30 = arith.constant 256 : i32
    %add3A_31 = arith.addi %mul3A_29, %add3A_30 : i32
    %dma_start3A_32 = tpu.memref_slice %arg4[%add3A_31] : memref<327680xi32, #tpu.memory_space<hbm>> -> memref<128xi32, #tpu.memory_space<hbm>>
    %dma_start3A_33 = tpu.memref_slice %arg4[%add3A_31] : memref<327680xi32, #tpu.memory_space<hbm>> -> memref<128xi32, #tpu.memory_space<hbm>>
    tpu.enqueue_dma source(%dma_start3A_33 : memref<128xi32, #tpu.memory_space<hbm>>) target(%arg10 : memref<128xi32, #tpu.memory_space<vmem>>) target_semaphore(%arg17 : memref<!tpu.dma_semaphore, #tpu.memory_space<semaphore_mem>>)
    %mul3A_34 = arith.constant 10240 : i32
    %mul3A_35 = arith.muli %add3A, %mul3A_34 : i32
    %add3A_36 = arith.constant 128 : i32
    %add3A_37 = arith.addi %mul3A_35, %add3A_36 : i32
    %dma_wait3A_38 = tpu.memref_slice %arg4[%add3A_37] : memref<327680xi32, #tpu.memory_space<hbm>> -> memref<128xi32, #tpu.memory_space<hbm>>
    %dma_wait3A_39 = tpu.memref_slice %arg4[%add3A_37] : memref<327680xi32, #tpu.memory_space<hbm>> -> memref<128xi32, #tpu.memory_space<hbm>>
    tpu.wait_dma2 semaphore(%arg16 : memref<!tpu.dma_semaphore, #tpu.memory_space<semaphore_mem>>) src(%dma_wait3A_39 : memref<128xi32, #tpu.memory_space<hbm>>) dst(%arg9 : memref<128xi32, #tpu.memory_space<vmem>>)
    %dma_start3A_40 = arith.constant 1 : i32
    %dma_start3A_41 = arith.constant 0 : i32
    %dma_start3A_42 = tpu.memref_slice %arg7[%dma_start3A_40, %dma_start3A_41] : memref<80x128xi32, #tpu.memory_space<vmem>> -> memref<1x128xi32, #tpu.memory_space<vmem>>
    %dma_start3A_43 = tpu.memref_squeeze %dma_start3A_42 : memref<1x128xi32, #tpu.memory_space<vmem>> -> memref<128xi32, #tpu.memory_space<vmem>>
    %dma_start3A_44 = arith.constant 0 : i32
    %dma_start3A_45 = arith.constant 0 : i32
    %dma_start3A_46 = tpu.memref_slice %arg2[%dma_start3A_44, %dma_start3A_45] : memref<10240x128xf32, #tpu.memory_space<hbm>> -> memref<10240x128xf32, #tpu.memory_space<hbm>>
    tpu.enqueue_indirect_dma source(%dma_start3A_46 : memref<10240x128xf32, #tpu.memory_space<hbm>>) target(%arg13 : memref<128x128xf32, #tpu.memory_space<vmem>>) offsets(%dma_start3A_43 : memref<128xi32, #tpu.memory_space<vmem>>) semaphore(%arg20 : memref<!tpu.dma_semaphore, #tpu.memory_space<semaphore_mem>>)
    %dma_wait3A_47 = arith.constant 0 : i32
    %dma_wait3A_48 = arith.constant 0 : i32
    %dma_wait3A_49 = tpu.memref_slice %arg7[%dma_wait3A_47, %dma_wait3A_48] : memref<80x128xi32, #tpu.memory_space<vmem>> -> memref<1x128xi32, #tpu.memory_space<vmem>>
    %dma_wait3A_50 = tpu.memref_squeeze %dma_wait3A_49 : memref<1x128xi32, #tpu.memory_space<vmem>> -> memref<128xi32, #tpu.memory_space<vmem>>
    %dma_wait3A_51 = arith.constant 0 : i32
    %dma_wait3A_52 = arith.constant 0 : i32
    %dma_wait3A_53 = tpu.memref_slice %arg2[%dma_wait3A_51, %dma_wait3A_52] : memref<10240x128xf32, #tpu.memory_space<hbm>> -> memref<10240x128xf32, #tpu.memory_space<hbm>>
    tpu.wait_indirect_dma semaphore(%arg19 : memref<!tpu.dma_semaphore, #tpu.memory_space<semaphore_mem>>) src(%dma_wait3A_53 : memref<10240x128xf32, #tpu.memory_space<hbm>>) dst(%arg12 : memref<128x128xf32, #tpu.memory_space<vmem>>)
    %dma_start3A_54 = arith.constant 0 : i32
    %dma_start3A_55 = arith.constant 0 : i32
    %dma_start3A_56 = tpu.memref_slice %arg14[%dma_start3A_54, %dma_start3A_55] : memref<10240x128xf32, #tpu.memory_space<vmem_shared>> -> memref<10240x128xf32, #tpu.memory_space<vmem_shared>>
    tpu.enqueue_indirect_dma source(%arg12 : memref<128x128xf32, #tpu.memory_space<vmem>>) target(%dma_start3A_56 : memref<10240x128xf32, #tpu.memory_space<vmem_shared>>) offsets(%arg8 : memref<128xi32, #tpu.memory_space<vmem>>) semaphore(%arg21 : memref<!tpu.dma_semaphore, #tpu.memory_space<semaphore_mem>>) {add = true}
    %mul3A_57 = arith.constant 10240 : i32
    %mul3A_58 = arith.muli %add3A, %mul3A_57 : i32
    %add3A_59 = arith.constant 384 : i32
    %add3A_60 = arith.addi %mul3A_58, %add3A_59 : i32
    %dma_start3A_61 = tpu.memref_slice %arg4[%add3A_60] : memref<327680xi32, #tpu.memory_space<hbm>> -> memref<128xi32, #tpu.memory_space<hbm>>
    %dma_start3A_62 = tpu.memref_slice %arg4[%add3A_60] : memref<327680xi32, #tpu.memory_space<hbm>> -> memref<128xi32, #tpu.memory_space<hbm>>
    tpu.enqueue_dma source(%dma_start3A_62 : memref<128xi32, #tpu.memory_space<hbm>>) target(%arg11 : memref<128xi32, #tpu.memory_space<vmem>>) target_semaphore(%arg18 : memref<!tpu.dma_semaphore, #tpu.memory_space<semaphore_mem>>)
    %scan3A = arith.constant 0 : i32
    %scan3A_63 = arith.constant 0 : i32
    %scan3A_64 = arith.constant 19 : i32
    %scan3A_65 = arith.addi %scan3A_63, %scan3A_64 : i32
    %scan3A_66 = arith.constant 1 : i32
    scf.for %scan3A_141 = %scan3A_63 to %scan3A_65 step %scan3A_66  : i32 {
      %mul3A_142 = arith.constant 4 : i32
      %mul3A_143 = arith.muli %mul3A_142, %scan3A_141 : i32
      %add3A_144 = arith.constant 2 : i32
      %add3A_145 = arith.addi %mul3A_143, %add3A_144 : i32
      %add3A_146 = arith.constant 0 : i32
      %add3A_147 = arith.addi %add3A_145, %add3A_146 : i32
      %mul3A_148 = arith.constant 10240 : i32
      %mul3A_149 = arith.muli %add3A, %mul3A_148 : i32
      %mul3A_150 = arith.constant 128 : i32
      %mul3A_151 = arith.muli %add3A_147, %mul3A_150 : i32
      %add3A_152 = arith.addi %mul3A_149, %mul3A_151 : i32
      %dma_wait3A_153 = tpu.memref_slice %arg4[%add3A_152] : memref<327680xi32, #tpu.memory_space<hbm>> -> memref<128xi32, #tpu.memory_space<hbm>>
      %dma_wait3A_154 = tpu.memref_slice %arg4[%add3A_152] : memref<327680xi32, #tpu.memory_space<hbm>> -> memref<128xi32, #tpu.memory_space<hbm>>
      tpu.wait_dma2 semaphore(%arg17 : memref<!tpu.dma_semaphore, #tpu.memory_space<semaphore_mem>>) src(%dma_wait3A_154 : memref<128xi32, #tpu.memory_space<hbm>>) dst(%arg10 : memref<128xi32, #tpu.memory_space<vmem>>)
      %dma_wait3A_155 = arith.constant 0 : i32
      %dma_wait3A_156 = arith.constant 0 : i32
      %dma_wait3A_157 = tpu.memref_slice %arg14[%dma_wait3A_155, %dma_wait3A_156] : memref<10240x128xf32, #tpu.memory_space<vmem_shared>> -> memref<10240x128xf32, #tpu.memory_space<vmem_shared>>
      tpu.wait_indirect_dma semaphore(%arg21 : memref<!tpu.dma_semaphore, #tpu.memory_space<semaphore_mem>>) src(%arg12 : memref<128x128xf32, #tpu.memory_space<vmem>>) dst(%dma_wait3A_157 : memref<10240x128xf32, #tpu.memory_space<vmem_shared>>)
      %dma_start3A_158 = arith.constant 0 : i32
      %dma_start3A_159 = tpu.memref_slice %arg7[%add3A_147, %dma_start3A_158] : memref<80x128xi32, #tpu.memory_space<vmem>> -> memref<1x128xi32, #tpu.memory_space<vmem>>
      %dma_start3A_160 = tpu.memref_squeeze %dma_start3A_159 : memref<1x128xi32, #tpu.memory_space<vmem>> -> memref<128xi32, #tpu.memory_space<vmem>>
      %dma_start3A_161 = arith.constant 0 : i32
      %dma_start3A_162 = arith.constant 0 : i32
      %dma_start3A_163 = tpu.memref_slice %arg2[%dma_start3A_161, %dma_start3A_162] : memref<10240x128xf32, #tpu.memory_space<hbm>> -> memref<10240x128xf32, #tpu.memory_space<hbm>>
      tpu.enqueue_indirect_dma source(%dma_start3A_163 : memref<10240x128xf32, #tpu.memory_space<hbm>>) target(%arg12 : memref<128x128xf32, #tpu.memory_space<vmem>>) offsets(%dma_start3A_160 : memref<128xi32, #tpu.memory_space<vmem>>) semaphore(%arg19 : memref<!tpu.dma_semaphore, #tpu.memory_space<semaphore_mem>>)
      %sub3A = arith.constant 1 : i32
      %sub3A_164 = arith.subi %add3A_147, %sub3A : i32
      %dma_wait3A_165 = arith.constant 0 : i32
      %dma_wait3A_166 = tpu.memref_slice %arg7[%sub3A_164, %dma_wait3A_165] : memref<80x128xi32, #tpu.memory_space<vmem>> -> memref<1x128xi32, #tpu.memory_space<vmem>>
      %dma_wait3A_167 = tpu.memref_squeeze %dma_wait3A_166 : memref<1x128xi32, #tpu.memory_space<vmem>> -> memref<128xi32, #tpu.memory_space<vmem>>
      %dma_wait3A_168 = arith.constant 0 : i32
      %dma_wait3A_169 = arith.constant 0 : i32
      %dma_wait3A_170 = tpu.memref_slice %arg2[%dma_wait3A_168, %dma_wait3A_169] : memref<10240x128xf32, #tpu.memory_space<hbm>> -> memref<10240x128xf32, #tpu.memory_space<hbm>>
      tpu.wait_indirect_dma semaphore(%arg20 : memref<!tpu.dma_semaphore, #tpu.memory_space<semaphore_mem>>) src(%dma_wait3A_170 : memref<10240x128xf32, #tpu.memory_space<hbm>>) dst(%arg13 : memref<128x128xf32, #tpu.memory_space<vmem>>)
      %dma_start3A_171 = arith.constant 0 : i32
      %dma_start3A_172 = arith.constant 0 : i32
      %dma_start3A_173 = tpu.memref_slice %arg14[%dma_start3A_171, %dma_start3A_172] : memref<10240x128xf32, #tpu.memory_space<vmem_shared>> -> memref<10240x128xf32, #tpu.memory_space<vmem_shared>>
      tpu.enqueue_indirect_dma source(%arg13 : memref<128x128xf32, #tpu.memory_space<vmem>>) target(%dma_start3A_173 : memref<10240x128xf32, #tpu.memory_space<vmem_shared>>) offsets(%arg9 : memref<128xi32, #tpu.memory_space<vmem>>) semaphore(%arg22 : memref<!tpu.dma_semaphore, #tpu.memory_space<semaphore_mem>>) {add = true}
      %add3A_174 = arith.constant 2 : i32
      %add3A_175 = arith.addi %add3A_147, %add3A_174 : i32
      %mul3A_176 = arith.constant 10240 : i32
      %mul3A_177 = arith.muli %add3A, %mul3A_176 : i32
      %mul3A_178 = arith.constant 128 : i32
      %mul3A_179 = arith.muli %add3A_175, %mul3A_178 : i32
      %add3A_180 = arith.addi %mul3A_177, %mul3A_179 : i32
      %dma_start3A_181 = tpu.memref_slice %arg4[%add3A_180] : memref<327680xi32, #tpu.memory_space<hbm>> -> memref<128xi32, #tpu.memory_space<hbm>>
      %dma_start3A_182 = tpu.memref_slice %arg4[%add3A_180] : memref<327680xi32, #tpu.memory_space<hbm>> -> memref<128xi32, #tpu.memory_space<hbm>>
      tpu.enqueue_dma source(%dma_start3A_182 : memref<128xi32, #tpu.memory_space<hbm>>) target(%arg8 : memref<128xi32, #tpu.memory_space<vmem>>) target_semaphore(%arg15 : memref<!tpu.dma_semaphore, #tpu.memory_space<semaphore_mem>>)
      %mul3A_183 = arith.constant 4 : i32
      %mul3A_184 = arith.muli %mul3A_183, %scan3A_141 : i32
      %add3A_185 = arith.constant 2 : i32
      %add3A_186 = arith.addi %mul3A_184, %add3A_185 : i32
      %add3A_187 = arith.constant 1 : i32
      %add3A_188 = arith.addi %add3A_186, %add3A_187 : i32
      %mul3A_189 = arith.constant 10240 : i32
      %mul3A_190 = arith.muli %add3A, %mul3A_189 : i32
      %mul3A_191 = arith.constant 128 : i32
      %mul3A_192 = arith.muli %add3A_188, %mul3A_191 : i32
      %add3A_193 = arith.addi %mul3A_190, %mul3A_192 : i32
      %dma_wait3A_194 = tpu.memref_slice %arg4[%add3A_193] : memref<327680xi32, #tpu.memory_space<hbm>> -> memref<128xi32, #tpu.memory_space<hbm>>
      %dma_wait3A_195 = tpu.memref_slice %arg4[%add3A_193] : memref<327680xi32, #tpu.memory_space<hbm>> -> memref<128xi32, #tpu.memory_space<hbm>>
      tpu.wait_dma2 semaphore(%arg18 : memref<!tpu.dma_semaphore, #tpu.memory_space<semaphore_mem>>) src(%dma_wait3A_195 : memref<128xi32, #tpu.memory_space<hbm>>) dst(%arg11 : memref<128xi32, #tpu.memory_space<vmem>>)
      %dma_wait3A_196 = arith.constant 0 : i32
      %dma_wait3A_197 = arith.constant 0 : i32
      %dma_wait3A_198 = tpu.memref_slice %arg14[%dma_wait3A_196, %dma_wait3A_197] : memref<10240x128xf32, #tpu.memory_space<vmem_shared>> -> memref<10240x128xf32, #tpu.memory_space<vmem_shared>>
      tpu.wait_indirect_dma semaphore(%arg22 : memref<!tpu.dma_semaphore, #tpu.memory_space<semaphore_mem>>) src(%arg13 : memref<128x128xf32, #tpu.memory_space<vmem>>) dst(%dma_wait3A_198 : memref<10240x128xf32, #tpu.memory_space<vmem_shared>>)
      %dma_start3A_199 = arith.constant 0 : i32
      %dma_start3A_200 = tpu.memref_slice %arg7[%add3A_188, %dma_start3A_199] : memref<80x128xi32, #tpu.memory_space<vmem>> -> memref<1x128xi32, #tpu.memory_space<vmem>>
      %dma_start3A_201 = tpu.memref_squeeze %dma_start3A_200 : memref<1x128xi32, #tpu.memory_space<vmem>> -> memref<128xi32, #tpu.memory_space<vmem>>
      %dma_start3A_202 = arith.constant 0 : i32
      %dma_start3A_203 = arith.constant 0 : i32
      %dma_start3A_204 = tpu.memref_slice %arg2[%dma_start3A_202, %dma_start3A_203] : memref<10240x128xf32, #tpu.memory_space<hbm>> -> memref<10240x128xf32, #tpu.memory_space<hbm>>
      tpu.enqueue_indirect_dma source(%dma_start3A_204 : memref<10240x128xf32, #tpu.memory_space<hbm>>) target(%arg13 : memref<128x128xf32, #tpu.memory_space<vmem>>) offsets(%dma_start3A_201 : memref<128xi32, #tpu.memory_space<vmem>>) semaphore(%arg20 : memref<!tpu.dma_semaphore, #tpu.memory_space<semaphore_mem>>)
      %sub3A_205 = arith.constant 1 : i32
      %sub3A_206 = arith.subi %add3A_188, %sub3A_205 : i32
      %dma_wait3A_207 = arith.constant 0 : i32
      %dma_wait3A_208 = tpu.memref_slice %arg7[%sub3A_206, %dma_wait3A_207] : memref<80x128xi32, #tpu.memory_space<vmem>> -> memref<1x128xi32, #tpu.memory_space<vmem>>
      %dma_wait3A_209 = tpu.memref_squeeze %dma_wait3A_208 : memref<1x128xi32, #tpu.memory_space<vmem>> -> memref<128xi32, #tpu.memory_space<vmem>>
      %dma_wait3A_210 = arith.constant 0 : i32
      %dma_wait3A_211 = arith.constant 0 : i32
      %dma_wait3A_212 = tpu.memref_slice %arg2[%dma_wait3A_210, %dma_wait3A_211] : memref<10240x128xf32, #tpu.memory_space<hbm>> -> memref<10240x128xf32, #tpu.memory_space<hbm>>
      tpu.wait_indirect_dma semaphore(%arg19 : memref<!tpu.dma_semaphore, #tpu.memory_space<semaphore_mem>>) src(%dma_wait3A_212 : memref<10240x128xf32, #tpu.memory_space<hbm>>) dst(%arg12 : memref<128x128xf32, #tpu.memory_space<vmem>>)
      %dma_start3A_213 = arith.constant 0 : i32
      %dma_start3A_214 = arith.constant 0 : i32
      %dma_start3A_215 = tpu.memref_slice %arg14[%dma_start3A_213, %dma_start3A_214] : memref<10240x128xf32, #tpu.memory_space<vmem_shared>> -> memref<10240x128xf32, #tpu.memory_space<vmem_shared>>
      tpu.enqueue_indirect_dma source(%arg12 : memref<128x128xf32, #tpu.memory_space<vmem>>) target(%dma_start3A_215 : memref<10240x128xf32, #tpu.memory_space<vmem_shared>>) offsets(%arg10 : memref<128xi32, #tpu.memory_space<vmem>>) semaphore(%arg21 : memref<!tpu.dma_semaphore, #tpu.memory_space<semaphore_mem>>) {add = true}
      %add3A_216 = arith.constant 2 : i32
      %add3A_217 = arith.addi %add3A_188, %add3A_216 : i32
      %mul3A_218 = arith.constant 10240 : i32
      %mul3A_219 = arith.muli %add3A, %mul3A_218 : i32
      %mul3A_220 = arith.constant 128 : i32
      %mul3A_221 = arith.muli %add3A_217, %mul3A_220 : i32
      %add3A_222 = arith.addi %mul3A_219, %mul3A_221 : i32
      %dma_start3A_223 = tpu.memref_slice %arg4[%add3A_222] : memref<327680xi32, #tpu.memory_space<hbm>> -> memref<128xi32, #tpu.memory_space<hbm>>
      %dma_start3A_224 = tpu.memref_slice %arg4[%add3A_222] : memref<327680xi32, #tpu.memory_space<hbm>> -> memref<128xi32, #tpu.memory_space<hbm>>
      tpu.enqueue_dma source(%dma_start3A_224 : memref<128xi32, #tpu.memory_space<hbm>>) target(%arg9 : memref<128xi32, #tpu.memory_space<vmem>>) target_semaphore(%arg16 : memref<!tpu.dma_semaphore, #tpu.memory_space<semaphore_mem>>)
      %mul3A_225 = arith.constant 4 : i32
      %mul3A_226 = arith.muli %mul3A_225, %scan3A_141 : i32
      %add3A_227 = arith.constant 2 : i32
      %add3A_228 = arith.addi %mul3A_226, %add3A_227 : i32
      %add3A_229 = arith.constant 2 : i32
      %add3A_230 = arith.addi %add3A_228, %add3A_229 : i32
      %mul3A_231 = arith.constant 10240 : i32
      %mul3A_232 = arith.muli %add3A, %mul3A_231 : i32
      %mul3A_233 = arith.constant 128 : i32
      %mul3A_234 = arith.muli %add3A_230, %mul3A_233 : i32
      %add3A_235 = arith.addi %mul3A_232, %mul3A_234 : i32
      %dma_wait3A_236 = tpu.memref_slice %arg4[%add3A_235] : memref<327680xi32, #tpu.memory_space<hbm>> -> memref<128xi32, #tpu.memory_space<hbm>>
      %dma_wait3A_237 = tpu.memref_slice %arg4[%add3A_235] : memref<327680xi32, #tpu.memory_space<hbm>> -> memref<128xi32, #tpu.memory_space<hbm>>
      tpu.wait_dma2 semaphore(%arg15 : memref<!tpu.dma_semaphore, #tpu.memory_space<semaphore_mem>>) src(%dma_wait3A_237 : memref<128xi32, #tpu.memory_space<hbm>>) dst(%arg8 : memref<128xi32, #tpu.memory_space<vmem>>)
      %dma_wait3A_238 = arith.constant 0 : i32
      %dma_wait3A_239 = arith.constant 0 : i32
      %dma_wait3A_240 = tpu.memref_slice %arg14[%dma_wait3A_238, %dma_wait3A_239] : memref<10240x128xf32, #tpu.memory_space<vmem_shared>> -> memref<10240x128xf32, #tpu.memory_space<vmem_shared>>
      tpu.wait_indirect_dma semaphore(%arg21 : memref<!tpu.dma_semaphore, #tpu.memory_space<semaphore_mem>>) src(%arg12 : memref<128x128xf32, #tpu.memory_space<vmem>>) dst(%dma_wait3A_240 : memref<10240x128xf32, #tpu.memory_space<vmem_shared>>)
      %dma_start3A_241 = arith.constant 0 : i32
      %dma_start3A_242 = tpu.memref_slice %arg7[%add3A_230, %dma_start3A_241] : memref<80x128xi32, #tpu.memory_space<vmem>> -> memref<1x128xi32, #tpu.memory_space<vmem>>
      %dma_start3A_243 = tpu.memref_squeeze %dma_start3A_242 : memref<1x128xi32, #tpu.memory_space<vmem>> -> memref<128xi32, #tpu.memory_space<vmem>>
      %dma_start3A_244 = arith.constant 0 : i32
      %dma_start3A_245 = arith.constant 0 : i32
      %dma_start3A_246 = tpu.memref_slice %arg2[%dma_start3A_244, %dma_start3A_245] : memref<10240x128xf32, #tpu.memory_space<hbm>> -> memref<10240x128xf32, #tpu.memory_space<hbm>>
      tpu.enqueue_indirect_dma source(%dma_start3A_246 : memref<10240x128xf32, #tpu.memory_space<hbm>>) target(%arg12 : memref<128x128xf32, #tpu.memory_space<vmem>>) offsets(%dma_start3A_243 : memref<128xi32, #tpu.memory_space<vmem>>) semaphore(%arg19 : memref<!tpu.dma_semaphore, #tpu.memory_space<semaphore_mem>>)
      %sub3A_247 = arith.constant 1 : i32
      %sub3A_248 = arith.subi %add3A_230, %sub3A_247 : i32
      %dma_wait3A_249 = arith.constant 0 : i32
      %dma_wait3A_250 = tpu.memref_slice %arg7[%sub3A_248, %dma_wait3A_249] : memref<80x128xi32, #tpu.memory_space<vmem>> -> memref<1x128xi32, #tpu.memory_space<vmem>>
      %dma_wait3A_251 = tpu.memref_squeeze %dma_wait3A_250 : memref<1x128xi32, #tpu.memory_space<vmem>> -> memref<128xi32, #tpu.memory_space<vmem>>
      %dma_wait3A_252 = arith.constant 0 : i32
      %dma_wait3A_253 = arith.constant 0 : i32
      %dma_wait3A_254 = tpu.memref_slice %arg2[%dma_wait3A_252, %dma_wait3A_253] : memref<10240x128xf32, #tpu.memory_space<hbm>> -> memref<10240x128xf32, #tpu.memory_space<hbm>>
      tpu.wait_indirect_dma semaphore(%arg20 : memref<!tpu.dma_semaphore, #tpu.memory_space<semaphore_mem>>) src(%dma_wait3A_254 : memref<10240x128xf32, #tpu.memory_space<hbm>>) dst(%arg13 : memref<128x128xf32, #tpu.memory_space<vmem>>)
      %dma_start3A_255 = arith.constant 0 : i32
      %dma_start3A_256 = arith.constant 0 : i32
      %dma_start3A_257 = tpu.memref_slice %arg14[%dma_start3A_255, %dma_start3A_256] : memref<10240x128xf32, #tpu.memory_space<vmem_shared>> -> memref<10240x128xf32, #tpu.memory_space<vmem_shared>>
      tpu.enqueue_indirect_dma source(%arg13 : memref<128x128xf32, #tpu.memory_space<vmem>>) target(%dma_start3A_257 : memref<10240x128xf32, #tpu.memory_space<vmem_shared>>) offsets(%arg11 : memref<128xi32, #tpu.memory_space<vmem>>) semaphore(%arg22 : memref<!tpu.dma_semaphore, #tpu.memory_space<semaphore_mem>>) {add = true}
      %add3A_258 = arith.constant 2 : i32
      %add3A_259 = arith.addi %add3A_230, %add3A_258 : i32
      %mul3A_260 = arith.constant 10240 : i32
      %mul3A_261 = arith.muli %add3A, %mul3A_260 : i32
      %mul3A_262 = arith.constant 128 : i32
      %mul3A_263 = arith.muli %add3A_259, %mul3A_262 : i32
      %add3A_264 = arith.addi %mul3A_261, %mul3A_263 : i32
      %dma_start3A_265 = tpu.memref_slice %arg4[%add3A_264] : memref<327680xi32, #tpu.memory_space<hbm>> -> memref<128xi32, #tpu.memory_space<hbm>>
      %dma_start3A_266 = tpu.memref_slice %arg4[%add3A_264] : memref<327680xi32, #tpu.memory_space<hbm>> -> memref<128xi32, #tpu.memory_space<hbm>>
      tpu.enqueue_dma source(%dma_start3A_266 : memref<128xi32, #tpu.memory_space<hbm>>) target(%arg10 : memref<128xi32, #tpu.memory_space<vmem>>) target_semaphore(%arg17 : memref<!tpu.dma_semaphore, #tpu.memory_space<semaphore_mem>>)
      %mul3A_267 = arith.constant 4 : i32
      %mul3A_268 = arith.muli %mul3A_267, %scan3A_141 : i32
      %add3A_269 = arith.constant 2 : i32
      %add3A_270 = arith.addi %mul3A_268, %add3A_269 : i32
      %add3A_271 = arith.constant 3 : i32
      %add3A_272 = arith.addi %add3A_270, %add3A_271 : i32
      %mul3A_273 = arith.constant 10240 : i32
      %mul3A_274 = arith.muli %add3A, %mul3A_273 : i32
      %mul3A_275 = arith.constant 128 : i32
      %mul3A_276 = arith.muli %add3A_272, %mul3A_275 : i32
      %add3A_277 = arith.addi %mul3A_274, %mul3A_276 : i32
      %dma_wait3A_278 = tpu.memref_slice %arg4[%add3A_277] : memref<327680xi32, #tpu.memory_space<hbm>> -> memref<128xi32, #tpu.memory_space<hbm>>
      %dma_wait3A_279 = tpu.memref_slice %arg4[%add3A_277] : memref<327680xi32, #tpu.memory_space<hbm>> -> memref<128xi32, #tpu.memory_space<hbm>>
      tpu.wait_dma2 semaphore(%arg16 : memref<!tpu.dma_semaphore, #tpu.memory_space<semaphore_mem>>) src(%dma_wait3A_279 : memref<128xi32, #tpu.memory_space<hbm>>) dst(%arg9 : memref<128xi32, #tpu.memory_space<vmem>>)
      %dma_wait3A_280 = arith.constant 0 : i32
      %dma_wait3A_281 = arith.constant 0 : i32
      %dma_wait3A_282 = tpu.memref_slice %arg14[%dma_wait3A_280, %dma_wait3A_281] : memref<10240x128xf32, #tpu.memory_space<vmem_shared>> -> memref<10240x128xf32, #tpu.memory_space<vmem_shared>>
      tpu.wait_indirect_dma semaphore(%arg22 : memref<!tpu.dma_semaphore, #tpu.memory_space<semaphore_mem>>) src(%arg13 : memref<128x128xf32, #tpu.memory_space<vmem>>) dst(%dma_wait3A_282 : memref<10240x128xf32, #tpu.memory_space<vmem_shared>>)
      %dma_start3A_283 = arith.constant 0 : i32
      %dma_start3A_284 = tpu.memref_slice %arg7[%add3A_272, %dma_start3A_283] : memref<80x128xi32, #tpu.memory_space<vmem>> -> memref<1x128xi32, #tpu.memory_space<vmem>>
      %dma_start3A_285 = tpu.memref_squeeze %dma_start3A_284 : memref<1x128xi32, #tpu.memory_space<vmem>> -> memref<128xi32, #tpu.memory_space<vmem>>
      %dma_start3A_286 = arith.constant 0 : i32
      %dma_start3A_287 = arith.constant 0 : i32
      %dma_start3A_288 = tpu.memref_slice %arg2[%dma_start3A_286, %dma_start3A_287] : memref<10240x128xf32, #tpu.memory_space<hbm>> -> memref<10240x128xf32, #tpu.memory_space<hbm>>
      tpu.enqueue_indirect_dma source(%dma_start3A_288 : memref<10240x128xf32, #tpu.memory_space<hbm>>) target(%arg13 : memref<128x128xf32, #tpu.memory_space<vmem>>) offsets(%dma_start3A_285 : memref<128xi32, #tpu.memory_space<vmem>>) semaphore(%arg20 : memref<!tpu.dma_semaphore, #tpu.memory_space<semaphore_mem>>)
      %sub3A_289 = arith.constant 1 : i32
      %sub3A_290 = arith.subi %add3A_272, %sub3A_289 : i32
      %dma_wait3A_291 = arith.constant 0 : i32
      %dma_wait3A_292 = tpu.memref_slice %arg7[%sub3A_290, %dma_wait3A_291] : memref<80x128xi32, #tpu.memory_space<vmem>> -> memref<1x128xi32, #tpu.memory_space<vmem>>
      %dma_wait3A_293 = tpu.memref_squeeze %dma_wait3A_292 : memref<1x128xi32, #tpu.memory_space<vmem>> -> memref<128xi32, #tpu.memory_space<vmem>>
      %dma_wait3A_294 = arith.constant 0 : i32
      %dma_wait3A_295 = arith.constant 0 : i32
      %dma_wait3A_296 = tpu.memref_slice %arg2[%dma_wait3A_294, %dma_wait3A_295] : memref<10240x128xf32, #tpu.memory_space<hbm>> -> memref<10240x128xf32, #tpu.memory_space<hbm>>
      tpu.wait_indirect_dma semaphore(%arg19 : memref<!tpu.dma_semaphore, #tpu.memory_space<semaphore_mem>>) src(%dma_wait3A_296 : memref<10240x128xf32, #tpu.memory_space<hbm>>) dst(%arg12 : memref<128x128xf32, #tpu.memory_space<vmem>>)
      %dma_start3A_297 = arith.constant 0 : i32
      %dma_start3A_298 = arith.constant 0 : i32
      %dma_start3A_299 = tpu.memref_slice %arg14[%dma_start3A_297, %dma_start3A_298] : memref<10240x128xf32, #tpu.memory_space<vmem_shared>> -> memref<10240x128xf32, #tpu.memory_space<vmem_shared>>
      tpu.enqueue_indirect_dma source(%arg12 : memref<128x128xf32, #tpu.memory_space<vmem>>) target(%dma_start3A_299 : memref<10240x128xf32, #tpu.memory_space<vmem_shared>>) offsets(%arg8 : memref<128xi32, #tpu.memory_space<vmem>>) semaphore(%arg21 : memref<!tpu.dma_semaphore, #tpu.memory_space<semaphore_mem>>) {add = true}
      %add3A_300 = arith.constant 2 : i32
      %add3A_301 = arith.addi %add3A_272, %add3A_300 : i32
      %mul3A_302 = arith.constant 10240 : i32
      %mul3A_303 = arith.muli %add3A, %mul3A_302 : i32
      %mul3A_304 = arith.constant 128 : i32
      %mul3A_305 = arith.muli %add3A_301, %mul3A_304 : i32
      %add3A_306 = arith.addi %mul3A_303, %mul3A_305 : i32
      %dma_start3A_307 = tpu.memref_slice %arg4[%add3A_306] : memref<327680xi32, #tpu.memory_space<hbm>> -> memref<128xi32, #tpu.memory_space<hbm>>
      %dma_start3A_308 = tpu.memref_slice %arg4[%add3A_306] : memref<327680xi32, #tpu.memory_space<hbm>> -> memref<128xi32, #tpu.memory_space<hbm>>
      tpu.enqueue_dma source(%dma_start3A_308 : memref<128xi32, #tpu.memory_space<hbm>>) target(%arg11 : memref<128xi32, #tpu.memory_space<vmem>>) target_semaphore(%arg18 : memref<!tpu.dma_semaphore, #tpu.memory_space<semaphore_mem>>)
    }
    %scan3A_67 = arith.constant 19 : i32
    %mul3A_68 = arith.constant 10240 : i32
    %mul3A_69 = arith.muli %add3A, %mul3A_68 : i32
    %add3A_70 = arith.constant 9984 : i32
    %add3A_71 = arith.addi %mul3A_69, %add3A_70 : i32
    %dma_wait3A_72 = tpu.memref_slice %arg4[%add3A_71] : memref<327680xi32, #tpu.memory_space<hbm>> -> memref<128xi32, #tpu.memory_space<hbm>>
    %dma_wait3A_73 = tpu.memref_slice %arg4[%add3A_71] : memref<327680xi32, #tpu.memory_space<hbm>> -> memref<128xi32, #tpu.memory_space<hbm>>
    tpu.wait_dma2 semaphore(%arg17 : memref<!tpu.dma_semaphore, #tpu.memory_space<semaphore_mem>>) src(%dma_wait3A_73 : memref<128xi32, #tpu.memory_space<hbm>>) dst(%arg10 : memref<128xi32, #tpu.memory_space<vmem>>)
    %dma_wait3A_74 = arith.constant 0 : i32
    %dma_wait3A_75 = arith.constant 0 : i32
    %dma_wait3A_76 = tpu.memref_slice %arg14[%dma_wait3A_74, %dma_wait3A_75] : memref<10240x128xf32, #tpu.memory_space<vmem_shared>> -> memref<10240x128xf32, #tpu.memory_space<vmem_shared>>
    tpu.wait_indirect_dma semaphore(%arg21 : memref<!tpu.dma_semaphore, #tpu.memory_space<semaphore_mem>>) src(%arg12 : memref<128x128xf32, #tpu.memory_space<vmem>>) dst(%dma_wait3A_76 : memref<10240x128xf32, #tpu.memory_space<vmem_shared>>)
    %dma_start3A_77 = arith.constant 78 : i32
    %dma_start3A_78 = arith.constant 0 : i32
    %dma_start3A_79 = tpu.memref_slice %arg7[%dma_start3A_77, %dma_start3A_78] : memref<80x128xi32, #tpu.memory_space<vmem>> -> memref<1x128xi32, #tpu.memory_space<vmem>>
    %dma_start3A_80 = tpu.memref_squeeze %dma_start3A_79 : memref<1x128xi32, #tpu.memory_space<vmem>> -> memref<128xi32, #tpu.memory_space<vmem>>
    %dma_start3A_81 = arith.constant 0 : i32
    %dma_start3A_82 = arith.constant 0 : i32
    %dma_start3A_83 = tpu.memref_slice %arg2[%dma_start3A_81, %dma_start3A_82] : memref<10240x128xf32, #tpu.memory_space<hbm>> -> memref<10240x128xf32, #tpu.memory_space<hbm>>
    tpu.enqueue_indirect_dma source(%dma_start3A_83 : memref<10240x128xf32, #tpu.memory_space<hbm>>) target(%arg12 : memref<128x128xf32, #tpu.memory_space<vmem>>) offsets(%dma_start3A_80 : memref<128xi32, #tpu.memory_space<vmem>>) semaphore(%arg19 : memref<!tpu.dma_semaphore, #tpu.memory_space<semaphore_mem>>)
    %dma_wait3A_84 = arith.constant 77 : i32
    %dma_wait3A_85 = arith.constant 0 : i32
    %dma_wait3A_86 = tpu.memref_slice %arg7[%dma_wait3A_84, %dma_wait3A_85] : memref<80x128xi32, #tpu.memory_space<vmem>> -> memref<1x128xi32, #tpu.memory_space<vmem>>
    %dma_wait3A_87 = tpu.memref_squeeze %dma_wait3A_86 : memref<1x128xi32, #tpu.memory_space<vmem>> -> memref<128xi32, #tpu.memory_space<vmem>>
    %dma_wait3A_88 = arith.constant 0 : i32
    %dma_wait3A_89 = arith.constant 0 : i32
    %dma_wait3A_90 = tpu.memref_slice %arg2[%dma_wait3A_88, %dma_wait3A_89] : memref<10240x128xf32, #tpu.memory_space<hbm>> -> memref<10240x128xf32, #tpu.memory_space<hbm>>
    tpu.wait_indirect_dma semaphore(%arg20 : memref<!tpu.dma_semaphore, #tpu.memory_space<semaphore_mem>>) src(%dma_wait3A_90 : memref<10240x128xf32, #tpu.memory_space<hbm>>) dst(%arg13 : memref<128x128xf32, #tpu.memory_space<vmem>>)
    %dma_start3A_91 = arith.constant 0 : i32
    %dma_start3A_92 = arith.constant 0 : i32
    %dma_start3A_93 = tpu.memref_slice %arg14[%dma_start3A_91, %dma_start3A_92] : memref<10240x128xf32, #tpu.memory_space<vmem_shared>> -> memref<10240x128xf32, #tpu.memory_space<vmem_shared>>
    tpu.enqueue_indirect_dma source(%arg13 : memref<128x128xf32, #tpu.memory_space<vmem>>) target(%dma_start3A_93 : memref<10240x128xf32, #tpu.memory_space<vmem_shared>>) offsets(%arg9 : memref<128xi32, #tpu.memory_space<vmem>>) semaphore(%arg22 : memref<!tpu.dma_semaphore, #tpu.memory_space<semaphore_mem>>) {add = true}
    %mul3A_94 = arith.constant 10240 : i32
    %mul3A_95 = arith.muli %add3A, %mul3A_94 : i32
    %add3A_96 = arith.constant 10112 : i32
    %add3A_97 = arith.addi %mul3A_95, %add3A_96 : i32
    %dma_wait3A_98 = tpu.memref_slice %arg4[%add3A_97] : memref<327680xi32, #tpu.memory_space<hbm>> -> memref<128xi32, #tpu.memory_space<hbm>>
    %dma_wait3A_99 = tpu.memref_slice %arg4[%add3A_97] : memref<327680xi32, #tpu.memory_space<hbm>> -> memref<128xi32, #tpu.memory_space<hbm>>
    tpu.wait_dma2 semaphore(%arg18 : memref<!tpu.dma_semaphore, #tpu.memory_space<semaphore_mem>>) src(%dma_wait3A_99 : memref<128xi32, #tpu.memory_space<hbm>>) dst(%arg11 : memref<128xi32, #tpu.memory_space<vmem>>)
    %dma_wait3A_100 = arith.constant 0 : i32
    %dma_wait3A_101 = arith.constant 0 : i32
    %dma_wait3A_102 = tpu.memref_slice %arg14[%dma_wait3A_100, %dma_wait3A_101] : memref<10240x128xf32, #tpu.memory_space<vmem_shared>> -> memref<10240x128xf32, #tpu.memory_space<vmem_shared>>
    tpu.wait_indirect_dma semaphore(%arg22 : memref<!tpu.dma_semaphore, #tpu.memory_space<semaphore_mem>>) src(%arg13 : memref<128x128xf32, #tpu.memory_space<vmem>>) dst(%dma_wait3A_102 : memref<10240x128xf32, #tpu.memory_space<vmem_shared>>)
    %dma_start3A_103 = arith.constant 79 : i32
    %dma_start3A_104 = arith.constant 0 : i32
    %dma_start3A_105 = tpu.memref_slice %arg7[%dma_start3A_103, %dma_start3A_104] : memref<80x128xi32, #tpu.memory_space<vmem>> -> memref<1x128xi32, #tpu.memory_space<vmem>>
    %dma_start3A_106 = tpu.memref_squeeze %dma_start3A_105 : memref<1x128xi32, #tpu.memory_space<vmem>> -> memref<128xi32, #tpu.memory_space<vmem>>
    %dma_start3A_107 = arith.constant 0 : i32
    %dma_start3A_108 = arith.constant 0 : i32
    %dma_start3A_109 = tpu.memref_slice %arg2[%dma_start3A_107, %dma_start3A_108] : memref<10240x128xf32, #tpu.memory_space<hbm>> -> memref<10240x128xf32, #tpu.memory_space<hbm>>
    tpu.enqueue_indirect_dma source(%dma_start3A_109 : memref<10240x128xf32, #tpu.memory_space<hbm>>) target(%arg13 : memref<128x128xf32, #tpu.memory_space<vmem>>) offsets(%dma_start3A_106 : memref<128xi32, #tpu.memory_space<vmem>>) semaphore(%arg20 : memref<!tpu.dma_semaphore, #tpu.memory_space<semaphore_mem>>)
    %dma_wait3A_110 = arith.constant 78 : i32
    %dma_wait3A_111 = arith.constant 0 : i32
    %dma_wait3A_112 = tpu.memref_slice %arg7[%dma_wait3A_110, %dma_wait3A_111] : memref<80x128xi32, #tpu.memory_space<vmem>> -> memref<1x128xi32, #tpu.memory_space<vmem>>
    %dma_wait3A_113 = tpu.memref_squeeze %dma_wait3A_112 : memref<1x128xi32, #tpu.memory_space<vmem>> -> memref<128xi32, #tpu.memory_space<vmem>>
    %dma_wait3A_114 = arith.constant 0 : i32
    %dma_wait3A_115 = arith.constant 0 : i32
    %dma_wait3A_116 = tpu.memref_slice %arg2[%dma_wait3A_114, %dma_wait3A_115] : memref<10240x128xf32, #tpu.memory_space<hbm>> -> memref<10240x128xf32, #tpu.memory_space<hbm>>
    tpu.wait_indirect_dma semaphore(%arg19 : memref<!tpu.dma_semaphore, #tpu.memory_space<semaphore_mem>>) src(%dma_wait3A_116 : memref<10240x128xf32, #tpu.memory_space<hbm>>) dst(%arg12 : memref<128x128xf32, #tpu.memory_space<vmem>>)
    %dma_start3A_117 = arith.constant 0 : i32
    %dma_start3A_118 = arith.constant 0 : i32
    %dma_start3A_119 = tpu.memref_slice %arg14[%dma_start3A_117, %dma_start3A_118] : memref<10240x128xf32, #tpu.memory_space<vmem_shared>> -> memref<10240x128xf32, #tpu.memory_space<vmem_shared>>
    tpu.enqueue_indirect_dma source(%arg12 : memref<128x128xf32, #tpu.memory_space<vmem>>) target(%dma_start3A_119 : memref<10240x128xf32, #tpu.memory_space<vmem_shared>>) offsets(%arg10 : memref<128xi32, #tpu.memory_space<vmem>>) semaphore(%arg21 : memref<!tpu.dma_semaphore, #tpu.memory_space<semaphore_mem>>) {add = true}
    %dma_wait3A_120 = arith.constant 79 : i32
    %dma_wait3A_121 = arith.constant 0 : i32
    %dma_wait3A_122 = tpu.memref_slice %arg7[%dma_wait3A_120, %dma_wait3A_121] : memref<80x128xi32, #tpu.memory_space<vmem>> -> memref<1x128xi32, #tpu.memory_space<vmem>>
    %dma_wait3A_123 = tpu.memref_squeeze %dma_wait3A_122 : memref<1x128xi32, #tpu.memory_space<vmem>> -> memref<128xi32, #tpu.memory_space<vmem>>
    %dma_wait3A_124 = arith.constant 0 : i32
    %dma_wait3A_125 = arith.constant 0 : i32
    %dma_wait3A_126 = tpu.memref_slice %arg2[%dma_wait3A_124, %dma_wait3A_125] : memref<10240x128xf32, #tpu.memory_space<hbm>> -> memref<10240x128xf32, #tpu.memory_space<hbm>>
    tpu.wait_indirect_dma semaphore(%arg20 : memref<!tpu.dma_semaphore, #tpu.memory_space<semaphore_mem>>) src(%dma_wait3A_126 : memref<10240x128xf32, #tpu.memory_space<hbm>>) dst(%arg13 : memref<128x128xf32, #tpu.memory_space<vmem>>)
    %dma_start3A_127 = arith.constant 0 : i32
    %dma_start3A_128 = arith.constant 0 : i32
    %dma_start3A_129 = tpu.memref_slice %arg14[%dma_start3A_127, %dma_start3A_128] : memref<10240x128xf32, #tpu.memory_space<vmem_shared>> -> memref<10240x128xf32, #tpu.memory_space<vmem_shared>>
    tpu.enqueue_indirect_dma source(%arg13 : memref<128x128xf32, #tpu.memory_space<vmem>>) target(%dma_start3A_129 : memref<10240x128xf32, #tpu.memory_space<vmem_shared>>) offsets(%arg11 : memref<128xi32, #tpu.memory_space<vmem>>) semaphore(%arg22 : memref<!tpu.dma_semaphore, #tpu.memory_space<semaphore_mem>>) {add = true}
    %dma_wait3A_130 = arith.constant 0 : i32
    %dma_wait3A_131 = arith.constant 0 : i32
    %dma_wait3A_132 = tpu.memref_slice %arg14[%dma_wait3A_130, %dma_wait3A_131] : memref<10240x128xf32, #tpu.memory_space<vmem_shared>> -> memref<10240x128xf32, #tpu.memory_space<vmem_shared>>
    tpu.wait_indirect_dma semaphore(%arg21 : memref<!tpu.dma_semaphore, #tpu.memory_space<semaphore_mem>>) src(%arg12 : memref<128x128xf32, #tpu.memory_space<vmem>>) dst(%dma_wait3A_132 : memref<10240x128xf32, #tpu.memory_space<vmem_shared>>)
    %dma_wait3A_133 = arith.constant 0 : i32
    %dma_wait3A_134 = arith.constant 0 : i32
    %dma_wait3A_135 = tpu.memref_slice %arg14[%dma_wait3A_133, %dma_wait3A_134] : memref<10240x128xf32, #tpu.memory_space<vmem_shared>> -> memref<10240x128xf32, #tpu.memory_space<vmem_shared>>
    tpu.wait_indirect_dma semaphore(%arg22 : memref<!tpu.dma_semaphore, #tpu.memory_space<semaphore_mem>>) src(%arg13 : memref<128x128xf32, #tpu.memory_space<vmem>>) dst(%dma_wait3A_135 : memref<10240x128xf32, #tpu.memory_space<vmem_shared>>)
    %barrier3A_136 = arith.constant 0 : index
    tpu.barrier barrier_id(%barrier3A_136)
    %mul3A_137 = arith.constant 640 : i32
    %mul3A_138 = arith.muli %arg1, %mul3A_137 : i32
    %mul3A_139 = arith.constant 640 : i32
    %mul3A_140 = arith.muli %arg1, %mul3A_139 : i32
    "tpu.region"() ({
      %run_scoped3A = tpu.sem_alloc : memref<!tpu.dma_semaphore, #tpu.memory_space<semaphore_mem>>
      %dma_start3A_141 = arith.constant 0 : i32
      %dma_start3A_142 = tpu.memref_slice %arg6[%arg0, %mul3A_140, %dma_start3A_141] : memref<2x10240x128xf32, #tpu.memory_space<hbm>> -> memref<1x640x128xf32, #tpu.memory_space<hbm>>
      %dma_start3A_143 = tpu.memref_squeeze %dma_start3A_142 : memref<1x640x128xf32, #tpu.memory_space<hbm>> -> memref<640x128xf32, #tpu.memory_space<hbm>>
      %dma_start3A_144 = arith.constant 0 : i32
      %dma_start3A_145 = tpu.memref_slice %arg14[%mul3A_138, %dma_start3A_144] : memref<10240x128xf32, #tpu.memory_space<vmem_shared>> -> memref<640x128xf32, #tpu.memory_space<vmem_shared>>
      tpu.enqueue_dma source(%dma_start3A_145 : memref<640x128xf32, #tpu.memory_space<vmem_shared>>) target(%dma_start3A_143 : memref<640x128xf32, #tpu.memory_space<hbm>>) target_semaphore(%run_scoped3A : memref<!tpu.dma_semaphore, #tpu.memory_space<semaphore_mem>>)
      %dma_wait3A_146 = arith.constant 0 : i32
      %dma_wait3A_147 = tpu.memref_slice %arg6[%arg0, %mul3A_140, %dma_wait3A_146] : memref<2x10240x128xf32, #tpu.memory_space<hbm>> -> memref<1x640x128xf32, #tpu.memory_space<hbm>>
      %dma_wait3A_148 = tpu.memref_squeeze %dma_wait3A_147 : memref<1x640x128xf32, #tpu.memory_space<hbm>> -> memref<640x128xf32, #tpu.memory_space<hbm>>
      %dma_wait3A_149 = arith.constant 0 : i32
      %dma_wait3A_150 = tpu.memref_slice %arg14[%mul3A_138, %dma_wait3A_149] : memref<10240x128xf32, #tpu.memory_space<vmem_shared>> -> memref<640x128xf32, #tpu.memory_space<vmem_shared>>
      tpu.wait_dma2 semaphore(%run_scoped3A : memref<!tpu.dma_semaphore, #tpu.memory_space<semaphore_mem>>) src(%dma_wait3A_150 : memref<640x128xf32, #tpu.memory_space<vmem_shared>>) dst(%dma_wait3A_148 : memref<640x128xf32, #tpu.memory_space<hbm>>)
      tpu.yield
    }) : () -> ()
    return
  }
}

#map = affine_map<(d0, d1) -> (0, 0)>
#map1 = affine_map<(d0, d1) -> (0, 0, 0)>
#map2 = affine_map<(d0, d1) -> (0)>
module attributes {stable_mosaic.version = 14 : i64} {
  func.func @scatter_kernel(%arg0: i32, %arg1: i32, %arg2: memref<10240x128xf32, #tpu.memory_space<hbm>>, %arg3: memref<32x80x128xi32, #tpu.memory_space<hbm>>, %arg4: memref<327680xi32, #tpu.memory_space<hbm>>, %arg5: memref<10240x128xf32, #tpu.memory_space<hbm>>, %arg6: memref<2x10240x128xf32, #tpu.memory_space<hbm>>, %arg7: memref<80x128xi32, #tpu.memory_space<vmem>>, %arg8: memref<128xi32, #tpu.memory_space<vmem>>, %arg9: memref<128xi32, #tpu.memory_space<vmem>>, %arg10: memref<128xi32, #tpu.memory_space<vmem>>, %arg11: memref<128xi32, #tpu.memory_space<vmem>>, %arg12: memref<128x128xf32, #tpu.memory_space<vmem>>, %arg13: memref<128x128xf32, #tpu.memory_space<vmem>>, %arg14: memref<10240x128xf32, #tpu.memory_space<vmem_shared>>, %arg15: memref<!tpu.dma_semaphore, #tpu.memory_space<semaphore_mem>>, %arg16: memref<!tpu.dma_semaphore, #tpu.memory_space<semaphore_mem>>, %arg17: memref<!tpu.dma_semaphore, #tpu.memory_space<semaphore_mem>>, %arg18: memref<!tpu.dma_semaphore, #tpu.memory_space<semaphore_mem>>, %arg19: memref<!tpu.dma_semaphore, #tpu.memory_space<semaphore_mem>>, %arg20: memref<!tpu.dma_semaphore, #tpu.memory_space<semaphore_mem>>, %arg21: memref<!tpu.dma_semaphore, #tpu.memory_space<semaphore_mem>>, %arg22: memref<!tpu.dma_semaphore, #tpu.memory_space<semaphore_mem>>) attributes {dimension_semantics = [#tpu.dimension_semantics<core_parallel>, #tpu.dimension_semantics<subcore_parallel>], iteration_bounds = array<i64: 2, 16>, scalar_prefetch = 0 : i64, scratch_operands = 16 : i64, tpu.core_type = #tpu.core_type<sc_vector_subcore>, window_params = [{transform_indices = #map}, {transform_indices = #map1}, {transform_indices = #map2}, {transform_indices = #map}, {transform_indices = #map1}]} {
    %mul3A = arith.constant 16 : i32
    %mul3A_0 = arith.muli %arg0, %mul3A : i32
    %add3A = arith.addi %mul3A_0, %arg1 : i32
    "tpu.region"() ({
      %run_scoped3A = tpu.sem_alloc : memref<!tpu.dma_semaphore, #tpu.memory_space<semaphore_mem>>
      %dma_start3A_141 = arith.constant 0 : i32
      %dma_start3A_142 = arith.constant 0 : i32
      %dma_start3A_143 = tpu.memref_slice %arg3[%add3A, %dma_start3A_141, %dma_start3A_142] : memref<32x80x128xi32, #tpu.memory_space<hbm>> -> memref<1x80x128xi32, #tpu.memory_space<hbm>>
      %dma_start3A_144 = tpu.memref_squeeze %dma_start3A_143 : memref<1x80x128xi32, #tpu.memory_space<hbm>> -> memref<80x128xi32, #tpu.memory_space<hbm>>
      %dma_start3A_145 = arith.constant 0 : i32
      %dma_start3A_146 = arith.constant 0 : i32
      %dma_start3A_147 = tpu.memref_slice %arg3[%add3A, %dma_start3A_145, %dma_start3A_146] : memref<32x80x128xi32, #tpu.memory_space<hbm>> -> memref<1x80x128xi32, #tpu.memory_space<hbm>>
      %dma_start3A_148 = tpu.memref_squeeze %dma_start3A_147 : memref<1x80x128xi32, #tpu.memory_space<hbm>> -> memref<80x128xi32, #tpu.memory_space<hbm>>
      tpu.enqueue_dma source(%dma_start3A_148 : memref<80x128xi32, #tpu.memory_space<hbm>>) target(%arg7 : memref<80x128xi32, #tpu.memory_space<vmem>>) target_semaphore(%run_scoped3A : memref<!tpu.dma_semaphore, #tpu.memory_space<semaphore_mem>>)
      %dma_wait3A_149 = arith.constant 0 : i32
      %dma_wait3A_150 = arith.constant 0 : i32
      %dma_wait3A_151 = tpu.memref_slice %arg3[%add3A, %dma_wait3A_149, %dma_wait3A_150] : memref<32x80x128xi32, #tpu.memory_space<hbm>> -> memref<1x80x128xi32, #tpu.memory_space<hbm>>
      %dma_wait3A_152 = tpu.memref_squeeze %dma_wait3A_151 : memref<1x80x128xi32, #tpu.memory_space<hbm>> -> memref<80x128xi32, #tpu.memory_space<hbm>>
      %dma_wait3A_153 = arith.constant 0 : i32
      %dma_wait3A_154 = arith.constant 0 : i32
      %dma_wait3A_155 = tpu.memref_slice %arg3[%add3A, %dma_wait3A_153, %dma_wait3A_154] : memref<32x80x128xi32, #tpu.memory_space<hbm>> -> memref<1x80x128xi32, #tpu.memory_space<hbm>>
      %dma_wait3A_156 = tpu.memref_squeeze %dma_wait3A_155 : memref<1x80x128xi32, #tpu.memory_space<hbm>> -> memref<80x128xi32, #tpu.memory_space<hbm>>
      tpu.wait_dma2 semaphore(%run_scoped3A : memref<!tpu.dma_semaphore, #tpu.memory_space<semaphore_mem>>) src(%dma_wait3A_156 : memref<80x128xi32, #tpu.memory_space<hbm>>) dst(%arg7 : memref<80x128xi32, #tpu.memory_space<vmem>>)
      tpu.yield
    }) : () -> ()
    %mul3A_1 = arith.constant 10240 : i32
    %mul3A_2 = arith.muli %add3A, %mul3A_1 : i32
    %add3A_3 = arith.constant 0 : i32
    %add3A_4 = arith.addi %mul3A_2, %add3A_3 : i32
    %dma_start3A = tpu.memref_slice %arg4[%add3A_4] : memref<327680xi32, #tpu.memory_space<hbm>> -> memref<128xi32, #tpu.memory_space<hbm>>
    %dma_start3A_5 = tpu.memref_slice %arg4[%add3A_4] : memref<327680xi32, #tpu.memory_space<hbm>> -> memref<128xi32, #tpu.memory_space<hbm>>
    tpu.enqueue_dma source(%dma_start3A_5 : memref<128xi32, #tpu.memory_space<hbm>>) target(%arg8 : memref<128xi32, #tpu.memory_space<vmem>>) target_semaphore(%arg15 : memref<!tpu.dma_semaphore, #tpu.memory_space<semaphore_mem>>)
    %mul3A_6 = arith.constant 10240 : i32
    %mul3A_7 = arith.muli %add3A, %mul3A_6 : i32
    %add3A_8 = arith.constant 128 : i32
    %add3A_9 = arith.addi %mul3A_7, %add3A_8 : i32
    %dma_start3A_10 = tpu.memref_slice %arg4[%add3A_9] : memref<327680xi32, #tpu.memory_space<hbm>> -> memref<128xi32, #tpu.memory_space<hbm>>
    %dma_start3A_11 = tpu.memref_slice %arg4[%add3A_9] : memref<327680xi32, #tpu.memory_space<hbm>> -> memref<128xi32, #tpu.memory_space<hbm>>
    tpu.enqueue_dma source(%dma_start3A_11 : memref<128xi32, #tpu.memory_space<hbm>>) target(%arg9 : memref<128xi32, #tpu.memory_space<vmem>>) target_semaphore(%arg16 : memref<!tpu.dma_semaphore, #tpu.memory_space<semaphore_mem>>)
    %mul3A_12 = arith.constant 640 : i32
    %mul3A_13 = arith.muli %arg1, %mul3A_12 : i32
    %mul3A_14 = arith.constant 640 : i32
    %mul3A_15 = arith.muli %arg1, %mul3A_14 : i32
    "tpu.region"() ({
      %run_scoped3A = tpu.sem_alloc : memref<!tpu.dma_semaphore, #tpu.memory_space<semaphore_mem>>
      %dma_start3A_141 = arith.constant 0 : i32
      %dma_start3A_142 = tpu.memref_slice %arg14[%mul3A_15, %dma_start3A_141] : memref<10240x128xf32, #tpu.memory_space<vmem_shared>> -> memref<640x128xf32, #tpu.memory_space<vmem_shared>>
      %dma_start3A_143 = arith.constant 0 : i32
      %dma_start3A_144 = tpu.memref_slice %arg5[%mul3A_13, %dma_start3A_143] : memref<10240x128xf32, #tpu.memory_space<hbm>> -> memref<640x128xf32, #tpu.memory_space<hbm>>
      tpu.enqueue_dma source(%dma_start3A_144 : memref<640x128xf32, #tpu.memory_space<hbm>>) target(%dma_start3A_142 : memref<640x128xf32, #tpu.memory_space<vmem_shared>>) target_semaphore(%run_scoped3A : memref<!tpu.dma_semaphore, #tpu.memory_space<semaphore_mem>>)
      %dma_wait3A_145 = arith.constant 0 : i32
      %dma_wait3A_146 = tpu.memref_slice %arg14[%mul3A_15, %dma_wait3A_145] : memref<10240x128xf32, #tpu.memory_space<vmem_shared>> -> memref<640x128xf32, #tpu.memory_space<vmem_shared>>
      %dma_wait3A_147 = arith.constant 0 : i32
      %dma_wait3A_148 = tpu.memref_slice %arg5[%mul3A_13, %dma_wait3A_147] : memref<10240x128xf32, #tpu.memory_space<hbm>> -> memref<640x128xf32, #tpu.memory_space<hbm>>
      tpu.wait_dma2 semaphore(%run_scoped3A : memref<!tpu.dma_semaphore, #tpu.memory_space<semaphore_mem>>) src(%dma_wait3A_148 : memref<640x128xf32, #tpu.memory_space<hbm>>) dst(%dma_wait3A_146 : memref<640x128xf32, #tpu.memory_space<vmem_shared>>)
      tpu.yield
    }) : () -> ()
    %barrier3A = arith.constant 0 : index
    tpu.barrier barrier_id(%barrier3A)
    %mul3A_16 = arith.constant 10240 : i32
    %mul3A_17 = arith.muli %add3A, %mul3A_16 : i32
    %add3A_18 = arith.constant 0 : i32
    %add3A_19 = arith.addi %mul3A_17, %add3A_18 : i32
    %dma_wait3A = tpu.memref_slice %arg4[%add3A_19] : memref<327680xi32, #tpu.memory_space<hbm>> -> memref<128xi32, #tpu.memory_space<hbm>>
    %dma_wait3A_20 = tpu.memref_slice %arg4[%add3A_19] : memref<327680xi32, #tpu.memory_space<hbm>> -> memref<128xi32, #tpu.memory_space<hbm>>
    tpu.wait_dma2 semaphore(%arg15 : memref<!tpu.dma_semaphore, #tpu.memory_space<semaphore_mem>>) src(%dma_wait3A_20 : memref<128xi32, #tpu.memory_space<hbm>>) dst(%arg8 : memref<128xi32, #tpu.memory_space<vmem>>)
    %dma_start3A_21 = arith.constant 0 : i32
    %dma_start3A_22 = arith.constant 0 : i32
    %dma_start3A_23 = tpu.memref_slice %arg7[%dma_start3A_21, %dma_start3A_22] : memref<80x128xi32, #tpu.memory_space<vmem>> -> memref<1x128xi32, #tpu.memory_space<vmem>>
    %dma_start3A_24 = tpu.memref_squeeze %dma_start3A_23 : memref<1x128xi32, #tpu.memory_space<vmem>> -> memref<128xi32, #tpu.memory_space<vmem>>
    %dma_start3A_25 = arith.constant 0 : i32
    %dma_start3A_26 = arith.constant 0 : i32
    %dma_start3A_27 = tpu.memref_slice %arg2[%dma_start3A_25, %dma_start3A_26] : memref<10240x128xf32, #tpu.memory_space<hbm>> -> memref<10240x128xf32, #tpu.memory_space<hbm>>
    tpu.enqueue_indirect_dma source(%dma_start3A_27 : memref<10240x128xf32, #tpu.memory_space<hbm>>) target(%arg12 : memref<128x128xf32, #tpu.memory_space<vmem>>) offsets(%dma_start3A_24 : memref<128xi32, #tpu.memory_space<vmem>>) semaphore(%arg19 : memref<!tpu.dma_semaphore, #tpu.memory_space<semaphore_mem>>)
    %mul3A_28 = arith.constant 10240 : i32
    %mul3A_29 = arith.muli %add3A, %mul3A_28 : i32
    %add3A_30 = arith.constant 256 : i32
    %add3A_31 = arith.addi %mul3A_29, %add3A_30 : i32
    %dma_start3A_32 = tpu.memref_slice %arg4[%add3A_31] : memref<327680xi32, #tpu.memory_space<hbm>> -> memref<128xi32, #tpu.memory_space<hbm>>
    %dma_start3A_33 = tpu.memref_slice %arg4[%add3A_31] : memref<327680xi32, #tpu.memory_space<hbm>> -> memref<128xi32, #tpu.memory_space<hbm>>
    tpu.enqueue_dma source(%dma_start3A_33 : memref<128xi32, #tpu.memory_space<hbm>>) target(%arg10 : memref<128xi32, #tpu.memory_space<vmem>>) target_semaphore(%arg17 : memref<!tpu.dma_semaphore, #tpu.memory_space<semaphore_mem>>)
    %mul3A_34 = arith.constant 10240 : i32
    %mul3A_35 = arith.muli %add3A, %mul3A_34 : i32
    %add3A_36 = arith.constant 128 : i32
    %add3A_37 = arith.addi %mul3A_35, %add3A_36 : i32
    %dma_wait3A_38 = tpu.memref_slice %arg4[%add3A_37] : memref<327680xi32, #tpu.memory_space<hbm>> -> memref<128xi32, #tpu.memory_space<hbm>>
    %dma_wait3A_39 = tpu.memref_slice %arg4[%add3A_37] : memref<327680xi32, #tpu.memory_space<hbm>> -> memref<128xi32, #tpu.memory_space<hbm>>
    tpu.wait_dma2 semaphore(%arg16 : memref<!tpu.dma_semaphore, #tpu.memory_space<semaphore_mem>>) src(%dma_wait3A_39 : memref<128xi32, #tpu.memory_space<hbm>>) dst(%arg9 : memref<128xi32, #tpu.memory_space<vmem>>)
    %dma_start3A_40 = arith.constant 1 : i32
    %dma_start3A_41 = arith.constant 0 : i32
    %dma_start3A_42 = tpu.memref_slice %arg7[%dma_start3A_40, %dma_start3A_41] : memref<80x128xi32, #tpu.memory_space<vmem>> -> memref<1x128xi32, #tpu.memory_space<vmem>>
    %dma_start3A_43 = tpu.memref_squeeze %dma_start3A_42 : memref<1x128xi32, #tpu.memory_space<vmem>> -> memref<128xi32, #tpu.memory_space<vmem>>
    %dma_start3A_44 = arith.constant 0 : i32
    %dma_start3A_45 = arith.constant 0 : i32
    %dma_start3A_46 = tpu.memref_slice %arg2[%dma_start3A_44, %dma_start3A_45] : memref<10240x128xf32, #tpu.memory_space<hbm>> -> memref<10240x128xf32, #tpu.memory_space<hbm>>
    tpu.enqueue_indirect_dma source(%dma_start3A_46 : memref<10240x128xf32, #tpu.memory_space<hbm>>) target(%arg13 : memref<128x128xf32, #tpu.memory_space<vmem>>) offsets(%dma_start3A_43 : memref<128xi32, #tpu.memory_space<vmem>>) semaphore(%arg20 : memref<!tpu.dma_semaphore, #tpu.memory_space<semaphore_mem>>)
    %dma_wait3A_47 = arith.constant 0 : i32
    %dma_wait3A_48 = arith.constant 0 : i32
    %dma_wait3A_49 = tpu.memref_slice %arg7[%dma_wait3A_47, %dma_wait3A_48] : memref<80x128xi32, #tpu.memory_space<vmem>> -> memref<1x128xi32, #tpu.memory_space<vmem>>
    %dma_wait3A_50 = tpu.memref_squeeze %dma_wait3A_49 : memref<1x128xi32, #tpu.memory_space<vmem>> -> memref<128xi32, #tpu.memory_space<vmem>>
    %dma_wait3A_51 = arith.constant 0 : i32
    %dma_wait3A_52 = arith.constant 0 : i32
    %dma_wait3A_53 = tpu.memref_slice %arg2[%dma_wait3A_51, %dma_wait3A_52] : memref<10240x128xf32, #tpu.memory_space<hbm>> -> memref<10240x128xf32, #tpu.memory_space<hbm>>
    tpu.wait_indirect_dma semaphore(%arg19 : memref<!tpu.dma_semaphore, #tpu.memory_space<semaphore_mem>>) src(%dma_wait3A_53 : memref<10240x128xf32, #tpu.memory_space<hbm>>) dst(%arg12 : memref<128x128xf32, #tpu.memory_space<vmem>>)
    %dma_start3A_54 = arith.constant 0 : i32
    %dma_start3A_55 = arith.constant 0 : i32
    %dma_start3A_56 = tpu.memref_slice %arg14[%dma_start3A_54, %dma_start3A_55] : memref<10240x128xf32, #tpu.memory_space<vmem_shared>> -> memref<10240x128xf32, #tpu.memory_space<vmem_shared>>
    tpu.enqueue_indirect_dma source(%arg12 : memref<128x128xf32, #tpu.memory_space<vmem>>) target(%dma_start3A_56 : memref<10240x128xf32, #tpu.memory_space<vmem_shared>>) offsets(%arg8 : memref<128xi32, #tpu.memory_space<vmem>>) semaphore(%arg21 : memref<!tpu.dma_semaphore, #tpu.memory_space<semaphore_mem>>) {add = true}
    %mul3A_57 = arith.constant 10240 : i32
    %mul3A_58 = arith.muli %add3A, %mul3A_57 : i32
    %add3A_59 = arith.constant 384 : i32
    %add3A_60 = arith.addi %mul3A_58, %add3A_59 : i32
    %dma_start3A_61 = tpu.memref_slice %arg4[%add3A_60] : memref<327680xi32, #tpu.memory_space<hbm>> -> memref<128xi32, #tpu.memory_space<hbm>>
    %dma_start3A_62 = tpu.memref_slice %arg4[%add3A_60] : memref<327680xi32, #tpu.memory_space<hbm>> -> memref<128xi32, #tpu.memory_space<hbm>>
    tpu.enqueue_dma source(%dma_start3A_62 : memref<128xi32, #tpu.memory_space<hbm>>) target(%arg11 : memref<128xi32, #tpu.memory_space<vmem>>) target_semaphore(%arg18 : memref<!tpu.dma_semaphore, #tpu.memory_space<semaphore_mem>>)
    %scan3A = arith.constant 0 : i32
    %scan3A_63 = arith.constant 0 : i32
    %scan3A_64 = arith.constant 19 : i32
    %scan3A_65 = arith.addi %scan3A_63, %scan3A_64 : i32
    %scan3A_66 = arith.constant 1 : i32
    scf.for %scan3A_141 = %scan3A_63 to %scan3A_65 step %scan3A_66  : i32 {
      %mul3A_142 = arith.constant 4 : i32
      %mul3A_143 = arith.muli %mul3A_142, %scan3A_141 : i32
      %add3A_144 = arith.constant 2 : i32
      %add3A_145 = arith.addi %mul3A_143, %add3A_144 : i32
      %add3A_146 = arith.constant 0 : i32
      %add3A_147 = arith.addi %add3A_145, %add3A_146 : i32
      %mul3A_148 = arith.constant 10240 : i32
      %mul3A_149 = arith.muli %add3A, %mul3A_148 : i32
      %mul3A_150 = arith.constant 128 : i32
      %mul3A_151 = arith.muli %add3A_147, %mul3A_150 : i32
      %add3A_152 = arith.addi %mul3A_149, %mul3A_151 : i32
      %dma_wait3A_153 = tpu.memref_slice %arg4[%add3A_152] : memref<327680xi32, #tpu.memory_space<hbm>> -> memref<128xi32, #tpu.memory_space<hbm>>
      %dma_wait3A_154 = tpu.memref_slice %arg4[%add3A_152] : memref<327680xi32, #tpu.memory_space<hbm>> -> memref<128xi32, #tpu.memory_space<hbm>>
      tpu.wait_dma2 semaphore(%arg17 : memref<!tpu.dma_semaphore, #tpu.memory_space<semaphore_mem>>) src(%dma_wait3A_154 : memref<128xi32, #tpu.memory_space<hbm>>) dst(%arg10 : memref<128xi32, #tpu.memory_space<vmem>>)
      %dma_wait3A_155 = arith.constant 0 : i32
      %dma_wait3A_156 = arith.constant 0 : i32
      %dma_wait3A_157 = tpu.memref_slice %arg14[%dma_wait3A_155, %dma_wait3A_156] : memref<10240x128xf32, #tpu.memory_space<vmem_shared>> -> memref<10240x128xf32, #tpu.memory_space<vmem_shared>>
      tpu.wait_indirect_dma semaphore(%arg21 : memref<!tpu.dma_semaphore, #tpu.memory_space<semaphore_mem>>) src(%arg12 : memref<128x128xf32, #tpu.memory_space<vmem>>) dst(%dma_wait3A_157 : memref<10240x128xf32, #tpu.memory_space<vmem_shared>>)
      %dma_start3A_158 = arith.constant 0 : i32
      %dma_start3A_159 = tpu.memref_slice %arg7[%add3A_147, %dma_start3A_158] : memref<80x128xi32, #tpu.memory_space<vmem>> -> memref<1x128xi32, #tpu.memory_space<vmem>>
      %dma_start3A_160 = tpu.memref_squeeze %dma_start3A_159 : memref<1x128xi32, #tpu.memory_space<vmem>> -> memref<128xi32, #tpu.memory_space<vmem>>
      %dma_start3A_161 = arith.constant 0 : i32
      %dma_start3A_162 = arith.constant 0 : i32
      %dma_start3A_163 = tpu.memref_slice %arg2[%dma_start3A_161, %dma_start3A_162] : memref<10240x128xf32, #tpu.memory_space<hbm>> -> memref<10240x128xf32, #tpu.memory_space<hbm>>
      tpu.enqueue_indirect_dma source(%dma_start3A_163 : memref<10240x128xf32, #tpu.memory_space<hbm>>) target(%arg12 : memref<128x128xf32, #tpu.memory_space<vmem>>) offsets(%dma_start3A_160 : memref<128xi32, #tpu.memory_space<vmem>>) semaphore(%arg19 : memref<!tpu.dma_semaphore, #tpu.memory_space<semaphore_mem>>)
      %sub3A = arith.constant 1 : i32
      %sub3A_164 = arith.subi %add3A_147, %sub3A : i32
      %dma_wait3A_165 = arith.constant 0 : i32
      %dma_wait3A_166 = tpu.memref_slice %arg7[%sub3A_164, %dma_wait3A_165] : memref<80x128xi32, #tpu.memory_space<vmem>> -> memref<1x128xi32, #tpu.memory_space<vmem>>
      %dma_wait3A_167 = tpu.memref_squeeze %dma_wait3A_166 : memref<1x128xi32, #tpu.memory_space<vmem>> -> memref<128xi32, #tpu.memory_space<vmem>>
      %dma_wait3A_168 = arith.constant 0 : i32
      %dma_wait3A_169 = arith.constant 0 : i32
      %dma_wait3A_170 = tpu.memref_slice %arg2[%dma_wait3A_168, %dma_wait3A_169] : memref<10240x128xf32, #tpu.memory_space<hbm>> -> memref<10240x128xf32, #tpu.memory_space<hbm>>
      tpu.wait_indirect_dma semaphore(%arg20 : memref<!tpu.dma_semaphore, #tpu.memory_space<semaphore_mem>>) src(%dma_wait3A_170 : memref<10240x128xf32, #tpu.memory_space<hbm>>) dst(%arg13 : memref<128x128xf32, #tpu.memory_space<vmem>>)
      %dma_start3A_171 = arith.constant 0 : i32
      %dma_start3A_172 = arith.constant 0 : i32
      %dma_start3A_173 = tpu.memref_slice %arg14[%dma_start3A_171, %dma_start3A_172] : memref<10240x128xf32, #tpu.memory_space<vmem_shared>> -> memref<10240x128xf32, #tpu.memory_space<vmem_shared>>
      tpu.enqueue_indirect_dma source(%arg13 : memref<128x128xf32, #tpu.memory_space<vmem>>) target(%dma_start3A_173 : memref<10240x128xf32, #tpu.memory_space<vmem_shared>>) offsets(%arg9 : memref<128xi32, #tpu.memory_space<vmem>>) semaphore(%arg22 : memref<!tpu.dma_semaphore, #tpu.memory_space<semaphore_mem>>) {add = true}
      %add3A_174 = arith.constant 2 : i32
      %add3A_175 = arith.addi %add3A_147, %add3A_174 : i32
      %mul3A_176 = arith.constant 10240 : i32
      %mul3A_177 = arith.muli %add3A, %mul3A_176 : i32
      %mul3A_178 = arith.constant 128 : i32
      %mul3A_179 = arith.muli %add3A_175, %mul3A_178 : i32
      %add3A_180 = arith.addi %mul3A_177, %mul3A_179 : i32
      %dma_start3A_181 = tpu.memref_slice %arg4[%add3A_180] : memref<327680xi32, #tpu.memory_space<hbm>> -> memref<128xi32, #tpu.memory_space<hbm>>
      %dma_start3A_182 = tpu.memref_slice %arg4[%add3A_180] : memref<327680xi32, #tpu.memory_space<hbm>> -> memref<128xi32, #tpu.memory_space<hbm>>
      tpu.enqueue_dma source(%dma_start3A_182 : memref<128xi32, #tpu.memory_space<hbm>>) target(%arg8 : memref<128xi32, #tpu.memory_space<vmem>>) target_semaphore(%arg15 : memref<!tpu.dma_semaphore, #tpu.memory_space<semaphore_mem>>)
      %mul3A_183 = arith.constant 4 : i32
      %mul3A_184 = arith.muli %mul3A_183, %scan3A_141 : i32
      %add3A_185 = arith.constant 2 : i32
      %add3A_186 = arith.addi %mul3A_184, %add3A_185 : i32
      %add3A_187 = arith.constant 1 : i32
      %add3A_188 = arith.addi %add3A_186, %add3A_187 : i32
      %mul3A_189 = arith.constant 10240 : i32
      %mul3A_190 = arith.muli %add3A, %mul3A_189 : i32
      %mul3A_191 = arith.constant 128 : i32
      %mul3A_192 = arith.muli %add3A_188, %mul3A_191 : i32
      %add3A_193 = arith.addi %mul3A_190, %mul3A_192 : i32
      %dma_wait3A_194 = tpu.memref_slice %arg4[%add3A_193] : memref<327680xi32, #tpu.memory_space<hbm>> -> memref<128xi32, #tpu.memory_space<hbm>>
      %dma_wait3A_195 = tpu.memref_slice %arg4[%add3A_193] : memref<327680xi32, #tpu.memory_space<hbm>> -> memref<128xi32, #tpu.memory_space<hbm>>
      tpu.wait_dma2 semaphore(%arg18 : memref<!tpu.dma_semaphore, #tpu.memory_space<semaphore_mem>>) src(%dma_wait3A_195 : memref<128xi32, #tpu.memory_space<hbm>>) dst(%arg11 : memref<128xi32, #tpu.memory_space<vmem>>)
      %dma_wait3A_196 = arith.constant 0 : i32
      %dma_wait3A_197 = arith.constant 0 : i32
      %dma_wait3A_198 = tpu.memref_slice %arg14[%dma_wait3A_196, %dma_wait3A_197] : memref<10240x128xf32, #tpu.memory_space<vmem_shared>> -> memref<10240x128xf32, #tpu.memory_space<vmem_shared>>
      tpu.wait_indirect_dma semaphore(%arg22 : memref<!tpu.dma_semaphore, #tpu.memory_space<semaphore_mem>>) src(%arg13 : memref<128x128xf32, #tpu.memory_space<vmem>>) dst(%dma_wait3A_198 : memref<10240x128xf32, #tpu.memory_space<vmem_shared>>)
      %dma_start3A_199 = arith.constant 0 : i32
      %dma_start3A_200 = tpu.memref_slice %arg7[%add3A_188, %dma_start3A_199] : memref<80x128xi32, #tpu.memory_space<vmem>> -> memref<1x128xi32, #tpu.memory_space<vmem>>
      %dma_start3A_201 = tpu.memref_squeeze %dma_start3A_200 : memref<1x128xi32, #tpu.memory_space<vmem>> -> memref<128xi32, #tpu.memory_space<vmem>>
      %dma_start3A_202 = arith.constant 0 : i32
      %dma_start3A_203 = arith.constant 0 : i32
      %dma_start3A_204 = tpu.memref_slice %arg2[%dma_start3A_202, %dma_start3A_203] : memref<10240x128xf32, #tpu.memory_space<hbm>> -> memref<10240x128xf32, #tpu.memory_space<hbm>>
      tpu.enqueue_indirect_dma source(%dma_start3A_204 : memref<10240x128xf32, #tpu.memory_space<hbm>>) target(%arg13 : memref<128x128xf32, #tpu.memory_space<vmem>>) offsets(%dma_start3A_201 : memref<128xi32, #tpu.memory_space<vmem>>) semaphore(%arg20 : memref<!tpu.dma_semaphore, #tpu.memory_space<semaphore_mem>>)
      %sub3A_205 = arith.constant 1 : i32
      %sub3A_206 = arith.subi %add3A_188, %sub3A_205 : i32
      %dma_wait3A_207 = arith.constant 0 : i32
      %dma_wait3A_208 = tpu.memref_slice %arg7[%sub3A_206, %dma_wait3A_207] : memref<80x128xi32, #tpu.memory_space<vmem>> -> memref<1x128xi32, #tpu.memory_space<vmem>>
      %dma_wait3A_209 = tpu.memref_squeeze %dma_wait3A_208 : memref<1x128xi32, #tpu.memory_space<vmem>> -> memref<128xi32, #tpu.memory_space<vmem>>
      %dma_wait3A_210 = arith.constant 0 : i32
      %dma_wait3A_211 = arith.constant 0 : i32
      %dma_wait3A_212 = tpu.memref_slice %arg2[%dma_wait3A_210, %dma_wait3A_211] : memref<10240x128xf32, #tpu.memory_space<hbm>> -> memref<10240x128xf32, #tpu.memory_space<hbm>>
      tpu.wait_indirect_dma semaphore(%arg19 : memref<!tpu.dma_semaphore, #tpu.memory_space<semaphore_mem>>) src(%dma_wait3A_212 : memref<10240x128xf32, #tpu.memory_space<hbm>>) dst(%arg12 : memref<128x128xf32, #tpu.memory_space<vmem>>)
      %dma_start3A_213 = arith.constant 0 : i32
      %dma_start3A_214 = arith.constant 0 : i32
      %dma_start3A_215 = tpu.memref_slice %arg14[%dma_start3A_213, %dma_start3A_214] : memref<10240x128xf32, #tpu.memory_space<vmem_shared>> -> memref<10240x128xf32, #tpu.memory_space<vmem_shared>>
      tpu.enqueue_indirect_dma source(%arg12 : memref<128x128xf32, #tpu.memory_space<vmem>>) target(%dma_start3A_215 : memref<10240x128xf32, #tpu.memory_space<vmem_shared>>) offsets(%arg10 : memref<128xi32, #tpu.memory_space<vmem>>) semaphore(%arg21 : memref<!tpu.dma_semaphore, #tpu.memory_space<semaphore_mem>>) {add = true}
      %add3A_216 = arith.constant 2 : i32
      %add3A_217 = arith.addi %add3A_188, %add3A_216 : i32
      %mul3A_218 = arith.constant 10240 : i32
      %mul3A_219 = arith.muli %add3A, %mul3A_218 : i32
      %mul3A_220 = arith.constant 128 : i32
      %mul3A_221 = arith.muli %add3A_217, %mul3A_220 : i32
      %add3A_222 = arith.addi %mul3A_219, %mul3A_221 : i32
      %dma_start3A_223 = tpu.memref_slice %arg4[%add3A_222] : memref<327680xi32, #tpu.memory_space<hbm>> -> memref<128xi32, #tpu.memory_space<hbm>>
      %dma_start3A_224 = tpu.memref_slice %arg4[%add3A_222] : memref<327680xi32, #tpu.memory_space<hbm>> -> memref<128xi32, #tpu.memory_space<hbm>>
      tpu.enqueue_dma source(%dma_start3A_224 : memref<128xi32, #tpu.memory_space<hbm>>) target(%arg9 : memref<128xi32, #tpu.memory_space<vmem>>) target_semaphore(%arg16 : memref<!tpu.dma_semaphore, #tpu.memory_space<semaphore_mem>>)
      %mul3A_225 = arith.constant 4 : i32
      %mul3A_226 = arith.muli %mul3A_225, %scan3A_141 : i32
      %add3A_227 = arith.constant 2 : i32
      %add3A_228 = arith.addi %mul3A_226, %add3A_227 : i32
      %add3A_229 = arith.constant 2 : i32
      %add3A_230 = arith.addi %add3A_228, %add3A_229 : i32
      %mul3A_231 = arith.constant 10240 : i32
      %mul3A_232 = arith.muli %add3A, %mul3A_231 : i32
      %mul3A_233 = arith.constant 128 : i32
      %mul3A_234 = arith.muli %add3A_230, %mul3A_233 : i32
      %add3A_235 = arith.addi %mul3A_232, %mul3A_234 : i32
      %dma_wait3A_236 = tpu.memref_slice %arg4[%add3A_235] : memref<327680xi32, #tpu.memory_space<hbm>> -> memref<128xi32, #tpu.memory_space<hbm>>
      %dma_wait3A_237 = tpu.memref_slice %arg4[%add3A_235] : memref<327680xi32, #tpu.memory_space<hbm>> -> memref<128xi32, #tpu.memory_space<hbm>>
      tpu.wait_dma2 semaphore(%arg15 : memref<!tpu.dma_semaphore, #tpu.memory_space<semaphore_mem>>) src(%dma_wait3A_237 : memref<128xi32, #tpu.memory_space<hbm>>) dst(%arg8 : memref<128xi32, #tpu.memory_space<vmem>>)
      %dma_wait3A_238 = arith.constant 0 : i32
      %dma_wait3A_239 = arith.constant 0 : i32
      %dma_wait3A_240 = tpu.memref_slice %arg14[%dma_wait3A_238, %dma_wait3A_239] : memref<10240x128xf32, #tpu.memory_space<vmem_shared>> -> memref<10240x128xf32, #tpu.memory_space<vmem_shared>>
      tpu.wait_indirect_dma semaphore(%arg21 : memref<!tpu.dma_semaphore, #tpu.memory_space<semaphore_mem>>) src(%arg12 : memref<128x128xf32, #tpu.memory_space<vmem>>) dst(%dma_wait3A_240 : memref<10240x128xf32, #tpu.memory_space<vmem_shared>>)
      %dma_start3A_241 = arith.constant 0 : i32
      %dma_start3A_242 = tpu.memref_slice %arg7[%add3A_230, %dma_start3A_241] : memref<80x128xi32, #tpu.memory_space<vmem>> -> memref<1x128xi32, #tpu.memory_space<vmem>>
      %dma_start3A_243 = tpu.memref_squeeze %dma_start3A_242 : memref<1x128xi32, #tpu.memory_space<vmem>> -> memref<128xi32, #tpu.memory_space<vmem>>
      %dma_start3A_244 = arith.constant 0 : i32
      %dma_start3A_245 = arith.constant 0 : i32
      %dma_start3A_246 = tpu.memref_slice %arg2[%dma_start3A_244, %dma_start3A_245] : memref<10240x128xf32, #tpu.memory_space<hbm>> -> memref<10240x128xf32, #tpu.memory_space<hbm>>
      tpu.enqueue_indirect_dma source(%dma_start3A_246 : memref<10240x128xf32, #tpu.memory_space<hbm>>) target(%arg12 : memref<128x128xf32, #tpu.memory_space<vmem>>) offsets(%dma_start3A_243 : memref<128xi32, #tpu.memory_space<vmem>>) semaphore(%arg19 : memref<!tpu.dma_semaphore, #tpu.memory_space<semaphore_mem>>)
      %sub3A_247 = arith.constant 1 : i32
      %sub3A_248 = arith.subi %add3A_230, %sub3A_247 : i32
      %dma_wait3A_249 = arith.constant 0 : i32
      %dma_wait3A_250 = tpu.memref_slice %arg7[%sub3A_248, %dma_wait3A_249] : memref<80x128xi32, #tpu.memory_space<vmem>> -> memref<1x128xi32, #tpu.memory_space<vmem>>
      %dma_wait3A_251 = tpu.memref_squeeze %dma_wait3A_250 : memref<1x128xi32, #tpu.memory_space<vmem>> -> memref<128xi32, #tpu.memory_space<vmem>>
      %dma_wait3A_252 = arith.constant 0 : i32
      %dma_wait3A_253 = arith.constant 0 : i32
      %dma_wait3A_254 = tpu.memref_slice %arg2[%dma_wait3A_252, %dma_wait3A_253] : memref<10240x128xf32, #tpu.memory_space<hbm>> -> memref<10240x128xf32, #tpu.memory_space<hbm>>
      tpu.wait_indirect_dma semaphore(%arg20 : memref<!tpu.dma_semaphore, #tpu.memory_space<semaphore_mem>>) src(%dma_wait3A_254 : memref<10240x128xf32, #tpu.memory_space<hbm>>) dst(%arg13 : memref<128x128xf32, #tpu.memory_space<vmem>>)
      %dma_start3A_255 = arith.constant 0 : i32
      %dma_start3A_256 = arith.constant 0 : i32
      %dma_start3A_257 = tpu.memref_slice %arg14[%dma_start3A_255, %dma_start3A_256] : memref<10240x128xf32, #tpu.memory_space<vmem_shared>> -> memref<10240x128xf32, #tpu.memory_space<vmem_shared>>
      tpu.enqueue_indirect_dma source(%arg13 : memref<128x128xf32, #tpu.memory_space<vmem>>) target(%dma_start3A_257 : memref<10240x128xf32, #tpu.memory_space<vmem_shared>>) offsets(%arg11 : memref<128xi32, #tpu.memory_space<vmem>>) semaphore(%arg22 : memref<!tpu.dma_semaphore, #tpu.memory_space<semaphore_mem>>) {add = true}
      %add3A_258 = arith.constant 2 : i32
      %add3A_259 = arith.addi %add3A_230, %add3A_258 : i32
      %mul3A_260 = arith.constant 10240 : i32
      %mul3A_261 = arith.muli %add3A, %mul3A_260 : i32
      %mul3A_262 = arith.constant 128 : i32
      %mul3A_263 = arith.muli %add3A_259, %mul3A_262 : i32
      %add3A_264 = arith.addi %mul3A_261, %mul3A_263 : i32
      %dma_start3A_265 = tpu.memref_slice %arg4[%add3A_264] : memref<327680xi32, #tpu.memory_space<hbm>> -> memref<128xi32, #tpu.memory_space<hbm>>
      %dma_start3A_266 = tpu.memref_slice %arg4[%add3A_264] : memref<327680xi32, #tpu.memory_space<hbm>> -> memref<128xi32, #tpu.memory_space<hbm>>
      tpu.enqueue_dma source(%dma_start3A_266 : memref<128xi32, #tpu.memory_space<hbm>>) target(%arg10 : memref<128xi32, #tpu.memory_space<vmem>>) target_semaphore(%arg17 : memref<!tpu.dma_semaphore, #tpu.memory_space<semaphore_mem>>)
      %mul3A_267 = arith.constant 4 : i32
      %mul3A_268 = arith.muli %mul3A_267, %scan3A_141 : i32
      %add3A_269 = arith.constant 2 : i32
      %add3A_270 = arith.addi %mul3A_268, %add3A_269 : i32
      %add3A_271 = arith.constant 3 : i32
      %add3A_272 = arith.addi %add3A_270, %add3A_271 : i32
      %mul3A_273 = arith.constant 10240 : i32
      %mul3A_274 = arith.muli %add3A, %mul3A_273 : i32
      %mul3A_275 = arith.constant 128 : i32
      %mul3A_276 = arith.muli %add3A_272, %mul3A_275 : i32
      %add3A_277 = arith.addi %mul3A_274, %mul3A_276 : i32
      %dma_wait3A_278 = tpu.memref_slice %arg4[%add3A_277] : memref<327680xi32, #tpu.memory_space<hbm>> -> memref<128xi32, #tpu.memory_space<hbm>>
      %dma_wait3A_279 = tpu.memref_slice %arg4[%add3A_277] : memref<327680xi32, #tpu.memory_space<hbm>> -> memref<128xi32, #tpu.memory_space<hbm>>
      tpu.wait_dma2 semaphore(%arg16 : memref<!tpu.dma_semaphore, #tpu.memory_space<semaphore_mem>>) src(%dma_wait3A_279 : memref<128xi32, #tpu.memory_space<hbm>>) dst(%arg9 : memref<128xi32, #tpu.memory_space<vmem>>)
      %dma_wait3A_280 = arith.constant 0 : i32
      %dma_wait3A_281 = arith.constant 0 : i32
      %dma_wait3A_282 = tpu.memref_slice %arg14[%dma_wait3A_280, %dma_wait3A_281] : memref<10240x128xf32, #tpu.memory_space<vmem_shared>> -> memref<10240x128xf32, #tpu.memory_space<vmem_shared>>
      tpu.wait_indirect_dma semaphore(%arg22 : memref<!tpu.dma_semaphore, #tpu.memory_space<semaphore_mem>>) src(%arg13 : memref<128x128xf32, #tpu.memory_space<vmem>>) dst(%dma_wait3A_282 : memref<10240x128xf32, #tpu.memory_space<vmem_shared>>)
      %dma_start3A_283 = arith.constant 0 : i32
      %dma_start3A_284 = tpu.memref_slice %arg7[%add3A_272, %dma_start3A_283] : memref<80x128xi32, #tpu.memory_space<vmem>> -> memref<1x128xi32, #tpu.memory_space<vmem>>
      %dma_start3A_285 = tpu.memref_squeeze %dma_start3A_284 : memref<1x128xi32, #tpu.memory_space<vmem>> -> memref<128xi32, #tpu.memory_space<vmem>>
      %dma_start3A_286 = arith.constant 0 : i32
      %dma_start3A_287 = arith.constant 0 : i32
      %dma_start3A_288 = tpu.memref_slice %arg2[%dma_start3A_286, %dma_start3A_287] : memref<10240x128xf32, #tpu.memory_space<hbm>> -> memref<10240x128xf32, #tpu.memory_space<hbm>>
      tpu.enqueue_indirect_dma source(%dma_start3A_288 : memref<10240x128xf32, #tpu.memory_space<hbm>>) target(%arg13 : memref<128x128xf32, #tpu.memory_space<vmem>>) offsets(%dma_start3A_285 : memref<128xi32, #tpu.memory_space<vmem>>) semaphore(%arg20 : memref<!tpu.dma_semaphore, #tpu.memory_space<semaphore_mem>>)
      %sub3A_289 = arith.constant 1 : i32
      %sub3A_290 = arith.subi %add3A_272, %sub3A_289 : i32
      %dma_wait3A_291 = arith.constant 0 : i32
      %dma_wait3A_292 = tpu.memref_slice %arg7[%sub3A_290, %dma_wait3A_291] : memref<80x128xi32, #tpu.memory_space<vmem>> -> memref<1x128xi32, #tpu.memory_space<vmem>>
      %dma_wait3A_293 = tpu.memref_squeeze %dma_wait3A_292 : memref<1x128xi32, #tpu.memory_space<vmem>> -> memref<128xi32, #tpu.memory_space<vmem>>
      %dma_wait3A_294 = arith.constant 0 : i32
      %dma_wait3A_295 = arith.constant 0 : i32
      %dma_wait3A_296 = tpu.memref_slice %arg2[%dma_wait3A_294, %dma_wait3A_295] : memref<10240x128xf32, #tpu.memory_space<hbm>> -> memref<10240x128xf32, #tpu.memory_space<hbm>>
      tpu.wait_indirect_dma semaphore(%arg19 : memref<!tpu.dma_semaphore, #tpu.memory_space<semaphore_mem>>) src(%dma_wait3A_296 : memref<10240x128xf32, #tpu.memory_space<hbm>>) dst(%arg12 : memref<128x128xf32, #tpu.memory_space<vmem>>)
      %dma_start3A_297 = arith.constant 0 : i32
      %dma_start3A_298 = arith.constant 0 : i32
      %dma_start3A_299 = tpu.memref_slice %arg14[%dma_start3A_297, %dma_start3A_298] : memref<10240x128xf32, #tpu.memory_space<vmem_shared>> -> memref<10240x128xf32, #tpu.memory_space<vmem_shared>>
      tpu.enqueue_indirect_dma source(%arg12 : memref<128x128xf32, #tpu.memory_space<vmem>>) target(%dma_start3A_299 : memref<10240x128xf32, #tpu.memory_space<vmem_shared>>) offsets(%arg8 : memref<128xi32, #tpu.memory_space<vmem>>) semaphore(%arg21 : memref<!tpu.dma_semaphore, #tpu.memory_space<semaphore_mem>>) {add = true}
      %add3A_300 = arith.constant 2 : i32
      %add3A_301 = arith.addi %add3A_272, %add3A_300 : i32
      %mul3A_302 = arith.constant 10240 : i32
      %mul3A_303 = arith.muli %add3A, %mul3A_302 : i32
      %mul3A_304 = arith.constant 128 : i32
      %mul3A_305 = arith.muli %add3A_301, %mul3A_304 : i32
      %add3A_306 = arith.addi %mul3A_303, %mul3A_305 : i32
      %dma_start3A_307 = tpu.memref_slice %arg4[%add3A_306] : memref<327680xi32, #tpu.memory_space<hbm>> -> memref<128xi32, #tpu.memory_space<hbm>>
      %dma_start3A_308 = tpu.memref_slice %arg4[%add3A_306] : memref<327680xi32, #tpu.memory_space<hbm>> -> memref<128xi32, #tpu.memory_space<hbm>>
      tpu.enqueue_dma source(%dma_start3A_308 : memref<128xi32, #tpu.memory_space<hbm>>) target(%arg11 : memref<128xi32, #tpu.memory_space<vmem>>) target_semaphore(%arg18 : memref<!tpu.dma_semaphore, #tpu.memory_space<semaphore_mem>>)
    }
    %scan3A_67 = arith.constant 19 : i32
    %mul3A_68 = arith.constant 10240 : i32
    %mul3A_69 = arith.muli %add3A, %mul3A_68 : i32
    %add3A_70 = arith.constant 9984 : i32
    %add3A_71 = arith.addi %mul3A_69, %add3A_70 : i32
    %dma_wait3A_72 = tpu.memref_slice %arg4[%add3A_71] : memref<327680xi32, #tpu.memory_space<hbm>> -> memref<128xi32, #tpu.memory_space<hbm>>
    %dma_wait3A_73 = tpu.memref_slice %arg4[%add3A_71] : memref<327680xi32, #tpu.memory_space<hbm>> -> memref<128xi32, #tpu.memory_space<hbm>>
    tpu.wait_dma2 semaphore(%arg17 : memref<!tpu.dma_semaphore, #tpu.memory_space<semaphore_mem>>) src(%dma_wait3A_73 : memref<128xi32, #tpu.memory_space<hbm>>) dst(%arg10 : memref<128xi32, #tpu.memory_space<vmem>>)
    %dma_wait3A_74 = arith.constant 0 : i32
    %dma_wait3A_75 = arith.constant 0 : i32
    %dma_wait3A_76 = tpu.memref_slice %arg14[%dma_wait3A_74, %dma_wait3A_75] : memref<10240x128xf32, #tpu.memory_space<vmem_shared>> -> memref<10240x128xf32, #tpu.memory_space<vmem_shared>>
    tpu.wait_indirect_dma semaphore(%arg21 : memref<!tpu.dma_semaphore, #tpu.memory_space<semaphore_mem>>) src(%arg12 : memref<128x128xf32, #tpu.memory_space<vmem>>) dst(%dma_wait3A_76 : memref<10240x128xf32, #tpu.memory_space<vmem_shared>>)
    %dma_start3A_77 = arith.constant 78 : i32
    %dma_start3A_78 = arith.constant 0 : i32
    %dma_start3A_79 = tpu.memref_slice %arg7[%dma_start3A_77, %dma_start3A_78] : memref<80x128xi32, #tpu.memory_space<vmem>> -> memref<1x128xi32, #tpu.memory_space<vmem>>
    %dma_start3A_80 = tpu.memref_squeeze %dma_start3A_79 : memref<1x128xi32, #tpu.memory_space<vmem>> -> memref<128xi32, #tpu.memory_space<vmem>>
    %dma_start3A_81 = arith.constant 0 : i32
    %dma_start3A_82 = arith.constant 0 : i32
    %dma_start3A_83 = tpu.memref_slice %arg2[%dma_start3A_81, %dma_start3A_82] : memref<10240x128xf32, #tpu.memory_space<hbm>> -> memref<10240x128xf32, #tpu.memory_space<hbm>>
    tpu.enqueue_indirect_dma source(%dma_start3A_83 : memref<10240x128xf32, #tpu.memory_space<hbm>>) target(%arg12 : memref<128x128xf32, #tpu.memory_space<vmem>>) offsets(%dma_start3A_80 : memref<128xi32, #tpu.memory_space<vmem>>) semaphore(%arg19 : memref<!tpu.dma_semaphore, #tpu.memory_space<semaphore_mem>>)
    %dma_wait3A_84 = arith.constant 77 : i32
    %dma_wait3A_85 = arith.constant 0 : i32
    %dma_wait3A_86 = tpu.memref_slice %arg7[%dma_wait3A_84, %dma_wait3A_85] : memref<80x128xi32, #tpu.memory_space<vmem>> -> memref<1x128xi32, #tpu.memory_space<vmem>>
    %dma_wait3A_87 = tpu.memref_squeeze %dma_wait3A_86 : memref<1x128xi32, #tpu.memory_space<vmem>> -> memref<128xi32, #tpu.memory_space<vmem>>
    %dma_wait3A_88 = arith.constant 0 : i32
    %dma_wait3A_89 = arith.constant 0 : i32
    %dma_wait3A_90 = tpu.memref_slice %arg2[%dma_wait3A_88, %dma_wait3A_89] : memref<10240x128xf32, #tpu.memory_space<hbm>> -> memref<10240x128xf32, #tpu.memory_space<hbm>>
    tpu.wait_indirect_dma semaphore(%arg20 : memref<!tpu.dma_semaphore, #tpu.memory_space<semaphore_mem>>) src(%dma_wait3A_90 : memref<10240x128xf32, #tpu.memory_space<hbm>>) dst(%arg13 : memref<128x128xf32, #tpu.memory_space<vmem>>)
    %dma_start3A_91 = arith.constant 0 : i32
    %dma_start3A_92 = arith.constant 0 : i32
    %dma_start3A_93 = tpu.memref_slice %arg14[%dma_start3A_91, %dma_start3A_92] : memref<10240x128xf32, #tpu.memory_space<vmem_shared>> -> memref<10240x128xf32, #tpu.memory_space<vmem_shared>>
    tpu.enqueue_indirect_dma source(%arg13 : memref<128x128xf32, #tpu.memory_space<vmem>>) target(%dma_start3A_93 : memref<10240x128xf32, #tpu.memory_space<vmem_shared>>) offsets(%arg9 : memref<128xi32, #tpu.memory_space<vmem>>) semaphore(%arg22 : memref<!tpu.dma_semaphore, #tpu.memory_space<semaphore_mem>>) {add = true}
    %mul3A_94 = arith.constant 10240 : i32
    %mul3A_95 = arith.muli %add3A, %mul3A_94 : i32
    %add3A_96 = arith.constant 10112 : i32
    %add3A_97 = arith.addi %mul3A_95, %add3A_96 : i32
    %dma_wait3A_98 = tpu.memref_slice %arg4[%add3A_97] : memref<327680xi32, #tpu.memory_space<hbm>> -> memref<128xi32, #tpu.memory_space<hbm>>
    %dma_wait3A_99 = tpu.memref_slice %arg4[%add3A_97] : memref<327680xi32, #tpu.memory_space<hbm>> -> memref<128xi32, #tpu.memory_space<hbm>>
    tpu.wait_dma2 semaphore(%arg18 : memref<!tpu.dma_semaphore, #tpu.memory_space<semaphore_mem>>) src(%dma_wait3A_99 : memref<128xi32, #tpu.memory_space<hbm>>) dst(%arg11 : memref<128xi32, #tpu.memory_space<vmem>>)
    %dma_wait3A_100 = arith.constant 0 : i32
    %dma_wait3A_101 = arith.constant 0 : i32
    %dma_wait3A_102 = tpu.memref_slice %arg14[%dma_wait3A_100, %dma_wait3A_101] : memref<10240x128xf32, #tpu.memory_space<vmem_shared>> -> memref<10240x128xf32, #tpu.memory_space<vmem_shared>>
    tpu.wait_indirect_dma semaphore(%arg22 : memref<!tpu.dma_semaphore, #tpu.memory_space<semaphore_mem>>) src(%arg13 : memref<128x128xf32, #tpu.memory_space<vmem>>) dst(%dma_wait3A_102 : memref<10240x128xf32, #tpu.memory_space<vmem_shared>>)
    %dma_start3A_103 = arith.constant 79 : i32
    %dma_start3A_104 = arith.constant 0 : i32
    %dma_start3A_105 = tpu.memref_slice %arg7[%dma_start3A_103, %dma_start3A_104] : memref<80x128xi32, #tpu.memory_space<vmem>> -> memref<1x128xi32, #tpu.memory_space<vmem>>
    %dma_start3A_106 = tpu.memref_squeeze %dma_start3A_105 : memref<1x128xi32, #tpu.memory_space<vmem>> -> memref<128xi32, #tpu.memory_space<vmem>>
    %dma_start3A_107 = arith.constant 0 : i32
    %dma_start3A_108 = arith.constant 0 : i32
    %dma_start3A_109 = tpu.memref_slice %arg2[%dma_start3A_107, %dma_start3A_108] : memref<10240x128xf32, #tpu.memory_space<hbm>> -> memref<10240x128xf32, #tpu.memory_space<hbm>>
    tpu.enqueue_indirect_dma source(%dma_start3A_109 : memref<10240x128xf32, #tpu.memory_space<hbm>>) target(%arg13 : memref<128x128xf32, #tpu.memory_space<vmem>>) offsets(%dma_start3A_106 : memref<128xi32, #tpu.memory_space<vmem>>) semaphore(%arg20 : memref<!tpu.dma_semaphore, #tpu.memory_space<semaphore_mem>>)
    %dma_wait3A_110 = arith.constant 78 : i32
    %dma_wait3A_111 = arith.constant 0 : i32
    %dma_wait3A_112 = tpu.memref_slice %arg7[%dma_wait3A_110, %dma_wait3A_111] : memref<80x128xi32, #tpu.memory_space<vmem>> -> memref<1x128xi32, #tpu.memory_space<vmem>>
    %dma_wait3A_113 = tpu.memref_squeeze %dma_wait3A_112 : memref<1x128xi32, #tpu.memory_space<vmem>> -> memref<128xi32, #tpu.memory_space<vmem>>
    %dma_wait3A_114 = arith.constant 0 : i32
    %dma_wait3A_115 = arith.constant 0 : i32
    %dma_wait3A_116 = tpu.memref_slice %arg2[%dma_wait3A_114, %dma_wait3A_115] : memref<10240x128xf32, #tpu.memory_space<hbm>> -> memref<10240x128xf32, #tpu.memory_space<hbm>>
    tpu.wait_indirect_dma semaphore(%arg19 : memref<!tpu.dma_semaphore, #tpu.memory_space<semaphore_mem>>) src(%dma_wait3A_116 : memref<10240x128xf32, #tpu.memory_space<hbm>>) dst(%arg12 : memref<128x128xf32, #tpu.memory_space<vmem>>)
    %dma_start3A_117 = arith.constant 0 : i32
    %dma_start3A_118 = arith.constant 0 : i32
    %dma_start3A_119 = tpu.memref_slice %arg14[%dma_start3A_117, %dma_start3A_118] : memref<10240x128xf32, #tpu.memory_space<vmem_shared>> -> memref<10240x128xf32, #tpu.memory_space<vmem_shared>>
    tpu.enqueue_indirect_dma source(%arg12 : memref<128x128xf32, #tpu.memory_space<vmem>>) target(%dma_start3A_119 : memref<10240x128xf32, #tpu.memory_space<vmem_shared>>) offsets(%arg10 : memref<128xi32, #tpu.memory_space<vmem>>) semaphore(%arg21 : memref<!tpu.dma_semaphore, #tpu.memory_space<semaphore_mem>>) {add = true}
    %dma_wait3A_120 = arith.constant 79 : i32
    %dma_wait3A_121 = arith.constant 0 : i32
    %dma_wait3A_122 = tpu.memref_slice %arg7[%dma_wait3A_120, %dma_wait3A_121] : memref<80x128xi32, #tpu.memory_space<vmem>> -> memref<1x128xi32, #tpu.memory_space<vmem>>
    %dma_wait3A_123 = tpu.memref_squeeze %dma_wait3A_122 : memref<1x128xi32, #tpu.memory_space<vmem>> -> memref<128xi32, #tpu.memory_space<vmem>>
    %dma_wait3A_124 = arith.constant 0 : i32
    %dma_wait3A_125 = arith.constant 0 : i32
    %dma_wait3A_126 = tpu.memref_slice %arg2[%dma_wait3A_124, %dma_wait3A_125] : memref<10240x128xf32, #tpu.memory_space<hbm>> -> memref<10240x128xf32, #tpu.memory_space<hbm>>
    tpu.wait_indirect_dma semaphore(%arg20 : memref<!tpu.dma_semaphore, #tpu.memory_space<semaphore_mem>>) src(%dma_wait3A_126 : memref<10240x128xf32, #tpu.memory_space<hbm>>) dst(%arg13 : memref<128x128xf32, #tpu.memory_space<vmem>>)
    %dma_start3A_127 = arith.constant 0 : i32
    %dma_start3A_128 = arith.constant 0 : i32
    %dma_start3A_129 = tpu.memref_slice %arg14[%dma_start3A_127, %dma_start3A_128] : memref<10240x128xf32, #tpu.memory_space<vmem_shared>> -> memref<10240x128xf32, #tpu.memory_space<vmem_shared>>
    tpu.enqueue_indirect_dma source(%arg13 : memref<128x128xf32, #tpu.memory_space<vmem>>) target(%dma_start3A_129 : memref<10240x128xf32, #tpu.memory_space<vmem_shared>>) offsets(%arg11 : memref<128xi32, #tpu.memory_space<vmem>>) semaphore(%arg22 : memref<!tpu.dma_semaphore, #tpu.memory_space<semaphore_mem>>) {add = true}
    %dma_wait3A_130 = arith.constant 0 : i32
    %dma_wait3A_131 = arith.constant 0 : i32
    %dma_wait3A_132 = tpu.memref_slice %arg14[%dma_wait3A_130, %dma_wait3A_131] : memref<10240x128xf32, #tpu.memory_space<vmem_shared>> -> memref<10240x128xf32, #tpu.memory_space<vmem_shared>>
    tpu.wait_indirect_dma semaphore(%arg21 : memref<!tpu.dma_semaphore, #tpu.memory_space<semaphore_mem>>) src(%arg12 : memref<128x128xf32, #tpu.memory_space<vmem>>) dst(%dma_wait3A_132 : memref<10240x128xf32, #tpu.memory_space<vmem_shared>>)
    %dma_wait3A_133 = arith.constant 0 : i32
    %dma_wait3A_134 = arith.constant 0 : i32
    %dma_wait3A_135 = tpu.memref_slice %arg14[%dma_wait3A_133, %dma_wait3A_134] : memref<10240x128xf32, #tpu.memory_space<vmem_shared>> -> memref<10240x128xf32, #tpu.memory_space<vmem_shared>>
    tpu.wait_indirect_dma semaphore(%arg22 : memref<!tpu.dma_semaphore, #tpu.memory_space<semaphore_mem>>) src(%arg13 : memref<128x128xf32, #tpu.memory_space<vmem>>) dst(%dma_wait3A_135 : memref<10240x128xf32, #tpu.memory_space<vmem_shared>>)
    %barrier3A_136 = arith.constant 0 : index
    tpu.barrier barrier_id(%barrier3A_136)
    %mul3A_137 = arith.constant 640 : i32
    %mul3A_138 = arith.muli %arg1, %mul3A_137 : i32
    %mul3A_139 = arith.constant 640 : i32
    %mul3A_140 = arith.muli %arg1, %mul3A_139 : i32
    "tpu.region"() ({
      %run_scoped3A = tpu.sem_alloc : memref<!tpu.dma_semaphore, #tpu.memory_space<semaphore_mem>>
      %dma_start3A_141 = arith.constant 0 : i32
      %dma_start3A_142 = tpu.memref_slice %arg6[%arg0, %mul3A_140, %dma_start3A_141] : memref<2x10240x128xf32, #tpu.memory_space<hbm>> -> memref<1x640x128xf32, #tpu.memory_space<hbm>>
      %dma_start3A_143 = tpu.memref_squeeze %dma_start3A_142 : memref<1x640x128xf32, #tpu.memory_space<hbm>> -> memref<640x128xf32, #tpu.memory_space<hbm>>
      %dma_start3A_144 = arith.constant 0 : i32
      %dma_start3A_145 = tpu.memref_slice %arg14[%mul3A_138, %dma_start3A_144] : memref<10240x128xf32, #tpu.memory_space<vmem_shared>> -> memref<640x128xf32, #tpu.memory_space<vmem_shared>>
      tpu.enqueue_dma source(%dma_start3A_145 : memref<640x128xf32, #tpu.memory_space<vmem_shared>>) target(%dma_start3A_143 : memref<640x128xf32, #tpu.memory_space<hbm>>) target_semaphore(%run_scoped3A : memref<!tpu.dma_semaphore, #tpu.memory_space<semaphore_mem>>)
      %dma_wait3A_146 = arith.constant 0 : i32
      %dma_wait3A_147 = tpu.memref_slice %arg6[%arg0, %mul3A_140, %dma_wait3A_146] : memref<2x10240x128xf32, #tpu.memory_space<hbm>> -> memref<1x640x128xf32, #tpu.memory_space<hbm>>
      %dma_wait3A_148 = tpu.memref_squeeze %dma_wait3A_147 : memref<1x640x128xf32, #tpu.memory_space<hbm>> -> memref<640x128xf32, #tpu.memory_space<hbm>>
      %dma_wait3A_149 = arith.constant 0 : i32
      %dma_wait3A_150 = tpu.memref_slice %arg14[%mul3A_138, %dma_wait3A_149] : memref<10240x128xf32, #tpu.memory_space<vmem_shared>> -> memref<640x128xf32, #tpu.memory_space<vmem_shared>>
      tpu.wait_dma2 semaphore(%run_scoped3A : memref<!tpu.dma_semaphore, #tpu.memory_space<semaphore_mem>>) src(%dma_wait3A_150 : memref<640x128xf32, #tpu.memory_space<vmem_shared>>) dst(%dma_wait3A_148 : memref<640x128xf32, #tpu.memory_space<hbm>>)
      tpu.yield
    }) : () -> ()
    return
  }
}

#map = affine_map<(d0, d1) -> (0, 0)>
#map1 = affine_map<(d0, d1) -> (0, 0, 0)>
#map2 = affine_map<(d0, d1) -> (0)>
module attributes {stable_mosaic.version = 14 : i64} {
  func.func @scatter_kernel(%arg0: i32, %arg1: i32, %arg2: memref<10240x128xf32, #tpu.memory_space<hbm>>, %arg3: memref<32x80x128xi32, #tpu.memory_space<hbm>>, %arg4: memref<327680xi32, #tpu.memory_space<hbm>>, %arg5: memref<10240x128xf32, #tpu.memory_space<hbm>>, %arg6: memref<2x10240x128xf32, #tpu.memory_space<hbm>>, %arg7: memref<80x128xi32, #tpu.memory_space<vmem>>, %arg8: memref<128xi32, #tpu.memory_space<vmem>>, %arg9: memref<128xi32, #tpu.memory_space<vmem>>, %arg10: memref<128xi32, #tpu.memory_space<vmem>>, %arg11: memref<128xi32, #tpu.memory_space<vmem>>, %arg12: memref<128x128xf32, #tpu.memory_space<vmem>>, %arg13: memref<128x128xf32, #tpu.memory_space<vmem>>, %arg14: memref<10240x128xf32, #tpu.memory_space<vmem_shared>>, %arg15: memref<!tpu.dma_semaphore, #tpu.memory_space<semaphore_mem>>, %arg16: memref<!tpu.dma_semaphore, #tpu.memory_space<semaphore_mem>>, %arg17: memref<!tpu.dma_semaphore, #tpu.memory_space<semaphore_mem>>, %arg18: memref<!tpu.dma_semaphore, #tpu.memory_space<semaphore_mem>>, %arg19: memref<!tpu.dma_semaphore, #tpu.memory_space<semaphore_mem>>, %arg20: memref<!tpu.dma_semaphore, #tpu.memory_space<semaphore_mem>>, %arg21: memref<!tpu.dma_semaphore, #tpu.memory_space<semaphore_mem>>, %arg22: memref<!tpu.dma_semaphore, #tpu.memory_space<semaphore_mem>>) attributes {dimension_semantics = [#tpu.dimension_semantics<core_parallel>, #tpu.dimension_semantics<subcore_parallel>], iteration_bounds = array<i64: 2, 16>, scalar_prefetch = 0 : i64, scratch_operands = 16 : i64, tpu.core_type = #tpu.core_type<sc_vector_subcore>, window_params = [{transform_indices = #map}, {transform_indices = #map1}, {transform_indices = #map2}, {transform_indices = #map}, {transform_indices = #map1}]} {
    %mul3A = arith.constant 16 : i32
    %mul3A_0 = arith.muli %arg0, %mul3A : i32
    %add3A = arith.addi %mul3A_0, %arg1 : i32
    "tpu.region"() ({
      %run_scoped3A = tpu.sem_alloc : memref<!tpu.dma_semaphore, #tpu.memory_space<semaphore_mem>>
      %dma_start3A_141 = arith.constant 0 : i32
      %dma_start3A_142 = arith.constant 0 : i32
      %dma_start3A_143 = tpu.memref_slice %arg3[%add3A, %dma_start3A_141, %dma_start3A_142] : memref<32x80x128xi32, #tpu.memory_space<hbm>> -> memref<1x80x128xi32, #tpu.memory_space<hbm>>
      %dma_start3A_144 = tpu.memref_squeeze %dma_start3A_143 : memref<1x80x128xi32, #tpu.memory_space<hbm>> -> memref<80x128xi32, #tpu.memory_space<hbm>>
      %dma_start3A_145 = arith.constant 0 : i32
      %dma_start3A_146 = arith.constant 0 : i32
      %dma_start3A_147 = tpu.memref_slice %arg3[%add3A, %dma_start3A_145, %dma_start3A_146] : memref<32x80x128xi32, #tpu.memory_space<hbm>> -> memref<1x80x128xi32, #tpu.memory_space<hbm>>
      %dma_start3A_148 = tpu.memref_squeeze %dma_start3A_147 : memref<1x80x128xi32, #tpu.memory_space<hbm>> -> memref<80x128xi32, #tpu.memory_space<hbm>>
      tpu.enqueue_dma source(%dma_start3A_148 : memref<80x128xi32, #tpu.memory_space<hbm>>) target(%arg7 : memref<80x128xi32, #tpu.memory_space<vmem>>) target_semaphore(%run_scoped3A : memref<!tpu.dma_semaphore, #tpu.memory_space<semaphore_mem>>)
      %dma_wait3A_149 = arith.constant 0 : i32
      %dma_wait3A_150 = arith.constant 0 : i32
      %dma_wait3A_151 = tpu.memref_slice %arg3[%add3A, %dma_wait3A_149, %dma_wait3A_150] : memref<32x80x128xi32, #tpu.memory_space<hbm>> -> memref<1x80x128xi32, #tpu.memory_space<hbm>>
      %dma_wait3A_152 = tpu.memref_squeeze %dma_wait3A_151 : memref<1x80x128xi32, #tpu.memory_space<hbm>> -> memref<80x128xi32, #tpu.memory_space<hbm>>
      %dma_wait3A_153 = arith.constant 0 : i32
      %dma_wait3A_154 = arith.constant 0 : i32
      %dma_wait3A_155 = tpu.memref_slice %arg3[%add3A, %dma_wait3A_153, %dma_wait3A_154] : memref<32x80x128xi32, #tpu.memory_space<hbm>> -> memref<1x80x128xi32, #tpu.memory_space<hbm>>
      %dma_wait3A_156 = tpu.memref_squeeze %dma_wait3A_155 : memref<1x80x128xi32, #tpu.memory_space<hbm>> -> memref<80x128xi32, #tpu.memory_space<hbm>>
      tpu.wait_dma2 semaphore(%run_scoped3A : memref<!tpu.dma_semaphore, #tpu.memory_space<semaphore_mem>>) src(%dma_wait3A_156 : memref<80x128xi32, #tpu.memory_space<hbm>>) dst(%arg7 : memref<80x128xi32, #tpu.memory_space<vmem>>)
      tpu.yield
    }) : () -> ()
    %mul3A_1 = arith.constant 10240 : i32
    %mul3A_2 = arith.muli %add3A, %mul3A_1 : i32
    %add3A_3 = arith.constant 0 : i32
    %add3A_4 = arith.addi %mul3A_2, %add3A_3 : i32
    %dma_start3A = tpu.memref_slice %arg4[%add3A_4] : memref<327680xi32, #tpu.memory_space<hbm>> -> memref<128xi32, #tpu.memory_space<hbm>>
    %dma_start3A_5 = tpu.memref_slice %arg4[%add3A_4] : memref<327680xi32, #tpu.memory_space<hbm>> -> memref<128xi32, #tpu.memory_space<hbm>>
    tpu.enqueue_dma source(%dma_start3A_5 : memref<128xi32, #tpu.memory_space<hbm>>) target(%arg8 : memref<128xi32, #tpu.memory_space<vmem>>) target_semaphore(%arg15 : memref<!tpu.dma_semaphore, #tpu.memory_space<semaphore_mem>>)
    %mul3A_6 = arith.constant 10240 : i32
    %mul3A_7 = arith.muli %add3A, %mul3A_6 : i32
    %add3A_8 = arith.constant 128 : i32
    %add3A_9 = arith.addi %mul3A_7, %add3A_8 : i32
    %dma_start3A_10 = tpu.memref_slice %arg4[%add3A_9] : memref<327680xi32, #tpu.memory_space<hbm>> -> memref<128xi32, #tpu.memory_space<hbm>>
    %dma_start3A_11 = tpu.memref_slice %arg4[%add3A_9] : memref<327680xi32, #tpu.memory_space<hbm>> -> memref<128xi32, #tpu.memory_space<hbm>>
    tpu.enqueue_dma source(%dma_start3A_11 : memref<128xi32, #tpu.memory_space<hbm>>) target(%arg9 : memref<128xi32, #tpu.memory_space<vmem>>) target_semaphore(%arg16 : memref<!tpu.dma_semaphore, #tpu.memory_space<semaphore_mem>>)
    %mul3A_12 = arith.constant 640 : i32
    %mul3A_13 = arith.muli %arg1, %mul3A_12 : i32
    %mul3A_14 = arith.constant 640 : i32
    %mul3A_15 = arith.muli %arg1, %mul3A_14 : i32
    "tpu.region"() ({
      %run_scoped3A = tpu.sem_alloc : memref<!tpu.dma_semaphore, #tpu.memory_space<semaphore_mem>>
      %dma_start3A_141 = arith.constant 0 : i32
      %dma_start3A_142 = tpu.memref_slice %arg14[%mul3A_15, %dma_start3A_141] : memref<10240x128xf32, #tpu.memory_space<vmem_shared>> -> memref<640x128xf32, #tpu.memory_space<vmem_shared>>
      %dma_start3A_143 = arith.constant 0 : i32
      %dma_start3A_144 = tpu.memref_slice %arg5[%mul3A_13, %dma_start3A_143] : memref<10240x128xf32, #tpu.memory_space<hbm>> -> memref<640x128xf32, #tpu.memory_space<hbm>>
      tpu.enqueue_dma source(%dma_start3A_144 : memref<640x128xf32, #tpu.memory_space<hbm>>) target(%dma_start3A_142 : memref<640x128xf32, #tpu.memory_space<vmem_shared>>) target_semaphore(%run_scoped3A : memref<!tpu.dma_semaphore, #tpu.memory_space<semaphore_mem>>)
      %dma_wait3A_145 = arith.constant 0 : i32
      %dma_wait3A_146 = tpu.memref_slice %arg14[%mul3A_15, %dma_wait3A_145] : memref<10240x128xf32, #tpu.memory_space<vmem_shared>> -> memref<640x128xf32, #tpu.memory_space<vmem_shared>>
      %dma_wait3A_147 = arith.constant 0 : i32
      %dma_wait3A_148 = tpu.memref_slice %arg5[%mul3A_13, %dma_wait3A_147] : memref<10240x128xf32, #tpu.memory_space<hbm>> -> memref<640x128xf32, #tpu.memory_space<hbm>>
      tpu.wait_dma2 semaphore(%run_scoped3A : memref<!tpu.dma_semaphore, #tpu.memory_space<semaphore_mem>>) src(%dma_wait3A_148 : memref<640x128xf32, #tpu.memory_space<hbm>>) dst(%dma_wait3A_146 : memref<640x128xf32, #tpu.memory_space<vmem_shared>>)
      tpu.yield
    }) : () -> ()
    %barrier3A = arith.constant 0 : index
    tpu.barrier barrier_id(%barrier3A)
    %mul3A_16 = arith.constant 10240 : i32
    %mul3A_17 = arith.muli %add3A, %mul3A_16 : i32
    %add3A_18 = arith.constant 0 : i32
    %add3A_19 = arith.addi %mul3A_17, %add3A_18 : i32
    %dma_wait3A = tpu.memref_slice %arg4[%add3A_19] : memref<327680xi32, #tpu.memory_space<hbm>> -> memref<128xi32, #tpu.memory_space<hbm>>
    %dma_wait3A_20 = tpu.memref_slice %arg4[%add3A_19] : memref<327680xi32, #tpu.memory_space<hbm>> -> memref<128xi32, #tpu.memory_space<hbm>>
    tpu.wait_dma2 semaphore(%arg15 : memref<!tpu.dma_semaphore, #tpu.memory_space<semaphore_mem>>) src(%dma_wait3A_20 : memref<128xi32, #tpu.memory_space<hbm>>) dst(%arg8 : memref<128xi32, #tpu.memory_space<vmem>>)
    %dma_start3A_21 = arith.constant 0 : i32
    %dma_start3A_22 = arith.constant 0 : i32
    %dma_start3A_23 = tpu.memref_slice %arg7[%dma_start3A_21, %dma_start3A_22] : memref<80x128xi32, #tpu.memory_space<vmem>> -> memref<1x128xi32, #tpu.memory_space<vmem>>
    %dma_start3A_24 = tpu.memref_squeeze %dma_start3A_23 : memref<1x128xi32, #tpu.memory_space<vmem>> -> memref<128xi32, #tpu.memory_space<vmem>>
    %dma_start3A_25 = arith.constant 0 : i32
    %dma_start3A_26 = arith.constant 0 : i32
    %dma_start3A_27 = tpu.memref_slice %arg2[%dma_start3A_25, %dma_start3A_26] : memref<10240x128xf32, #tpu.memory_space<hbm>> -> memref<10240x128xf32, #tpu.memory_space<hbm>>
    tpu.enqueue_indirect_dma source(%dma_start3A_27 : memref<10240x128xf32, #tpu.memory_space<hbm>>) target(%arg12 : memref<128x128xf32, #tpu.memory_space<vmem>>) offsets(%dma_start3A_24 : memref<128xi32, #tpu.memory_space<vmem>>) semaphore(%arg19 : memref<!tpu.dma_semaphore, #tpu.memory_space<semaphore_mem>>)
    %mul3A_28 = arith.constant 10240 : i32
    %mul3A_29 = arith.muli %add3A, %mul3A_28 : i32
    %add3A_30 = arith.constant 256 : i32
    %add3A_31 = arith.addi %mul3A_29, %add3A_30 : i32
    %dma_start3A_32 = tpu.memref_slice %arg4[%add3A_31] : memref<327680xi32, #tpu.memory_space<hbm>> -> memref<128xi32, #tpu.memory_space<hbm>>
    %dma_start3A_33 = tpu.memref_slice %arg4[%add3A_31] : memref<327680xi32, #tpu.memory_space<hbm>> -> memref<128xi32, #tpu.memory_space<hbm>>
    tpu.enqueue_dma source(%dma_start3A_33 : memref<128xi32, #tpu.memory_space<hbm>>) target(%arg10 : memref<128xi32, #tpu.memory_space<vmem>>) target_semaphore(%arg17 : memref<!tpu.dma_semaphore, #tpu.memory_space<semaphore_mem>>)
    %mul3A_34 = arith.constant 10240 : i32
    %mul3A_35 = arith.muli %add3A, %mul3A_34 : i32
    %add3A_36 = arith.constant 128 : i32
    %add3A_37 = arith.addi %mul3A_35, %add3A_36 : i32
    %dma_wait3A_38 = tpu.memref_slice %arg4[%add3A_37] : memref<327680xi32, #tpu.memory_space<hbm>> -> memref<128xi32, #tpu.memory_space<hbm>>
    %dma_wait3A_39 = tpu.memref_slice %arg4[%add3A_37] : memref<327680xi32, #tpu.memory_space<hbm>> -> memref<128xi32, #tpu.memory_space<hbm>>
    tpu.wait_dma2 semaphore(%arg16 : memref<!tpu.dma_semaphore, #tpu.memory_space<semaphore_mem>>) src(%dma_wait3A_39 : memref<128xi32, #tpu.memory_space<hbm>>) dst(%arg9 : memref<128xi32, #tpu.memory_space<vmem>>)
    %dma_start3A_40 = arith.constant 1 : i32
    %dma_start3A_41 = arith.constant 0 : i32
    %dma_start3A_42 = tpu.memref_slice %arg7[%dma_start3A_40, %dma_start3A_41] : memref<80x128xi32, #tpu.memory_space<vmem>> -> memref<1x128xi32, #tpu.memory_space<vmem>>
    %dma_start3A_43 = tpu.memref_squeeze %dma_start3A_42 : memref<1x128xi32, #tpu.memory_space<vmem>> -> memref<128xi32, #tpu.memory_space<vmem>>
    %dma_start3A_44 = arith.constant 0 : i32
    %dma_start3A_45 = arith.constant 0 : i32
    %dma_start3A_46 = tpu.memref_slice %arg2[%dma_start3A_44, %dma_start3A_45] : memref<10240x128xf32, #tpu.memory_space<hbm>> -> memref<10240x128xf32, #tpu.memory_space<hbm>>
    tpu.enqueue_indirect_dma source(%dma_start3A_46 : memref<10240x128xf32, #tpu.memory_space<hbm>>) target(%arg13 : memref<128x128xf32, #tpu.memory_space<vmem>>) offsets(%dma_start3A_43 : memref<128xi32, #tpu.memory_space<vmem>>) semaphore(%arg20 : memref<!tpu.dma_semaphore, #tpu.memory_space<semaphore_mem>>)
    %dma_wait3A_47 = arith.constant 0 : i32
    %dma_wait3A_48 = arith.constant 0 : i32
    %dma_wait3A_49 = tpu.memref_slice %arg7[%dma_wait3A_47, %dma_wait3A_48] : memref<80x128xi32, #tpu.memory_space<vmem>> -> memref<1x128xi32, #tpu.memory_space<vmem>>
    %dma_wait3A_50 = tpu.memref_squeeze %dma_wait3A_49 : memref<1x128xi32, #tpu.memory_space<vmem>> -> memref<128xi32, #tpu.memory_space<vmem>>
    %dma_wait3A_51 = arith.constant 0 : i32
    %dma_wait3A_52 = arith.constant 0 : i32
    %dma_wait3A_53 = tpu.memref_slice %arg2[%dma_wait3A_51, %dma_wait3A_52] : memref<10240x128xf32, #tpu.memory_space<hbm>> -> memref<10240x128xf32, #tpu.memory_space<hbm>>
    tpu.wait_indirect_dma semaphore(%arg19 : memref<!tpu.dma_semaphore, #tpu.memory_space<semaphore_mem>>) src(%dma_wait3A_53 : memref<10240x128xf32, #tpu.memory_space<hbm>>) dst(%arg12 : memref<128x128xf32, #tpu.memory_space<vmem>>)
    %dma_start3A_54 = arith.constant 0 : i32
    %dma_start3A_55 = arith.constant 0 : i32
    %dma_start3A_56 = tpu.memref_slice %arg14[%dma_start3A_54, %dma_start3A_55] : memref<10240x128xf32, #tpu.memory_space<vmem_shared>> -> memref<10240x128xf32, #tpu.memory_space<vmem_shared>>
    tpu.enqueue_indirect_dma source(%arg12 : memref<128x128xf32, #tpu.memory_space<vmem>>) target(%dma_start3A_56 : memref<10240x128xf32, #tpu.memory_space<vmem_shared>>) offsets(%arg8 : memref<128xi32, #tpu.memory_space<vmem>>) semaphore(%arg21 : memref<!tpu.dma_semaphore, #tpu.memory_space<semaphore_mem>>) {add = true}
    %mul3A_57 = arith.constant 10240 : i32
    %mul3A_58 = arith.muli %add3A, %mul3A_57 : i32
    %add3A_59 = arith.constant 384 : i32
    %add3A_60 = arith.addi %mul3A_58, %add3A_59 : i32
    %dma_start3A_61 = tpu.memref_slice %arg4[%add3A_60] : memref<327680xi32, #tpu.memory_space<hbm>> -> memref<128xi32, #tpu.memory_space<hbm>>
    %dma_start3A_62 = tpu.memref_slice %arg4[%add3A_60] : memref<327680xi32, #tpu.memory_space<hbm>> -> memref<128xi32, #tpu.memory_space<hbm>>
    tpu.enqueue_dma source(%dma_start3A_62 : memref<128xi32, #tpu.memory_space<hbm>>) target(%arg11 : memref<128xi32, #tpu.memory_space<vmem>>) target_semaphore(%arg18 : memref<!tpu.dma_semaphore, #tpu.memory_space<semaphore_mem>>)
    %scan3A = arith.constant 0 : i32
    %scan3A_63 = arith.constant 0 : i32
    %scan3A_64 = arith.constant 19 : i32
    %scan3A_65 = arith.addi %scan3A_63, %scan3A_64 : i32
    %scan3A_66 = arith.constant 1 : i32
    scf.for %scan3A_141 = %scan3A_63 to %scan3A_65 step %scan3A_66  : i32 {
      %mul3A_142 = arith.constant 4 : i32
      %mul3A_143 = arith.muli %mul3A_142, %scan3A_141 : i32
      %add3A_144 = arith.constant 2 : i32
      %add3A_145 = arith.addi %mul3A_143, %add3A_144 : i32
      %add3A_146 = arith.constant 0 : i32
      %add3A_147 = arith.addi %add3A_145, %add3A_146 : i32
      %mul3A_148 = arith.constant 10240 : i32
      %mul3A_149 = arith.muli %add3A, %mul3A_148 : i32
      %mul3A_150 = arith.constant 128 : i32
      %mul3A_151 = arith.muli %add3A_147, %mul3A_150 : i32
      %add3A_152 = arith.addi %mul3A_149, %mul3A_151 : i32
      %dma_wait3A_153 = tpu.memref_slice %arg4[%add3A_152] : memref<327680xi32, #tpu.memory_space<hbm>> -> memref<128xi32, #tpu.memory_space<hbm>>
      %dma_wait3A_154 = tpu.memref_slice %arg4[%add3A_152] : memref<327680xi32, #tpu.memory_space<hbm>> -> memref<128xi32, #tpu.memory_space<hbm>>
      tpu.wait_dma2 semaphore(%arg17 : memref<!tpu.dma_semaphore, #tpu.memory_space<semaphore_mem>>) src(%dma_wait3A_154 : memref<128xi32, #tpu.memory_space<hbm>>) dst(%arg10 : memref<128xi32, #tpu.memory_space<vmem>>)
      %dma_wait3A_155 = arith.constant 0 : i32
      %dma_wait3A_156 = arith.constant 0 : i32
      %dma_wait3A_157 = tpu.memref_slice %arg14[%dma_wait3A_155, %dma_wait3A_156] : memref<10240x128xf32, #tpu.memory_space<vmem_shared>> -> memref<10240x128xf32, #tpu.memory_space<vmem_shared>>
      tpu.wait_indirect_dma semaphore(%arg21 : memref<!tpu.dma_semaphore, #tpu.memory_space<semaphore_mem>>) src(%arg12 : memref<128x128xf32, #tpu.memory_space<vmem>>) dst(%dma_wait3A_157 : memref<10240x128xf32, #tpu.memory_space<vmem_shared>>)
      %dma_start3A_158 = arith.constant 0 : i32
      %dma_start3A_159 = tpu.memref_slice %arg7[%add3A_147, %dma_start3A_158] : memref<80x128xi32, #tpu.memory_space<vmem>> -> memref<1x128xi32, #tpu.memory_space<vmem>>
      %dma_start3A_160 = tpu.memref_squeeze %dma_start3A_159 : memref<1x128xi32, #tpu.memory_space<vmem>> -> memref<128xi32, #tpu.memory_space<vmem>>
      %dma_start3A_161 = arith.constant 0 : i32
      %dma_start3A_162 = arith.constant 0 : i32
      %dma_start3A_163 = tpu.memref_slice %arg2[%dma_start3A_161, %dma_start3A_162] : memref<10240x128xf32, #tpu.memory_space<hbm>> -> memref<10240x128xf32, #tpu.memory_space<hbm>>
      tpu.enqueue_indirect_dma source(%dma_start3A_163 : memref<10240x128xf32, #tpu.memory_space<hbm>>) target(%arg12 : memref<128x128xf32, #tpu.memory_space<vmem>>) offsets(%dma_start3A_160 : memref<128xi32, #tpu.memory_space<vmem>>) semaphore(%arg19 : memref<!tpu.dma_semaphore, #tpu.memory_space<semaphore_mem>>)
      %sub3A = arith.constant 1 : i32
      %sub3A_164 = arith.subi %add3A_147, %sub3A : i32
      %dma_wait3A_165 = arith.constant 0 : i32
      %dma_wait3A_166 = tpu.memref_slice %arg7[%sub3A_164, %dma_wait3A_165] : memref<80x128xi32, #tpu.memory_space<vmem>> -> memref<1x128xi32, #tpu.memory_space<vmem>>
      %dma_wait3A_167 = tpu.memref_squeeze %dma_wait3A_166 : memref<1x128xi32, #tpu.memory_space<vmem>> -> memref<128xi32, #tpu.memory_space<vmem>>
      %dma_wait3A_168 = arith.constant 0 : i32
      %dma_wait3A_169 = arith.constant 0 : i32
      %dma_wait3A_170 = tpu.memref_slice %arg2[%dma_wait3A_168, %dma_wait3A_169] : memref<10240x128xf32, #tpu.memory_space<hbm>> -> memref<10240x128xf32, #tpu.memory_space<hbm>>
      tpu.wait_indirect_dma semaphore(%arg20 : memref<!tpu.dma_semaphore, #tpu.memory_space<semaphore_mem>>) src(%dma_wait3A_170 : memref<10240x128xf32, #tpu.memory_space<hbm>>) dst(%arg13 : memref<128x128xf32, #tpu.memory_space<vmem>>)
      %dma_start3A_171 = arith.constant 0 : i32
      %dma_start3A_172 = arith.constant 0 : i32
      %dma_start3A_173 = tpu.memref_slice %arg14[%dma_start3A_171, %dma_start3A_172] : memref<10240x128xf32, #tpu.memory_space<vmem_shared>> -> memref<10240x128xf32, #tpu.memory_space<vmem_shared>>
      tpu.enqueue_indirect_dma source(%arg13 : memref<128x128xf32, #tpu.memory_space<vmem>>) target(%dma_start3A_173 : memref<10240x128xf32, #tpu.memory_space<vmem_shared>>) offsets(%arg9 : memref<128xi32, #tpu.memory_space<vmem>>) semaphore(%arg22 : memref<!tpu.dma_semaphore, #tpu.memory_space<semaphore_mem>>) {add = true}
      %add3A_174 = arith.constant 2 : i32
      %add3A_175 = arith.addi %add3A_147, %add3A_174 : i32
      %mul3A_176 = arith.constant 10240 : i32
      %mul3A_177 = arith.muli %add3A, %mul3A_176 : i32
      %mul3A_178 = arith.constant 128 : i32
      %mul3A_179 = arith.muli %add3A_175, %mul3A_178 : i32
      %add3A_180 = arith.addi %mul3A_177, %mul3A_179 : i32
      %dma_start3A_181 = tpu.memref_slice %arg4[%add3A_180] : memref<327680xi32, #tpu.memory_space<hbm>> -> memref<128xi32, #tpu.memory_space<hbm>>
      %dma_start3A_182 = tpu.memref_slice %arg4[%add3A_180] : memref<327680xi32, #tpu.memory_space<hbm>> -> memref<128xi32, #tpu.memory_space<hbm>>
      tpu.enqueue_dma source(%dma_start3A_182 : memref<128xi32, #tpu.memory_space<hbm>>) target(%arg8 : memref<128xi32, #tpu.memory_space<vmem>>) target_semaphore(%arg15 : memref<!tpu.dma_semaphore, #tpu.memory_space<semaphore_mem>>)
      %mul3A_183 = arith.constant 4 : i32
      %mul3A_184 = arith.muli %mul3A_183, %scan3A_141 : i32
      %add3A_185 = arith.constant 2 : i32
      %add3A_186 = arith.addi %mul3A_184, %add3A_185 : i32
      %add3A_187 = arith.constant 1 : i32
      %add3A_188 = arith.addi %add3A_186, %add3A_187 : i32
      %mul3A_189 = arith.constant 10240 : i32
      %mul3A_190 = arith.muli %add3A, %mul3A_189 : i32
      %mul3A_191 = arith.constant 128 : i32
      %mul3A_192 = arith.muli %add3A_188, %mul3A_191 : i32
      %add3A_193 = arith.addi %mul3A_190, %mul3A_192 : i32
      %dma_wait3A_194 = tpu.memref_slice %arg4[%add3A_193] : memref<327680xi32, #tpu.memory_space<hbm>> -> memref<128xi32, #tpu.memory_space<hbm>>
      %dma_wait3A_195 = tpu.memref_slice %arg4[%add3A_193] : memref<327680xi32, #tpu.memory_space<hbm>> -> memref<128xi32, #tpu.memory_space<hbm>>
      tpu.wait_dma2 semaphore(%arg18 : memref<!tpu.dma_semaphore, #tpu.memory_space<semaphore_mem>>) src(%dma_wait3A_195 : memref<128xi32, #tpu.memory_space<hbm>>) dst(%arg11 : memref<128xi32, #tpu.memory_space<vmem>>)
      %dma_wait3A_196 = arith.constant 0 : i32
      %dma_wait3A_197 = arith.constant 0 : i32
      %dma_wait3A_198 = tpu.memref_slice %arg14[%dma_wait3A_196, %dma_wait3A_197] : memref<10240x128xf32, #tpu.memory_space<vmem_shared>> -> memref<10240x128xf32, #tpu.memory_space<vmem_shared>>
      tpu.wait_indirect_dma semaphore(%arg22 : memref<!tpu.dma_semaphore, #tpu.memory_space<semaphore_mem>>) src(%arg13 : memref<128x128xf32, #tpu.memory_space<vmem>>) dst(%dma_wait3A_198 : memref<10240x128xf32, #tpu.memory_space<vmem_shared>>)
      %dma_start3A_199 = arith.constant 0 : i32
      %dma_start3A_200 = tpu.memref_slice %arg7[%add3A_188, %dma_start3A_199] : memref<80x128xi32, #tpu.memory_space<vmem>> -> memref<1x128xi32, #tpu.memory_space<vmem>>
      %dma_start3A_201 = tpu.memref_squeeze %dma_start3A_200 : memref<1x128xi32, #tpu.memory_space<vmem>> -> memref<128xi32, #tpu.memory_space<vmem>>
      %dma_start3A_202 = arith.constant 0 : i32
      %dma_start3A_203 = arith.constant 0 : i32
      %dma_start3A_204 = tpu.memref_slice %arg2[%dma_start3A_202, %dma_start3A_203] : memref<10240x128xf32, #tpu.memory_space<hbm>> -> memref<10240x128xf32, #tpu.memory_space<hbm>>
      tpu.enqueue_indirect_dma source(%dma_start3A_204 : memref<10240x128xf32, #tpu.memory_space<hbm>>) target(%arg13 : memref<128x128xf32, #tpu.memory_space<vmem>>) offsets(%dma_start3A_201 : memref<128xi32, #tpu.memory_space<vmem>>) semaphore(%arg20 : memref<!tpu.dma_semaphore, #tpu.memory_space<semaphore_mem>>)
      %sub3A_205 = arith.constant 1 : i32
      %sub3A_206 = arith.subi %add3A_188, %sub3A_205 : i32
      %dma_wait3A_207 = arith.constant 0 : i32
      %dma_wait3A_208 = tpu.memref_slice %arg7[%sub3A_206, %dma_wait3A_207] : memref<80x128xi32, #tpu.memory_space<vmem>> -> memref<1x128xi32, #tpu.memory_space<vmem>>
      %dma_wait3A_209 = tpu.memref_squeeze %dma_wait3A_208 : memref<1x128xi32, #tpu.memory_space<vmem>> -> memref<128xi32, #tpu.memory_space<vmem>>
      %dma_wait3A_210 = arith.constant 0 : i32
      %dma_wait3A_211 = arith.constant 0 : i32
      %dma_wait3A_212 = tpu.memref_slice %arg2[%dma_wait3A_210, %dma_wait3A_211] : memref<10240x128xf32, #tpu.memory_space<hbm>> -> memref<10240x128xf32, #tpu.memory_space<hbm>>
      tpu.wait_indirect_dma semaphore(%arg19 : memref<!tpu.dma_semaphore, #tpu.memory_space<semaphore_mem>>) src(%dma_wait3A_212 : memref<10240x128xf32, #tpu.memory_space<hbm>>) dst(%arg12 : memref<128x128xf32, #tpu.memory_space<vmem>>)
      %dma_start3A_213 = arith.constant 0 : i32
      %dma_start3A_214 = arith.constant 0 : i32
      %dma_start3A_215 = tpu.memref_slice %arg14[%dma_start3A_213, %dma_start3A_214] : memref<10240x128xf32, #tpu.memory_space<vmem_shared>> -> memref<10240x128xf32, #tpu.memory_space<vmem_shared>>
      tpu.enqueue_indirect_dma source(%arg12 : memref<128x128xf32, #tpu.memory_space<vmem>>) target(%dma_start3A_215 : memref<10240x128xf32, #tpu.memory_space<vmem_shared>>) offsets(%arg10 : memref<128xi32, #tpu.memory_space<vmem>>) semaphore(%arg21 : memref<!tpu.dma_semaphore, #tpu.memory_space<semaphore_mem>>) {add = true}
      %add3A_216 = arith.constant 2 : i32
      %add3A_217 = arith.addi %add3A_188, %add3A_216 : i32
      %mul3A_218 = arith.constant 10240 : i32
      %mul3A_219 = arith.muli %add3A, %mul3A_218 : i32
      %mul3A_220 = arith.constant 128 : i32
      %mul3A_221 = arith.muli %add3A_217, %mul3A_220 : i32
      %add3A_222 = arith.addi %mul3A_219, %mul3A_221 : i32
      %dma_start3A_223 = tpu.memref_slice %arg4[%add3A_222] : memref<327680xi32, #tpu.memory_space<hbm>> -> memref<128xi32, #tpu.memory_space<hbm>>
      %dma_start3A_224 = tpu.memref_slice %arg4[%add3A_222] : memref<327680xi32, #tpu.memory_space<hbm>> -> memref<128xi32, #tpu.memory_space<hbm>>
      tpu.enqueue_dma source(%dma_start3A_224 : memref<128xi32, #tpu.memory_space<hbm>>) target(%arg9 : memref<128xi32, #tpu.memory_space<vmem>>) target_semaphore(%arg16 : memref<!tpu.dma_semaphore, #tpu.memory_space<semaphore_mem>>)
      %mul3A_225 = arith.constant 4 : i32
      %mul3A_226 = arith.muli %mul3A_225, %scan3A_141 : i32
      %add3A_227 = arith.constant 2 : i32
      %add3A_228 = arith.addi %mul3A_226, %add3A_227 : i32
      %add3A_229 = arith.constant 2 : i32
      %add3A_230 = arith.addi %add3A_228, %add3A_229 : i32
      %mul3A_231 = arith.constant 10240 : i32
      %mul3A_232 = arith.muli %add3A, %mul3A_231 : i32
      %mul3A_233 = arith.constant 128 : i32
      %mul3A_234 = arith.muli %add3A_230, %mul3A_233 : i32
      %add3A_235 = arith.addi %mul3A_232, %mul3A_234 : i32
      %dma_wait3A_236 = tpu.memref_slice %arg4[%add3A_235] : memref<327680xi32, #tpu.memory_space<hbm>> -> memref<128xi32, #tpu.memory_space<hbm>>
      %dma_wait3A_237 = tpu.memref_slice %arg4[%add3A_235] : memref<327680xi32, #tpu.memory_space<hbm>> -> memref<128xi32, #tpu.memory_space<hbm>>
      tpu.wait_dma2 semaphore(%arg15 : memref<!tpu.dma_semaphore, #tpu.memory_space<semaphore_mem>>) src(%dma_wait3A_237 : memref<128xi32, #tpu.memory_space<hbm>>) dst(%arg8 : memref<128xi32, #tpu.memory_space<vmem>>)
      %dma_wait3A_238 = arith.constant 0 : i32
      %dma_wait3A_239 = arith.constant 0 : i32
      %dma_wait3A_240 = tpu.memref_slice %arg14[%dma_wait3A_238, %dma_wait3A_239] : memref<10240x128xf32, #tpu.memory_space<vmem_shared>> -> memref<10240x128xf32, #tpu.memory_space<vmem_shared>>
      tpu.wait_indirect_dma semaphore(%arg21 : memref<!tpu.dma_semaphore, #tpu.memory_space<semaphore_mem>>) src(%arg12 : memref<128x128xf32, #tpu.memory_space<vmem>>) dst(%dma_wait3A_240 : memref<10240x128xf32, #tpu.memory_space<vmem_shared>>)
      %dma_start3A_241 = arith.constant 0 : i32
      %dma_start3A_242 = tpu.memref_slice %arg7[%add3A_230, %dma_start3A_241] : memref<80x128xi32, #tpu.memory_space<vmem>> -> memref<1x128xi32, #tpu.memory_space<vmem>>
      %dma_start3A_243 = tpu.memref_squeeze %dma_start3A_242 : memref<1x128xi32, #tpu.memory_space<vmem>> -> memref<128xi32, #tpu.memory_space<vmem>>
      %dma_start3A_244 = arith.constant 0 : i32
      %dma_start3A_245 = arith.constant 0 : i32
      %dma_start3A_246 = tpu.memref_slice %arg2[%dma_start3A_244, %dma_start3A_245] : memref<10240x128xf32, #tpu.memory_space<hbm>> -> memref<10240x128xf32, #tpu.memory_space<hbm>>
      tpu.enqueue_indirect_dma source(%dma_start3A_246 : memref<10240x128xf32, #tpu.memory_space<hbm>>) target(%arg12 : memref<128x128xf32, #tpu.memory_space<vmem>>) offsets(%dma_start3A_243 : memref<128xi32, #tpu.memory_space<vmem>>) semaphore(%arg19 : memref<!tpu.dma_semaphore, #tpu.memory_space<semaphore_mem>>)
      %sub3A_247 = arith.constant 1 : i32
      %sub3A_248 = arith.subi %add3A_230, %sub3A_247 : i32
      %dma_wait3A_249 = arith.constant 0 : i32
      %dma_wait3A_250 = tpu.memref_slice %arg7[%sub3A_248, %dma_wait3A_249] : memref<80x128xi32, #tpu.memory_space<vmem>> -> memref<1x128xi32, #tpu.memory_space<vmem>>
      %dma_wait3A_251 = tpu.memref_squeeze %dma_wait3A_250 : memref<1x128xi32, #tpu.memory_space<vmem>> -> memref<128xi32, #tpu.memory_space<vmem>>
      %dma_wait3A_252 = arith.constant 0 : i32
      %dma_wait3A_253 = arith.constant 0 : i32
      %dma_wait3A_254 = tpu.memref_slice %arg2[%dma_wait3A_252, %dma_wait3A_253] : memref<10240x128xf32, #tpu.memory_space<hbm>> -> memref<10240x128xf32, #tpu.memory_space<hbm>>
      tpu.wait_indirect_dma semaphore(%arg20 : memref<!tpu.dma_semaphore, #tpu.memory_space<semaphore_mem>>) src(%dma_wait3A_254 : memref<10240x128xf32, #tpu.memory_space<hbm>>) dst(%arg13 : memref<128x128xf32, #tpu.memory_space<vmem>>)
      %dma_start3A_255 = arith.constant 0 : i32
      %dma_start3A_256 = arith.constant 0 : i32
      %dma_start3A_257 = tpu.memref_slice %arg14[%dma_start3A_255, %dma_start3A_256] : memref<10240x128xf32, #tpu.memory_space<vmem_shared>> -> memref<10240x128xf32, #tpu.memory_space<vmem_shared>>
      tpu.enqueue_indirect_dma source(%arg13 : memref<128x128xf32, #tpu.memory_space<vmem>>) target(%dma_start3A_257 : memref<10240x128xf32, #tpu.memory_space<vmem_shared>>) offsets(%arg11 : memref<128xi32, #tpu.memory_space<vmem>>) semaphore(%arg22 : memref<!tpu.dma_semaphore, #tpu.memory_space<semaphore_mem>>) {add = true}
      %add3A_258 = arith.constant 2 : i32
      %add3A_259 = arith.addi %add3A_230, %add3A_258 : i32
      %mul3A_260 = arith.constant 10240 : i32
      %mul3A_261 = arith.muli %add3A, %mul3A_260 : i32
      %mul3A_262 = arith.constant 128 : i32
      %mul3A_263 = arith.muli %add3A_259, %mul3A_262 : i32
      %add3A_264 = arith.addi %mul3A_261, %mul3A_263 : i32
      %dma_start3A_265 = tpu.memref_slice %arg4[%add3A_264] : memref<327680xi32, #tpu.memory_space<hbm>> -> memref<128xi32, #tpu.memory_space<hbm>>
      %dma_start3A_266 = tpu.memref_slice %arg4[%add3A_264] : memref<327680xi32, #tpu.memory_space<hbm>> -> memref<128xi32, #tpu.memory_space<hbm>>
      tpu.enqueue_dma source(%dma_start3A_266 : memref<128xi32, #tpu.memory_space<hbm>>) target(%arg10 : memref<128xi32, #tpu.memory_space<vmem>>) target_semaphore(%arg17 : memref<!tpu.dma_semaphore, #tpu.memory_space<semaphore_mem>>)
      %mul3A_267 = arith.constant 4 : i32
      %mul3A_268 = arith.muli %mul3A_267, %scan3A_141 : i32
      %add3A_269 = arith.constant 2 : i32
      %add3A_270 = arith.addi %mul3A_268, %add3A_269 : i32
      %add3A_271 = arith.constant 3 : i32
      %add3A_272 = arith.addi %add3A_270, %add3A_271 : i32
      %mul3A_273 = arith.constant 10240 : i32
      %mul3A_274 = arith.muli %add3A, %mul3A_273 : i32
      %mul3A_275 = arith.constant 128 : i32
      %mul3A_276 = arith.muli %add3A_272, %mul3A_275 : i32
      %add3A_277 = arith.addi %mul3A_274, %mul3A_276 : i32
      %dma_wait3A_278 = tpu.memref_slice %arg4[%add3A_277] : memref<327680xi32, #tpu.memory_space<hbm>> -> memref<128xi32, #tpu.memory_space<hbm>>
      %dma_wait3A_279 = tpu.memref_slice %arg4[%add3A_277] : memref<327680xi32, #tpu.memory_space<hbm>> -> memref<128xi32, #tpu.memory_space<hbm>>
      tpu.wait_dma2 semaphore(%arg16 : memref<!tpu.dma_semaphore, #tpu.memory_space<semaphore_mem>>) src(%dma_wait3A_279 : memref<128xi32, #tpu.memory_space<hbm>>) dst(%arg9 : memref<128xi32, #tpu.memory_space<vmem>>)
      %dma_wait3A_280 = arith.constant 0 : i32
      %dma_wait3A_281 = arith.constant 0 : i32
      %dma_wait3A_282 = tpu.memref_slice %arg14[%dma_wait3A_280, %dma_wait3A_281] : memref<10240x128xf32, #tpu.memory_space<vmem_shared>> -> memref<10240x128xf32, #tpu.memory_space<vmem_shared>>
      tpu.wait_indirect_dma semaphore(%arg22 : memref<!tpu.dma_semaphore, #tpu.memory_space<semaphore_mem>>) src(%arg13 : memref<128x128xf32, #tpu.memory_space<vmem>>) dst(%dma_wait3A_282 : memref<10240x128xf32, #tpu.memory_space<vmem_shared>>)
      %dma_start3A_283 = arith.constant 0 : i32
      %dma_start3A_284 = tpu.memref_slice %arg7[%add3A_272, %dma_start3A_283] : memref<80x128xi32, #tpu.memory_space<vmem>> -> memref<1x128xi32, #tpu.memory_space<vmem>>
      %dma_start3A_285 = tpu.memref_squeeze %dma_start3A_284 : memref<1x128xi32, #tpu.memory_space<vmem>> -> memref<128xi32, #tpu.memory_space<vmem>>
      %dma_start3A_286 = arith.constant 0 : i32
      %dma_start3A_287 = arith.constant 0 : i32
      %dma_start3A_288 = tpu.memref_slice %arg2[%dma_start3A_286, %dma_start3A_287] : memref<10240x128xf32, #tpu.memory_space<hbm>> -> memref<10240x128xf32, #tpu.memory_space<hbm>>
      tpu.enqueue_indirect_dma source(%dma_start3A_288 : memref<10240x128xf32, #tpu.memory_space<hbm>>) target(%arg13 : memref<128x128xf32, #tpu.memory_space<vmem>>) offsets(%dma_start3A_285 : memref<128xi32, #tpu.memory_space<vmem>>) semaphore(%arg20 : memref<!tpu.dma_semaphore, #tpu.memory_space<semaphore_mem>>)
      %sub3A_289 = arith.constant 1 : i32
      %sub3A_290 = arith.subi %add3A_272, %sub3A_289 : i32
      %dma_wait3A_291 = arith.constant 0 : i32
      %dma_wait3A_292 = tpu.memref_slice %arg7[%sub3A_290, %dma_wait3A_291] : memref<80x128xi32, #tpu.memory_space<vmem>> -> memref<1x128xi32, #tpu.memory_space<vmem>>
      %dma_wait3A_293 = tpu.memref_squeeze %dma_wait3A_292 : memref<1x128xi32, #tpu.memory_space<vmem>> -> memref<128xi32, #tpu.memory_space<vmem>>
      %dma_wait3A_294 = arith.constant 0 : i32
      %dma_wait3A_295 = arith.constant 0 : i32
      %dma_wait3A_296 = tpu.memref_slice %arg2[%dma_wait3A_294, %dma_wait3A_295] : memref<10240x128xf32, #tpu.memory_space<hbm>> -> memref<10240x128xf32, #tpu.memory_space<hbm>>
      tpu.wait_indirect_dma semaphore(%arg19 : memref<!tpu.dma_semaphore, #tpu.memory_space<semaphore_mem>>) src(%dma_wait3A_296 : memref<10240x128xf32, #tpu.memory_space<hbm>>) dst(%arg12 : memref<128x128xf32, #tpu.memory_space<vmem>>)
      %dma_start3A_297 = arith.constant 0 : i32
      %dma_start3A_298 = arith.constant 0 : i32
      %dma_start3A_299 = tpu.memref_slice %arg14[%dma_start3A_297, %dma_start3A_298] : memref<10240x128xf32, #tpu.memory_space<vmem_shared>> -> memref<10240x128xf32, #tpu.memory_space<vmem_shared>>
      tpu.enqueue_indirect_dma source(%arg12 : memref<128x128xf32, #tpu.memory_space<vmem>>) target(%dma_start3A_299 : memref<10240x128xf32, #tpu.memory_space<vmem_shared>>) offsets(%arg8 : memref<128xi32, #tpu.memory_space<vmem>>) semaphore(%arg21 : memref<!tpu.dma_semaphore, #tpu.memory_space<semaphore_mem>>) {add = true}
      %add3A_300 = arith.constant 2 : i32
      %add3A_301 = arith.addi %add3A_272, %add3A_300 : i32
      %mul3A_302 = arith.constant 10240 : i32
      %mul3A_303 = arith.muli %add3A, %mul3A_302 : i32
      %mul3A_304 = arith.constant 128 : i32
      %mul3A_305 = arith.muli %add3A_301, %mul3A_304 : i32
      %add3A_306 = arith.addi %mul3A_303, %mul3A_305 : i32
      %dma_start3A_307 = tpu.memref_slice %arg4[%add3A_306] : memref<327680xi32, #tpu.memory_space<hbm>> -> memref<128xi32, #tpu.memory_space<hbm>>
      %dma_start3A_308 = tpu.memref_slice %arg4[%add3A_306] : memref<327680xi32, #tpu.memory_space<hbm>> -> memref<128xi32, #tpu.memory_space<hbm>>
      tpu.enqueue_dma source(%dma_start3A_308 : memref<128xi32, #tpu.memory_space<hbm>>) target(%arg11 : memref<128xi32, #tpu.memory_space<vmem>>) target_semaphore(%arg18 : memref<!tpu.dma_semaphore, #tpu.memory_space<semaphore_mem>>)
    }
    %scan3A_67 = arith.constant 19 : i32
    %mul3A_68 = arith.constant 10240 : i32
    %mul3A_69 = arith.muli %add3A, %mul3A_68 : i32
    %add3A_70 = arith.constant 9984 : i32
    %add3A_71 = arith.addi %mul3A_69, %add3A_70 : i32
    %dma_wait3A_72 = tpu.memref_slice %arg4[%add3A_71] : memref<327680xi32, #tpu.memory_space<hbm>> -> memref<128xi32, #tpu.memory_space<hbm>>
    %dma_wait3A_73 = tpu.memref_slice %arg4[%add3A_71] : memref<327680xi32, #tpu.memory_space<hbm>> -> memref<128xi32, #tpu.memory_space<hbm>>
    tpu.wait_dma2 semaphore(%arg17 : memref<!tpu.dma_semaphore, #tpu.memory_space<semaphore_mem>>) src(%dma_wait3A_73 : memref<128xi32, #tpu.memory_space<hbm>>) dst(%arg10 : memref<128xi32, #tpu.memory_space<vmem>>)
    %dma_wait3A_74 = arith.constant 0 : i32
    %dma_wait3A_75 = arith.constant 0 : i32
    %dma_wait3A_76 = tpu.memref_slice %arg14[%dma_wait3A_74, %dma_wait3A_75] : memref<10240x128xf32, #tpu.memory_space<vmem_shared>> -> memref<10240x128xf32, #tpu.memory_space<vmem_shared>>
    tpu.wait_indirect_dma semaphore(%arg21 : memref<!tpu.dma_semaphore, #tpu.memory_space<semaphore_mem>>) src(%arg12 : memref<128x128xf32, #tpu.memory_space<vmem>>) dst(%dma_wait3A_76 : memref<10240x128xf32, #tpu.memory_space<vmem_shared>>)
    %dma_start3A_77 = arith.constant 78 : i32
    %dma_start3A_78 = arith.constant 0 : i32
    %dma_start3A_79 = tpu.memref_slice %arg7[%dma_start3A_77, %dma_start3A_78] : memref<80x128xi32, #tpu.memory_space<vmem>> -> memref<1x128xi32, #tpu.memory_space<vmem>>
    %dma_start3A_80 = tpu.memref_squeeze %dma_start3A_79 : memref<1x128xi32, #tpu.memory_space<vmem>> -> memref<128xi32, #tpu.memory_space<vmem>>
    %dma_start3A_81 = arith.constant 0 : i32
    %dma_start3A_82 = arith.constant 0 : i32
    %dma_start3A_83 = tpu.memref_slice %arg2[%dma_start3A_81, %dma_start3A_82] : memref<10240x128xf32, #tpu.memory_space<hbm>> -> memref<10240x128xf32, #tpu.memory_space<hbm>>
    tpu.enqueue_indirect_dma source(%dma_start3A_83 : memref<10240x128xf32, #tpu.memory_space<hbm>>) target(%arg12 : memref<128x128xf32, #tpu.memory_space<vmem>>) offsets(%dma_start3A_80 : memref<128xi32, #tpu.memory_space<vmem>>) semaphore(%arg19 : memref<!tpu.dma_semaphore, #tpu.memory_space<semaphore_mem>>)
    %dma_wait3A_84 = arith.constant 77 : i32
    %dma_wait3A_85 = arith.constant 0 : i32
    %dma_wait3A_86 = tpu.memref_slice %arg7[%dma_wait3A_84, %dma_wait3A_85] : memref<80x128xi32, #tpu.memory_space<vmem>> -> memref<1x128xi32, #tpu.memory_space<vmem>>
    %dma_wait3A_87 = tpu.memref_squeeze %dma_wait3A_86 : memref<1x128xi32, #tpu.memory_space<vmem>> -> memref<128xi32, #tpu.memory_space<vmem>>
    %dma_wait3A_88 = arith.constant 0 : i32
    %dma_wait3A_89 = arith.constant 0 : i32
    %dma_wait3A_90 = tpu.memref_slice %arg2[%dma_wait3A_88, %dma_wait3A_89] : memref<10240x128xf32, #tpu.memory_space<hbm>> -> memref<10240x128xf32, #tpu.memory_space<hbm>>
    tpu.wait_indirect_dma semaphore(%arg20 : memref<!tpu.dma_semaphore, #tpu.memory_space<semaphore_mem>>) src(%dma_wait3A_90 : memref<10240x128xf32, #tpu.memory_space<hbm>>) dst(%arg13 : memref<128x128xf32, #tpu.memory_space<vmem>>)
    %dma_start3A_91 = arith.constant 0 : i32
    %dma_start3A_92 = arith.constant 0 : i32
    %dma_start3A_93 = tpu.memref_slice %arg14[%dma_start3A_91, %dma_start3A_92] : memref<10240x128xf32, #tpu.memory_space<vmem_shared>> -> memref<10240x128xf32, #tpu.memory_space<vmem_shared>>
    tpu.enqueue_indirect_dma source(%arg13 : memref<128x128xf32, #tpu.memory_space<vmem>>) target(%dma_start3A_93 : memref<10240x128xf32, #tpu.memory_space<vmem_shared>>) offsets(%arg9 : memref<128xi32, #tpu.memory_space<vmem>>) semaphore(%arg22 : memref<!tpu.dma_semaphore, #tpu.memory_space<semaphore_mem>>) {add = true}
    %mul3A_94 = arith.constant 10240 : i32
    %mul3A_95 = arith.muli %add3A, %mul3A_94 : i32
    %add3A_96 = arith.constant 10112 : i32
    %add3A_97 = arith.addi %mul3A_95, %add3A_96 : i32
    %dma_wait3A_98 = tpu.memref_slice %arg4[%add3A_97] : memref<327680xi32, #tpu.memory_space<hbm>> -> memref<128xi32, #tpu.memory_space<hbm>>
    %dma_wait3A_99 = tpu.memref_slice %arg4[%add3A_97] : memref<327680xi32, #tpu.memory_space<hbm>> -> memref<128xi32, #tpu.memory_space<hbm>>
    tpu.wait_dma2 semaphore(%arg18 : memref<!tpu.dma_semaphore, #tpu.memory_space<semaphore_mem>>) src(%dma_wait3A_99 : memref<128xi32, #tpu.memory_space<hbm>>) dst(%arg11 : memref<128xi32, #tpu.memory_space<vmem>>)
    %dma_wait3A_100 = arith.constant 0 : i32
    %dma_wait3A_101 = arith.constant 0 : i32
    %dma_wait3A_102 = tpu.memref_slice %arg14[%dma_wait3A_100, %dma_wait3A_101] : memref<10240x128xf32, #tpu.memory_space<vmem_shared>> -> memref<10240x128xf32, #tpu.memory_space<vmem_shared>>
    tpu.wait_indirect_dma semaphore(%arg22 : memref<!tpu.dma_semaphore, #tpu.memory_space<semaphore_mem>>) src(%arg13 : memref<128x128xf32, #tpu.memory_space<vmem>>) dst(%dma_wait3A_102 : memref<10240x128xf32, #tpu.memory_space<vmem_shared>>)
    %dma_start3A_103 = arith.constant 79 : i32
    %dma_start3A_104 = arith.constant 0 : i32
    %dma_start3A_105 = tpu.memref_slice %arg7[%dma_start3A_103, %dma_start3A_104] : memref<80x128xi32, #tpu.memory_space<vmem>> -> memref<1x128xi32, #tpu.memory_space<vmem>>
    %dma_start3A_106 = tpu.memref_squeeze %dma_start3A_105 : memref<1x128xi32, #tpu.memory_space<vmem>> -> memref<128xi32, #tpu.memory_space<vmem>>
    %dma_start3A_107 = arith.constant 0 : i32
    %dma_start3A_108 = arith.constant 0 : i32
    %dma_start3A_109 = tpu.memref_slice %arg2[%dma_start3A_107, %dma_start3A_108] : memref<10240x128xf32, #tpu.memory_space<hbm>> -> memref<10240x128xf32, #tpu.memory_space<hbm>>
    tpu.enqueue_indirect_dma source(%dma_start3A_109 : memref<10240x128xf32, #tpu.memory_space<hbm>>) target(%arg13 : memref<128x128xf32, #tpu.memory_space<vmem>>) offsets(%dma_start3A_106 : memref<128xi32, #tpu.memory_space<vmem>>) semaphore(%arg20 : memref<!tpu.dma_semaphore, #tpu.memory_space<semaphore_mem>>)
    %dma_wait3A_110 = arith.constant 78 : i32
    %dma_wait3A_111 = arith.constant 0 : i32
    %dma_wait3A_112 = tpu.memref_slice %arg7[%dma_wait3A_110, %dma_wait3A_111] : memref<80x128xi32, #tpu.memory_space<vmem>> -> memref<1x128xi32, #tpu.memory_space<vmem>>
    %dma_wait3A_113 = tpu.memref_squeeze %dma_wait3A_112 : memref<1x128xi32, #tpu.memory_space<vmem>> -> memref<128xi32, #tpu.memory_space<vmem>>
    %dma_wait3A_114 = arith.constant 0 : i32
    %dma_wait3A_115 = arith.constant 0 : i32
    %dma_wait3A_116 = tpu.memref_slice %arg2[%dma_wait3A_114, %dma_wait3A_115] : memref<10240x128xf32, #tpu.memory_space<hbm>> -> memref<10240x128xf32, #tpu.memory_space<hbm>>
    tpu.wait_indirect_dma semaphore(%arg19 : memref<!tpu.dma_semaphore, #tpu.memory_space<semaphore_mem>>) src(%dma_wait3A_116 : memref<10240x128xf32, #tpu.memory_space<hbm>>) dst(%arg12 : memref<128x128xf32, #tpu.memory_space<vmem>>)
    %dma_start3A_117 = arith.constant 0 : i32
    %dma_start3A_118 = arith.constant 0 : i32
    %dma_start3A_119 = tpu.memref_slice %arg14[%dma_start3A_117, %dma_start3A_118] : memref<10240x128xf32, #tpu.memory_space<vmem_shared>> -> memref<10240x128xf32, #tpu.memory_space<vmem_shared>>
    tpu.enqueue_indirect_dma source(%arg12 : memref<128x128xf32, #tpu.memory_space<vmem>>) target(%dma_start3A_119 : memref<10240x128xf32, #tpu.memory_space<vmem_shared>>) offsets(%arg10 : memref<128xi32, #tpu.memory_space<vmem>>) semaphore(%arg21 : memref<!tpu.dma_semaphore, #tpu.memory_space<semaphore_mem>>) {add = true}
    %dma_wait3A_120 = arith.constant 79 : i32
    %dma_wait3A_121 = arith.constant 0 : i32
    %dma_wait3A_122 = tpu.memref_slice %arg7[%dma_wait3A_120, %dma_wait3A_121] : memref<80x128xi32, #tpu.memory_space<vmem>> -> memref<1x128xi32, #tpu.memory_space<vmem>>
    %dma_wait3A_123 = tpu.memref_squeeze %dma_wait3A_122 : memref<1x128xi32, #tpu.memory_space<vmem>> -> memref<128xi32, #tpu.memory_space<vmem>>
    %dma_wait3A_124 = arith.constant 0 : i32
    %dma_wait3A_125 = arith.constant 0 : i32
    %dma_wait3A_126 = tpu.memref_slice %arg2[%dma_wait3A_124, %dma_wait3A_125] : memref<10240x128xf32, #tpu.memory_space<hbm>> -> memref<10240x128xf32, #tpu.memory_space<hbm>>
    tpu.wait_indirect_dma semaphore(%arg20 : memref<!tpu.dma_semaphore, #tpu.memory_space<semaphore_mem>>) src(%dma_wait3A_126 : memref<10240x128xf32, #tpu.memory_space<hbm>>) dst(%arg13 : memref<128x128xf32, #tpu.memory_space<vmem>>)
    %dma_start3A_127 = arith.constant 0 : i32
    %dma_start3A_128 = arith.constant 0 : i32
    %dma_start3A_129 = tpu.memref_slice %arg14[%dma_start3A_127, %dma_start3A_128] : memref<10240x128xf32, #tpu.memory_space<vmem_shared>> -> memref<10240x128xf32, #tpu.memory_space<vmem_shared>>
    tpu.enqueue_indirect_dma source(%arg13 : memref<128x128xf32, #tpu.memory_space<vmem>>) target(%dma_start3A_129 : memref<10240x128xf32, #tpu.memory_space<vmem_shared>>) offsets(%arg11 : memref<128xi32, #tpu.memory_space<vmem>>) semaphore(%arg22 : memref<!tpu.dma_semaphore, #tpu.memory_space<semaphore_mem>>) {add = true}
    %dma_wait3A_130 = arith.constant 0 : i32
    %dma_wait3A_131 = arith.constant 0 : i32
    %dma_wait3A_132 = tpu.memref_slice %arg14[%dma_wait3A_130, %dma_wait3A_131] : memref<10240x128xf32, #tpu.memory_space<vmem_shared>> -> memref<10240x128xf32, #tpu.memory_space<vmem_shared>>
    tpu.wait_indirect_dma semaphore(%arg21 : memref<!tpu.dma_semaphore, #tpu.memory_space<semaphore_mem>>) src(%arg12 : memref<128x128xf32, #tpu.memory_space<vmem>>) dst(%dma_wait3A_132 : memref<10240x128xf32, #tpu.memory_space<vmem_shared>>)
    %dma_wait3A_133 = arith.constant 0 : i32
    %dma_wait3A_134 = arith.constant 0 : i32
    %dma_wait3A_135 = tpu.memref_slice %arg14[%dma_wait3A_133, %dma_wait3A_134] : memref<10240x128xf32, #tpu.memory_space<vmem_shared>> -> memref<10240x128xf32, #tpu.memory_space<vmem_shared>>
    tpu.wait_indirect_dma semaphore(%arg22 : memref<!tpu.dma_semaphore, #tpu.memory_space<semaphore_mem>>) src(%arg13 : memref<128x128xf32, #tpu.memory_space<vmem>>) dst(%dma_wait3A_135 : memref<10240x128xf32, #tpu.memory_space<vmem_shared>>)
    %barrier3A_136 = arith.constant 0 : index
    tpu.barrier barrier_id(%barrier3A_136)
    %mul3A_137 = arith.constant 640 : i32
    %mul3A_138 = arith.muli %arg1, %mul3A_137 : i32
    %mul3A_139 = arith.constant 640 : i32
    %mul3A_140 = arith.muli %arg1, %mul3A_139 : i32
    "tpu.region"() ({
      %run_scoped3A = tpu.sem_alloc : memref<!tpu.dma_semaphore, #tpu.memory_space<semaphore_mem>>
      %dma_start3A_141 = arith.constant 0 : i32
      %dma_start3A_142 = tpu.memref_slice %arg6[%arg0, %mul3A_140, %dma_start3A_141] : memref<2x10240x128xf32, #tpu.memory_space<hbm>> -> memref<1x640x128xf32, #tpu.memory_space<hbm>>
      %dma_start3A_143 = tpu.memref_squeeze %dma_start3A_142 : memref<1x640x128xf32, #tpu.memory_space<hbm>> -> memref<640x128xf32, #tpu.memory_space<hbm>>
      %dma_start3A_144 = arith.constant 0 : i32
      %dma_start3A_145 = tpu.memref_slice %arg14[%mul3A_138, %dma_start3A_144] : memref<10240x128xf32, #tpu.memory_space<vmem_shared>> -> memref<640x128xf32, #tpu.memory_space<vmem_shared>>
      tpu.enqueue_dma source(%dma_start3A_145 : memref<640x128xf32, #tpu.memory_space<vmem_shared>>) target(%dma_start3A_143 : memref<640x128xf32, #tpu.memory_space<hbm>>) target_semaphore(%run_scoped3A : memref<!tpu.dma_semaphore, #tpu.memory_space<semaphore_mem>>)
      %dma_wait3A_146 = arith.constant 0 : i32
      %dma_wait3A_147 = tpu.memref_slice %arg6[%arg0, %mul3A_140, %dma_wait3A_146] : memref<2x10240x128xf32, #tpu.memory_space<hbm>> -> memref<1x640x128xf32, #tpu.memory_space<hbm>>
      %dma_wait3A_148 = tpu.memref_squeeze %dma_wait3A_147 : memref<1x640x128xf32, #tpu.memory_space<hbm>> -> memref<640x128xf32, #tpu.memory_space<hbm>>
      %dma_wait3A_149 = arith.constant 0 : i32
      %dma_wait3A_150 = tpu.memref_slice %arg14[%mul3A_138, %dma_wait3A_149] : memref<10240x128xf32, #tpu.memory_space<vmem_shared>> -> memref<640x128xf32, #tpu.memory_space<vmem_shared>>
      tpu.wait_dma2 semaphore(%run_scoped3A : memref<!tpu.dma_semaphore, #tpu.memory_space<semaphore_mem>>) src(%dma_wait3A_150 : memref<640x128xf32, #tpu.memory_space<vmem_shared>>) dst(%dma_wait3A_148 : memref<640x128xf32, #tpu.memory_space<hbm>>)
      tpu.yield
    }) : () -> ()
    return
  }
}

#map = affine_map<(d0, d1) -> (0, 0)>
#map1 = affine_map<(d0, d1) -> (0)>
module attributes {stable_mosaic.version = 14 : i64} {
  func.func @gather_kernel(%arg0: i32, %arg1: i32, %arg2: memref<10240x128xf32, #tpu.memory_space<hbm>>, %arg3: memref<10240x128xf32, #tpu.memory_space<hbm>>, %arg4: memref<5120xi32, #tpu.memory_space<hbm>>, %arg5: memref<5120x128xf32, #tpu.memory_space<hbm>>, %arg6: memref<5120x128xf32, #tpu.memory_space<hbm>>, %arg7: memref<80xi32, #tpu.memory_space<vmem>>, %arg8: memref<80x128xf32, #tpu.memory_space<vmem>>, %arg9: memref<!tpu.dma_semaphore, #tpu.memory_space<semaphore_mem>>) attributes {dimension_semantics = [#tpu.dimension_semantics<core_parallel>, #tpu.dimension_semantics<subcore_parallel>], iteration_bounds = array<i64: 2, 16>, scalar_prefetch = 0 : i64, scratch_operands = 3 : i64, tpu.core_type = #tpu.core_type<sc_vector_subcore>, window_params = [{transform_indices = #map}, {transform_indices = #map}, {transform_indices = #map1}, {transform_indices = #map}, {transform_indices = #map}]} {
    %mul3A = arith.constant 16 : i32
    %mul3A_0 = arith.muli %arg0, %mul3A : i32
    %add3A = arith.addi %mul3A_0, %arg1 : i32
    %mul3A_1 = arith.constant 160 : i32
    %mul3A_2 = arith.muli %add3A, %mul3A_1 : i32
    %add3A_3 = arith.constant 0 : i32
    %add3A_4 = arith.addi %mul3A_2, %add3A_3 : i32
    "tpu.region"() ({
      %run_scoped3A = tpu.sem_alloc : memref<!tpu.dma_semaphore, #tpu.memory_space<semaphore_mem>>
      %dma_start3A_31 = tpu.memref_slice %arg4[%add3A_4] : memref<5120xi32, #tpu.memory_space<hbm>> -> memref<80xi32, #tpu.memory_space<hbm>>
      %dma_start3A_32 = tpu.memref_slice %arg4[%add3A_4] : memref<5120xi32, #tpu.memory_space<hbm>> -> memref<80xi32, #tpu.memory_space<hbm>>
      tpu.enqueue_dma source(%dma_start3A_32 : memref<80xi32, #tpu.memory_space<hbm>>) target(%arg7 : memref<80xi32, #tpu.memory_space<vmem>>) target_semaphore(%run_scoped3A : memref<!tpu.dma_semaphore, #tpu.memory_space<semaphore_mem>>)
      %dma_wait3A_33 = tpu.memref_slice %arg4[%add3A_4] : memref<5120xi32, #tpu.memory_space<hbm>> -> memref<80xi32, #tpu.memory_space<hbm>>
      %dma_wait3A_34 = tpu.memref_slice %arg4[%add3A_4] : memref<5120xi32, #tpu.memory_space<hbm>> -> memref<80xi32, #tpu.memory_space<hbm>>
      tpu.wait_dma2 semaphore(%run_scoped3A : memref<!tpu.dma_semaphore, #tpu.memory_space<semaphore_mem>>) src(%dma_wait3A_34 : memref<80xi32, #tpu.memory_space<hbm>>) dst(%arg7 : memref<80xi32, #tpu.memory_space<vmem>>)
      tpu.yield
    }) : () -> ()
    %dma_start3A = arith.constant 0 : i32
    %dma_start3A_5 = arith.constant 0 : i32
    %dma_start3A_6 = tpu.memref_slice %arg2[%dma_start3A, %dma_start3A_5] : memref<10240x128xf32, #tpu.memory_space<hbm>> -> memref<10240x128xf32, #tpu.memory_space<hbm>>
    tpu.enqueue_indirect_dma source(%dma_start3A_6 : memref<10240x128xf32, #tpu.memory_space<hbm>>) target(%arg8 : memref<80x128xf32, #tpu.memory_space<vmem>>) offsets(%arg7 : memref<80xi32, #tpu.memory_space<vmem>>) semaphore(%arg9 : memref<!tpu.dma_semaphore, #tpu.memory_space<semaphore_mem>>)
    %dma_wait3A = arith.constant 0 : i32
    %dma_wait3A_7 = arith.constant 0 : i32
    %dma_wait3A_8 = tpu.memref_slice %arg2[%dma_wait3A, %dma_wait3A_7] : memref<10240x128xf32, #tpu.memory_space<hbm>> -> memref<10240x128xf32, #tpu.memory_space<hbm>>
    tpu.wait_indirect_dma semaphore(%arg9 : memref<!tpu.dma_semaphore, #tpu.memory_space<semaphore_mem>>) src(%dma_wait3A_8 : memref<10240x128xf32, #tpu.memory_space<hbm>>) dst(%arg8 : memref<80x128xf32, #tpu.memory_space<vmem>>)
    "tpu.region"() ({
      %run_scoped3A = tpu.sem_alloc : memref<!tpu.dma_semaphore, #tpu.memory_space<semaphore_mem>>
      %dma_start3A_31 = arith.constant 0 : i32
      %dma_start3A_32 = tpu.memref_slice %arg5[%add3A_4, %dma_start3A_31] : memref<5120x128xf32, #tpu.memory_space<hbm>> -> memref<80x128xf32, #tpu.memory_space<hbm>>
      %dma_start3A_33 = arith.constant 0 : i32
      %dma_start3A_34 = tpu.memref_slice %arg5[%add3A_4, %dma_start3A_33] : memref<5120x128xf32, #tpu.memory_space<hbm>> -> memref<80x128xf32, #tpu.memory_space<hbm>>
      tpu.enqueue_dma source(%arg8 : memref<80x128xf32, #tpu.memory_space<vmem>>) target(%dma_start3A_34 : memref<80x128xf32, #tpu.memory_space<hbm>>) target_semaphore(%run_scoped3A : memref<!tpu.dma_semaphore, #tpu.memory_space<semaphore_mem>>)
      %dma_wait3A_35 = arith.constant 0 : i32
      %dma_wait3A_36 = tpu.memref_slice %arg5[%add3A_4, %dma_wait3A_35] : memref<5120x128xf32, #tpu.memory_space<hbm>> -> memref<80x128xf32, #tpu.memory_space<hbm>>
      %dma_wait3A_37 = arith.constant 0 : i32
      %dma_wait3A_38 = tpu.memref_slice %arg5[%add3A_4, %dma_wait3A_37] : memref<5120x128xf32, #tpu.memory_space<hbm>> -> memref<80x128xf32, #tpu.memory_space<hbm>>
      tpu.wait_dma2 semaphore(%run_scoped3A : memref<!tpu.dma_semaphore, #tpu.memory_space<semaphore_mem>>) src(%arg8 : memref<80x128xf32, #tpu.memory_space<vmem>>) dst(%dma_wait3A_38 : memref<80x128xf32, #tpu.memory_space<hbm>>)
      tpu.yield
    }) : () -> ()
    %dma_start3A_9 = arith.constant 0 : i32
    %dma_start3A_10 = arith.constant 0 : i32
    %dma_start3A_11 = tpu.memref_slice %arg3[%dma_start3A_9, %dma_start3A_10] : memref<10240x128xf32, #tpu.memory_space<hbm>> -> memref<10240x128xf32, #tpu.memory_space<hbm>>
    tpu.enqueue_indirect_dma source(%dma_start3A_11 : memref<10240x128xf32, #tpu.memory_space<hbm>>) target(%arg8 : memref<80x128xf32, #tpu.memory_space<vmem>>) offsets(%arg7 : memref<80xi32, #tpu.memory_space<vmem>>) semaphore(%arg9 : memref<!tpu.dma_semaphore, #tpu.memory_space<semaphore_mem>>)
    %dma_wait3A_12 = arith.constant 0 : i32
    %dma_wait3A_13 = arith.constant 0 : i32
    %dma_wait3A_14 = tpu.memref_slice %arg3[%dma_wait3A_12, %dma_wait3A_13] : memref<10240x128xf32, #tpu.memory_space<hbm>> -> memref<10240x128xf32, #tpu.memory_space<hbm>>
    tpu.wait_indirect_dma semaphore(%arg9 : memref<!tpu.dma_semaphore, #tpu.memory_space<semaphore_mem>>) src(%dma_wait3A_14 : memref<10240x128xf32, #tpu.memory_space<hbm>>) dst(%arg8 : memref<80x128xf32, #tpu.memory_space<vmem>>)
    "tpu.region"() ({
      %run_scoped3A = tpu.sem_alloc : memref<!tpu.dma_semaphore, #tpu.memory_space<semaphore_mem>>
      %dma_start3A_31 = arith.constant 0 : i32
      %dma_start3A_32 = tpu.memref_slice %arg6[%add3A_4, %dma_start3A_31] : memref<5120x128xf32, #tpu.memory_space<hbm>> -> memref<80x128xf32, #tpu.memory_space<hbm>>
      %dma_start3A_33 = arith.constant 0 : i32
      %dma_start3A_34 = tpu.memref_slice %arg6[%add3A_4, %dma_start3A_33] : memref<5120x128xf32, #tpu.memory_space<hbm>> -> memref<80x128xf32, #tpu.memory_space<hbm>>
      tpu.enqueue_dma source(%arg8 : memref<80x128xf32, #tpu.memory_space<vmem>>) target(%dma_start3A_34 : memref<80x128xf32, #tpu.memory_space<hbm>>) target_semaphore(%run_scoped3A : memref<!tpu.dma_semaphore, #tpu.memory_space<semaphore_mem>>)
      %dma_wait3A_35 = arith.constant 0 : i32
      %dma_wait3A_36 = tpu.memref_slice %arg6[%add3A_4, %dma_wait3A_35] : memref<5120x128xf32, #tpu.memory_space<hbm>> -> memref<80x128xf32, #tpu.memory_space<hbm>>
      %dma_wait3A_37 = arith.constant 0 : i32
      %dma_wait3A_38 = tpu.memref_slice %arg6[%add3A_4, %dma_wait3A_37] : memref<5120x128xf32, #tpu.memory_space<hbm>> -> memref<80x128xf32, #tpu.memory_space<hbm>>
      tpu.wait_dma2 semaphore(%run_scoped3A : memref<!tpu.dma_semaphore, #tpu.memory_space<semaphore_mem>>) src(%arg8 : memref<80x128xf32, #tpu.memory_space<vmem>>) dst(%dma_wait3A_38 : memref<80x128xf32, #tpu.memory_space<hbm>>)
      tpu.yield
    }) : () -> ()
    %mul3A_15 = arith.constant 160 : i32
    %mul3A_16 = arith.muli %add3A, %mul3A_15 : i32
    %add3A_17 = arith.constant 80 : i32
    %add3A_18 = arith.addi %mul3A_16, %add3A_17 : i32
    "tpu.region"() ({
      %run_scoped3A = tpu.sem_alloc : memref<!tpu.dma_semaphore, #tpu.memory_space<semaphore_mem>>
      %dma_start3A_31 = tpu.memref_slice %arg4[%add3A_18] : memref<5120xi32, #tpu.memory_space<hbm>> -> memref<80xi32, #tpu.memory_space<hbm>>
      %dma_start3A_32 = tpu.memref_slice %arg4[%add3A_18] : memref<5120xi32, #tpu.memory_space<hbm>> -> memref<80xi32, #tpu.memory_space<hbm>>
      tpu.enqueue_dma source(%dma_start3A_32 : memref<80xi32, #tpu.memory_space<hbm>>) target(%arg7 : memref<80xi32, #tpu.memory_space<vmem>>) target_semaphore(%run_scoped3A : memref<!tpu.dma_semaphore, #tpu.memory_space<semaphore_mem>>)
      %dma_wait3A_33 = tpu.memref_slice %arg4[%add3A_18] : memref<5120xi32, #tpu.memory_space<hbm>> -> memref<80xi32, #tpu.memory_space<hbm>>
      %dma_wait3A_34 = tpu.memref_slice %arg4[%add3A_18] : memref<5120xi32, #tpu.memory_space<hbm>> -> memref<80xi32, #tpu.memory_space<hbm>>
      tpu.wait_dma2 semaphore(%run_scoped3A : memref<!tpu.dma_semaphore, #tpu.memory_space<semaphore_mem>>) src(%dma_wait3A_34 : memref<80xi32, #tpu.memory_space<hbm>>) dst(%arg7 : memref<80xi32, #tpu.memory_space<vmem>>)
      tpu.yield
    }) : () -> ()
    %dma_start3A_19 = arith.constant 0 : i32
    %dma_start3A_20 = arith.constant 0 : i32
    %dma_start3A_21 = tpu.memref_slice %arg2[%dma_start3A_19, %dma_start3A_20] : memref<10240x128xf32, #tpu.memory_space<hbm>> -> memref<10240x128xf32, #tpu.memory_space<hbm>>
    tpu.enqueue_indirect_dma source(%dma_start3A_21 : memref<10240x128xf32, #tpu.memory_space<hbm>>) target(%arg8 : memref<80x128xf32, #tpu.memory_space<vmem>>) offsets(%arg7 : memref<80xi32, #tpu.memory_space<vmem>>) semaphore(%arg9 : memref<!tpu.dma_semaphore, #tpu.memory_space<semaphore_mem>>)
    %dma_wait3A_22 = arith.constant 0 : i32
    %dma_wait3A_23 = arith.constant 0 : i32
    %dma_wait3A_24 = tpu.memref_slice %arg2[%dma_wait3A_22, %dma_wait3A_23] : memref<10240x128xf32, #tpu.memory_space<hbm>> -> memref<10240x128xf32, #tpu.memory_space<hbm>>
    tpu.wait_indirect_dma semaphore(%arg9 : memref<!tpu.dma_semaphore, #tpu.memory_space<semaphore_mem>>) src(%dma_wait3A_24 : memref<10240x128xf32, #tpu.memory_space<hbm>>) dst(%arg8 : memref<80x128xf32, #tpu.memory_space<vmem>>)
    "tpu.region"() ({
      %run_scoped3A = tpu.sem_alloc : memref<!tpu.dma_semaphore, #tpu.memory_space<semaphore_mem>>
      %dma_start3A_31 = arith.constant 0 : i32
      %dma_start3A_32 = tpu.memref_slice %arg5[%add3A_18, %dma_start3A_31] : memref<5120x128xf32, #tpu.memory_space<hbm>> -> memref<80x128xf32, #tpu.memory_space<hbm>>
      %dma_start3A_33 = arith.constant 0 : i32
      %dma_start3A_34 = tpu.memref_slice %arg5[%add3A_18, %dma_start3A_33] : memref<5120x128xf32, #tpu.memory_space<hbm>> -> memref<80x128xf32, #tpu.memory_space<hbm>>
      tpu.enqueue_dma source(%arg8 : memref<80x128xf32, #tpu.memory_space<vmem>>) target(%dma_start3A_34 : memref<80x128xf32, #tpu.memory_space<hbm>>) target_semaphore(%run_scoped3A : memref<!tpu.dma_semaphore, #tpu.memory_space<semaphore_mem>>)
      %dma_wait3A_35 = arith.constant 0 : i32
      %dma_wait3A_36 = tpu.memref_slice %arg5[%add3A_18, %dma_wait3A_35] : memref<5120x128xf32, #tpu.memory_space<hbm>> -> memref<80x128xf32, #tpu.memory_space<hbm>>
      %dma_wait3A_37 = arith.constant 0 : i32
      %dma_wait3A_38 = tpu.memref_slice %arg5[%add3A_18, %dma_wait3A_37] : memref<5120x128xf32, #tpu.memory_space<hbm>> -> memref<80x128xf32, #tpu.memory_space<hbm>>
      tpu.wait_dma2 semaphore(%run_scoped3A : memref<!tpu.dma_semaphore, #tpu.memory_space<semaphore_mem>>) src(%arg8 : memref<80x128xf32, #tpu.memory_space<vmem>>) dst(%dma_wait3A_38 : memref<80x128xf32, #tpu.memory_space<hbm>>)
      tpu.yield
    }) : () -> ()
    %dma_start3A_25 = arith.constant 0 : i32
    %dma_start3A_26 = arith.constant 0 : i32
    %dma_start3A_27 = tpu.memref_slice %arg3[%dma_start3A_25, %dma_start3A_26] : memref<10240x128xf32, #tpu.memory_space<hbm>> -> memref<10240x128xf32, #tpu.memory_space<hbm>>
    tpu.enqueue_indirect_dma source(%dma_start3A_27 : memref<10240x128xf32, #tpu.memory_space<hbm>>) target(%arg8 : memref<80x128xf32, #tpu.memory_space<vmem>>) offsets(%arg7 : memref<80xi32, #tpu.memory_space<vmem>>) semaphore(%arg9 : memref<!tpu.dma_semaphore, #tpu.memory_space<semaphore_mem>>)
    %dma_wait3A_28 = arith.constant 0 : i32
    %dma_wait3A_29 = arith.constant 0 : i32
    %dma_wait3A_30 = tpu.memref_slice %arg3[%dma_wait3A_28, %dma_wait3A_29] : memref<10240x128xf32, #tpu.memory_space<hbm>> -> memref<10240x128xf32, #tpu.memory_space<hbm>>
    tpu.wait_indirect_dma semaphore(%arg9 : memref<!tpu.dma_semaphore, #tpu.memory_space<semaphore_mem>>) src(%dma_wait3A_30 : memref<10240x128xf32, #tpu.memory_space<hbm>>) dst(%arg8 : memref<80x128xf32, #tpu.memory_space<vmem>>)
    "tpu.region"() ({
      %run_scoped3A = tpu.sem_alloc : memref<!tpu.dma_semaphore, #tpu.memory_space<semaphore_mem>>
      %dma_start3A_31 = arith.constant 0 : i32
      %dma_start3A_32 = tpu.memref_slice %arg6[%add3A_18, %dma_start3A_31] : memref<5120x128xf32, #tpu.memory_space<hbm>> -> memref<80x128xf32, #tpu.memory_space<hbm>>
      %dma_start3A_33 = arith.constant 0 : i32
      %dma_start3A_34 = tpu.memref_slice %arg6[%add3A_18, %dma_start3A_33] : memref<5120x128xf32, #tpu.memory_space<hbm>> -> memref<80x128xf32, #tpu.memory_space<hbm>>
      tpu.enqueue_dma source(%arg8 : memref<80x128xf32, #tpu.memory_space<vmem>>) target(%dma_start3A_34 : memref<80x128xf32, #tpu.memory_space<hbm>>) target_semaphore(%run_scoped3A : memref<!tpu.dma_semaphore, #tpu.memory_space<semaphore_mem>>)
      %dma_wait3A_35 = arith.constant 0 : i32
      %dma_wait3A_36 = tpu.memref_slice %arg6[%add3A_18, %dma_wait3A_35] : memref<5120x128xf32, #tpu.memory_space<hbm>> -> memref<80x128xf32, #tpu.memory_space<hbm>>
      %dma_wait3A_37 = arith.constant 0 : i32
      %dma_wait3A_38 = tpu.memref_slice %arg6[%add3A_18, %dma_wait3A_37] : memref<5120x128xf32, #tpu.memory_space<hbm>> -> memref<80x128xf32, #tpu.memory_space<hbm>>
      tpu.wait_dma2 semaphore(%run_scoped3A : memref<!tpu.dma_semaphore, #tpu.memory_space<semaphore_mem>>) src(%arg8 : memref<80x128xf32, #tpu.memory_space<vmem>>) dst(%dma_wait3A_38 : memref<80x128xf32, #tpu.memory_space<hbm>>)
      tpu.yield
    }) : () -> ()
    return
  }
}

module attributes {stable_mosaic.version = 14 : i64} {
  func.func @_pre_body(%arg0: i32, %arg1: memref<256x128xf32, #tpu.memory_space<vmem>>, %arg2: memref<256x1xf32, #tpu.memory_space<vmem>>, %arg3: memref<1x128xf32, #tpu.memory_space<vmem>>, %arg4: memref<128x128xf32, #tpu.memory_space<vmem>>, %arg5: memref<2x256x128xf32, #tpu.memory_space<vmem>>, %arg6: memref<256x128xf32, #tpu.memory_space<vmem>>, %arg7: memref<256x1xf32, #tpu.memory_space<vmem>>) attributes {dimension_semantics = [#tpu.dimension_semantics<arbitrary>], iteration_bounds = array<i64: 40>, scalar_prefetch = 0 : i64, scratch_operands = 0 : i64, tpu.core_type = #tpu.core_type<tc>, window_params = [{transform_indices = @transform_0, window_bounds = array<i64: 256, 128>}, {transform_indices = @transform_1, window_bounds = array<i64: 256, 1>}, {pipeline_mode = #tpu.pipeline_mode<synchronous>, transform_indices = @transform_2, window_bounds = array<i64: 1, 128>}, {pipeline_mode = #tpu.pipeline_mode<synchronous>, transform_indices = @transform_3, window_bounds = array<i64: 128, 128>}, {transform_indices = @transform_4, window_bounds = array<i64: 2, 256, 128>}, {transform_indices = @transform_5, window_bounds = array<i64: 256, 128>}, {transform_indices = @transform_6, window_bounds = array<i64: 256, 1>}]} {
    %get3A = arith.constant 0 : index
    %get3A_0 = arith.constant 0 : index
    %get3A_1 = arith.constant 0 : index
    %get3A_2 = vector.load %arg5[%get3A, %get3A_0, %get3A_1] : memref<2x256x128xf32, #tpu.memory_space<vmem>>, vector<2x256x128xf32>
    %slice3A = vector.extract_strided_slice %get3A_2 {offsets = [0, 0, 0], sizes = [1, 256, 1], strides = [1, 1, 1]} : vector<2x256x128xf32> to vector<1x256x1xf32>
    %squeeze3A = vector.shape_cast %slice3A : vector<1x256x1xf32> to vector<256x1xf32>
    %slice3A_3 = vector.extract_strided_slice %get3A_2 {offsets = [1, 0, 0], sizes = [1, 256, 1], strides = [1, 1, 1]} : vector<2x256x128xf32> to vector<1x256x1xf32>
    %squeeze3A_4 = vector.shape_cast %slice3A_3 : vector<1x256x1xf32> to vector<256x1xf32>
    %add3A = arith.addf %squeeze3A, %squeeze3A_4 : vector<256x1xf32>
    %add3A_5 = arith.constant 1.000000e+00 : f32
    %add3A_6 = vector.broadcast %add3A_5 : f32 to vector<256x1xf32>
    %add3A_7 = arith.addf %add3A, %add3A_6 : vector<256x1xf32>
    %iota3A = tpu.iota {dimensions = array<i32: 0>} : vector<256x1xi32>
    %mul3A = arith.constant 256 : i32
    %mul3A_8 = arith.muli %arg0, %mul3A : i32
    %add3A_9 = vector.broadcast %mul3A_8 : i32 to vector<256x1xi32>
    %add3A_10 = arith.addi %iota3A, %add3A_9 : vector<256x1xi32>
    %rsqrt3A = math.rsqrt %add3A_7 : vector<256x1xf32>
    %lt3A = arith.constant 10000 : i32
    %lt3A_11 = vector.broadcast %lt3A : i32 to vector<256x1xi32>
    %lt3A_12 = arith.cmpi slt, %add3A_10, %lt3A_11 : vector<256x1xi32>
    %convert_element_type3A = arith.extui %lt3A_12 : vector<256x1xi1> to vector<256x1xi32>
    %convert_element_type3A_13 = arith.sitofp %convert_element_type3A : vector<256x1xi32> to vector<256x1xf32>
    %mul3A_14 = arith.mulf %rsqrt3A, %convert_element_type3A_13 : vector<256x1xf32>
    %get3A_15 = arith.constant 0 : index
    %get3A_16 = arith.constant 0 : index
    %get3A_17 = vector.load %arg2[%get3A_15, %get3A_16] : memref<256x1xf32, #tpu.memory_space<vmem>>, vector<256x1xf32>
    %get3A_18 = arith.constant 0 : index
    %get3A_19 = arith.constant 0 : index
    %get3A_20 = vector.load %arg1[%get3A_18, %get3A_19] : memref<256x128xf32, #tpu.memory_space<vmem>>, vector<256x128xf32>
    %sub3A = arith.constant 1.000000e+00 : f32
    %sub3A_21 = vector.broadcast %sub3A : f32 to vector<256x1xf32>
    %sub3A_22 = arith.subf %sub3A_21, %get3A_17 : vector<256x1xf32>
    %mul3A_23 = vector.broadcast %sub3A_22 : vector<256x1xf32> to vector<256x128xf32>
    %mul3A_24 = arith.mulf %get3A_20, %mul3A_23 : vector<256x128xf32>
    %get3A_25 = arith.constant 0 : index
    %get3A_26 = arith.constant 0 : index
    %get3A_27 = vector.load %arg3[%get3A_25, %get3A_26] : memref<1x128xf32, #tpu.memory_space<vmem>>, vector<1x128xf32>
    %mul3A_28 = vector.broadcast %get3A_27 : vector<1x128xf32> to vector<256x128xf32>
    %mul3A_29 = vector.broadcast %get3A_17 : vector<256x1xf32> to vector<256x128xf32>
    %mul3A_30 = arith.mulf %mul3A_28, %mul3A_29 : vector<256x128xf32>
    %add3A_31 = arith.addf %mul3A_24, %mul3A_30 : vector<256x128xf32>
    %get3A_32 = arith.constant 0 : index
    %get3A_33 = arith.constant 0 : index
    %get3A_34 = vector.load %arg4[%get3A_32, %get3A_33] : memref<128x128xf32, #tpu.memory_space<vmem>>, vector<128x128xf32>
    %dot_general3A = arith.constant dense<0.000000e+00> : vector<256x128xf32>
    %dot_general3A_35 = tpu.matmul %add3A_31, %get3A_34, %dot_general3A {dimension_numbers = #tpu.dot_dimension_numbers<[1], [0], [0], [1], [0, 0, 1, 1], [], []>, transpose_lhs_hint = false} : vector<256x128xf32>, vector<128x128xf32>, vector<256x128xf32> -> vector<256x128xf32>
    %mul3A_36 = vector.broadcast %mul3A_14 : vector<256x1xf32> to vector<256x128xf32>
    %mul3A_37 = arith.mulf %dot_general3A_35, %mul3A_36 : vector<256x128xf32>
    %swap3A = arith.constant 0 : index
    %swap3A_38 = arith.constant 0 : index
    %swap3A_39 = vector.load %arg6[%swap3A, %swap3A_38] : memref<256x128xf32, #tpu.memory_space<vmem>>, vector<256x128xf32>
    tpu.vector_store %arg6[%swap3A, %swap3A_38], %mul3A_37 {strides = array<i32>} : memref<256x128xf32, #tpu.memory_space<vmem>>, vector<256x128xf32>,
    %swap3A_40 = arith.constant 0 : index
    %swap3A_41 = arith.constant 0 : index
    %swap3A_42 = vector.load %arg7[%swap3A_40, %swap3A_41] : memref<256x1xf32, #tpu.memory_space<vmem>>, vector<256x1xf32>
    tpu.vector_store %arg7[%swap3A_40, %swap3A_41], %mul3A_14 {strides = array<i32>} : memref<256x1xf32, #tpu.memory_space<vmem>>, vector<256x1xf32>,
    return
  }
  func.func @transform_0(%arg0: i32) -> (i32, i32) {
    %c0_i32 = arith.constant 0 : i32
    %c0_i32_0 = arith.constant 0 : i32
    return %arg0, %c0_i32 : i32, i32
  }
  func.func @transform_1(%arg0: i32) -> (i32, i32) {
    %c0_i32 = arith.constant 0 : i32
    %c0_i32_0 = arith.constant 0 : i32
    return %arg0, %c0_i32 : i32, i32
  }
  func.func @transform_2(%arg0: i32) -> (i32, i32) {
    %c0_i32 = arith.constant 0 : i32
    %c0_i32_0 = arith.constant 0 : i32
    %c0_i32_1 = arith.constant 0 : i32
    return %c0_i32, %c0_i32_0 : i32, i32
  }
  func.func @transform_3(%arg0: i32) -> (i32, i32) {
    %c0_i32 = arith.constant 0 : i32
    %c0_i32_0 = arith.constant 0 : i32
    %c0_i32_1 = arith.constant 0 : i32
    return %c0_i32, %c0_i32_0 : i32, i32
  }
  func.func @transform_4(%arg0: i32) -> (i32, i32, i32) {
    %c0_i32 = arith.constant 0 : i32
    %c0_i32_0 = arith.constant 0 : i32
    %c0_i32_1 = arith.constant 0 : i32
    return %c0_i32, %arg0, %c0_i32_0 : i32, i32, i32
  }
  func.func @transform_5(%arg0: i32) -> (i32, i32) {
    %c0_i32 = arith.constant 0 : i32
    %c0_i32_0 = arith.constant 0 : i32
    return %arg0, %c0_i32 : i32, i32
  }
  func.func @transform_6(%arg0: i32) -> (i32, i32) {
    %c0_i32 = arith.constant 0 : i32
    %c0_i32_0 = arith.constant 0 : i32
    return %arg0, %c0_i32 : i32, i32
  }
}

module attributes {stable_mosaic.version = 14 : i64} {
  func.func @_mid_body(%arg0: i32, %arg1: memref<2x256x128xf32, #tpu.memory_space<vmem>>, %arg2: memref<256x128xf32, #tpu.memory_space<vmem>>, %arg3: memref<256x1xf32, #tpu.memory_space<vmem>>, %arg4: memref<1x128xf32, #tpu.memory_space<vmem>>, %arg5: memref<128x128xf32, #tpu.memory_space<vmem>>, %arg6: memref<256x128xf32, #tpu.memory_space<vmem>>) attributes {dimension_semantics = [#tpu.dimension_semantics<arbitrary>], iteration_bounds = array<i64: 40>, scalar_prefetch = 0 : i64, scratch_operands = 0 : i64, tpu.core_type = #tpu.core_type<tc>, window_params = [{transform_indices = @transform_0, window_bounds = array<i64: 2, 256, 128>}, {transform_indices = @transform_1, window_bounds = array<i64: 256, 128>}, {transform_indices = @transform_2, window_bounds = array<i64: 256, 1>}, {pipeline_mode = #tpu.pipeline_mode<synchronous>, transform_indices = @transform_3, window_bounds = array<i64: 1, 128>}, {pipeline_mode = #tpu.pipeline_mode<synchronous>, transform_indices = @transform_4, window_bounds = array<i64: 128, 128>}, {transform_indices = @transform_5, window_bounds = array<i64: 256, 128>}]} {
    %get3A = arith.constant 0 : index
    %get3A_0 = arith.constant 0 : index
    %get3A_1 = arith.constant 0 : index
    %get3A_2 = vector.load %arg1[%get3A, %get3A_0, %get3A_1] : memref<2x256x128xf32, #tpu.memory_space<vmem>>, vector<2x256x128xf32>
    %slice3A = vector.extract_strided_slice %get3A_2 {offsets = [0, 0, 0], sizes = [1, 256, 128], strides = [1, 1, 1]} : vector<2x256x128xf32> to vector<1x256x128xf32>
    %squeeze3A = vector.shape_cast %slice3A : vector<1x256x128xf32> to vector<256x128xf32>
    %slice3A_3 = vector.extract_strided_slice %get3A_2 {offsets = [1, 0, 0], sizes = [1, 256, 128], strides = [1, 1, 1]} : vector<2x256x128xf32> to vector<1x256x128xf32>
    %squeeze3A_4 = vector.shape_cast %slice3A_3 : vector<1x256x128xf32> to vector<256x128xf32>
    %add3A = arith.addf %squeeze3A, %squeeze3A_4 : vector<256x128xf32>
    %get3A_5 = arith.constant 0 : index
    %get3A_6 = arith.constant 0 : index
    %get3A_7 = vector.load %arg2[%get3A_5, %get3A_6] : memref<256x128xf32, #tpu.memory_space<vmem>>, vector<256x128xf32>
    %add3A_8 = arith.addf %add3A, %get3A_7 : vector<256x128xf32>
    %get3A_9 = arith.constant 0 : index
    %get3A_10 = arith.constant 0 : index
    %get3A_11 = vector.load %arg3[%get3A_9, %get3A_10] : memref<256x1xf32, #tpu.memory_space<vmem>>, vector<256x1xf32>
    %mul3A = vector.broadcast %get3A_11 : vector<256x1xf32> to vector<256x128xf32>
    %mul3A_12 = arith.mulf %mul3A, %add3A_8 : vector<256x128xf32>
    %get3A_13 = arith.constant 0 : index
    %get3A_14 = arith.constant 0 : index
    %get3A_15 = vector.load %arg4[%get3A_13, %get3A_14] : memref<1x128xf32, #tpu.memory_space<vmem>>, vector<1x128xf32>
    %add3A_16 = vector.broadcast %get3A_15 : vector<1x128xf32> to vector<256x128xf32>
    %add3A_17 = arith.addf %mul3A_12, %add3A_16 : vector<256x128xf32>
    %max3A = arith.constant 0.000000e+00 : f32
    %max3A_18 = vector.broadcast %max3A : f32 to vector<256x128xf32>
    %max3A_19 = arith.maximumf %add3A_17, %max3A_18 : vector<256x128xf32>
    %get3A_20 = arith.constant 0 : index
    %get3A_21 = arith.constant 0 : index
    %get3A_22 = vector.load %arg5[%get3A_20, %get3A_21] : memref<128x128xf32, #tpu.memory_space<vmem>>, vector<128x128xf32>
    %dot_general3A = arith.constant dense<0.000000e+00> : vector<256x128xf32>
    %dot_general3A_23 = tpu.matmul %max3A_19, %get3A_22, %dot_general3A {dimension_numbers = #tpu.dot_dimension_numbers<[1], [0], [0], [1], [0, 0, 1, 1], [], []>, transpose_lhs_hint = false} : vector<256x128xf32>, vector<128x128xf32>, vector<256x128xf32> -> vector<256x128xf32>
    %mul3A_24 = vector.broadcast %get3A_11 : vector<256x1xf32> to vector<256x128xf32>
    %mul3A_25 = arith.mulf %dot_general3A_23, %mul3A_24 : vector<256x128xf32>
    %swap3A = arith.constant 0 : index
    %swap3A_26 = arith.constant 0 : index
    %swap3A_27 = vector.load %arg6[%swap3A, %swap3A_26] : memref<256x128xf32, #tpu.memory_space<vmem>>, vector<256x128xf32>
    tpu.vector_store %arg6[%swap3A, %swap3A_26], %mul3A_25 {strides = array<i32>} : memref<256x128xf32, #tpu.memory_space<vmem>>, vector<256x128xf32>,
    return
  }
  func.func @transform_0(%arg0: i32) -> (i32, i32, i32) {
    %c0_i32 = arith.constant 0 : i32
    %c0_i32_0 = arith.constant 0 : i32
    %c0_i32_1 = arith.constant 0 : i32
    return %c0_i32, %arg0, %c0_i32_0 : i32, i32, i32
  }
  func.func @transform_1(%arg0: i32) -> (i32, i32) {
    %c0_i32 = arith.constant 0 : i32
    %c0_i32_0 = arith.constant 0 : i32
    return %arg0, %c0_i32 : i32, i32
  }
  func.func @transform_2(%arg0: i32) -> (i32, i32) {
    %c0_i32 = arith.constant 0 : i32
    %c0_i32_0 = arith.constant 0 : i32
    return %arg0, %c0_i32 : i32, i32
  }
  func.func @transform_3(%arg0: i32) -> (i32, i32) {
    %c0_i32 = arith.constant 0 : i32
    %c0_i32_0 = arith.constant 0 : i32
    %c0_i32_1 = arith.constant 0 : i32
    return %c0_i32, %c0_i32_0 : i32, i32
  }
  func.func @transform_4(%arg0: i32) -> (i32, i32) {
    %c0_i32 = arith.constant 0 : i32
    %c0_i32_0 = arith.constant 0 : i32
    %c0_i32_1 = arith.constant 0 : i32
    return %c0_i32, %c0_i32_0 : i32, i32
  }
  func.func @transform_5(%arg0: i32) -> (i32, i32) {
    %c0_i32 = arith.constant 0 : i32
    %c0_i32_0 = arith.constant 0 : i32
    return %arg0, %c0_i32 : i32, i32
  }
}

module attributes {stable_mosaic.version = 14 : i64} {
  func.func @_post_body(%arg0: i32, %arg1: memref<2x256x128xf32, #tpu.memory_space<vmem>>, %arg2: memref<256x128xf32, #tpu.memory_space<vmem>>, %arg3: memref<256x1xf32, #tpu.memory_space<vmem>>, %arg4: memref<1x128xf32, #tpu.memory_space<vmem>>, %arg5: memref<128x128xf32, #tpu.memory_space<vmem>>, %arg6: memref<1x128xf32, #tpu.memory_space<vmem>>, %arg7: memref<128x128xf32, #tpu.memory_space<vmem>>, %arg8: memref<1x128xf32, #tpu.memory_space<vmem>>, %arg9: memref<128x128xf32, #tpu.memory_space<vmem>>, %arg10: memref<1x128xf32, #tpu.memory_space<vmem>>, %arg11: memref<256x128xf32, #tpu.memory_space<vmem>>) attributes {dimension_semantics = [#tpu.dimension_semantics<arbitrary>], iteration_bounds = array<i64: 40>, scalar_prefetch = 0 : i64, scratch_operands = 0 : i64, tpu.core_type = #tpu.core_type<tc>, window_params = [{transform_indices = @transform_0, window_bounds = array<i64: 2, 256, 128>}, {transform_indices = @transform_1, window_bounds = array<i64: 256, 128>}, {transform_indices = @transform_2, window_bounds = array<i64: 256, 1>}, {pipeline_mode = #tpu.pipeline_mode<synchronous>, transform_indices = @transform_3, window_bounds = array<i64: 1, 128>}, {pipeline_mode = #tpu.pipeline_mode<synchronous>, transform_indices = @transform_4, window_bounds = array<i64: 128, 128>}, {pipeline_mode = #tpu.pipeline_mode<synchronous>, transform_indices = @transform_5, window_bounds = array<i64: 1, 128>}, {pipeline_mode = #tpu.pipeline_mode<synchronous>, transform_indices = @transform_6, window_bounds = array<i64: 128, 128>}, {pipeline_mode = #tpu.pipeline_mode<synchronous>, transform_indices = @transform_7, window_bounds = array<i64: 1, 128>}, {pipeline_mode = #tpu.pipeline_mode<synchronous>, transform_indices = @transform_8, window_bounds = array<i64: 128, 128>}, {pipeline_mode = #tpu.pipeline_mode<synchronous>, transform_indices = @transform_9, window_bounds = array<i64: 1, 128>}, {transform_indices = @transform_10, window_bounds = array<i64: 256, 128>}]} {
    %get3A = arith.constant 0 : index
    %get3A_0 = arith.constant 0 : index
    %get3A_1 = arith.constant 0 : index
    %get3A_2 = vector.load %arg1[%get3A, %get3A_0, %get3A_1] : memref<2x256x128xf32, #tpu.memory_space<vmem>>, vector<2x256x128xf32>
    %slice3A = vector.extract_strided_slice %get3A_2 {offsets = [0, 0, 0], sizes = [1, 256, 128], strides = [1, 1, 1]} : vector<2x256x128xf32> to vector<1x256x128xf32>
    %squeeze3A = vector.shape_cast %slice3A : vector<1x256x128xf32> to vector<256x128xf32>
    %slice3A_3 = vector.extract_strided_slice %get3A_2 {offsets = [1, 0, 0], sizes = [1, 256, 128], strides = [1, 1, 1]} : vector<2x256x128xf32> to vector<1x256x128xf32>
    %squeeze3A_4 = vector.shape_cast %slice3A_3 : vector<1x256x128xf32> to vector<256x128xf32>
    %add3A = arith.addf %squeeze3A, %squeeze3A_4 : vector<256x128xf32>
    %get3A_5 = arith.constant 0 : index
    %get3A_6 = arith.constant 0 : index
    %get3A_7 = vector.load %arg2[%get3A_5, %get3A_6] : memref<256x128xf32, #tpu.memory_space<vmem>>, vector<256x128xf32>
    %add3A_8 = arith.addf %add3A, %get3A_7 : vector<256x128xf32>
    %get3A_9 = arith.constant 0 : index
    %get3A_10 = arith.constant 0 : index
    %get3A_11 = vector.load %arg3[%get3A_9, %get3A_10] : memref<256x1xf32, #tpu.memory_space<vmem>>, vector<256x1xf32>
    %mul3A = vector.broadcast %get3A_11 : vector<256x1xf32> to vector<256x128xf32>
    %mul3A_12 = arith.mulf %mul3A, %add3A_8 : vector<256x128xf32>
    %get3A_13 = arith.constant 0 : index
    %get3A_14 = arith.constant 0 : index
    %get3A_15 = vector.load %arg4[%get3A_13, %get3A_14] : memref<1x128xf32, #tpu.memory_space<vmem>>, vector<1x128xf32>
    %add3A_16 = vector.broadcast %get3A_15 : vector<1x128xf32> to vector<256x128xf32>
    %add3A_17 = arith.addf %mul3A_12, %add3A_16 : vector<256x128xf32>
    %max3A = arith.constant 0.000000e+00 : f32
    %max3A_18 = vector.broadcast %max3A : f32 to vector<256x128xf32>
    %max3A_19 = arith.maximumf %add3A_17, %max3A_18 : vector<256x128xf32>
    %get3A_20 = arith.constant 0 : index
    %get3A_21 = arith.constant 0 : index
    %get3A_22 = vector.load %arg5[%get3A_20, %get3A_21] : memref<128x128xf32, #tpu.memory_space<vmem>>, vector<128x128xf32>
    %dot_general3A = arith.constant dense<0.000000e+00> : vector<256x128xf32>
    %dot_general3A_23 = tpu.matmul %max3A_19, %get3A_22, %dot_general3A {dimension_numbers = #tpu.dot_dimension_numbers<[1], [0], [0], [1], [0, 0, 1, 1], [], []>, transpose_lhs_hint = false} : vector<256x128xf32>, vector<128x128xf32>, vector<256x128xf32> -> vector<256x128xf32>
    %get3A_24 = arith.constant 0 : index
    %get3A_25 = arith.constant 0 : index
    %get3A_26 = vector.load %arg6[%get3A_24, %get3A_25] : memref<1x128xf32, #tpu.memory_space<vmem>>, vector<1x128xf32>
    %add3A_27 = vector.broadcast %get3A_26 : vector<1x128xf32> to vector<256x128xf32>
    %add3A_28 = arith.addf %dot_general3A_23, %add3A_27 : vector<256x128xf32>
    %max3A_29 = arith.constant 0.000000e+00 : f32
    %max3A_30 = vector.broadcast %max3A_29 : f32 to vector<256x128xf32>
    %max3A_31 = arith.maximumf %add3A_28, %max3A_30 : vector<256x128xf32>
    %get3A_32 = arith.constant 0 : index
    %get3A_33 = arith.constant 0 : index
    %get3A_34 = vector.load %arg7[%get3A_32, %get3A_33] : memref<128x128xf32, #tpu.memory_space<vmem>>, vector<128x128xf32>
    %dot_general3A_35 = arith.constant dense<0.000000e+00> : vector<256x128xf32>
    %dot_general3A_36 = tpu.matmul %max3A_31, %get3A_34, %dot_general3A_35 {dimension_numbers = #tpu.dot_dimension_numbers<[1], [0], [0], [1], [0, 0, 1, 1], [], []>, transpose_lhs_hint = false} : vector<256x128xf32>, vector<128x128xf32>, vector<256x128xf32> -> vector<256x128xf32>
    %get3A_37 = arith.constant 0 : index
    %get3A_38 = arith.constant 0 : index
    %get3A_39 = vector.load %arg8[%get3A_37, %get3A_38] : memref<1x128xf32, #tpu.memory_space<vmem>>, vector<1x128xf32>
    %add3A_40 = vector.broadcast %get3A_39 : vector<1x128xf32> to vector<256x128xf32>
    %add3A_41 = arith.addf %dot_general3A_36, %add3A_40 : vector<256x128xf32>
    %max3A_42 = arith.constant 0.000000e+00 : f32
    %max3A_43 = vector.broadcast %max3A_42 : f32 to vector<256x128xf32>
    %max3A_44 = arith.maximumf %add3A_41, %max3A_43 : vector<256x128xf32>
    %get3A_45 = arith.constant 0 : index
    %get3A_46 = arith.constant 0 : index
    %get3A_47 = vector.load %arg9[%get3A_45, %get3A_46] : memref<128x128xf32, #tpu.memory_space<vmem>>, vector<128x128xf32>
    %dot_general3A_48 = arith.constant dense<0.000000e+00> : vector<256x128xf32>
    %dot_general3A_49 = tpu.matmul %max3A_44, %get3A_47, %dot_general3A_48 {dimension_numbers = #tpu.dot_dimension_numbers<[1], [0], [0], [1], [0, 0, 1, 1], [], []>, transpose_lhs_hint = false} : vector<256x128xf32>, vector<128x128xf32>, vector<256x128xf32> -> vector<256x128xf32>
    %get3A_50 = arith.constant 0 : index
    %get3A_51 = arith.constant 0 : index
    %get3A_52 = vector.load %arg10[%get3A_50, %get3A_51] : memref<1x128xf32, #tpu.memory_space<vmem>>, vector<1x128xf32>
    %add3A_53 = vector.broadcast %get3A_52 : vector<1x128xf32> to vector<256x128xf32>
    %add3A_54 = arith.addf %dot_general3A_49, %add3A_53 : vector<256x128xf32>
    %swap3A = arith.constant 0 : index
    %swap3A_55 = arith.constant 0 : index
    %swap3A_56 = vector.load %arg11[%swap3A, %swap3A_55] : memref<256x128xf32, #tpu.memory_space<vmem>>, vector<256x128xf32>
    tpu.vector_store %arg11[%swap3A, %swap3A_55], %add3A_54 {strides = array<i32>} : memref<256x128xf32, #tpu.memory_space<vmem>>, vector<256x128xf32>,
    return
  }
  func.func @transform_0(%arg0: i32) -> (i32, i32, i32) {
    %c0_i32 = arith.constant 0 : i32
    %c0_i32_0 = arith.constant 0 : i32
    %c0_i32_1 = arith.constant 0 : i32
    return %c0_i32, %arg0, %c0_i32_0 : i32, i32, i32
  }
  func.func @transform_1(%arg0: i32) -> (i32, i32) {
    %c0_i32 = arith.constant 0 : i32
    %c0_i32_0 = arith.constant 0 : i32
    return %arg0, %c0_i32 : i32, i32
  }
  func.func @transform_2(%arg0: i32) -> (i32, i32) {
    %c0_i32 = arith.constant 0 : i32
    %c0_i32_0 = arith.constant 0 : i32
    return %arg0, %c0_i32 : i32, i32
  }
  func.func @transform_3(%arg0: i32) -> (i32, i32) {
    %c0_i32 = arith.constant 0 : i32
    %c0_i32_0 = arith.constant 0 : i32
    %c0_i32_1 = arith.constant 0 : i32
    return %c0_i32, %c0_i32_0 : i32, i32
  }
  func.func @transform_4(%arg0: i32) -> (i32, i32) {
    %c0_i32 = arith.constant 0 : i32
    %c0_i32_0 = arith.constant 0 : i32
    %c0_i32_1 = arith.constant 0 : i32
    return %c0_i32, %c0_i32_0 : i32, i32
  }
  func.func @transform_5(%arg0: i32) -> (i32, i32) {
    %c0_i32 = arith.constant 0 : i32
    %c0_i32_0 = arith.constant 0 : i32
    %c0_i32_1 = arith.constant 0 : i32
    return %c0_i32, %c0_i32_0 : i32, i32
  }
  func.func @transform_6(%arg0: i32) -> (i32, i32) {
    %c0_i32 = arith.constant 0 : i32
    %c0_i32_0 = arith.constant 0 : i32
    %c0_i32_1 = arith.constant 0 : i32
    return %c0_i32, %c0_i32_0 : i32, i32
  }
  func.func @transform_7(%arg0: i32) -> (i32, i32) {
    %c0_i32 = arith.constant 0 : i32
    %c0_i32_0 = arith.constant 0 : i32
    %c0_i32_1 = arith.constant 0 : i32
    return %c0_i32, %c0_i32_0 : i32, i32
  }
  func.func @transform_8(%arg0: i32) -> (i32, i32) {
    %c0_i32 = arith.constant 0 : i32
    %c0_i32_0 = arith.constant 0 : i32
    %c0_i32_1 = arith.constant 0 : i32
    return %c0_i32, %c0_i32_0 : i32, i32
  }
  func.func @transform_9(%arg0: i32) -> (i32, i32) {
    %c0_i32 = arith.constant 0 : i32
    %c0_i32_0 = arith.constant 0 : i32
    %c0_i32_1 = arith.constant 0 : i32
    return %c0_i32, %c0_i32_0 : i32, i32
  }
  func.func @transform_10(%arg0: i32) -> (i32, i32) {
    %c0_i32 = arith.constant 0 : i32
    %c0_i32_0 = arith.constant 0 : i32
    return %arg0, %c0_i32 : i32, i32
  }
}

</mosaic_0001>

<sc_bundles>
// kernel: kernel.11.cloned.1.call-start
scs
__scs_entry_jumppad:
0x0: {  	(pc) =	sbr.rel $0x88, $3  }
0x1: {  	(tag) =	ssettag $0x0;
	lr =	simm.s32 $0x1  }
0x2: {  	[smem:$0x3F92] =	sst lr;
	_ =	strace $0xD0000000  }
0x3: {  	_ = 	snop  }
0x4: {  	_ = 	snop  }
0x5: {  	_ = 	snop  }
0x6: {  	_ = 	snop  }
0x7: {  	_ = 	snop  }
__scs_overlays_trampoline_lowered:
0x8: {  	[smem:$0x3FA1] =	sst s0  }
0x9: {  	[smem:$0x3FA2] =	sst s1  }
0xa: {  	[smem:$0x3FA3] =	sst s2  }
0xb: {  	[smem:$0x3FA4] =	sst s3  }
0xc: {  	[smem:$0x3FA5] =	sst s4  }
0xd: {  	[smem:$0x3FA6] =	sst s5  }
0xe: {  	[smem:$0x3FA7] =	sst s6  }
0xf: {  	[smem:$0x3FA8] =	sst s7  }
0x10: {  	[smem:$0x3FA9] =	sst s8  }
0x11: {  	[smem:$0x3FAA] =	sst s9;
	s0 =	simm.s32 @!p0 $0x0  }
0x12: {  	s1 =	sld [smem:$0x3F90];
	s0 =	simm.s32 @p0 $0x1  }
0x13: {  	[smem:$0x3FAB] =	sst s0;
	s0 =	simm.s32 @!p1 $0x0  }
0x14: {  	s2 =	sld [smem:$0x3F8F];
	s0 =	simm.s32 @p1 $0x1  }
0x15: {  	[smem:$0x3FAC] =	sst s0;
	s0 =	simm.s32 @!p2 $0x0  }
0x16: {  	s3 =	sld [smem:$0x3FDB];
	s0 =	simm.s32 @p2 $0x1  }
0x17: {  	s4 =	simm.s32 $0x1BF5;
	[smem:$0x3FAE] =	sst s0  }
0x18: {  	s0 =	sld [smem:$0x3F91];
	_ =	swait.ge [sflag:s4], $0x0  }
0x19: {  	s7 =	sld [smem:$0x3F92]  }
0x1a: {  	s8 =	sadd.s32 $0xFFFFE003, lr  }
0x1b: {  	s9 =	sadd.s32 $0xFFFFFEF7, lr;
	s5 =	simm.s32 $0xFFFFFFFF;
	p2 =	slt.u32 s8, $0xFFFFF086  }
0x1c: {  	p1 =	slt.u32 s9, $0xF7A;
	s5 =	simm.s32 @!p2 $0x0  }
0x1d: {  	s5 =	simm.s32 @p1 $0x1;
	p0 =	seq.s32 s7, s2  }
0x1e: {  	s7 =	smul.u32 @!p0 $0xF7A, s2;
	p2 =	seq.s32 @!p0 s5, $0x0  }
0x1f: {  	s9 =	smul.u32 $0xF7A, s1;
	s8 =	simm.s32 @!p0 $0x1BF5;
	p2 =	por !p2, p0  }
0x20: {  	[sflag:s8] =	ssyncset.s32 @!p0 $0xFFFFF086;
	s6 =	sadd.s32 @!p0 s3, s7;
	s7 =	simm.s32 @!p0 $0x108  }
0x21: {  	s3 =	sadd.s32 s3, s9;
	s6 =	sadd.s32 @!p0 $0x88, s6;
	s7 =	simm.s32 @p2 $0x1082  }
0x22: {  	[simem:s7], [sflag:s8] =	dma.local @!p0 [hbm:s6], $0xF7A  }
0x23: {  	s9 =	sor.u32 $0xD0000000, s2;
	s6 =	simm.s32 $0x108;
	_ =	swait.ge @!p0 [sflag:s8], $0x0  }
0x24: {  	s3 =	sadd.s32 $0x88, s3;
	s6 =	simm.s32 @!p1 $0x1082;
	[sflag:s4] =	ssyncset.s32 $0xFFFFF086  }
0x25: {  	[simem:s6], [sflag:s4] =	dma.local [hbm:s3], $0xF7A  }
0x26: {  	[smem:$0x3F92] =	sst s1;
	(tag) =	ssettag s2;
	_ =	strace s9  }
0x27: {  	s1 =	sld [smem:$0x3FA2]  }
0x28: {  	s2 =	sld [smem:$0x3FA3]  }
0x29: {  	s4 =	sld [smem:$0x3FA5]  }
0x2a: {  	p0 =	seq.s32 s5, $0x0;
	s5 =	sld [smem:$0x3FA6]  }
0x2b: {  	s6 =	sld [smem:$0x3FA7]  }
0x2c: {  	s7 =	sld [smem:$0x3FA8]  }
0x2d: {  	s3 =	simm.s32 $0x108;
	s8 =	sld [smem:$0x3FA9]  }
0x2e: {  	s3 =	simm.s32 @!p0 $0x1082;
	s9 =	sld [smem:$0x3FAA]  }
0x2f: {  	lr =	sadd.s32 s0, s3;
	s0 =	sld [smem:$0x3FA1]  }
0x30: {  	s3 =	sld [smem:$0x3FA4]  }
0x31: {  	[smem:$0x3FAD] =	sst s10  }
0x32: {  	s10 =	sld [smem:$0x3FAB];
	_ =	sdelay $0x3  }
0x33: {  	p0 =	seq.s32 s10, $0x1;
	s10 =	sld [smem:$0x3FAD];
	_ =	sdelay $0x3  }
0x34: {  	[smem:$0x3FAD] =	sst s10  }
0x35: {  	s10 =	sld [smem:$0x3FAC];
	_ =	sdelay $0x3  }
0x36: {  	p1 =	seq.s32 s10, $0x1;
	s10 =	sld [smem:$0x3FAD];
	_ =	sdelay $0x3  }
0x37: {  	[smem:$0x3FAD] =	sst s10  }
0x38: {  	s10 =	sld [smem:$0x3FAE]  }
0x39: {  	_ = 	snop;
	(pc) =	sbr.ind lr, $3  }
0x3a: {  	_ = 	snop  }
0x3b: {  	_ = 	snop  }
0x3c: {  	p2 =	seq.s32 s10, $0x1;
	s10 =	sld [smem:$0x3FAD]  }
0x3d: {  	_ =	shalt  }
0x3e: {  	_ =	shalt  }
0x3f: {  	_ =	shalt  }
0x40: {  	_ =	shalt  }
0x41: {  	_ =	shalt  }
0x42: {  	_ =	shalt  }
0x43: {  	_ =	shalt  }
0x44: {  	_ =	shalt  }
0x45: {  	_ =	shalt  }
0x46: {  	_ =	shalt  }
0x47: {  	_ =	shalt  }
0x48: {  	_ =	shalt  }
0x49: {  	_ =	shalt  }
0x4a: {  	_ =	shalt  }
0x4b: {  	_ =	shalt  }
0x4c: {  	_ =	shalt  }
0x4d: {  	_ =	shalt  }
0x4e: {  	_ =	shalt  }
0x4f: {  	_ =	shalt  }
0x50: {  	_ =	shalt  }
0x51: {  	_ =	shalt  }
0x52: {  	_ =	shalt  }
0x53: {  	_ =	shalt  }
0x54: {  	_ =	shalt  }
0x55: {  	_ =	shalt  }
0x56: {  	_ =	shalt  }
0x57: {  	_ =	shalt  }
0x58: {  	_ =	shalt  }
0x59: {  	_ =	shalt  }
0x5a: {  	_ =	shalt  }
0x5b: {  	_ =	shalt  }
0x5c: {  	_ =	shalt  }
0x5d: {  	_ =	shalt  }
0x5e: {  	_ =	shalt  }
0x5f: {  	_ =	shalt  }
0x60: {  	_ =	shalt  }
0x61: {  	_ =	shalt  }
0x62: {  	_ =	shalt  }
0x63: {  	_ =	shalt  }
0x64: {  	_ =	shalt  }
0x65: {  	_ =	shalt  }
0x66: {  	_ =	shalt  }
0x67: {  	_ =	shalt  }
0x68: {  	_ =	shalt  }
0x69: {  	_ =	shalt  }
0x6a: {  	_ =	shalt  }
0x6b: {  	_ =	shalt  }
0x6c: {  	_ =	shalt  }
0x6d: {  	_ =	shalt  }
0x6e: {  	_ =	shalt  }
0x6f: {  	_ =	shalt  }
0x70: {  	_ =	shalt  }
0x71: {  	_ =	shalt  }
0x72: {  	_ =	shalt  }
0x73: {  	_ =	shalt  }
0x74: {  	_ =	shalt  }
0x75: {  	_ =	shalt  }
0x76: {  	_ =	shalt  }
0x77: {  	_ =	shalt  }
0x78: {  	_ =	shalt  }
0x79: {  	_ =	shalt  }
0x7a: {  	_ =	shalt  }
0x7b: {  	_ =	shalt  }
0x7c: {  	_ =	shalt  }
0x7d: {  	_ =	shalt  }
0x7e: {  	_ =	shalt  }
0x7f: {  	_ =	shalt  }
0x80: {  	_ =	shalt  }
0x81: {  	_ =	shalt  }
0x82: {  	_ =	shalt  }
0x83: {  	_ =	shalt  }
0x84: {  	_ =	shalt  }
0x85: {  	_ =	shalt  }
0x86: {  	_ =	shalt  }
0x87: {  	_ =	shalt  }
.Lfunc_end0:
.L_simem_size_0:
called_computation_lowered:
.L_overlay_start_0:
0x88: {  	s2 =	sld [smem:$0x3FD9]  }
0x89: {  	s3 =	sld [smem:$0x3FFE];
	_ =	sdelay $0x1  }
0x8a: {  	s1 =	srdreg.scid  }
0x8b: {  	s0 =	sand.u32 $0x1, s1  }
0x8c: {  	s14 =	sshll.u32 s0, $0xA;
	s2 =	sadd.s32 s3, s2  }
0x8d: {  	s2 =	sadd.s32 s2, s14  }
0x8e: {  	[smem:$0x3FB9] =	sst s2  }
0x8f: {  	_ = 	snop  }
0x90: {  	s2 =	sld [smem:$0x3FD0];
	_ =	sdelay $0x2  }
0x91: {  	s15 =	simm.s32 $0xA;
	s4 =	simm.s32 $0x10  }
0x92: {  	[smem:s4], [sflag:s15] =	dma.local [hbm:s2], $0x1  }
0x93: {  	_ =	swait.eq [sflag:s15], $0x1  }
0x94: {  	[sflag:s15] =	ssyncset.done $0x0  }
0x95: {  	[sflag:s15] =	ssyncadd.s32 $0xFFFFFFFF  }
0x96: {  	s16 =	sld [smem:$0x10];
	(tm) =	ssettm $0x1  }
0x97: {  	s17 =	sld [smem:$0x3FFB];
	_ =	sdelay $0x3  }
0x98: {  	_ =	strace s17  }
0x99: {  	s3 =	sld [smem:$0x3FFC];
	_ =	sdelay $0x3  }
0x9a: {  	_ =	strace s3  }
0x9b: {  	s3 =	sld [smem:$0x3FFD];
	_ =	sdelay $0x3  }
0x9c: {  	_ =	strace s3  }
0x9d: {  	_ =	strace $0x8FFFFFFF  }
0x9e: {  	s18 =	sld [smem:$0x3FDB];
	_ =	sdelay $0x1  }
0x9f: {  	s19 =	simm.s32 $_scs_section_size  }
0xa0: {  	s5 =	simm.s32 $_size__tile_overlayer_lowered;
	s6 =	simm.s32 $_tile_overlayer_lowered  }
0xa1: {  	s22 =	simm.s32 $0x1BFF;
	s21 =	sshll.u32 s6, $0x1;
	s3 =	sadd.s32 s19, s18  }
0xa2: {  	s7 =	simm.s32 $0x0;
	s20 =	sshll.u32 s5, $0x1;
	s5 =	sadd.s32 s21, s3  }
0xa3: {  	[timem:s7], [sflag:s22] =	dma.local [hbm:s5], s20  }
0xa4: {  	_ =	swait.ge [sflag:s22], s20  }
0xa5: {  	s4 =	ssub.s32 $0x0, s20;
	[sflag:s22] =	ssyncset.done $0x0  }
0xa6: {  	[sflag:s22] =	ssyncadd.s32 s4;
	_ =	sdelay $0x1  }
0xa7: {  	s23 =	simm.s32 $0x1B8B  }
0xa8: {  	_ =	swait.ge [sflag:s23], $0x1  }
0xa9: {  	[sflag:s23] =	ssyncset.done $0x0  }
0xaa: {  	s25 =	simm.s32 $0x1B8E;
	s24 =	sld [smem:$0x3FFE];
	[sflag:s23] =	ssyncadd.s32 $0xFFFFFFFF  }
0xab: {  	s26 =	simm.s32 $execute0_lowered;
	[smem:$0x3FD2] =	sst s25  }
0xac: {  	s5 =	sshll.u32 s26, $0x1;
	_ =	strace $0x80000046;
	[dreg:$0x1] =	wrdreg $0xFFFFFFFF  }
0xad: {  	s28 =	simm.s32 $_size_execute0_lowered;
	s3 =	sadd.s32 s3, s5;
	[dreg:$0x0] =	wrdreg $0x0  }
0xae: {  	s5 =	sshll.u32 s28, $0x1;
	[dreg:$0x2] =	wrdreg s3  }
0xaf: {  	[dreg:$0x3] =	wrdreg s5  }
0xb0: {  	[dreg:$0x4] =	wrdreg $0xC0  }
0xb1: {  	_ =	task [dreg:s7], $0x5FFFF  }
0xb2: {  	[dreg:$0x1] =	wrdreg $0xFFFFFFFF  }
0xb3: {  	[dreg:$0x0] =	wrdreg $0x60  }
0xb4: {  	[dreg:$0x2] =	wrdreg s16  }
0xb5: {  	[dreg:$0x3] =	wrdreg s24  }
0xb6: {  	[dreg:$0x4] =	wrdreg $0x42000  }
0xb7: {  	[dreg:$0x5] =	wrdreg $0x9  }
0xb8: {  	_ =	task.clear_ibuf [dreg:s7], $0x6FFFF;
	_ =	strace $0x90000046  }
0xb9: {  	s29 =	simm.s32 $0x9;
	_ =	strace $0x80000048  }
0xba: {  	_ =	swait.ge [sflag:s29], $0x1  }
0xbb: {  	[sflag:s29] =	ssyncadd.s32 $0xFFFFFFFF  }
0xbc: {  	_ =	strace $0x90000048  }
0xbd: {  	_ =	sfence  }
0xbe: {  	s30 =	sld [smem:$0x0];
	_ =	sdelay $0x2  }
0xbf: {  	s31 =	sshll.u32 s1, $0xD;
	s1 =	sshrl.u32 s1, $0x2  }
0xc0: {  	s3 =	sand.u32 $0x4000, s31;
	s1 =	sadd.s32 s1, s30  }
0xc1: {  	s0 =	sor.u32 s3, s0;
	s1 =	sshll.u32 s1, $0x11  }
0xc2: {  	s0 =	sor.u32 s1, s0  }
0xc3: {  	s0 =	sadd.s32 $0x8F2B, s0  }
0xc4: {  	[sflag:s0] =	ssyncadd.remote.s32 $0x1  }
0xc5: {  	_ =	sfence.sel $0xFFFF  }
0xc6: {  	[dreg:$0x0] =	wrdreg $0xFFFFFFFF;
	(pc) =	sbr.abs _section_cstart, $3  }
0xc7: {  	[dreg:$0x1] =	wrdreg $0xFFFFFFFF  }
0xc8: {  	_ =	task.clear_ibuf [dreg:s7], $0x2FFFF;
	_ =	strace $0x9FFFFFFF  }
0xc9: {  	(tm) =	ssettm $0x7FFFFFFF  }
tec
execute0_lowered:
.L_overlay_start_1:
0x0: {  	(tag) =	ssettag $0x1  }
0x1: {  	s0 =	rddreg [dreg:$0x0]  }
0x2: {  	s5 =	rddreg [dreg:$0x1]  }
0x3: {  	s2 =	rddreg [dreg:$0x2];
	s4 =	srdreg.scid  }
0x4: {  	s3 =	simm.s32 $0x0;
	s1 =	stileid.u32;
	s17 =	simm.s32 $0x200  }
0x5: {  	s18 =	simm.s32 $0x7;
	s28 =	simm.s32 $0x4;
	s7 =	smul.u32 $0x14000, s1  }
0x6: {  	s29 =	simm.s32 $0x6;
	s30 =	simm.s32 $0x0;
	s21 =	smul.u32 $0x50000, s1  }
0x7: {  	s6 =	sand.u32 $0x1, s4;
	[smem:$0x7FF] =	sst s3;
	s13 =	smul.u32 $0x2800, s1  }
0x8: {  	s31 =	sshll.u32 s1, $0x6;
	s4 =	sshll.u32 s6, $0x4;
	s8 =	smul.u32 $0x140000, s6  }
0x9: {  	_ =	strace $0x80000047;
	s11 =	ssub.s32 $0x2, s6;
	s12 =	smul.u32 $0x28000, s6  }
0xa: {  	s19 =	sor.u32 $0x1C07, s31;
	s9 =	sor.u32 s1, s4;
	s4 =	sadd.s32 $0x5A00, s5  }
0xb: {  	s10 =	sshrl.u32 s7, $0x3;
	s22 =	sshrl.u32 s11, $0x1;
	s23 =	sshrl.u32 s21, $0x2  }
0xc: {  	s21 =	simm.s32 $0x1;
	s9 =	smul.u32 $0x2800, s9;
	s10 =	sadd.s32 s10, s5  }
0xd: {  	s7 =	sadd.s32 s7, s8;
	s11 =	ssub.s32 s11, s22;
	s13 =	sadd.s32 s13, s12  }
0xe: {  	s20 =	sadd.s32 s23, s2;
	s22 =	simm.s32 $0x100;
	s23 =	simm.s32 $0x2  }
0xf: {  	s7 =	sshrl.u32 s7, $0x3;
	s24 =	sor.u32 $0x380, s13;
	s11 =	smax.u32 s11, $0x1  }
0x10: {  	s26 =	sor.u32 $0x300, s13;
	s15 =	sor.u32 $0x280, s13;
	s13 =	sor.u32 $0x200, s13  }
0x11: {  	s20 =	sshrl.u32 s20, $0x3;
	s9 =	sshrl.u32 s9, $0x3;
	s14 =	sadd.s32 s7, s5  }
0x12: {  	s7 =	sadd.s32 $0x6200, s10;
	s25 =	sshrl.u32 s24, $0x3;
	s15 =	sshrl.u32 s15, $0x3  }
0x13: {  	s16 =	sshrl.u32 s13, $0x3;
	s24 =	simm.s32 $0x180;
	s5 =	sadd.s32 s0, s9  }
0x14: {  	s10 =	sadd.s32 $0x2E200, s14;
	s12 =	sadd.s32 s25, s0;
	s14 =	sshrl.u32 s26, $0x3  }
0x15: {  	s25 =	simm.s32 $0x3;
	s26 =	simm.s32 $0x5;
	s6 =	sadd.s32 $0x10, s5  }
0x16: {  	s8 =	sadd.s32 $0x20, s5;
	s9 =	sadd.s32 $0x30, s5;
	s13 =	sadd.s32 s14, s0  }
0x17: {  	s14 =	sadd.s32 s15, s0;
	s15 =	sadd.s32 s16, s0;
	s16 =	simm.s32 $0x80  }
.LBB2_1:
0x18: {  	[tilespmem:s3], [sflag:$0x1] =	stream.linear.gather [hbm4b:s5+s3], $0x80, $0x38;
	[tilespmem:$0x18200] =	vst v63  }
0x19: {  	_ = 	snop  }
0x1a: {  	[tilespmem:s16], [sflag:$0x2] =	stream.linear.gather [hbm4b:s6+s3], $0x80, $0x38;
	[tilespmem:$0x18200] =	vst v63  }
0x1b: {  	_ = 	snop  }
0x1c: {  	[tilespmem:s17], [sflag:$0x7] =	stream.linear.gather [hbm4b:s4+s3], $0x4000, $0x38;
	[tilespmem:$0x18200] =	vst v63  }
0x1d: {  	_ =	swait.ge [sflag:s18], $0x4000  }
0x1e: {  	[sflag:s18] =	ssyncset.done $0x0  }
0x1f: {  	[sflag:s18] =	ssyncadd.s32 $0xFFFFC000  }
0x20: {  	[spmem:s20], [sflag:s19] =	dma.local [hbm:s7], $0x2800  }
0x21: {  	_ =	swait.ge [sflag:s18], $0x2800  }
0x22: {  	[sflag:s18] =	ssyncset.done $0x0  }
0x23: {  	[sflag:s18] =	ssyncadd.s32 $0xFFFFD800  }
0x24: {  	[bflag:$0x0] =	sbarrier.arrive $0xFFFF  }
0x25: {  	_ =	swait.ge [sflag:s21], $0x80  }
0x26: {  	[sflag:s21] =	ssyncset.done $0x0  }
0x27: {  	[sflag:s21] =	ssyncadd.s32 $0xFFFFFF80  }
0x28: {  	[spmem:s2] =	stream.indirect.scatter.add.f32 [tilespmem:s17], [sflag:$0x5], $0x80, s3, s16, $0xb8;
	[tilespmem:$0x18200] =	vst v63  }
0x29: {  	_ = 	snop  }
0x2a: {  	[tilespmem:s22], [sflag:$0x3] =	stream.linear.gather [hbm4b:s8+s3], $0x80, $0x38;
	[tilespmem:$0x18200] =	vst v63  }
0x2b: {  	_ =	swait.ge [sflag:s23], $0x80  }
0x2c: {  	[sflag:s23] =	ssyncset.done $0x0  }
0x2d: {  	[sflag:s23] =	ssyncadd.s32 $0xFFFFFF80  }
0x2e: {  	[spmem:s2] =	stream.indirect.scatter.add.f32 [tilespmem:s17], [sflag:$0x6], $0x80, s16, s16, $0xb8;
	[tilespmem:$0x18200] =	vst v63  }
0x2f: {  	_ = 	snop  }
0x30: {  	[tilespmem:s24], [sflag:$0x4] =	stream.linear.gather [hbm4b:s9+s3], $0x80, $0x38;
	[tilespmem:$0x18200] =	vst v63  }
0x31: {  	_ =	swait.ge [sflag:s25], $0x80  }
0x32: {  	[sflag:s25] =	ssyncset.done $0x0  }
0x33: {  	[sflag:s25] =	ssyncadd.s32 $0xFFFFFF80  }
0x34: {  	_ =	swait.ge [sflag:s26], $0x4000  }
0x35: {  	[sflag:s26] =	ssyncset.done $0x0  }
0x36: {  	[sflag:s26] =	ssyncadd.s32 $0xFFFFC000  }
0x37: {  	[spmem:s2] =	stream.indirect.scatter.add.f32 [tilespmem:s17], [sflag:$0x5], $0x80, s22, s16, $0xb8;
	[tilespmem:$0x18200] =	vst v63  }
0x38: {  	s0 =	sadd.s32 $0x0, s15  }
0x39: {  	[tilespmem:s3], [sflag:$0x1] =	stream.linear.gather [hbm4b:s0+s3], $0x80, $0x38;
	[tilespmem:$0x18200] =	vst v63  }
0x3a: {  	_ =	swait.ge [sflag:s28], $0x80  }
0x3b: {  	[sflag:s28] =	ssyncset.done $0x0  }
0x3c: {  	[sflag:s28] =	ssyncadd.s32 $0xFFFFFF80  }
0x3d: {  	_ =	swait.ge [sflag:s29], $0x4000  }
0x3e: {  	[sflag:s29] =	ssyncset.done $0x0  }
0x3f: {  	[sflag:s29] =	ssyncadd.s32 $0xFFFFC000  }
0x40: {  	[spmem:s2] =	stream.indirect.scatter.add.f32 [tilespmem:s17], [sflag:$0x6], $0x80, s24, s16, $0xb8;
	[tilespmem:$0x18200] =	vst v63  }
0x41: {  	s1 =	sadd.s32 $0x0, s14  }
0x42: {  	[tilespmem:s16], [sflag:$0x2] =	stream.linear.gather [hbm4b:s1+s3], $0x80, $0x38;
	[tilespmem:$0x18200] =	vst v63  }
0x43: {  	_ =	swait.ge [sflag:s21], $0x80  }
0x44: {  	[sflag:s21] =	ssyncset.done $0x0  }
0x45: {  	[sflag:s21] =	ssyncadd.s32 $0xFFFFFF80  }
0x46: {  	_ =	swait.ge [sflag:s26], $0x4000  }
0x47: {  	[sflag:s26] =	ssyncset.done $0x0  }
0x48: {  	[sflag:s26] =	ssyncadd.s32 $0xFFFFC000  }
0x49: {  	[spmem:s2] =	stream.indirect.scatter.add.f32 [tilespmem:s17], [sflag:$0x5], $0x80, s3, s16, $0xb8;
	[tilespmem:$0x18200] =	vst v63  }
0x4a: {  	s1 =	sadd.s32 $0x0, s13  }
0x4b: {  	[tilespmem:s22], [sflag:$0x3] =	stream.linear.gather [hbm4b:s1+s3], $0x80, $0x38;
	[tilespmem:$0x18200] =	vst v63  }
0x4c: {  	_ =	swait.ge [sflag:s23], $0x80  }
0x4d: {  	[sflag:s23] =	ssyncset.done $0x0  }
0x4e: {  	[sflag:s23] =	ssyncadd.s32 $0xFFFFFF80  }
0x4f: {  	_ =	swait.ge [sflag:s29], $0x4000  }
0x50: {  	[sflag:s29] =	ssyncset.done $0x0  }
0x51: {  	s31 =	simm.s32 $0x40;
	s0 =	sadd.s32 $0x0, s12;
	[sflag:s29] =	ssyncadd.s32 $0xFFFFC000  }
0x52: {  	[spmem:s2] =	stream.indirect.scatter.add.f32 [tilespmem:s17], [sflag:$0x6], $0x80, s16, s16, $0xb8;
	[tilespmem:$0x18200] =	vst v63  }
.LBB2_2:
0x53: {  	[tilespmem:s24], [sflag:$0x4] =	stream.linear.gather [hbm4b:s0+s3], $0x80, $0x38;
	[tilespmem:$0x18200] =	vst v63  }
0x54: {  	s0 =	smov.u32 s31  }
0x55: {  	p0 =	sne.s32 s31, $0x480;
	s31 =	sadd.s32 $0x40, s31;
	_ =	swait.ge [sflag:s25], $0x80  }
0x56: {  	[sflag:s25] =	ssyncset.done $0x0  }
0x57: {  	[sflag:s25] =	ssyncadd.s32 $0xFFFFFF80  }
0x58: {  	_ =	swait.ge [sflag:s26], $0x4000  }
0x59: {  	[sflag:s26] =	ssyncset.done $0x0  }
0x5a: {  	[sflag:s26] =	ssyncadd.s32 $0xFFFFC000  }
0x5b: {  	[spmem:s2] =	stream.indirect.scatter.add.f32 [tilespmem:s17], [sflag:$0x5], $0x80, s22, s16, $0xb8;
	[tilespmem:$0x18200] =	vst v63  }
0x5c: {  	s1 =	sadd.s32 s0, s15  }
0x5d: {  	[tilespmem:s3], [sflag:$0x1] =	stream.linear.gather [hbm4b:s1+s3], $0x80, $0x38;
	[tilespmem:$0x18200] =	vst v63  }
0x5e: {  	_ =	swait.ge [sflag:s28], $0x80  }
0x5f: {  	[sflag:s28] =	ssyncset.done $0x0  }
0x60: {  	[sflag:s28] =	ssyncadd.s32 $0xFFFFFF80  }
0x61: {  	_ =	swait.ge [sflag:s29], $0x4000  }
0x62: {  	[sflag:s29] =	ssyncset.done $0x0  }
0x63: {  	[sflag:s29] =	ssyncadd.s32 $0xFFFFC000  }
0x64: {  	[spmem:s2] =	stream.indirect.scatter.add.f32 [tilespmem:s17], [sflag:$0x6], $0x80, s24, s16, $0xb8;
	[tilespmem:$0x18200] =	vst v63  }
0x65: {  	s1 =	sadd.s32 s0, s14  }
0x66: {  	[tilespmem:s16], [sflag:$0x2] =	stream.linear.gather [hbm4b:s1+s3], $0x80, $0x38;
	[tilespmem:$0x18200] =	vst v63  }
0x67: {  	_ =	swait.ge [sflag:s21], $0x80  }
0x68: {  	[sflag:s21] =	ssyncset.done $0x0  }
0x69: {  	[sflag:s21] =	ssyncadd.s32 $0xFFFFFF80  }
0x6a: {  	_ =	swait.ge [sflag:s26], $0x4000  }
0x6b: {  	[sflag:s26] =	ssyncset.done $0x0  }
0x6c: {  	[sflag:s26] =	ssyncadd.s32 $0xFFFFC000  }
0x6d: {  	[spmem:s2] =	stream.indirect.scatter.add.f32 [tilespmem:s17], [sflag:$0x5], $0x80, s3, s16, $0xb8;
	[tilespmem:$0x18200] =	vst v63  }
0x6e: {  	s1 =	sadd.s32 s0, s13  }
0x6f: {  	[tilespmem:s22], [sflag:$0x3] =	stream.linear.gather [hbm4b:s1+s3], $0x80, $0x38;
	[tilespmem:$0x18200] =	vst v63  }
0x70: {  	_ =	swait.ge [sflag:s23], $0x80  }
0x71: {  	[sflag:s23] =	ssyncset.done $0x0  }
0x72: {  	[sflag:s23] =	ssyncadd.s32 $0xFFFFFF80  }
.Ltmp0:
0x73: {  	_ =	swait.ge [sflag:s29], $0x4000;
	(pc) =	sbr.rel @p0 .LBB2_2-.Ltmp0, $4  }
0x74: {  	[sflag:s29] =	ssyncset.done $0x0  }
0x75: {  	[sflag:s29] =	ssyncadd.s32 $0xFFFFC000  }
0x76: {  	[spmem:s2] =	stream.indirect.scatter.add.f32 [tilespmem:s17], [sflag:$0x6], $0x80, s16, s16, $0xb8;
	[tilespmem:$0x18200] =	vst v63  }
0x77: {  	s0 =	sadd.s32 s0, s12  }
0x78: {  	[tilespmem:s24], [sflag:$0x4] =	stream.linear.gather [hbm4b:s0+s3], $0x80, $0x38;
	[tilespmem:$0x18200] =	vst v63  }
0x79: {  	_ =	swait.ge [sflag:s25], $0x80  }
0x7a: {  	[sflag:s25] =	ssyncset.done $0x0  }
0x7b: {  	[sflag:s25] =	ssyncadd.s32 $0xFFFFFF80  }
0x7c: {  	_ =	swait.ge [sflag:s26], $0x4000  }
0x7d: {  	[sflag:s26] =	ssyncset.done $0x0  }
0x7e: {  	[sflag:s26] =	ssyncadd.s32 $0xFFFFC000  }
0x7f: {  	[spmem:s2] =	stream.indirect.scatter.add.f32 [tilespmem:s17], [sflag:$0x5], $0x80, s22, s16, $0xb8;
	[tilespmem:$0x18200] =	vst v63  }
0x80: {  	_ =	swait.ge [sflag:s28], $0x80  }
0x81: {  	[sflag:s28] =	ssyncset.done $0x0  }
0x82: {  	[sflag:s28] =	ssyncadd.s32 $0xFFFFFF80  }
0x83: {  	_ =	swait.ge [sflag:s29], $0x4000  }
0x84: {  	[sflag:s29] =	ssyncset.done $0x0  }
0x85: {  	[sflag:s29] =	ssyncadd.s32 $0xFFFFC000  }
0x86: {  	[spmem:s2] =	stream.indirect.scatter.add.f32 [tilespmem:s17], [sflag:$0x6], $0x80, s24, s16, $0xb8;
	[tilespmem:$0x18200] =	vst v63  }
0x87: {  	_ =	swait.ge [sflag:s26], $0x4000  }
0x88: {  	[sflag:s26] =	ssyncset.done $0x0  }
0x89: {  	[sflag:s26] =	ssyncadd.s32 $0xFFFFC000  }
0x8a: {  	_ =	swait.ge [sflag:s29], $0x4000  }
0x8b: {  	s30 =	sadd.s32 $0x1, s30;
	[sflag:s29] =	ssyncset.done $0x0  }
0x8c: {  	p0 =	sne.s32 s30, s11;
	[sflag:s29] =	ssyncadd.s32 $0xFFFFC000  }
.Ltmp1:
0x8d: {  	[bflag:$0x0] =	sbarrier.arrive $0xFFFF;
	(pc) =	sbr.rel @p0 .LBB2_1-.Ltmp1, $4  }
0x8e: {  	[hbm:s10], [sflag:s19] =	dma.local [spmem:s20], $0x2800  }
0x8f: {  	_ =	swait.ge [sflag:s18], $0x2800  }
0x90: {  	[sflag:s18] =	ssyncset.done $0x0  }
0x91: {  	[sflag:s18] =	ssyncadd.s32 $0xFFFFD800  }
0x92: {  	_ =	sfence.sel $0x180000  }
0x93: {  	[bflag:$0x0] =	sbarrier.arrive $0xFFFF  }
0x94: {  	_ =	strace $0x90000047  }
0x95: {  	s0 =	stileid.u32;
	[bflag:$0x2] =	sbarrier.arrive $0xFFFF  }
0x96: {  	p0 =	sne.s32 s0, $0x0;
	s0 =	rddreg [dreg:$0x3]  }
0x97: {  	s0 =	sadd.s32 @!p0 $0x100000, s0  }
0x98: {  	[sflag:s0] =	ssyncadd.tile.s32 @!p0 $0x1;
	_ =	shalt  }
.Lfunc_end2:
_tile_overlayer_lowered:
.L_overlay_start_2:
0x99: {  	(tag) =	ssettag $0x2  }
0x9a: {  	s0 =	rddreg [dreg:$0x0];
	s2 =	stileid.u32  }
0x9b: {  	s1 =	rddreg [dreg:$0x1];
	p0 =	sne.s32 s2, $0x0  }
0x9c: {  	s3 =	rddreg [dreg:$0x2];
	[bflag:$0x3] =	sbarrier.arrive $0xFFFF;
	s2 =	simm.s32 @!p0 $0x1C07  }
0x9d: {  	[timem:s3], [sflag:s2] =	dma.local @!p0 [hbm:s0], s1  }
0x9e: {  	s0 =	simm.s32 @!p0 $0x7  }
0x9f: {  	_ =	swait.ge @!p0 [sflag:s0], s1  }
0xa0: {  	s1 =	ssub.s32 @!p0 $0x0, s1;
	[sflag:s0] =	ssyncset.done @!p0 $0x0  }
0xa1: {  	[sflag:s0] =	ssyncadd.s32 @!p0 s1  }
0xa2: {  	[bflag:$0x3] =	sbarrier.arrive $0xFFFF  }
0xa3: {  	_ =	shalt  }

// kernel: kernel.14.cloned.1.call-start
scs
__scs_entry_jumppad:
0x0: {  	(pc) =	sbr.rel $0x88, $3  }
0x1: {  	(tag) =	ssettag $0x0;
	lr =	simm.s32 $0x1  }
0x2: {  	[smem:$0x3F92] =	sst lr;
	_ =	strace $0xD0000000  }
0x3: {  	_ = 	snop  }
0x4: {  	_ = 	snop  }
0x5: {  	_ = 	snop  }
0x6: {  	_ = 	snop  }
0x7: {  	_ = 	snop  }
__scs_overlays_trampoline_lowered:
0x8: {  	[smem:$0x3FA1] =	sst s0  }
0x9: {  	[smem:$0x3FA2] =	sst s1  }
0xa: {  	[smem:$0x3FA3] =	sst s2  }
0xb: {  	[smem:$0x3FA4] =	sst s3  }
0xc: {  	[smem:$0x3FA5] =	sst s4  }
0xd: {  	[smem:$0x3FA6] =	sst s5  }
0xe: {  	[smem:$0x3FA7] =	sst s6  }
0xf: {  	[smem:$0x3FA8] =	sst s7  }
0x10: {  	[smem:$0x3FA9] =	sst s8  }
0x11: {  	[smem:$0x3FAA] =	sst s9;
	s0 =	simm.s32 @!p0 $0x0  }
0x12: {  	s1 =	sld [smem:$0x3F90];
	s0 =	simm.s32 @p0 $0x1  }
0x13: {  	[smem:$0x3FAB] =	sst s0;
	s0 =	simm.s32 @!p1 $0x0  }
0x14: {  	s2 =	sld [smem:$0x3F8F];
	s0 =	simm.s32 @p1 $0x1  }
0x15: {  	[smem:$0x3FAC] =	sst s0;
	s0 =	simm.s32 @!p2 $0x0  }
0x16: {  	s3 =	sld [smem:$0x3FDB];
	s0 =	simm.s32 @p2 $0x1  }
0x17: {  	s4 =	simm.s32 $0x1BF5;
	[smem:$0x3FAE] =	sst s0  }
0x18: {  	s0 =	sld [smem:$0x3F91];
	_ =	swait.ge [sflag:s4], $0x0  }
0x19: {  	s7 =	sld [smem:$0x3F92]  }
0x1a: {  	s8 =	sadd.s32 $0xFFFFE003, lr  }
0x1b: {  	s9 =	sadd.s32 $0xFFFFFEF7, lr;
	s5 =	simm.s32 $0xFFFFFFFF;
	p2 =	slt.u32 s8, $0xFFFFF086  }
0x1c: {  	p1 =	slt.u32 s9, $0xF7A;
	s5 =	simm.s32 @!p2 $0x0  }
0x1d: {  	s5 =	simm.s32 @p1 $0x1;
	p0 =	seq.s32 s7, s2  }
0x1e: {  	s7 =	smul.u32 @!p0 $0xF7A, s2;
	p2 =	seq.s32 @!p0 s5, $0x0  }
0x1f: {  	s9 =	smul.u32 $0xF7A, s1;
	s8 =	simm.s32 @!p0 $0x1BF5;
	p2 =	por !p2, p0  }
0x20: {  	[sflag:s8] =	ssyncset.s32 @!p0 $0xFFFFF086;
	s6 =	sadd.s32 @!p0 s3, s7;
	s7 =	simm.s32 @!p0 $0x108  }
0x21: {  	s3 =	sadd.s32 s3, s9;
	s6 =	sadd.s32 @!p0 $0x88, s6;
	s7 =	simm.s32 @p2 $0x1082  }
0x22: {  	[simem:s7], [sflag:s8] =	dma.local @!p0 [hbm:s6], $0xF7A  }
0x23: {  	s9 =	sor.u32 $0xD0000000, s2;
	s6 =	simm.s32 $0x108;
	_ =	swait.ge @!p0 [sflag:s8], $0x0  }
0x24: {  	s3 =	sadd.s32 $0x88, s3;
	s6 =	simm.s32 @!p1 $0x1082;
	[sflag:s4] =	ssyncset.s32 $0xFFFFF086  }
0x25: {  	[simem:s6], [sflag:s4] =	dma.local [hbm:s3], $0xF7A  }
0x26: {  	[smem:$0x3F92] =	sst s1;
	(tag) =	ssettag s2;
	_ =	strace s9  }
0x27: {  	s1 =	sld [smem:$0x3FA2]  }
0x28: {  	s2 =	sld [smem:$0x3FA3]  }
0x29: {  	s4 =	sld [smem:$0x3FA5]  }
0x2a: {  	p0 =	seq.s32 s5, $0x0;
	s5 =	sld [smem:$0x3FA6]  }
0x2b: {  	s6 =	sld [smem:$0x3FA7]  }
0x2c: {  	s7 =	sld [smem:$0x3FA8]  }
0x2d: {  	s3 =	simm.s32 $0x108;
	s8 =	sld [smem:$0x3FA9]  }
0x2e: {  	s3 =	simm.s32 @!p0 $0x1082;
	s9 =	sld [smem:$0x3FAA]  }
0x2f: {  	lr =	sadd.s32 s0, s3;
	s0 =	sld [smem:$0x3FA1]  }
0x30: {  	s3 =	sld [smem:$0x3FA4]  }
0x31: {  	[smem:$0x3FAD] =	sst s10  }
0x32: {  	s10 =	sld [smem:$0x3FAB];
	_ =	sdelay $0x3  }
0x33: {  	p0 =	seq.s32 s10, $0x1;
	s10 =	sld [smem:$0x3FAD];
	_ =	sdelay $0x3  }
0x34: {  	[smem:$0x3FAD] =	sst s10  }
0x35: {  	s10 =	sld [smem:$0x3FAC];
	_ =	sdelay $0x3  }
0x36: {  	p1 =	seq.s32 s10, $0x1;
	s10 =	sld [smem:$0x3FAD];
	_ =	sdelay $0x3  }
0x37: {  	[smem:$0x3FAD] =	sst s10  }
0x38: {  	s10 =	sld [smem:$0x3FAE]  }
0x39: {  	_ = 	snop;
	(pc) =	sbr.ind lr, $3  }
0x3a: {  	_ = 	snop  }
0x3b: {  	_ = 	snop  }
0x3c: {  	p2 =	seq.s32 s10, $0x1;
	s10 =	sld [smem:$0x3FAD]  }
0x3d: {  	_ =	shalt  }
0x3e: {  	_ =	shalt  }
0x3f: {  	_ =	shalt  }
0x40: {  	_ =	shalt  }
0x41: {  	_ =	shalt  }
0x42: {  	_ =	shalt  }
0x43: {  	_ =	shalt  }
0x44: {  	_ =	shalt  }
0x45: {  	_ =	shalt  }
0x46: {  	_ =	shalt  }
0x47: {  	_ =	shalt  }
0x48: {  	_ =	shalt  }
0x49: {  	_ =	shalt  }
0x4a: {  	_ =	shalt  }
0x4b: {  	_ =	shalt  }
0x4c: {  	_ =	shalt  }
0x4d: {  	_ =	shalt  }
0x4e: {  	_ =	shalt  }
0x4f: {  	_ =	shalt  }
0x50: {  	_ =	shalt  }
0x51: {  	_ =	shalt  }
0x52: {  	_ =	shalt  }
0x53: {  	_ =	shalt  }
0x54: {  	_ =	shalt  }
0x55: {  	_ =	shalt  }
0x56: {  	_ =	shalt  }
0x57: {  	_ =	shalt  }
0x58: {  	_ =	shalt  }
0x59: {  	_ =	shalt  }
0x5a: {  	_ =	shalt  }
0x5b: {  	_ =	shalt  }
0x5c: {  	_ =	shalt  }
0x5d: {  	_ =	shalt  }
0x5e: {  	_ =	shalt  }
0x5f: {  	_ =	shalt  }
0x60: {  	_ =	shalt  }
0x61: {  	_ =	shalt  }
0x62: {  	_ =	shalt  }
0x63: {  	_ =	shalt  }
0x64: {  	_ =	shalt  }
0x65: {  	_ =	shalt  }
0x66: {  	_ =	shalt  }
0x67: {  	_ =	shalt  }
0x68: {  	_ =	shalt  }
0x69: {  	_ =	shalt  }
0x6a: {  	_ =	shalt  }
0x6b: {  	_ =	shalt  }
0x6c: {  	_ =	shalt  }
0x6d: {  	_ =	shalt  }
0x6e: {  	_ =	shalt  }
0x6f: {  	_ =	shalt  }
0x70: {  	_ =	shalt  }
0x71: {  	_ =	shalt  }
0x72: {  	_ =	shalt  }
0x73: {  	_ =	shalt  }
0x74: {  	_ =	shalt  }
0x75: {  	_ =	shalt  }
0x76: {  	_ =	shalt  }
0x77: {  	_ =	shalt  }
0x78: {  	_ =	shalt  }
0x79: {  	_ =	shalt  }
0x7a: {  	_ =	shalt  }
0x7b: {  	_ =	shalt  }
0x7c: {  	_ =	shalt  }
0x7d: {  	_ =	shalt  }
0x7e: {  	_ =	shalt  }
0x7f: {  	_ =	shalt  }
0x80: {  	_ =	shalt  }
0x81: {  	_ =	shalt  }
0x82: {  	_ =	shalt  }
0x83: {  	_ =	shalt  }
0x84: {  	_ =	shalt  }
0x85: {  	_ =	shalt  }
0x86: {  	_ =	shalt  }
0x87: {  	_ =	shalt  }
.Lfunc_end0:
.L_simem_size_0:
called_computation.1_lowered:
.L_overlay_start_0:
0x88: {  	s2 =	sld [smem:$0x3FD9]  }
0x89: {  	s3 =	sld [smem:$0x3FFE];
	_ =	sdelay $0x1  }
0x8a: {  	s1 =	srdreg.scid  }
0x8b: {  	s0 =	sand.u32 $0x1, s1  }
0x8c: {  	s14 =	sshll.u32 s0, $0xA;
	s2 =	sadd.s32 s3, s2  }
0x8d: {  	s2 =	sadd.s32 s2, s14  }
0x8e: {  	[smem:$0x3FB9] =	sst s2  }
0x8f: {  	_ = 	snop  }
0x90: {  	s2 =	sld [smem:$0x3FD0];
	_ =	sdelay $0x2  }
0x91: {  	s15 =	simm.s32 $0xA;
	s4 =	simm.s32 $0x10  }
0x92: {  	[smem:s4], [sflag:s15] =	dma.local [hbm:s2], $0x1  }
0x93: {  	_ =	swait.eq [sflag:s15], $0x1  }
0x94: {  	[sflag:s15] =	ssyncset.done $0x0  }
0x95: {  	s16 =	sld [smem:$0x10];
	[sflag:s15] =	ssyncadd.s32 $0xFFFFFFFF  }
0x96: {  	s17 =	sld [smem:$0x11];
	(tm) =	ssettm $0x1  }
0x97: {  	s18 =	sld [smem:$0x3FFB];
	_ =	sdelay $0x3  }
0x98: {  	_ =	strace s18  }
0x99: {  	s4 =	sld [smem:$0x3FFC];
	_ =	sdelay $0x3  }
0x9a: {  	_ =	strace s4  }
0x9b: {  	s4 =	sld [smem:$0x3FFD];
	_ =	sdelay $0x3  }
0x9c: {  	_ =	strace s4  }
0x9d: {  	_ =	strace $0x8FFFFFFF  }
0x9e: {  	s19 =	sld [smem:$0x3FDB];
	_ =	sdelay $0x1  }
0x9f: {  	s5 =	simm.s32 $_scs_section_size  }
0xa0: {  	s6 =	simm.s32 $_size__tile_overlayer_lowered;
	s7 =	simm.s32 $_tile_overlayer_lowered  }
0xa1: {  	s22 =	simm.s32 $0x1BFF;
	s21 =	sshll.u32 s7, $0x1;
	s4 =	sadd.s32 s5, s19  }
0xa2: {  	s8 =	simm.s32 $0x0;
	s20 =	sshll.u32 s6, $0x1;
	s6 =	sadd.s32 s21, s4  }
0xa3: {  	[timem:s8], [sflag:s22] =	dma.local [hbm:s6], s20  }
0xa4: {  	_ =	swait.ge [sflag:s22], s20  }
0xa5: {  	s5 =	ssub.s32 $0x0, s20;
	[sflag:s22] =	ssyncset.done $0x0  }
0xa6: {  	[sflag:s22] =	ssyncadd.s32 s5;
	_ =	sdelay $0x1  }
0xa7: {  	s23 =	simm.s32 $0x1B8B  }
0xa8: {  	_ =	swait.ge [sflag:s23], $0x1  }
0xa9: {  	[sflag:s23] =	ssyncset.done $0x0  }
0xaa: {  	s25 =	simm.s32 $0x1B8E;
	s24 =	sld [smem:$0x3FFE];
	[sflag:s23] =	ssyncadd.s32 $0xFFFFFFFF  }
0xab: {  	s26 =	simm.s32 $execute0_lowered;
	[smem:$0x3FD2] =	sst s25  }
0xac: {  	s6 =	sshll.u32 s26, $0x1;
	_ =	strace $0x80000049;
	[dreg:$0x1] =	wrdreg $0xFFFFFFFF  }
0xad: {  	s28 =	simm.s32 $_size_execute0_lowered;
	s4 =	sadd.s32 s4, s6;
	[dreg:$0x0] =	wrdreg $0x0  }
0xae: {  	s6 =	sshll.u32 s28, $0x1;
	[dreg:$0x2] =	wrdreg s4  }
0xaf: {  	[dreg:$0x3] =	wrdreg s6  }
0xb0: {  	[dreg:$0x4] =	wrdreg $0xC0  }
0xb1: {  	_ =	task [dreg:s8], $0x5FFFF  }
0xb2: {  	[dreg:$0x1] =	wrdreg $0xFFFFFFFF  }
0xb3: {  	[dreg:$0x0] =	wrdreg $0x60  }
0xb4: {  	[dreg:$0x2] =	wrdreg s24  }
0xb5: {  	[dreg:$0x3] =	wrdreg s17  }
0xb6: {  	[dreg:$0x4] =	wrdreg s16  }
0xb7: {  	[dreg:$0x5] =	wrdreg $0xAA000  }
0xb8: {  	[dreg:$0x6] =	wrdreg $0x9  }
0xb9: {  	_ =	task.clear_ibuf [dreg:s8], $0x7FFFF;
	_ =	strace $0x90000049  }
0xba: {  	s29 =	simm.s32 $0x9;
	_ =	strace $0x8000004B  }
0xbb: {  	_ =	swait.ge [sflag:s29], $0x1  }
0xbc: {  	[sflag:s29] =	ssyncadd.s32 $0xFFFFFFFF  }
0xbd: {  	_ =	strace $0x9000004B  }
0xbe: {  	_ =	sfence  }
0xbf: {  	s30 =	sld [smem:$0x0];
	_ =	sdelay $0x2  }
0xc0: {  	s31 =	sshll.u32 s1, $0xD;
	s1 =	sshrl.u32 s1, $0x2  }
0xc1: {  	s3 =	sand.u32 $0x4000, s31;
	s1 =	sadd.s32 s1, s30  }
0xc2: {  	s0 =	sor.u32 s3, s0;
	s1 =	sshll.u32 s1, $0x11  }
0xc3: {  	s0 =	sor.u32 s1, s0  }
0xc4: {  	s0 =	sadd.s32 $0x8F2B, s0  }
0xc5: {  	[sflag:s0] =	ssyncadd.remote.s32 $0x1  }
0xc6: {  	_ =	sfence.sel $0xFFFF  }
0xc7: {  	[dreg:$0x0] =	wrdreg $0xFFFFFFFF;
	(pc) =	sbr.abs _section_cstart, $3  }
0xc8: {  	[dreg:$0x1] =	wrdreg $0xFFFFFFFF  }
0xc9: {  	_ =	task.clear_ibuf [dreg:s8], $0x2FFFF;
	_ =	strace $0x9FFFFFFF  }
0xca: {  	(tm) =	ssettm $0x7FFFFFFF  }
0xcb: {  	_ =	shalt  }
tec
execute0_lowered:
.L_overlay_start_1:
0x0: {  	(tag) =	ssettag $0x1  }
0x1: {  	s0 =	rddreg [dreg:$0x0]  }
0x2: {  	s1 =	rddreg [dreg:$0x1]  }
0x3: {  	s5 =	rddreg [dreg:$0x2]  }
0x4: {  	s2 =	rddreg [dreg:$0x3]  }
0x5: {  	s3 =	simm.s32 $0x0;
	s12 =	stileid.u32;
	s4 =	srdreg.scid  }
0x6: {  	s28 =	simm.s32 $0x6A00;
	s29 =	simm.s32 $0x5;
	s6 =	smul.u32 $0x14000, s12  }
0x7: {  	s30 =	simm.s32 $0x2980;
	s31 =	simm.s32 $0x3;
	s11 =	smul.u32 $0x50000, s12  }
0x8: {  	[smem:$0x7FF] =	sst s3;
	s7 =	sand.u32 $0x1, s4;
	s15 =	smul.u32 $0x2800, s12  }
0x9: {  	s4 =	sadd.s32 $0x2E200, s0;
	_ =	strace $0x8000004A;
	s8 =	smul.u32 $0x140000, s7  }
0xa: {  	s9 =	sshll.u32 s7, $0x4;
	s13 =	ssub.s32 $0x2, s7;
	s7 =	smul.u32 $0x28000, s7  }
0xb: {  	s10 =	sshrl.u32 s6, $0x3;
	s9 =	sor.u32 s12, s9;
	s14 =	sshrl.u32 s13, $0x1  }
0xc: {  	s16 =	sshrl.u32 s11, $0x2;
	s10 =	sadd.s32 s10, s0;
	s6 =	sadd.s32 s6, s8  }
0xd: {  	s26 =	smul.u32 $0x2800, s9;
	s7 =	sadd.s32 s15, s7;
	s6 =	sshrl.u32 s6, $0x3  }
0xe: {  	s17 =	sadd.s32 $0x6200, s10;
	s19 =	sor.u32 $0x380, s7;
	s22 =	sor.u32 $0x300, s7  }
0xf: {  	s23 =	sor.u32 $0x280, s7;
	s7 =	sor.u32 $0x200, s7;
	s0 =	sadd.s32 s6, s0  }
0x10: {  	s6 =	ssub.s32 s13, s14;
	s8 =	sshrl.u32 s26, $0x3;
	[dreg:$0x8] =	wrdreg s17  }
0x11: {  	s21 =	sshrl.u32 s19, $0x3;
	s24 =	sshrl.u32 s23, $0x3;
	s1 =	sadd.s32 s1, s8  }
0x12: {  	s25 =	sshrl.u32 s7, $0x3;
	s13 =	sadd.s32 s5, s8;
	[dreg:$0x5] =	wrdreg s1  }
0x13: {  	s17 =	simm.s32 $0x9;
	s0 =	sadd.s32 $0xA6200, s0;
	[dreg:$0x6] =	wrdreg s13  }
0x14: {  	s19 =	simm.s32 $0x2880;
	s6 =	smax.u32 s6, $0x1;
	[dreg:$0xb] =	wrdreg s0  }
0x15: {  	s26 =	sshll.u32 s12, $0x6;
	s8 =	sadd.s32 $0x10, s13;
	[dreg:$0xc] =	wrdreg s6  }
0x16: {  	s23 =	simm.s32 $0x80;
	s18 =	sadd.s32 $0x20, s13;
	[dreg:$0x7] =	wrdreg s8  }
0x17: {  	s7 =	simm.s32 $0x8;
	s20 =	sadd.s32 $0x30, s13;
	[dreg:$0x9] =	wrdreg s18  }
0x18: {  	s1 =	sadd.s32 s16, s2;
	s0 =	sadd.s32 s21, s5;
	[dreg:$0xa] =	wrdreg s20  }
0x19: {  	s16 =	sadd.s32 s25, s5;
	s25 =	simm.s32 $0x2900;
	[dreg:$0xd] =	wrdreg s0  }
0x1a: {  	s0 =	sshrl.u32 s22, $0x3;
	s18 =	simm.s32 $0x2800;
	s20 =	sor.u32 $0x1C09, s26  }
0x1b: {  	s21 =	sshrl.u32 s1, $0x3;
	s22 =	simm.s32 $0x1;
	s26 =	simm.s32 $0x2  }
0x1c: {  	s1 =	simm.s32 $0x6;
	s8 =	simm.s32 $0x0;
	s0 =	sadd.s32 s0, s5  }
0x1d: {  	[dreg:$0xe] =	wrdreg s0;
	s0 =	sadd.s32 s24, s5;
	s24 =	simm.s32 $0x2A00  }
0x1e: {  	s5 =	simm.s32 $0x4;
	[dreg:$0xf] =	wrdreg s0;
	s0 =	simm.s32 $0x7  }
.LBB2_1:
0x1f: {  	s6 =	rddreg [dreg:$0x5]  }
0x20: {  	[tilespmem:s3], [sflag:$0x9] =	stream.linear.gather [hbm4b:s6+s3], $0x2800, $0x38;
	[tilespmem:$0x1EA00] =	vst v63  }
0x21: {  	_ =	swait.ge [sflag:s17], $0x2800  }
0x22: {  	[sflag:s17] =	ssyncset.done $0x0;
	s13 =	rddreg [dreg:$0x6]  }
0x23: {  	s14 =	rddreg [dreg:$0x7];
	[sflag:s17] =	ssyncadd.s32 $0xFFFFD800  }
0x24: {  	[tilespmem:s18], [sflag:$0x1] =	stream.linear.gather [hbm4b:s13+s3], $0x80, $0x38;
	[tilespmem:$0x1EA00] =	vst v63  }
0x25: {  	s15 =	rddreg [dreg:$0x8]  }
0x26: {  	[tilespmem:s19], [sflag:$0x2] =	stream.linear.gather [hbm4b:s14+s3], $0x80, $0x38;
	[tilespmem:$0x1EA00] =	vst v63  }
0x27: {  	[spmem:s21], [sflag:s20] =	dma.local [hbm:s15], $0x2800  }
0x28: {  	_ =	swait.ge [sflag:s17], $0x2800  }
0x29: {  	[sflag:s17] =	ssyncset.done $0x0  }
0x2a: {  	[sflag:s17] =	ssyncadd.s32 $0xFFFFD800  }
0x2b: {  	[bflag:$0x0] =	sbarrier.arrive $0xFFFF  }
0x2c: {  	_ =	swait.ge [sflag:s22], $0x80  }
0x2d: {  	[sflag:s22] =	ssyncset.done $0x0  }
0x2e: {  	[sflag:s22] =	ssyncadd.s32 $0xFFFFFF80  }
0x2f: {  	[tilespmem:s24], [sflag:$0x5] =	stream.indirect.gather [hbm4b:s4+s23], $0x80, s3, s23, $0xb8;
	[tilespmem:$0x1EA00] =	vst v63  }
0x30: {  	s9 =	rddreg [dreg:$0x9]  }
0x31: {  	[tilespmem:s25], [sflag:$0x3] =	stream.linear.gather [hbm4b:s9+s3], $0x80, $0x38;
	[tilespmem:$0x1EA00] =	vst v63  }
0x32: {  	_ =	swait.ge [sflag:s26], $0x80  }
0x33: {  	[sflag:s26] =	ssyncset.done $0x0  }
0x34: {  	[sflag:s26] =	ssyncadd.s32 $0xFFFFFF80  }
0x35: {  	[tilespmem:s28], [sflag:$0x6] =	stream.indirect.gather [hbm4b:s4+s23], $0x80, s23, s23, $0xb8;
	[tilespmem:$0x1EA00] =	vst v63  }
0x36: {  	_ =	swait.ge [sflag:s29], $0x4000  }
0x37: {  	[sflag:s29] =	ssyncset.done $0x0  }
0x38: {  	[sflag:s29] =	ssyncadd.s32 $0xFFFFC000  }
0x39: {  	[spmem:s2] =	stream.indirect.scatter.add.f32 [tilespmem:s24], [sflag:$0x7], $0x80, s18, s23, $0xb8;
	[tilespmem:$0x1EA00] =	vst v63  }
0x3a: {  	s10 =	rddreg [dreg:$0xa]  }
0x3b: {  	[tilespmem:s30], [sflag:$0x4] =	stream.linear.gather [hbm4b:s10+s3], $0x80, $0x38;
	[tilespmem:$0x1EA00] =	vst v63  }
0x3c: {  	_ =	swait.ge [sflag:s31], $0x80  }
0x3d: {  	[sflag:s31] =	ssyncset.done $0x0  }
0x3e: {  	[sflag:s31] =	ssyncadd.s32 $0xFFFFFF80  }
0x3f: {  	_ =	swait.ge [sflag:s0], $0x4000  }
0x40: {  	[sflag:s0] =	ssyncset.done $0x0  }
0x41: {  	s11 =	simm.s32 $0x100;
	[sflag:s0] =	ssyncadd.s32 $0xFFFFC000  }
0x42: {  	[tilespmem:s24], [sflag:$0x5] =	stream.indirect.gather [hbm4b:s4+s23], $0x80, s11, s23, $0xb8;
	[tilespmem:$0x1EA00] =	vst v63  }
0x43: {  	_ =	swait.ge [sflag:s1], $0x4000  }
0x44: {  	[sflag:s1] =	ssyncset.done $0x0  }
0x45: {  	[sflag:s1] =	ssyncadd.s32 $0xFFFFC000  }
0x46: {  	[spmem:s2] =	stream.indirect.scatter.add.f32 [tilespmem:s28], [sflag:$0x8], $0x80, s19, s23, $0xb8;
	[tilespmem:$0x1EA00] =	vst v63  }
0x47: {  	_ = 	snop  }
0x48: {  	[tilespmem:s18], [sflag:$0x1] =	stream.linear.gather [hbm4b:s16+s3], $0x80, $0x38;
	[tilespmem:$0x1EA00] =	vst v63  }
0x49: {  	_ =	swait.ge [sflag:s5], $0x80  }
0x4a: {  	[sflag:s5] =	ssyncset.done $0x0  }
0x4b: {  	[sflag:s5] =	ssyncadd.s32 $0xFFFFFF80  }
0x4c: {  	_ =	swait.ge [sflag:s7], $0x4000  }
0x4d: {  	[sflag:s7] =	ssyncset.done $0x0  }
0x4e: {  	s12 =	simm.s32 $0x180;
	[sflag:s7] =	ssyncadd.s32 $0xFFFFC000  }
0x4f: {  	[tilespmem:s28], [sflag:$0x6] =	stream.indirect.gather [hbm4b:s4+s23], $0x80, s12, s23, $0xb8;
	[tilespmem:$0x1EA00] =	vst v63  }
0x50: {  	_ =	swait.ge [sflag:s29], $0x4000  }
0x51: {  	[sflag:s29] =	ssyncset.done $0x0  }
0x52: {  	[sflag:s29] =	ssyncadd.s32 $0xFFFFC000  }
0x53: {  	[spmem:s2] =	stream.indirect.scatter.add.f32 [tilespmem:s24], [sflag:$0x7], $0x80, s25, s23, $0xb8;
	[tilespmem:$0x1EA00] =	vst v63  }
0x54: {  	s14 =	rddreg [dreg:$0xf]  }
0x55: {  	[tilespmem:s19], [sflag:$0x2] =	stream.linear.gather [hbm4b:s14+s3], $0x80, $0x38;
	[tilespmem:$0x1EA00] =	vst v63  }
0x56: {  	_ =	swait.ge [sflag:s22], $0x80  }
0x57: {  	[sflag:s22] =	ssyncset.done $0x0  }
0x58: {  	[sflag:s22] =	ssyncadd.s32 $0xFFFFFF80  }
0x59: {  	_ =	swait.ge [sflag:s0], $0x4000  }
0x5a: {  	[sflag:s0] =	ssyncset.done $0x0  }
0x5b: {  	s13 =	simm.s32 $0x200;
	[sflag:s0] =	ssyncadd.s32 $0xFFFFC000  }
0x5c: {  	[tilespmem:s24], [sflag:$0x5] =	stream.indirect.gather [hbm4b:s4+s23], $0x80, s13, s23, $0xb8;
	[tilespmem:$0x1EA00] =	vst v63  }
0x5d: {  	_ =	swait.ge [sflag:s1], $0x4000  }
0x5e: {  	[sflag:s1] =	ssyncset.done $0x0  }
0x5f: {  	[sflag:s1] =	ssyncadd.s32 $0xFFFFC000  }
0x60: {  	[spmem:s2] =	stream.indirect.scatter.add.f32 [tilespmem:s28], [sflag:$0x8], $0x80, s30, s23, $0xb8;
	[tilespmem:$0x1EA00] =	vst v63  }
0x61: {  	s12 =	rddreg [dreg:$0xe]  }
0x62: {  	[tilespmem:s25], [sflag:$0x3] =	stream.linear.gather [hbm4b:s12+s3], $0x80, $0x38;
	[tilespmem:$0x1EA00] =	vst v63  }
0x63: {  	_ =	swait.ge [sflag:s26], $0x80  }
0x64: {  	[sflag:s26] =	ssyncset.done $0x0  }
0x65: {  	[sflag:s26] =	ssyncadd.s32 $0xFFFFFF80  }
0x66: {  	_ =	swait.ge [sflag:s7], $0x4000  }
0x67: {  	[sflag:s7] =	ssyncset.done $0x0  }
0x68: {  	s15 =	simm.s32 $0x280;
	[sflag:s7] =	ssyncadd.s32 $0xFFFFC000  }
0x69: {  	[tilespmem:s28], [sflag:$0x6] =	stream.indirect.gather [hbm4b:s4+s23], $0x80, s15, s23, $0xb8;
	[tilespmem:$0x1EA00] =	vst v63  }
0x6a: {  	s9 =	simm.s32 $0x800;
	s10 =	sadd.s32 $0x40, s16;
	_ =	swait.ge [sflag:s29], $0x4000  }
0x6b: {  	s6 =	sadd.s32 $0x40, s14;
	[sflag:s29] =	ssyncset.done $0x0;
	s13 =	rddreg [dreg:$0xd]  }
0x6c: {  	s12 =	sadd.s32 $0x40, s12;
	[sflag:s29] =	ssyncadd.s32 $0xFFFFC000;
	s11 =	sadd.s32 $0x40, s13  }
0x6d: {  	[spmem:s2] =	stream.indirect.scatter.add.f32 [tilespmem:s24], [sflag:$0x7], $0x80, s18, s23, $0xb8;
	[tilespmem:$0x1EA00] =	vst v63  }
.LBB2_2:
0x6e: {  	[tilespmem:s30], [sflag:$0x4] =	stream.linear.gather [hbm4b:s13+s3], $0x80, $0x38;
	[tilespmem:$0x1EA00] =	vst v63  }
0x6f: {  	s14 =	smov.u32 s9;
	s13 =	smov.u32 s11  }
0x70: {  	p0 =	sne.s32 s9, $0x9000;
	s9 =	sadd.s32 $0x800, s9;
	_ =	swait.ge [sflag:s31], $0x80  }
0x71: {  	[sflag:s31] =	ssyncset.done $0x0  }
0x72: {  	[sflag:s31] =	ssyncadd.s32 $0xFFFFFF80  }
0x73: {  	_ =	swait.ge [sflag:s0], $0x4000  }
0x74: {  	s14 =	sshra.s32 s14, $0x2;
	[sflag:s0] =	ssyncset.done $0x0  }
0x75: {  	s15 =	sadd.s32 $0x100, s14;
	[sflag:s0] =	ssyncadd.s32 $0xFFFFC000  }
0x76: {  	[tilespmem:s24], [sflag:$0x5] =	stream.indirect.gather [hbm4b:s4+s23], $0x80, s15, s23, $0xb8;
	[tilespmem:$0x1EA00] =	vst v63  }
0x77: {  	_ =	swait.ge [sflag:s1], $0x4000  }
0x78: {  	[sflag:s1] =	ssyncset.done $0x0  }
0x79: {  	[sflag:s1] =	ssyncadd.s32 $0xFFFFC000  }
0x7a: {  	[spmem:s2] =	stream.indirect.scatter.add.f32 [tilespmem:s28], [sflag:$0x8], $0x80, s19, s23, $0xb8;
	[tilespmem:$0x1EA00] =	vst v63  }
0x7b: {  	_ = 	snop  }
0x7c: {  	[tilespmem:s18], [sflag:$0x1] =	stream.linear.gather [hbm4b:s10+s3], $0x80, $0x38;
	[tilespmem:$0x1EA00] =	vst v63  }
0x7d: {  	_ =	swait.ge [sflag:s5], $0x80  }
0x7e: {  	[sflag:s5] =	ssyncset.done $0x0  }
0x7f: {  	[sflag:s5] =	ssyncadd.s32 $0xFFFFFF80  }
0x80: {  	_ =	swait.ge [sflag:s7], $0x4000  }
0x81: {  	[sflag:s7] =	ssyncset.done $0x0  }
0x82: {  	s15 =	sadd.s32 $0x180, s14;
	[sflag:s7] =	ssyncadd.s32 $0xFFFFC000  }
0x83: {  	[tilespmem:s28], [sflag:$0x6] =	stream.indirect.gather [hbm4b:s4+s23], $0x80, s15, s23, $0xb8;
	[tilespmem:$0x1EA00] =	vst v63  }
0x84: {  	_ =	swait.ge [sflag:s29], $0x4000  }
0x85: {  	[sflag:s29] =	ssyncset.done $0x0  }
0x86: {  	[sflag:s29] =	ssyncadd.s32 $0xFFFFC000  }
0x87: {  	[spmem:s2] =	stream.indirect.scatter.add.f32 [tilespmem:s24], [sflag:$0x7], $0x80, s25, s23, $0xb8;
	[tilespmem:$0x1EA00] =	vst v63  }
0x88: {  	_ = 	snop  }
0x89: {  	[tilespmem:s19], [sflag:$0x2] =	stream.linear.gather [hbm4b:s6+s3], $0x80, $0x38;
	[tilespmem:$0x1EA00] =	vst v63  }
0x8a: {  	_ =	swait.ge [sflag:s22], $0x80  }
0x8b: {  	[sflag:s22] =	ssyncset.done $0x0  }
0x8c: {  	[sflag:s22] =	ssyncadd.s32 $0xFFFFFF80  }
0x8d: {  	_ =	swait.ge [sflag:s0], $0x4000  }
0x8e: {  	[sflag:s0] =	ssyncset.done $0x0  }
0x8f: {  	s15 =	sadd.s32 $0x200, s14;
	[sflag:s0] =	ssyncadd.s32 $0xFFFFC000  }
0x90: {  	[tilespmem:s24], [sflag:$0x5] =	stream.indirect.gather [hbm4b:s4+s23], $0x80, s15, s23, $0xb8;
	[tilespmem:$0x1EA00] =	vst v63  }
0x91: {  	_ =	swait.ge [sflag:s1], $0x4000  }
0x92: {  	[sflag:s1] =	ssyncset.done $0x0  }
0x93: {  	[sflag:s1] =	ssyncadd.s32 $0xFFFFC000  }
0x94: {  	[spmem:s2] =	stream.indirect.scatter.add.f32 [tilespmem:s28], [sflag:$0x8], $0x80, s30, s23, $0xb8;
	[tilespmem:$0x1EA00] =	vst v63  }
0x95: {  	_ = 	snop  }
0x96: {  	[tilespmem:s25], [sflag:$0x3] =	stream.linear.gather [hbm4b:s12+s3], $0x80, $0x38;
	[tilespmem:$0x1EA00] =	vst v63  }
0x97: {  	_ =	swait.ge [sflag:s26], $0x80  }
0x98: {  	[sflag:s26] =	ssyncset.done $0x0  }
0x99: {  	[sflag:s26] =	ssyncadd.s32 $0xFFFFFF80  }
0x9a: {  	_ =	swait.ge [sflag:s7], $0x4000  }
0x9b: {  	[sflag:s7] =	ssyncset.done $0x0  }
0x9c: {  	s14 =	sadd.s32 $0x280, s14;
	[sflag:s7] =	ssyncadd.s32 $0xFFFFC000  }
0x9d: {  	[tilespmem:s28], [sflag:$0x6] =	stream.indirect.gather [hbm4b:s4+s23], $0x80, s14, s23, $0xb8;
	[tilespmem:$0x1EA00] =	vst v63  }
.Ltmp0:
0x9e: {  	_ =	swait.ge [sflag:s29], $0x4000;
	(pc) =	sbr.rel @p0 .LBB2_2-.Ltmp0, $4  }
0x9f: {  	[sflag:s29] =	ssyncset.done $0x0  }
0xa0: {  	s10 =	sadd.s32 $0x40, s10;
	[sflag:s29] =	ssyncadd.s32 $0xFFFFC000  }
0xa1: {  	[spmem:s2] =	stream.indirect.scatter.add.f32 [tilespmem:s24], [sflag:$0x7], $0x80, s18, s23, $0xb8;
	[tilespmem:$0x1EA00] =	vst v63  }
0xa2: {  	s11 =	sadd.s32 $0x40, s11;
	s6 =	sadd.s32 $0x40, s6;
	s12 =	sadd.s32 $0x40, s12  }
0xa3: {  	[tilespmem:s30], [sflag:$0x4] =	stream.linear.gather [hbm4b:s13+s3], $0x80, $0x38;
	[tilespmem:$0x1EA00] =	vst v63  }
0xa4: {  	_ =	swait.ge [sflag:s31], $0x80  }
0xa5: {  	[sflag:s31] =	ssyncset.done $0x0  }
0xa6: {  	[sflag:s31] =	ssyncadd.s32 $0xFFFFFF80  }
0xa7: {  	_ =	swait.ge [sflag:s0], $0x4000  }
0xa8: {  	[sflag:s0] =	ssyncset.done $0x0  }
0xa9: {  	s6 =	simm.s32 $0x2700;
	[sflag:s0] =	ssyncadd.s32 $0xFFFFC000  }
0xaa: {  	[tilespmem:s24], [sflag:$0x5] =	stream.indirect.gather [hbm4b:s4+s23], $0x80, s6, s23, $0xb8;
	[tilespmem:$0x1EA00] =	vst v63  }
0xab: {  	_ =	swait.ge [sflag:s1], $0x4000  }
0xac: {  	[sflag:s1] =	ssyncset.done $0x0  }
0xad: {  	[sflag:s1] =	ssyncadd.s32 $0xFFFFC000  }
0xae: {  	[spmem:s2] =	stream.indirect.scatter.add.f32 [tilespmem:s28], [sflag:$0x8], $0x80, s19, s23, $0xb8;
	[tilespmem:$0x1EA00] =	vst v63  }
0xaf: {  	_ =	swait.ge [sflag:s5], $0x80  }
0xb0: {  	[sflag:s5] =	ssyncset.done $0x0  }
0xb1: {  	[sflag:s5] =	ssyncadd.s32 $0xFFFFFF80  }
0xb2: {  	_ =	swait.ge [sflag:s7], $0x4000  }
0xb3: {  	[sflag:s7] =	ssyncset.done $0x0  }
0xb4: {  	s13 =	simm.s32 $0x2780;
	[sflag:s7] =	ssyncadd.s32 $0xFFFFC000  }
0xb5: {  	[tilespmem:s28], [sflag:$0x6] =	stream.indirect.gather [hbm4b:s4+s23], $0x80, s13, s23, $0xb8;
	[tilespmem:$0x1EA00] =	vst v63  }
0xb6: {  	_ =	swait.ge [sflag:s29], $0x4000  }
0xb7: {  	[sflag:s29] =	ssyncset.done $0x0  }
0xb8: {  	[sflag:s29] =	ssyncadd.s32 $0xFFFFC000  }
0xb9: {  	[spmem:s2] =	stream.indirect.scatter.add.f32 [tilespmem:s24], [sflag:$0x7], $0x80, s25, s23, $0xb8;
	[tilespmem:$0x1EA00] =	vst v63  }
0xba: {  	_ =	swait.ge [sflag:s1], $0x4000  }
0xbb: {  	[sflag:s1] =	ssyncset.done $0x0  }
0xbc: {  	[sflag:s1] =	ssyncadd.s32 $0xFFFFC000  }
0xbd: {  	[spmem:s2] =	stream.indirect.scatter.add.f32 [tilespmem:s28], [sflag:$0x8], $0x80, s30, s23, $0xb8;
	[tilespmem:$0x1EA00] =	vst v63  }
0xbe: {  	_ =	swait.ge [sflag:s0], $0x4000  }
0xbf: {  	[sflag:s0] =	ssyncset.done $0x0  }
0xc0: {  	[sflag:s0] =	ssyncadd.s32 $0xFFFFC000  }
0xc1: {  	_ =	swait.ge [sflag:s7], $0x4000  }
0xc2: {  	[sflag:s7] =	ssyncset.done $0x0  }
0xc3: {  	[sflag:s7] =	ssyncadd.s32 $0xFFFFC000  }
0xc4: {  	[bflag:$0x0] =	sbarrier.arrive $0xFFFF  }
0xc5: {  	s14 =	rddreg [dreg:$0xb]  }
0xc6: {  	[hbm:s14], [sflag:s20] =	dma.local [spmem:s21], $0x2800  }
0xc7: {  	_ =	swait.ge [sflag:s17], $0x2800  }
0xc8: {  	s8 =	sadd.s32 $0x1, s8;
	s15 =	rddreg [dreg:$0xc]  }
0xc9: {  	p0 =	sne.s32 s8, s15  }
.Ltmp1:
0xca: {  	_ = 	snop;
	(pc) =	sbr.rel @p0 .LBB2_1-.Ltmp1, $3  }
0xcb: {  	_ =	sdelay $0x1  }
0xcc: {  	[sflag:s17] =	ssyncset.done $0x0  }
0xcd: {  	[sflag:s17] =	ssyncadd.s32 $0xFFFFD800  }
0xce: {  	_ =	sfence.sel $0x180000  }
0xcf: {  	[bflag:$0x0] =	sbarrier.arrive $0xFFFF  }
0xd0: {  	_ =	strace $0x9000004A  }
0xd1: {  	s0 =	stileid.u32;
	[bflag:$0x2] =	sbarrier.arrive $0xFFFF  }
0xd2: {  	p0 =	sne.s32 s0, $0x0;
	s0 =	rddreg [dreg:$0x4]  }
0xd3: {  	s0 =	sadd.s32 @!p0 $0x100000, s0  }
0xd4: {  	[sflag:s0] =	ssyncadd.tile.s32 @!p0 $0x1;
	_ =	shalt  }
.Lfunc_end2:
_tile_overlayer_lowered:
.L_overlay_start_2:
0xd5: {  	(tag) =	ssettag $0x2  }
0xd6: {  	s0 =	rddreg [dreg:$0x0];
	s2 =	stileid.u32  }
0xd7: {  	s1 =	rddreg [dreg:$0x1];
	p0 =	sne.s32 s2, $0x0  }
0xd8: {  	s3 =	rddreg [dreg:$0x2];
	[bflag:$0x3] =	sbarrier.arrive $0xFFFF;
	s2 =	simm.s32 @!p0 $0x1C09  }
0xd9: {  	[timem:s3], [sflag:s2] =	dma.local @!p0 [hbm:s0], s1  }
0xda: {  	s0 =	simm.s32 @!p0 $0x9  }
0xdb: {  	_ =	swait.ge @!p0 [sflag:s0], s1  }
0xdc: {  	s1 =	ssub.s32 @!p0 $0x0, s1;
	[sflag:s0] =	ssyncset.done @!p0 $0x0  }
0xdd: {  	[sflag:s0] =	ssyncadd.s32 @!p0 s1  }
0xde: {  	[bflag:$0x3] =	sbarrier.arrive $0xFFFF  }
0xdf: {  	_ =	shalt  }

// kernel: kernel.17.cloned.1.call-start
scs
__scs_entry_jumppad:
0x0: {  	(pc) =	sbr.rel $0x88, $3  }
0x1: {  	(tag) =	ssettag $0x0;
	lr =	simm.s32 $0x1  }
0x2: {  	[smem:$0x3F92] =	sst lr;
	_ =	strace $0xD0000000  }
0x3: {  	_ = 	snop  }
0x4: {  	_ = 	snop  }
0x5: {  	_ = 	snop  }
0x6: {  	_ = 	snop  }
0x7: {  	_ = 	snop  }
__scs_overlays_trampoline_lowered:
0x8: {  	[smem:$0x3FA1] =	sst s0  }
0x9: {  	[smem:$0x3FA2] =	sst s1  }
0xa: {  	[smem:$0x3FA3] =	sst s2  }
0xb: {  	[smem:$0x3FA4] =	sst s3  }
0xc: {  	[smem:$0x3FA5] =	sst s4  }
0xd: {  	[smem:$0x3FA6] =	sst s5  }
0xe: {  	[smem:$0x3FA7] =	sst s6  }
0xf: {  	[smem:$0x3FA8] =	sst s7  }
0x10: {  	[smem:$0x3FA9] =	sst s8  }
0x11: {  	[smem:$0x3FAA] =	sst s9;
	s0 =	simm.s32 @!p0 $0x0  }
0x12: {  	s1 =	sld [smem:$0x3F90];
	s0 =	simm.s32 @p0 $0x1  }
0x13: {  	[smem:$0x3FAB] =	sst s0;
	s0 =	simm.s32 @!p1 $0x0  }
0x14: {  	s2 =	sld [smem:$0x3F8F];
	s0 =	simm.s32 @p1 $0x1  }
0x15: {  	[smem:$0x3FAC] =	sst s0;
	s0 =	simm.s32 @!p2 $0x0  }
0x16: {  	s3 =	sld [smem:$0x3FDB];
	s0 =	simm.s32 @p2 $0x1  }
0x17: {  	s4 =	simm.s32 $0x1BF5;
	[smem:$0x3FAE] =	sst s0  }
0x18: {  	s0 =	sld [smem:$0x3F91];
	_ =	swait.ge [sflag:s4], $0x0  }
0x19: {  	s7 =	sld [smem:$0x3F92]  }
0x1a: {  	s8 =	sadd.s32 $0xFFFFE003, lr  }
0x1b: {  	s9 =	sadd.s32 $0xFFFFFEF7, lr;
	s5 =	simm.s32 $0xFFFFFFFF;
	p2 =	slt.u32 s8, $0xFFFFF086  }
0x1c: {  	p1 =	slt.u32 s9, $0xF7A;
	s5 =	simm.s32 @!p2 $0x0  }
0x1d: {  	s5 =	simm.s32 @p1 $0x1;
	p0 =	seq.s32 s7, s2  }
0x1e: {  	s7 =	smul.u32 @!p0 $0xF7A, s2;
	p2 =	seq.s32 @!p0 s5, $0x0  }
0x1f: {  	s9 =	smul.u32 $0xF7A, s1;
	s8 =	simm.s32 @!p0 $0x1BF5;
	p2 =	por !p2, p0  }
0x20: {  	[sflag:s8] =	ssyncset.s32 @!p0 $0xFFFFF086;
	s6 =	sadd.s32 @!p0 s3, s7;
	s7 =	simm.s32 @!p0 $0x108  }
0x21: {  	s3 =	sadd.s32 s3, s9;
	s6 =	sadd.s32 @!p0 $0x88, s6;
	s7 =	simm.s32 @p2 $0x1082  }
0x22: {  	[simem:s7], [sflag:s8] =	dma.local @!p0 [hbm:s6], $0xF7A  }
0x23: {  	s9 =	sor.u32 $0xD0000000, s2;
	s6 =	simm.s32 $0x108;
	_ =	swait.ge @!p0 [sflag:s8], $0x0  }
0x24: {  	s3 =	sadd.s32 $0x88, s3;
	s6 =	simm.s32 @!p1 $0x1082;
	[sflag:s4] =	ssyncset.s32 $0xFFFFF086  }
0x25: {  	[simem:s6], [sflag:s4] =	dma.local [hbm:s3], $0xF7A  }
0x26: {  	[smem:$0x3F92] =	sst s1;
	(tag) =	ssettag s2;
	_ =	strace s9  }
0x27: {  	s1 =	sld [smem:$0x3FA2]  }
0x28: {  	s2 =	sld [smem:$0x3FA3]  }
0x29: {  	s4 =	sld [smem:$0x3FA5]  }
0x2a: {  	p0 =	seq.s32 s5, $0x0;
	s5 =	sld [smem:$0x3FA6]  }
0x2b: {  	s6 =	sld [smem:$0x3FA7]  }
0x2c: {  	s7 =	sld [smem:$0x3FA8]  }
0x2d: {  	s3 =	simm.s32 $0x108;
	s8 =	sld [smem:$0x3FA9]  }
0x2e: {  	s3 =	simm.s32 @!p0 $0x1082;
	s9 =	sld [smem:$0x3FAA]  }
0x2f: {  	lr =	sadd.s32 s0, s3;
	s0 =	sld [smem:$0x3FA1]  }
0x30: {  	s3 =	sld [smem:$0x3FA4]  }
0x31: {  	[smem:$0x3FAD] =	sst s10  }
0x32: {  	s10 =	sld [smem:$0x3FAB];
	_ =	sdelay $0x3  }
0x33: {  	p0 =	seq.s32 s10, $0x1;
	s10 =	sld [smem:$0x3FAD];
	_ =	sdelay $0x3  }
0x34: {  	[smem:$0x3FAD] =	sst s10  }
0x35: {  	s10 =	sld [smem:$0x3FAC];
	_ =	sdelay $0x3  }
0x36: {  	p1 =	seq.s32 s10, $0x1;
	s10 =	sld [smem:$0x3FAD];
	_ =	sdelay $0x3  }
0x37: {  	[smem:$0x3FAD] =	sst s10  }
0x38: {  	s10 =	sld [smem:$0x3FAE]  }
0x39: {  	_ = 	snop;
	(pc) =	sbr.ind lr, $3  }
0x3a: {  	_ = 	snop  }
0x3b: {  	_ = 	snop  }
0x3c: {  	p2 =	seq.s32 s10, $0x1;
	s10 =	sld [smem:$0x3FAD]  }
0x3d: {  	_ =	shalt  }
0x3e: {  	_ =	shalt  }
0x3f: {  	_ =	shalt  }
0x40: {  	_ =	shalt  }
0x41: {  	_ =	shalt  }
0x42: {  	_ =	shalt  }
0x43: {  	_ =	shalt  }
0x44: {  	_ =	shalt  }
0x45: {  	_ =	shalt  }
0x46: {  	_ =	shalt  }
0x47: {  	_ =	shalt  }
0x48: {  	_ =	shalt  }
0x49: {  	_ =	shalt  }
0x4a: {  	_ =	shalt  }
0x4b: {  	_ =	shalt  }
0x4c: {  	_ =	shalt  }
0x4d: {  	_ =	shalt  }
0x4e: {  	_ =	shalt  }
0x4f: {  	_ =	shalt  }
0x50: {  	_ =	shalt  }
0x51: {  	_ =	shalt  }
0x52: {  	_ =	shalt  }
0x53: {  	_ =	shalt  }
0x54: {  	_ =	shalt  }
0x55: {  	_ =	shalt  }
0x56: {  	_ =	shalt  }
0x57: {  	_ =	shalt  }
0x58: {  	_ =	shalt  }
0x59: {  	_ =	shalt  }
0x5a: {  	_ =	shalt  }
0x5b: {  	_ =	shalt  }
0x5c: {  	_ =	shalt  }
0x5d: {  	_ =	shalt  }
0x5e: {  	_ =	shalt  }
0x5f: {  	_ =	shalt  }
0x60: {  	_ =	shalt  }
0x61: {  	_ =	shalt  }
0x62: {  	_ =	shalt  }
0x63: {  	_ =	shalt  }
0x64: {  	_ =	shalt  }
0x65: {  	_ =	shalt  }
0x66: {  	_ =	shalt  }
0x67: {  	_ =	shalt  }
0x68: {  	_ =	shalt  }
0x69: {  	_ =	shalt  }
0x6a: {  	_ =	shalt  }
0x6b: {  	_ =	shalt  }
0x6c: {  	_ =	shalt  }
0x6d: {  	_ =	shalt  }
0x6e: {  	_ =	shalt  }
0x6f: {  	_ =	shalt  }
0x70: {  	_ =	shalt  }
0x71: {  	_ =	shalt  }
0x72: {  	_ =	shalt  }
0x73: {  	_ =	shalt  }
0x74: {  	_ =	shalt  }
0x75: {  	_ =	shalt  }
0x76: {  	_ =	shalt  }
0x77: {  	_ =	shalt  }
0x78: {  	_ =	shalt  }
0x79: {  	_ =	shalt  }
0x7a: {  	_ =	shalt  }
0x7b: {  	_ =	shalt  }
0x7c: {  	_ =	shalt  }
0x7d: {  	_ =	shalt  }
0x7e: {  	_ =	shalt  }
0x7f: {  	_ =	shalt  }
0x80: {  	_ =	shalt  }
0x81: {  	_ =	shalt  }
0x82: {  	_ =	shalt  }
0x83: {  	_ =	shalt  }
0x84: {  	_ =	shalt  }
0x85: {  	_ =	shalt  }
0x86: {  	_ =	shalt  }
0x87: {  	_ =	shalt  }
.Lfunc_end0:
.L_simem_size_0:
called_computation.2_lowered:
.L_overlay_start_0:
0x88: {  	s2 =	sld [smem:$0x3FD9]  }
0x89: {  	s3 =	sld [smem:$0x3FFE];
	_ =	sdelay $0x1  }
0x8a: {  	s1 =	srdreg.scid  }
0x8b: {  	s0 =	sand.u32 $0x1, s1  }
0x8c: {  	s14 =	sshll.u32 s0, $0xA;
	s2 =	sadd.s32 s3, s2  }
0x8d: {  	s2 =	sadd.s32 s2, s14  }
0x8e: {  	[smem:$0x3FB9] =	sst s2  }
0x8f: {  	_ = 	snop  }
0x90: {  	s2 =	sld [smem:$0x3FD0];
	_ =	sdelay $0x2  }
0x91: {  	s15 =	simm.s32 $0xA;
	s4 =	simm.s32 $0x10  }
0x92: {  	[smem:s4], [sflag:s15] =	dma.local [hbm:s2], $0x1  }
0x93: {  	_ =	swait.eq [sflag:s15], $0x1  }
0x94: {  	[sflag:s15] =	ssyncset.done $0x0  }
0x95: {  	s16 =	sld [smem:$0x10];
	[sflag:s15] =	ssyncadd.s32 $0xFFFFFFFF  }
0x96: {  	s17 =	sld [smem:$0x11];
	(tm) =	ssettm $0x1  }
0x97: {  	s18 =	sld [smem:$0x3FFB];
	_ =	sdelay $0x3  }
0x98: {  	_ =	strace s18  }
0x99: {  	s4 =	sld [smem:$0x3FFC];
	_ =	sdelay $0x3  }
0x9a: {  	_ =	strace s4  }
0x9b: {  	s4 =	sld [smem:$0x3FFD];
	_ =	sdelay $0x3  }
0x9c: {  	_ =	strace s4  }
0x9d: {  	_ =	strace $0x8FFFFFFF  }
0x9e: {  	s19 =	sld [smem:$0x3FDB];
	_ =	sdelay $0x1  }
0x9f: {  	s5 =	simm.s32 $_scs_section_size  }
0xa0: {  	s6 =	simm.s32 $_size__tile_overlayer_lowered;
	s7 =	simm.s32 $_tile_overlayer_lowered  }
0xa1: {  	s22 =	simm.s32 $0x1BFF;
	s21 =	sshll.u32 s7, $0x1;
	s4 =	sadd.s32 s5, s19  }
0xa2: {  	s8 =	simm.s32 $0x0;
	s20 =	sshll.u32 s6, $0x1;
	s6 =	sadd.s32 s21, s4  }
0xa3: {  	[timem:s8], [sflag:s22] =	dma.local [hbm:s6], s20  }
0xa4: {  	_ =	swait.ge [sflag:s22], s20  }
0xa5: {  	s5 =	ssub.s32 $0x0, s20;
	[sflag:s22] =	ssyncset.done $0x0  }
0xa6: {  	[sflag:s22] =	ssyncadd.s32 s5;
	_ =	sdelay $0x1  }
0xa7: {  	s23 =	simm.s32 $0x1B8B  }
0xa8: {  	_ =	swait.ge [sflag:s23], $0x1  }
0xa9: {  	[sflag:s23] =	ssyncset.done $0x0  }
0xaa: {  	s25 =	simm.s32 $0x1B8E;
	s24 =	sld [smem:$0x3FFE];
	[sflag:s23] =	ssyncadd.s32 $0xFFFFFFFF  }
0xab: {  	s26 =	simm.s32 $execute0_lowered;
	[smem:$0x3FD2] =	sst s25  }
0xac: {  	s6 =	sshll.u32 s26, $0x1;
	_ =	strace $0x8000004C;
	[dreg:$0x1] =	wrdreg $0xFFFFFFFF  }
0xad: {  	s28 =	simm.s32 $_size_execute0_lowered;
	s4 =	sadd.s32 s4, s6;
	[dreg:$0x0] =	wrdreg $0x0  }
0xae: {  	s6 =	sshll.u32 s28, $0x1;
	[dreg:$0x2] =	wrdreg s4  }
0xaf: {  	[dreg:$0x3] =	wrdreg s6  }
0xb0: {  	[dreg:$0x4] =	wrdreg $0xC0  }
0xb1: {  	_ =	task [dreg:s8], $0x5FFFF  }
0xb2: {  	[dreg:$0x1] =	wrdreg $0xFFFFFFFF  }
0xb3: {  	[dreg:$0x0] =	wrdreg $0x60  }
0xb4: {  	[dreg:$0x2] =	wrdreg s24  }
0xb5: {  	[dreg:$0x3] =	wrdreg s17  }
0xb6: {  	[dreg:$0x4] =	wrdreg s16  }
0xb7: {  	[dreg:$0x5] =	wrdreg $0xAA000  }
0xb8: {  	[dreg:$0x6] =	wrdreg $0x9  }
0xb9: {  	_ =	task.clear_ibuf [dreg:s8], $0x7FFFF;
	_ =	strace $0x9000004C  }
0xba: {  	s29 =	simm.s32 $0x9;
	_ =	strace $0x8000004E  }
0xbb: {  	_ =	swait.ge [sflag:s29], $0x1  }
0xbc: {  	[sflag:s29] =	ssyncadd.s32 $0xFFFFFFFF  }
0xbd: {  	_ =	strace $0x9000004E  }
0xbe: {  	_ =	sfence  }
0xbf: {  	s30 =	sld [smem:$0x0];
	_ =	sdelay $0x2  }
0xc0: {  	s31 =	sshll.u32 s1, $0xD;
	s1 =	sshrl.u32 s1, $0x2  }
0xc1: {  	s3 =	sand.u32 $0x4000, s31;
	s1 =	sadd.s32 s1, s30  }
0xc2: {  	s0 =	sor.u32 s3, s0;
	s1 =	sshll.u32 s1, $0x11  }
0xc3: {  	s0 =	sor.u32 s1, s0  }
0xc4: {  	s0 =	sadd.s32 $0x8F2B, s0  }
0xc5: {  	[sflag:s0] =	ssyncadd.remote.s32 $0x1  }
0xc6: {  	_ =	sfence.sel $0xFFFF  }
0xc7: {  	[dreg:$0x0] =	wrdreg $0xFFFFFFFF;
	(pc) =	sbr.abs _section_cstart, $3  }
0xc8: {  	[dreg:$0x1] =	wrdreg $0xFFFFFFFF  }
0xc9: {  	_ =	task.clear_ibuf [dreg:s8], $0x2FFFF;
	_ =	strace $0x9FFFFFFF  }
0xca: {  	(tm) =	ssettm $0x7FFFFFFF  }
0xcb: {  	_ =	shalt  }
tec
execute0_lowered:
.L_overlay_start_1:
0x0: {  	(tag) =	ssettag $0x1  }
0x1: {  	s0 =	rddreg [dreg:$0x0]  }
0x2: {  	s1 =	rddreg [dreg:$0x1]  }
0x3: {  	s5 =	rddreg [dreg:$0x2]  }
0x4: {  	s2 =	rddreg [dreg:$0x3]  }
0x5: {  	s3 =	simm.s32 $0x0;
	s12 =	stileid.u32;
	s4 =	srdreg.scid  }
0x6: {  	s28 =	simm.s32 $0x6A00;
	s29 =	simm.s32 $0x5;
	s6 =	smul.u32 $0x14000, s12  }
0x7: {  	s30 =	simm.s32 $0x2980;
	s31 =	simm.s32 $0x3;
	s11 =	smul.u32 $0x50000, s12  }
0x8: {  	[smem:$0x7FF] =	sst s3;
	s7 =	sand.u32 $0x1, s4;
	s15 =	smul.u32 $0x2800, s12  }
0x9: {  	s4 =	sadd.s32 $0x2E200, s0;
	_ =	strace $0x8000004D;
	s8 =	smul.u32 $0x140000, s7  }
0xa: {  	s9 =	sshll.u32 s7, $0x4;
	s13 =	ssub.s32 $0x2, s7;
	s7 =	smul.u32 $0x28000, s7  }
0xb: {  	s10 =	sshrl.u32 s6, $0x3;
	s9 =	sor.u32 s12, s9;
	s14 =	sshrl.u32 s13, $0x1  }
0xc: {  	s16 =	sshrl.u32 s11, $0x2;
	s10 =	sadd.s32 s10, s0;
	s6 =	sadd.s32 s6, s8  }
0xd: {  	s26 =	smul.u32 $0x2800, s9;
	s7 =	sadd.s32 s15, s7;
	s6 =	sshrl.u32 s6, $0x3  }
0xe: {  	s17 =	sadd.s32 $0x6200, s10;
	s19 =	sor.u32 $0x380, s7;
	s22 =	sor.u32 $0x300, s7  }
0xf: {  	s23 =	sor.u32 $0x280, s7;
	s7 =	sor.u32 $0x200, s7;
	s0 =	sadd.s32 s6, s0  }
0x10: {  	s6 =	ssub.s32 s13, s14;
	s8 =	sshrl.u32 s26, $0x3;
	[dreg:$0x8] =	wrdreg s17  }
0x11: {  	s21 =	sshrl.u32 s19, $0x3;
	s24 =	sshrl.u32 s23, $0x3;
	s1 =	sadd.s32 s1, s8  }
0x12: {  	s25 =	sshrl.u32 s7, $0x3;
	s13 =	sadd.s32 s5, s8;
	[dreg:$0x5] =	wrdreg s1  }
0x13: {  	s17 =	simm.s32 $0x9;
	s0 =	sadd.s32 $0xA6200, s0;
	[dreg:$0x6] =	wrdreg s13  }
0x14: {  	s19 =	simm.s32 $0x2880;
	s6 =	smax.u32 s6, $0x1;
	[dreg:$0xb] =	wrdreg s0  }
0x15: {  	s26 =	sshll.u32 s12, $0x6;
	s8 =	sadd.s32 $0x10, s13;
	[dreg:$0xc] =	wrdreg s6  }
0x16: {  	s23 =	simm.s32 $0x80;
	s18 =	sadd.s32 $0x20, s13;
	[dreg:$0x7] =	wrdreg s8  }
0x17: {  	s7 =	simm.s32 $0x8;
	s20 =	sadd.s32 $0x30, s13;
	[dreg:$0x9] =	wrdreg s18  }
0x18: {  	s1 =	sadd.s32 s16, s2;
	s0 =	sadd.s32 s21, s5;
	[dreg:$0xa] =	wrdreg s20  }
0x19: {  	s16 =	sadd.s32 s25, s5;
	s25 =	simm.s32 $0x2900;
	[dreg:$0xd] =	wrdreg s0  }
0x1a: {  	s0 =	sshrl.u32 s22, $0x3;
	s18 =	simm.s32 $0x2800;
	s20 =	sor.u32 $0x1C09, s26  }
0x1b: {  	s21 =	sshrl.u32 s1, $0x3;
	s22 =	simm.s32 $0x1;
	s26 =	simm.s32 $0x2  }
0x1c: {  	s1 =	simm.s32 $0x6;
	s8 =	simm.s32 $0x0;
	s0 =	sadd.s32 s0, s5  }
0x1d: {  	[dreg:$0xe] =	wrdreg s0;
	s0 =	sadd.s32 s24, s5;
	s24 =	simm.s32 $0x2A00  }
0x1e: {  	s5 =	simm.s32 $0x4;
	[dreg:$0xf] =	wrdreg s0;
	s0 =	simm.s32 $0x7  }
.LBB2_1:
0x1f: {  	s6 =	rddreg [dreg:$0x5]  }
0x20: {  	[tilespmem:s3], [sflag:$0x9] =	stream.linear.gather [hbm4b:s6+s3], $0x2800, $0x38;
	[tilespmem:$0x1EA00] =	vst v63  }
0x21: {  	_ =	swait.ge [sflag:s17], $0x2800  }
0x22: {  	[sflag:s17] =	ssyncset.done $0x0;
	s13 =	rddreg [dreg:$0x6]  }
0x23: {  	s14 =	rddreg [dreg:$0x7];
	[sflag:s17] =	ssyncadd.s32 $0xFFFFD800  }
0x24: {  	[tilespmem:s18], [sflag:$0x1] =	stream.linear.gather [hbm4b:s13+s3], $0x80, $0x38;
	[tilespmem:$0x1EA00] =	vst v63  }
0x25: {  	s15 =	rddreg [dreg:$0x8]  }
0x26: {  	[tilespmem:s19], [sflag:$0x2] =	stream.linear.gather [hbm4b:s14+s3], $0x80, $0x38;
	[tilespmem:$0x1EA00] =	vst v63  }
0x27: {  	[spmem:s21], [sflag:s20] =	dma.local [hbm:s15], $0x2800  }
0x28: {  	_ =	swait.ge [sflag:s17], $0x2800  }
0x29: {  	[sflag:s17] =	ssyncset.done $0x0  }
0x2a: {  	[sflag:s17] =	ssyncadd.s32 $0xFFFFD800  }
0x2b: {  	[bflag:$0x0] =	sbarrier.arrive $0xFFFF  }
0x2c: {  	_ =	swait.ge [sflag:s22], $0x80  }
0x2d: {  	[sflag:s22] =	ssyncset.done $0x0  }
0x2e: {  	[sflag:s22] =	ssyncadd.s32 $0xFFFFFF80  }
0x2f: {  	[tilespmem:s24], [sflag:$0x5] =	stream.indirect.gather [hbm4b:s4+s23], $0x80, s3, s23, $0xb8;
	[tilespmem:$0x1EA00] =	vst v63  }
0x30: {  	s9 =	rddreg [dreg:$0x9]  }
0x31: {  	[tilespmem:s25], [sflag:$0x3] =	stream.linear.gather [hbm4b:s9+s3], $0x80, $0x38;
	[tilespmem:$0x1EA00] =	vst v63  }
0x32: {  	_ =	swait.ge [sflag:s26], $0x80  }
0x33: {  	[sflag:s26] =	ssyncset.done $0x0  }
0x34: {  	[sflag:s26] =	ssyncadd.s32 $0xFFFFFF80  }
0x35: {  	[tilespmem:s28], [sflag:$0x6] =	stream.indirect.gather [hbm4b:s4+s23], $0x80, s23, s23, $0xb8;
	[tilespmem:$0x1EA00] =	vst v63  }
0x36: {  	_ =	swait.ge [sflag:s29], $0x4000  }
0x37: {  	[sflag:s29] =	ssyncset.done $0x0  }
0x38: {  	[sflag:s29] =	ssyncadd.s32 $0xFFFFC000  }
0x39: {  	[spmem:s2] =	stream.indirect.scatter.add.f32 [tilespmem:s24], [sflag:$0x7], $0x80, s18, s23, $0xb8;
	[tilespmem:$0x1EA00] =	vst v63  }
0x3a: {  	s10 =	rddreg [dreg:$0xa]  }
0x3b: {  	[tilespmem:s30], [sflag:$0x4] =	stream.linear.gather [hbm4b:s10+s3], $0x80, $0x38;
	[tilespmem:$0x1EA00] =	vst v63  }
0x3c: {  	_ =	swait.ge [sflag:s31], $0x80  }
0x3d: {  	[sflag:s31] =	ssyncset.done $0x0  }
0x3e: {  	[sflag:s31] =	ssyncadd.s32 $0xFFFFFF80  }
0x3f: {  	_ =	swait.ge [sflag:s0], $0x4000  }
0x40: {  	[sflag:s0] =	ssyncset.done $0x0  }
0x41: {  	s11 =	simm.s32 $0x100;
	[sflag:s0] =	ssyncadd.s32 $0xFFFFC000  }
0x42: {  	[tilespmem:s24], [sflag:$0x5] =	stream.indirect.gather [hbm4b:s4+s23], $0x80, s11, s23, $0xb8;
	[tilespmem:$0x1EA00] =	vst v63  }
0x43: {  	_ =	swait.ge [sflag:s1], $0x4000  }
0x44: {  	[sflag:s1] =	ssyncset.done $0x0  }
0x45: {  	[sflag:s1] =	ssyncadd.s32 $0xFFFFC000  }
0x46: {  	[spmem:s2] =	stream.indirect.scatter.add.f32 [tilespmem:s28], [sflag:$0x8], $0x80, s19, s23, $0xb8;
	[tilespmem:$0x1EA00] =	vst v63  }
0x47: {  	_ = 	snop  }
0x48: {  	[tilespmem:s18], [sflag:$0x1] =	stream.linear.gather [hbm4b:s16+s3], $0x80, $0x38;
	[tilespmem:$0x1EA00] =	vst v63  }
0x49: {  	_ =	swait.ge [sflag:s5], $0x80  }
0x4a: {  	[sflag:s5] =	ssyncset.done $0x0  }
0x4b: {  	[sflag:s5] =	ssyncadd.s32 $0xFFFFFF80  }
0x4c: {  	_ =	swait.ge [sflag:s7], $0x4000  }
0x4d: {  	[sflag:s7] =	ssyncset.done $0x0  }
0x4e: {  	s12 =	simm.s32 $0x180;
	[sflag:s7] =	ssyncadd.s32 $0xFFFFC000  }
0x4f: {  	[tilespmem:s28], [sflag:$0x6] =	stream.indirect.gather [hbm4b:s4+s23], $0x80, s12, s23, $0xb8;
	[tilespmem:$0x1EA00] =	vst v63  }
0x50: {  	_ =	swait.ge [sflag:s29], $0x4000  }
0x51: {  	[sflag:s29] =	ssyncset.done $0x0  }
0x52: {  	[sflag:s29] =	ssyncadd.s32 $0xFFFFC000  }
0x53: {  	[spmem:s2] =	stream.indirect.scatter.add.f32 [tilespmem:s24], [sflag:$0x7], $0x80, s25, s23, $0xb8;
	[tilespmem:$0x1EA00] =	vst v63  }
0x54: {  	s14 =	rddreg [dreg:$0xf]  }
0x55: {  	[tilespmem:s19], [sflag:$0x2] =	stream.linear.gather [hbm4b:s14+s3], $0x80, $0x38;
	[tilespmem:$0x1EA00] =	vst v63  }
0x56: {  	_ =	swait.ge [sflag:s22], $0x80  }
0x57: {  	[sflag:s22] =	ssyncset.done $0x0  }
0x58: {  	[sflag:s22] =	ssyncadd.s32 $0xFFFFFF80  }
0x59: {  	_ =	swait.ge [sflag:s0], $0x4000  }
0x5a: {  	[sflag:s0] =	ssyncset.done $0x0  }
0x5b: {  	s13 =	simm.s32 $0x200;
	[sflag:s0] =	ssyncadd.s32 $0xFFFFC000  }
0x5c: {  	[tilespmem:s24], [sflag:$0x5] =	stream.indirect.gather [hbm4b:s4+s23], $0x80, s13, s23, $0xb8;
	[tilespmem:$0x1EA00] =	vst v63  }
0x5d: {  	_ =	swait.ge [sflag:s1], $0x4000  }
0x5e: {  	[sflag:s1] =	ssyncset.done $0x0  }
0x5f: {  	[sflag:s1] =	ssyncadd.s32 $0xFFFFC000  }
0x60: {  	[spmem:s2] =	stream.indirect.scatter.add.f32 [tilespmem:s28], [sflag:$0x8], $0x80, s30, s23, $0xb8;
	[tilespmem:$0x1EA00] =	vst v63  }
0x61: {  	s12 =	rddreg [dreg:$0xe]  }
0x62: {  	[tilespmem:s25], [sflag:$0x3] =	stream.linear.gather [hbm4b:s12+s3], $0x80, $0x38;
	[tilespmem:$0x1EA00] =	vst v63  }
0x63: {  	_ =	swait.ge [sflag:s26], $0x80  }
0x64: {  	[sflag:s26] =	ssyncset.done $0x0  }
0x65: {  	[sflag:s26] =	ssyncadd.s32 $0xFFFFFF80  }
0x66: {  	_ =	swait.ge [sflag:s7], $0x4000  }
0x67: {  	[sflag:s7] =	ssyncset.done $0x0  }
0x68: {  	s15 =	simm.s32 $0x280;
	[sflag:s7] =	ssyncadd.s32 $0xFFFFC000  }
0x69: {  	[tilespmem:s28], [sflag:$0x6] =	stream.indirect.gather [hbm4b:s4+s23], $0x80, s15, s23, $0xb8;
	[tilespmem:$0x1EA00] =	vst v63  }
0x6a: {  	s9 =	simm.s32 $0x800;
	s10 =	sadd.s32 $0x40, s16;
	_ =	swait.ge [sflag:s29], $0x4000  }
0x6b: {  	s6 =	sadd.s32 $0x40, s14;
	[sflag:s29] =	ssyncset.done $0x0;
	s13 =	rddreg [dreg:$0xd]  }
0x6c: {  	s12 =	sadd.s32 $0x40, s12;
	[sflag:s29] =	ssyncadd.s32 $0xFFFFC000;
	s11 =	sadd.s32 $0x40, s13  }
0x6d: {  	[spmem:s2] =	stream.indirect.scatter.add.f32 [tilespmem:s24], [sflag:$0x7], $0x80, s18, s23, $0xb8;
	[tilespmem:$0x1EA00] =	vst v63  }
.LBB2_2:
0x6e: {  	[tilespmem:s30], [sflag:$0x4] =	stream.linear.gather [hbm4b:s13+s3], $0x80, $0x38;
	[tilespmem:$0x1EA00] =	vst v63  }
0x6f: {  	s14 =	smov.u32 s9;
	s13 =	smov.u32 s11  }
0x70: {  	p0 =	sne.s32 s9, $0x9000;
	s9 =	sadd.s32 $0x800, s9;
	_ =	swait.ge [sflag:s31], $0x80  }
0x71: {  	[sflag:s31] =	ssyncset.done $0x0  }
0x72: {  	[sflag:s31] =	ssyncadd.s32 $0xFFFFFF80  }
0x73: {  	_ =	swait.ge [sflag:s0], $0x4000  }
0x74: {  	s14 =	sshra.s32 s14, $0x2;
	[sflag:s0] =	ssyncset.done $0x0  }
0x75: {  	s15 =	sadd.s32 $0x100, s14;
	[sflag:s0] =	ssyncadd.s32 $0xFFFFC000  }
0x76: {  	[tilespmem:s24], [sflag:$0x5] =	stream.indirect.gather [hbm4b:s4+s23], $0x80, s15, s23, $0xb8;
	[tilespmem:$0x1EA00] =	vst v63  }
0x77: {  	_ =	swait.ge [sflag:s1], $0x4000  }
0x78: {  	[sflag:s1] =	ssyncset.done $0x0  }
0x79: {  	[sflag:s1] =	ssyncadd.s32 $0xFFFFC000  }
0x7a: {  	[spmem:s2] =	stream.indirect.scatter.add.f32 [tilespmem:s28], [sflag:$0x8], $0x80, s19, s23, $0xb8;
	[tilespmem:$0x1EA00] =	vst v63  }
0x7b: {  	_ = 	snop  }
0x7c: {  	[tilespmem:s18], [sflag:$0x1] =	stream.linear.gather [hbm4b:s10+s3], $0x80, $0x38;
	[tilespmem:$0x1EA00] =	vst v63  }
0x7d: {  	_ =	swait.ge [sflag:s5], $0x80  }
0x7e: {  	[sflag:s5] =	ssyncset.done $0x0  }
0x7f: {  	[sflag:s5] =	ssyncadd.s32 $0xFFFFFF80  }
0x80: {  	_ =	swait.ge [sflag:s7], $0x4000  }
0x81: {  	[sflag:s7] =	ssyncset.done $0x0  }
0x82: {  	s15 =	sadd.s32 $0x180, s14;
	[sflag:s7] =	ssyncadd.s32 $0xFFFFC000  }
0x83: {  	[tilespmem:s28], [sflag:$0x6] =	stream.indirect.gather [hbm4b:s4+s23], $0x80, s15, s23, $0xb8;
	[tilespmem:$0x1EA00] =	vst v63  }
0x84: {  	_ =	swait.ge [sflag:s29], $0x4000  }
0x85: {  	[sflag:s29] =	ssyncset.done $0x0  }
0x86: {  	[sflag:s29] =	ssyncadd.s32 $0xFFFFC000  }
0x87: {  	[spmem:s2] =	stream.indirect.scatter.add.f32 [tilespmem:s24], [sflag:$0x7], $0x80, s25, s23, $0xb8;
	[tilespmem:$0x1EA00] =	vst v63  }
0x88: {  	_ = 	snop  }
0x89: {  	[tilespmem:s19], [sflag:$0x2] =	stream.linear.gather [hbm4b:s6+s3], $0x80, $0x38;
	[tilespmem:$0x1EA00] =	vst v63  }
0x8a: {  	_ =	swait.ge [sflag:s22], $0x80  }
0x8b: {  	[sflag:s22] =	ssyncset.done $0x0  }
0x8c: {  	[sflag:s22] =	ssyncadd.s32 $0xFFFFFF80  }
0x8d: {  	_ =	swait.ge [sflag:s0], $0x4000  }
0x8e: {  	[sflag:s0] =	ssyncset.done $0x0  }
0x8f: {  	s15 =	sadd.s32 $0x200, s14;
	[sflag:s0] =	ssyncadd.s32 $0xFFFFC000  }
0x90: {  	[tilespmem:s24], [sflag:$0x5] =	stream.indirect.gather [hbm4b:s4+s23], $0x80, s15, s23, $0xb8;
	[tilespmem:$0x1EA00] =	vst v63  }
0x91: {  	_ =	swait.ge [sflag:s1], $0x4000  }
0x92: {  	[sflag:s1] =	ssyncset.done $0x0  }
0x93: {  	[sflag:s1] =	ssyncadd.s32 $0xFFFFC000  }
0x94: {  	[spmem:s2] =	stream.indirect.scatter.add.f32 [tilespmem:s28], [sflag:$0x8], $0x80, s30, s23, $0xb8;
	[tilespmem:$0x1EA00] =	vst v63  }
0x95: {  	_ = 	snop  }
0x96: {  	[tilespmem:s25], [sflag:$0x3] =	stream.linear.gather [hbm4b:s12+s3], $0x80, $0x38;
	[tilespmem:$0x1EA00] =	vst v63  }
0x97: {  	_ =	swait.ge [sflag:s26], $0x80  }
0x98: {  	[sflag:s26] =	ssyncset.done $0x0  }
0x99: {  	[sflag:s26] =	ssyncadd.s32 $0xFFFFFF80  }
0x9a: {  	_ =	swait.ge [sflag:s7], $0x4000  }
0x9b: {  	[sflag:s7] =	ssyncset.done $0x0  }
0x9c: {  	s14 =	sadd.s32 $0x280, s14;
	[sflag:s7] =	ssyncadd.s32 $0xFFFFC000  }
0x9d: {  	[tilespmem:s28], [sflag:$0x6] =	stream.indirect.gather [hbm4b:s4+s23], $0x80, s14, s23, $0xb8;
	[tilespmem:$0x1EA00] =	vst v63  }
.Ltmp0:
0x9e: {  	_ =	swait.ge [sflag:s29], $0x4000;
	(pc) =	sbr.rel @p0 .LBB2_2-.Ltmp0, $4  }
0x9f: {  	[sflag:s29] =	ssyncset.done $0x0  }
0xa0: {  	s10 =	sadd.s32 $0x40, s10;
	[sflag:s29] =	ssyncadd.s32 $0xFFFFC000  }
0xa1: {  	[spmem:s2] =	stream.indirect.scatter.add.f32 [tilespmem:s24], [sflag:$0x7], $0x80, s18, s23, $0xb8;
	[tilespmem:$0x1EA00] =	vst v63  }
0xa2: {  	s11 =	sadd.s32 $0x40, s11;
	s6 =	sadd.s32 $0x40, s6;
	s12 =	sadd.s32 $0x40, s12  }
0xa3: {  	[tilespmem:s30], [sflag:$0x4] =	stream.linear.gather [hbm4b:s13+s3], $0x80, $0x38;
	[tilespmem:$0x1EA00] =	vst v63  }
0xa4: {  	_ =	swait.ge [sflag:s31], $0x80  }
0xa5: {  	[sflag:s31] =	ssyncset.done $0x0  }
0xa6: {  	[sflag:s31] =	ssyncadd.s32 $0xFFFFFF80  }
0xa7: {  	_ =	swait.ge [sflag:s0], $0x4000  }
0xa8: {  	[sflag:s0] =	ssyncset.done $0x0  }
0xa9: {  	s6 =	simm.s32 $0x2700;
	[sflag:s0] =	ssyncadd.s32 $0xFFFFC000  }
0xaa: {  	[tilespmem:s24], [sflag:$0x5] =	stream.indirect.gather [hbm4b:s4+s23], $0x80, s6, s23, $0xb8;
	[tilespmem:$0x1EA00] =	vst v63  }
0xab: {  	_ =	swait.ge [sflag:s1], $0x4000  }
0xac: {  	[sflag:s1] =	ssyncset.done $0x0  }
0xad: {  	[sflag:s1] =	ssyncadd.s32 $0xFFFFC000  }
0xae: {  	[spmem:s2] =	stream.indirect.scatter.add.f32 [tilespmem:s28], [sflag:$0x8], $0x80, s19, s23, $0xb8;
	[tilespmem:$0x1EA00] =	vst v63  }
0xaf: {  	_ =	swait.ge [sflag:s5], $0x80  }
0xb0: {  	[sflag:s5] =	ssyncset.done $0x0  }
0xb1: {  	[sflag:s5] =	ssyncadd.s32 $0xFFFFFF80  }
0xb2: {  	_ =	swait.ge [sflag:s7], $0x4000  }
0xb3: {  	[sflag:s7] =	ssyncset.done $0x0  }
0xb4: {  	s13 =	simm.s32 $0x2780;
	[sflag:s7] =	ssyncadd.s32 $0xFFFFC000  }
0xb5: {  	[tilespmem:s28], [sflag:$0x6] =	stream.indirect.gather [hbm4b:s4+s23], $0x80, s13, s23, $0xb8;
	[tilespmem:$0x1EA00] =	vst v63  }
0xb6: {  	_ =	swait.ge [sflag:s29], $0x4000  }
0xb7: {  	[sflag:s29] =	ssyncset.done $0x0  }
0xb8: {  	[sflag:s29] =	ssyncadd.s32 $0xFFFFC000  }
0xb9: {  	[spmem:s2] =	stream.indirect.scatter.add.f32 [tilespmem:s24], [sflag:$0x7], $0x80, s25, s23, $0xb8;
	[tilespmem:$0x1EA00] =	vst v63  }
0xba: {  	_ =	swait.ge [sflag:s1], $0x4000  }
0xbb: {  	[sflag:s1] =	ssyncset.done $0x0  }
0xbc: {  	[sflag:s1] =	ssyncadd.s32 $0xFFFFC000  }
0xbd: {  	[spmem:s2] =	stream.indirect.scatter.add.f32 [tilespmem:s28], [sflag:$0x8], $0x80, s30, s23, $0xb8;
	[tilespmem:$0x1EA00] =	vst v63  }
0xbe: {  	_ =	swait.ge [sflag:s0], $0x4000  }
0xbf: {  	[sflag:s0] =	ssyncset.done $0x0  }
0xc0: {  	[sflag:s0] =	ssyncadd.s32 $0xFFFFC000  }
0xc1: {  	_ =	swait.ge [sflag:s7], $0x4000  }
0xc2: {  	[sflag:s7] =	ssyncset.done $0x0  }
0xc3: {  	[sflag:s7] =	ssyncadd.s32 $0xFFFFC000  }
0xc4: {  	[bflag:$0x0] =	sbarrier.arrive $0xFFFF  }
0xc5: {  	s14 =	rddreg [dreg:$0xb]  }
0xc6: {  	[hbm:s14], [sflag:s20] =	dma.local [spmem:s21], $0x2800  }
0xc7: {  	_ =	swait.ge [sflag:s17], $0x2800  }
0xc8: {  	s8 =	sadd.s32 $0x1, s8;
	s15 =	rddreg [dreg:$0xc]  }
0xc9: {  	p0 =	sne.s32 s8, s15  }
.Ltmp1:
0xca: {  	_ = 	snop;
	(pc) =	sbr.rel @p0 .LBB2_1-.Ltmp1, $3  }
0xcb: {  	_ =	sdelay $0x1  }
0xcc: {  	[sflag:s17] =	ssyncset.done $0x0  }
0xcd: {  	[sflag:s17] =	ssyncadd.s32 $0xFFFFD800  }
0xce: {  	_ =	sfence.sel $0x180000  }
0xcf: {  	[bflag:$0x0] =	sbarrier.arrive $0xFFFF  }
0xd0: {  	_ =	strace $0x9000004D  }
0xd1: {  	s0 =	stileid.u32;
	[bflag:$0x2] =	sbarrier.arrive $0xFFFF  }
0xd2: {  	p0 =	sne.s32 s0, $0x0;
	s0 =	rddreg [dreg:$0x4]  }
0xd3: {  	s0 =	sadd.s32 @!p0 $0x100000, s0  }
0xd4: {  	[sflag:s0] =	ssyncadd.tile.s32 @!p0 $0x1;
	_ =	shalt  }
.Lfunc_end2:
_tile_overlayer_lowered:
.L_overlay_start_2:
0xd5: {  	(tag) =	ssettag $0x2  }
0xd6: {  	s0 =	rddreg [dreg:$0x0];
	s2 =	stileid.u32  }
0xd7: {  	s1 =	rddreg [dreg:$0x1];
	p0 =	sne.s32 s2, $0x0  }
0xd8: {  	s3 =	rddreg [dreg:$0x2];
	[bflag:$0x3] =	sbarrier.arrive $0xFFFF;
	s2 =	simm.s32 @!p0 $0x1C09  }
0xd9: {  	[timem:s3], [sflag:s2] =	dma.local @!p0 [hbm:s0], s1  }
0xda: {  	s0 =	simm.s32 @!p0 $0x9  }
0xdb: {  	_ =	swait.ge @!p0 [sflag:s0], s1  }
0xdc: {  	s1 =	ssub.s32 @!p0 $0x0, s1;
	[sflag:s0] =	ssyncset.done @!p0 $0x0  }
0xdd: {  	[sflag:s0] =	ssyncadd.s32 @!p0 s1  }
0xde: {  	[bflag:$0x3] =	sbarrier.arrive $0xFFFF  }
0xdf: {  	_ =	shalt  }

// kernel: kernel.20.cloned.1.call-start
scs
__scs_entry_jumppad:
0x0: {  	(pc) =	sbr.rel $0x88, $3  }
0x1: {  	(tag) =	ssettag $0x0;
	lr =	simm.s32 $0x1  }
0x2: {  	[smem:$0x3F92] =	sst lr;
	_ =	strace $0xD0000000  }
0x3: {  	_ = 	snop  }
0x4: {  	_ = 	snop  }
0x5: {  	_ = 	snop  }
0x6: {  	_ = 	snop  }
0x7: {  	_ = 	snop  }
__scs_overlays_trampoline_lowered:
0x8: {  	[smem:$0x3FA1] =	sst s0  }
0x9: {  	[smem:$0x3FA2] =	sst s1  }
0xa: {  	[smem:$0x3FA3] =	sst s2  }
0xb: {  	[smem:$0x3FA4] =	sst s3  }
0xc: {  	[smem:$0x3FA5] =	sst s4  }
0xd: {  	[smem:$0x3FA6] =	sst s5  }
0xe: {  	[smem:$0x3FA7] =	sst s6  }
0xf: {  	[smem:$0x3FA8] =	sst s7  }
0x10: {  	[smem:$0x3FA9] =	sst s8  }
0x11: {  	[smem:$0x3FAA] =	sst s9;
	s0 =	simm.s32 @!p0 $0x0  }
0x12: {  	s1 =	sld [smem:$0x3F90];
	s0 =	simm.s32 @p0 $0x1  }
0x13: {  	[smem:$0x3FAB] =	sst s0;
	s0 =	simm.s32 @!p1 $0x0  }
0x14: {  	s2 =	sld [smem:$0x3F8F];
	s0 =	simm.s32 @p1 $0x1  }
0x15: {  	[smem:$0x3FAC] =	sst s0;
	s0 =	simm.s32 @!p2 $0x0  }
0x16: {  	s3 =	sld [smem:$0x3FDB];
	s0 =	simm.s32 @p2 $0x1  }
0x17: {  	s4 =	simm.s32 $0x1BF5;
	[smem:$0x3FAE] =	sst s0  }
0x18: {  	s0 =	sld [smem:$0x3F91];
	_ =	swait.ge [sflag:s4], $0x0  }
0x19: {  	s7 =	sld [smem:$0x3F92]  }
0x1a: {  	s8 =	sadd.s32 $0xFFFFE003, lr  }
0x1b: {  	s9 =	sadd.s32 $0xFFFFFEF7, lr;
	s5 =	simm.s32 $0xFFFFFFFF;
	p2 =	slt.u32 s8, $0xFFFFF086  }
0x1c: {  	p1 =	slt.u32 s9, $0xF7A;
	s5 =	simm.s32 @!p2 $0x0  }
0x1d: {  	s5 =	simm.s32 @p1 $0x1;
	p0 =	seq.s32 s7, s2  }
0x1e: {  	s7 =	smul.u32 @!p0 $0xF7A, s2;
	p2 =	seq.s32 @!p0 s5, $0x0  }
0x1f: {  	s9 =	smul.u32 $0xF7A, s1;
	s8 =	simm.s32 @!p0 $0x1BF5;
	p2 =	por !p2, p0  }
0x20: {  	[sflag:s8] =	ssyncset.s32 @!p0 $0xFFFFF086;
	s6 =	sadd.s32 @!p0 s3, s7;
	s7 =	simm.s32 @!p0 $0x108  }
0x21: {  	s3 =	sadd.s32 s3, s9;
	s6 =	sadd.s32 @!p0 $0x88, s6;
	s7 =	simm.s32 @p2 $0x1082  }
0x22: {  	[simem:s7], [sflag:s8] =	dma.local @!p0 [hbm:s6], $0xF7A  }
0x23: {  	s9 =	sor.u32 $0xD0000000, s2;
	s6 =	simm.s32 $0x108;
	_ =	swait.ge @!p0 [sflag:s8], $0x0  }
0x24: {  	s3 =	sadd.s32 $0x88, s3;
	s6 =	simm.s32 @!p1 $0x1082;
	[sflag:s4] =	ssyncset.s32 $0xFFFFF086  }
0x25: {  	[simem:s6], [sflag:s4] =	dma.local [hbm:s3], $0xF7A  }
0x26: {  	[smem:$0x3F92] =	sst s1;
	(tag) =	ssettag s2;
	_ =	strace s9  }
0x27: {  	s1 =	sld [smem:$0x3FA2]  }
0x28: {  	s2 =	sld [smem:$0x3FA3]  }
0x29: {  	s4 =	sld [smem:$0x3FA5]  }
0x2a: {  	p0 =	seq.s32 s5, $0x0;
	s5 =	sld [smem:$0x3FA6]  }
0x2b: {  	s6 =	sld [smem:$0x3FA7]  }
0x2c: {  	s7 =	sld [smem:$0x3FA8]  }
0x2d: {  	s3 =	simm.s32 $0x108;
	s8 =	sld [smem:$0x3FA9]  }
0x2e: {  	s3 =	simm.s32 @!p0 $0x1082;
	s9 =	sld [smem:$0x3FAA]  }
0x2f: {  	lr =	sadd.s32 s0, s3;
	s0 =	sld [smem:$0x3FA1]  }
0x30: {  	s3 =	sld [smem:$0x3FA4]  }
0x31: {  	[smem:$0x3FAD] =	sst s10  }
0x32: {  	s10 =	sld [smem:$0x3FAB];
	_ =	sdelay $0x3  }
0x33: {  	p0 =	seq.s32 s10, $0x1;
	s10 =	sld [smem:$0x3FAD];
	_ =	sdelay $0x3  }
0x34: {  	[smem:$0x3FAD] =	sst s10  }
0x35: {  	s10 =	sld [smem:$0x3FAC];
	_ =	sdelay $0x3  }
0x36: {  	p1 =	seq.s32 s10, $0x1;
	s10 =	sld [smem:$0x3FAD];
	_ =	sdelay $0x3  }
0x37: {  	[smem:$0x3FAD] =	sst s10  }
0x38: {  	s10 =	sld [smem:$0x3FAE]  }
0x39: {  	_ = 	snop;
	(pc) =	sbr.ind lr, $3  }
0x3a: {  	_ = 	snop  }
0x3b: {  	_ = 	snop  }
0x3c: {  	p2 =	seq.s32 s10, $0x1;
	s10 =	sld [smem:$0x3FAD]  }
0x3d: {  	_ =	shalt  }
0x3e: {  	_ =	shalt  }
0x3f: {  	_ =	shalt  }
0x40: {  	_ =	shalt  }
0x41: {  	_ =	shalt  }
0x42: {  	_ =	shalt  }
0x43: {  	_ =	shalt  }
0x44: {  	_ =	shalt  }
0x45: {  	_ =	shalt  }
0x46: {  	_ =	shalt  }
0x47: {  	_ =	shalt  }
0x48: {  	_ =	shalt  }
0x49: {  	_ =	shalt  }
0x4a: {  	_ =	shalt  }
0x4b: {  	_ =	shalt  }
0x4c: {  	_ =	shalt  }
0x4d: {  	_ =	shalt  }
0x4e: {  	_ =	shalt  }
0x4f: {  	_ =	shalt  }
0x50: {  	_ =	shalt  }
0x51: {  	_ =	shalt  }
0x52: {  	_ =	shalt  }
0x53: {  	_ =	shalt  }
0x54: {  	_ =	shalt  }
0x55: {  	_ =	shalt  }
0x56: {  	_ =	shalt  }
0x57: {  	_ =	shalt  }
0x58: {  	_ =	shalt  }
0x59: {  	_ =	shalt  }
0x5a: {  	_ =	shalt  }
0x5b: {  	_ =	shalt  }
0x5c: {  	_ =	shalt  }
0x5d: {  	_ =	shalt  }
0x5e: {  	_ =	shalt  }
0x5f: {  	_ =	shalt  }
0x60: {  	_ =	shalt  }
0x61: {  	_ =	shalt  }
0x62: {  	_ =	shalt  }
0x63: {  	_ =	shalt  }
0x64: {  	_ =	shalt  }
0x65: {  	_ =	shalt  }
0x66: {  	_ =	shalt  }
0x67: {  	_ =	shalt  }
0x68: {  	_ =	shalt  }
0x69: {  	_ =	shalt  }
0x6a: {  	_ =	shalt  }
0x6b: {  	_ =	shalt  }
0x6c: {  	_ =	shalt  }
0x6d: {  	_ =	shalt  }
0x6e: {  	_ =	shalt  }
0x6f: {  	_ =	shalt  }
0x70: {  	_ =	shalt  }
0x71: {  	_ =	shalt  }
0x72: {  	_ =	shalt  }
0x73: {  	_ =	shalt  }
0x74: {  	_ =	shalt  }
0x75: {  	_ =	shalt  }
0x76: {  	_ =	shalt  }
0x77: {  	_ =	shalt  }
0x78: {  	_ =	shalt  }
0x79: {  	_ =	shalt  }
0x7a: {  	_ =	shalt  }
0x7b: {  	_ =	shalt  }
0x7c: {  	_ =	shalt  }
0x7d: {  	_ =	shalt  }
0x7e: {  	_ =	shalt  }
0x7f: {  	_ =	shalt  }
0x80: {  	_ =	shalt  }
0x81: {  	_ =	shalt  }
0x82: {  	_ =	shalt  }
0x83: {  	_ =	shalt  }
0x84: {  	_ =	shalt  }
0x85: {  	_ =	shalt  }
0x86: {  	_ =	shalt  }
0x87: {  	_ =	shalt  }
.Lfunc_end0:
.L_simem_size_0:
called_computation.3_lowered:
.L_overlay_start_0:
0x88: {  	s2 =	sld [smem:$0x3FD9]  }
0x89: {  	s3 =	sld [smem:$0x3FFE];
	_ =	sdelay $0x1  }
0x8a: {  	s1 =	srdreg.scid  }
0x8b: {  	s0 =	sand.u32 $0x1, s1  }
0x8c: {  	s14 =	sshll.u32 s0, $0xA;
	s2 =	sadd.s32 s3, s2  }
0x8d: {  	s2 =	sadd.s32 s2, s14  }
0x8e: {  	[smem:$0x3FB9] =	sst s2  }
0x8f: {  	_ = 	snop  }
0x90: {  	s2 =	sld [smem:$0x3FD0];
	_ =	sdelay $0x2  }
0x91: {  	s15 =	simm.s32 $0xA;
	s4 =	simm.s32 $0x10  }
0x92: {  	[smem:s4], [sflag:s15] =	dma.local [hbm:s2], $0x1  }
0x93: {  	_ =	swait.eq [sflag:s15], $0x1  }
0x94: {  	[sflag:s15] =	ssyncset.done $0x0  }
0x95: {  	s16 =	sld [smem:$0x10];
	[sflag:s15] =	ssyncadd.s32 $0xFFFFFFFF  }
0x96: {  	s17 =	sld [smem:$0x11];
	(tm) =	ssettm $0x1  }
0x97: {  	s18 =	sld [smem:$0x3FFB];
	_ =	sdelay $0x3  }
0x98: {  	_ =	strace s18  }
0x99: {  	s4 =	sld [smem:$0x3FFC];
	_ =	sdelay $0x3  }
0x9a: {  	_ =	strace s4  }
0x9b: {  	s4 =	sld [smem:$0x3FFD];
	_ =	sdelay $0x3  }
0x9c: {  	_ =	strace s4  }
0x9d: {  	_ =	strace $0x8FFFFFFF  }
0x9e: {  	s19 =	sld [smem:$0x3FDB];
	_ =	sdelay $0x1  }
0x9f: {  	s5 =	simm.s32 $_scs_section_size  }
0xa0: {  	s6 =	simm.s32 $_size__tile_overlayer_lowered;
	s7 =	simm.s32 $_tile_overlayer_lowered  }
0xa1: {  	s22 =	simm.s32 $0x1BFF;
	s21 =	sshll.u32 s7, $0x1;
	s4 =	sadd.s32 s5, s19  }
0xa2: {  	s8 =	simm.s32 $0x0;
	s20 =	sshll.u32 s6, $0x1;
	s6 =	sadd.s32 s21, s4  }
0xa3: {  	[timem:s8], [sflag:s22] =	dma.local [hbm:s6], s20  }
0xa4: {  	_ =	swait.ge [sflag:s22], s20  }
0xa5: {  	s5 =	ssub.s32 $0x0, s20;
	[sflag:s22] =	ssyncset.done $0x0  }
0xa6: {  	[sflag:s22] =	ssyncadd.s32 s5;
	_ =	sdelay $0x1  }
0xa7: {  	s23 =	simm.s32 $0x1B8B  }
0xa8: {  	_ =	swait.ge [sflag:s23], $0x1  }
0xa9: {  	[sflag:s23] =	ssyncset.done $0x0  }
0xaa: {  	s25 =	simm.s32 $0x1B8E;
	s24 =	sld [smem:$0x3FFE];
	[sflag:s23] =	ssyncadd.s32 $0xFFFFFFFF  }
0xab: {  	s26 =	simm.s32 $execute0_lowered;
	[smem:$0x3FD2] =	sst s25  }
0xac: {  	s6 =	sshll.u32 s26, $0x1;
	_ =	strace $0x8000004F;
	[dreg:$0x1] =	wrdreg $0xFFFFFFFF  }
0xad: {  	s28 =	simm.s32 $_size_execute0_lowered;
	s4 =	sadd.s32 s4, s6;
	[dreg:$0x0] =	wrdreg $0x0  }
0xae: {  	s6 =	sshll.u32 s28, $0x1;
	[dreg:$0x2] =	wrdreg s4  }
0xaf: {  	[dreg:$0x3] =	wrdreg s6  }
0xb0: {  	[dreg:$0x4] =	wrdreg $0xC0  }
0xb1: {  	_ =	task [dreg:s8], $0x5FFFF  }
0xb2: {  	[dreg:$0x1] =	wrdreg $0xFFFFFFFF  }
0xb3: {  	[dreg:$0x0] =	wrdreg $0x60  }
0xb4: {  	[dreg:$0x2] =	wrdreg s24  }
0xb5: {  	[dreg:$0x3] =	wrdreg s17  }
0xb6: {  	[dreg:$0x4] =	wrdreg s16  }
0xb7: {  	[dreg:$0x5] =	wrdreg $0xAA000  }
0xb8: {  	[dreg:$0x6] =	wrdreg $0x9  }
0xb9: {  	_ =	task.clear_ibuf [dreg:s8], $0x7FFFF;
	_ =	strace $0x9000004F  }
0xba: {  	s29 =	simm.s32 $0x9;
	_ =	strace $0x80000051  }
0xbb: {  	_ =	swait.ge [sflag:s29], $0x1  }
0xbc: {  	[sflag:s29] =	ssyncadd.s32 $0xFFFFFFFF  }
0xbd: {  	_ =	strace $0x90000051  }
0xbe: {  	_ =	sfence  }
0xbf: {  	s30 =	sld [smem:$0x0];
	_ =	sdelay $0x2  }
0xc0: {  	s31 =	sshll.u32 s1, $0xD;
	s1 =	sshrl.u32 s1, $0x2  }
0xc1: {  	s3 =	sand.u32 $0x4000, s31;
	s1 =	sadd.s32 s1, s30  }
0xc2: {  	s0 =	sor.u32 s3, s0;
	s1 =	sshll.u32 s1, $0x11  }
0xc3: {  	s0 =	sor.u32 s1, s0  }
0xc4: {  	s0 =	sadd.s32 $0x8F2B, s0  }
0xc5: {  	[sflag:s0] =	ssyncadd.remote.s32 $0x1  }
0xc6: {  	_ =	sfence.sel $0xFFFF  }
0xc7: {  	[dreg:$0x0] =	wrdreg $0xFFFFFFFF;
	(pc) =	sbr.abs _section_cstart, $3  }
0xc8: {  	[dreg:$0x1] =	wrdreg $0xFFFFFFFF  }
0xc9: {  	_ =	task.clear_ibuf [dreg:s8], $0x2FFFF;
	_ =	strace $0x9FFFFFFF  }
0xca: {  	(tm) =	ssettm $0x7FFFFFFF  }
0xcb: {  	_ =	shalt  }
tec
execute0_lowered:
.L_overlay_start_1:
0x0: {  	(tag) =	ssettag $0x1  }
0x1: {  	s0 =	rddreg [dreg:$0x0]  }
0x2: {  	s1 =	rddreg [dreg:$0x1]  }
0x3: {  	s5 =	rddreg [dreg:$0x2]  }
0x4: {  	s2 =	rddreg [dreg:$0x3]  }
0x5: {  	s3 =	simm.s32 $0x0;
	s12 =	stileid.u32;
	s4 =	srdreg.scid  }
0x6: {  	s28 =	simm.s32 $0x6A00;
	s29 =	simm.s32 $0x5;
	s6 =	smul.u32 $0x14000, s12  }
0x7: {  	s30 =	simm.s32 $0x2980;
	s31 =	simm.s32 $0x3;
	s11 =	smul.u32 $0x50000, s12  }
0x8: {  	[smem:$0x7FF] =	sst s3;
	s7 =	sand.u32 $0x1, s4;
	s15 =	smul.u32 $0x2800, s12  }
0x9: {  	s4 =	sadd.s32 $0x2E200, s0;
	_ =	strace $0x80000050;
	s8 =	smul.u32 $0x140000, s7  }
0xa: {  	s9 =	sshll.u32 s7, $0x4;
	s13 =	ssub.s32 $0x2, s7;
	s7 =	smul.u32 $0x28000, s7  }
0xb: {  	s10 =	sshrl.u32 s6, $0x3;
	s9 =	sor.u32 s12, s9;
	s14 =	sshrl.u32 s13, $0x1  }
0xc: {  	s16 =	sshrl.u32 s11, $0x2;
	s10 =	sadd.s32 s10, s0;
	s6 =	sadd.s32 s6, s8  }
0xd: {  	s26 =	smul.u32 $0x2800, s9;
	s7 =	sadd.s32 s15, s7;
	s6 =	sshrl.u32 s6, $0x3  }
0xe: {  	s17 =	sadd.s32 $0x6200, s10;
	s19 =	sor.u32 $0x380, s7;
	s22 =	sor.u32 $0x300, s7  }
0xf: {  	s23 =	sor.u32 $0x280, s7;
	s7 =	sor.u32 $0x200, s7;
	s0 =	sadd.s32 s6, s0  }
0x10: {  	s6 =	ssub.s32 s13, s14;
	s8 =	sshrl.u32 s26, $0x3;
	[dreg:$0x8] =	wrdreg s17  }
0x11: {  	s21 =	sshrl.u32 s19, $0x3;
	s24 =	sshrl.u32 s23, $0x3;
	s1 =	sadd.s32 s1, s8  }
0x12: {  	s25 =	sshrl.u32 s7, $0x3;
	s13 =	sadd.s32 s5, s8;
	[dreg:$0x5] =	wrdreg s1  }
0x13: {  	s17 =	simm.s32 $0x9;
	s0 =	sadd.s32 $0xA6200, s0;
	[dreg:$0x6] =	wrdreg s13  }
0x14: {  	s19 =	simm.s32 $0x2880;
	s6 =	smax.u32 s6, $0x1;
	[dreg:$0xb] =	wrdreg s0  }
0x15: {  	s26 =	sshll.u32 s12, $0x6;
	s8 =	sadd.s32 $0x10, s13;
	[dreg:$0xc] =	wrdreg s6  }
0x16: {  	s23 =	simm.s32 $0x80;
	s18 =	sadd.s32 $0x20, s13;
	[dreg:$0x7] =	wrdreg s8  }
0x17: {  	s7 =	simm.s32 $0x8;
	s20 =	sadd.s32 $0x30, s13;
	[dreg:$0x9] =	wrdreg s18  }
0x18: {  	s1 =	sadd.s32 s16, s2;
	s0 =	sadd.s32 s21, s5;
	[dreg:$0xa] =	wrdreg s20  }
0x19: {  	s16 =	sadd.s32 s25, s5;
	s25 =	simm.s32 $0x2900;
	[dreg:$0xd] =	wrdreg s0  }
0x1a: {  	s0 =	sshrl.u32 s22, $0x3;
	s18 =	simm.s32 $0x2800;
	s20 =	sor.u32 $0x1C09, s26  }
0x1b: {  	s21 =	sshrl.u32 s1, $0x3;
	s22 =	simm.s32 $0x1;
	s26 =	simm.s32 $0x2  }
0x1c: {  	s1 =	simm.s32 $0x6;
	s8 =	simm.s32 $0x0;
	s0 =	sadd.s32 s0, s5  }
0x1d: {  	[dreg:$0xe] =	wrdreg s0;
	s0 =	sadd.s32 s24, s5;
	s24 =	simm.s32 $0x2A00  }
0x1e: {  	s5 =	simm.s32 $0x4;
	[dreg:$0xf] =	wrdreg s0;
	s0 =	simm.s32 $0x7  }
.LBB2_1:
0x1f: {  	s6 =	rddreg [dreg:$0x5]  }
0x20: {  	[tilespmem:s3], [sflag:$0x9] =	stream.linear.gather [hbm4b:s6+s3], $0x2800, $0x38;
	[tilespmem:$0x1EA00] =	vst v63  }
0x21: {  	_ =	swait.ge [sflag:s17], $0x2800  }
0x22: {  	[sflag:s17] =	ssyncset.done $0x0;
	s13 =	rddreg [dreg:$0x6]  }
0x23: {  	s14 =	rddreg [dreg:$0x7];
	[sflag:s17] =	ssyncadd.s32 $0xFFFFD800  }
0x24: {  	[tilespmem:s18], [sflag:$0x1] =	stream.linear.gather [hbm4b:s13+s3], $0x80, $0x38;
	[tilespmem:$0x1EA00] =	vst v63  }
0x25: {  	s15 =	rddreg [dreg:$0x8]  }
0x26: {  	[tilespmem:s19], [sflag:$0x2] =	stream.linear.gather [hbm4b:s14+s3], $0x80, $0x38;
	[tilespmem:$0x1EA00] =	vst v63  }
0x27: {  	[spmem:s21], [sflag:s20] =	dma.local [hbm:s15], $0x2800  }
0x28: {  	_ =	swait.ge [sflag:s17], $0x2800  }
0x29: {  	[sflag:s17] =	ssyncset.done $0x0  }
0x2a: {  	[sflag:s17] =	ssyncadd.s32 $0xFFFFD800  }
0x2b: {  	[bflag:$0x0] =	sbarrier.arrive $0xFFFF  }
0x2c: {  	_ =	swait.ge [sflag:s22], $0x80  }
0x2d: {  	[sflag:s22] =	ssyncset.done $0x0  }
0x2e: {  	[sflag:s22] =	ssyncadd.s32 $0xFFFFFF80  }
0x2f: {  	[tilespmem:s24], [sflag:$0x5] =	stream.indirect.gather [hbm4b:s4+s23], $0x80, s3, s23, $0xb8;
	[tilespmem:$0x1EA00] =	vst v63  }
0x30: {  	s9 =	rddreg [dreg:$0x9]  }
0x31: {  	[tilespmem:s25], [sflag:$0x3] =	stream.linear.gather [hbm4b:s9+s3], $0x80, $0x38;
	[tilespmem:$0x1EA00] =	vst v63  }
0x32: {  	_ =	swait.ge [sflag:s26], $0x80  }
0x33: {  	[sflag:s26] =	ssyncset.done $0x0  }
0x34: {  	[sflag:s26] =	ssyncadd.s32 $0xFFFFFF80  }
0x35: {  	[tilespmem:s28], [sflag:$0x6] =	stream.indirect.gather [hbm4b:s4+s23], $0x80, s23, s23, $0xb8;
	[tilespmem:$0x1EA00] =	vst v63  }
0x36: {  	_ =	swait.ge [sflag:s29], $0x4000  }
0x37: {  	[sflag:s29] =	ssyncset.done $0x0  }
0x38: {  	[sflag:s29] =	ssyncadd.s32 $0xFFFFC000  }
0x39: {  	[spmem:s2] =	stream.indirect.scatter.add.f32 [tilespmem:s24], [sflag:$0x7], $0x80, s18, s23, $0xb8;
	[tilespmem:$0x1EA00] =	vst v63  }
0x3a: {  	s10 =	rddreg [dreg:$0xa]  }
0x3b: {  	[tilespmem:s30], [sflag:$0x4] =	stream.linear.gather [hbm4b:s10+s3], $0x80, $0x38;
	[tilespmem:$0x1EA00] =	vst v63  }
0x3c: {  	_ =	swait.ge [sflag:s31], $0x80  }
0x3d: {  	[sflag:s31] =	ssyncset.done $0x0  }
0x3e: {  	[sflag:s31] =	ssyncadd.s32 $0xFFFFFF80  }
0x3f: {  	_ =	swait.ge [sflag:s0], $0x4000  }
0x40: {  	[sflag:s0] =	ssyncset.done $0x0  }
0x41: {  	s11 =	simm.s32 $0x100;
	[sflag:s0] =	ssyncadd.s32 $0xFFFFC000  }
0x42: {  	[tilespmem:s24], [sflag:$0x5] =	stream.indirect.gather [hbm4b:s4+s23], $0x80, s11, s23, $0xb8;
	[tilespmem:$0x1EA00] =	vst v63  }
0x43: {  	_ =	swait.ge [sflag:s1], $0x4000  }
0x44: {  	[sflag:s1] =	ssyncset.done $0x0  }
0x45: {  	[sflag:s1] =	ssyncadd.s32 $0xFFFFC000  }
0x46: {  	[spmem:s2] =	stream.indirect.scatter.add.f32 [tilespmem:s28], [sflag:$0x8], $0x80, s19, s23, $0xb8;
	[tilespmem:$0x1EA00] =	vst v63  }
0x47: {  	_ = 	snop  }
0x48: {  	[tilespmem:s18], [sflag:$0x1] =	stream.linear.gather [hbm4b:s16+s3], $0x80, $0x38;
	[tilespmem:$0x1EA00] =	vst v63  }
0x49: {  	_ =	swait.ge [sflag:s5], $0x80  }
0x4a: {  	[sflag:s5] =	ssyncset.done $0x0  }
0x4b: {  	[sflag:s5] =	ssyncadd.s32 $0xFFFFFF80  }
0x4c: {  	_ =	swait.ge [sflag:s7], $0x4000  }
0x4d: {  	[sflag:s7] =	ssyncset.done $0x0  }
0x4e: {  	s12 =	simm.s32 $0x180;
	[sflag:s7] =	ssyncadd.s32 $0xFFFFC000  }
0x4f: {  	[tilespmem:s28], [sflag:$0x6] =	stream.indirect.gather [hbm4b:s4+s23], $0x80, s12, s23, $0xb8;
	[tilespmem:$0x1EA00] =	vst v63  }
0x50: {  	_ =	swait.ge [sflag:s29], $0x4000  }
0x51: {  	[sflag:s29] =	ssyncset.done $0x0  }
0x52: {  	[sflag:s29] =	ssyncadd.s32 $0xFFFFC000  }
0x53: {  	[spmem:s2] =	stream.indirect.scatter.add.f32 [tilespmem:s24], [sflag:$0x7], $0x80, s25, s23, $0xb8;
	[tilespmem:$0x1EA00] =	vst v63  }
0x54: {  	s14 =	rddreg [dreg:$0xf]  }
0x55: {  	[tilespmem:s19], [sflag:$0x2] =	stream.linear.gather [hbm4b:s14+s3], $0x80, $0x38;
	[tilespmem:$0x1EA00] =	vst v63  }
0x56: {  	_ =	swait.ge [sflag:s22], $0x80  }
0x57: {  	[sflag:s22] =	ssyncset.done $0x0  }
0x58: {  	[sflag:s22] =	ssyncadd.s32 $0xFFFFFF80  }
0x59: {  	_ =	swait.ge [sflag:s0], $0x4000  }
0x5a: {  	[sflag:s0] =	ssyncset.done $0x0  }
0x5b: {  	s13 =	simm.s32 $0x200;
	[sflag:s0] =	ssyncadd.s32 $0xFFFFC000  }
0x5c: {  	[tilespmem:s24], [sflag:$0x5] =	stream.indirect.gather [hbm4b:s4+s23], $0x80, s13, s23, $0xb8;
	[tilespmem:$0x1EA00] =	vst v63  }
0x5d: {  	_ =	swait.ge [sflag:s1], $0x4000  }
0x5e: {  	[sflag:s1] =	ssyncset.done $0x0  }
0x5f: {  	[sflag:s1] =	ssyncadd.s32 $0xFFFFC000  }
0x60: {  	[spmem:s2] =	stream.indirect.scatter.add.f32 [tilespmem:s28], [sflag:$0x8], $0x80, s30, s23, $0xb8;
	[tilespmem:$0x1EA00] =	vst v63  }
0x61: {  	s12 =	rddreg [dreg:$0xe]  }
0x62: {  	[tilespmem:s25], [sflag:$0x3] =	stream.linear.gather [hbm4b:s12+s3], $0x80, $0x38;
	[tilespmem:$0x1EA00] =	vst v63  }
0x63: {  	_ =	swait.ge [sflag:s26], $0x80  }
0x64: {  	[sflag:s26] =	ssyncset.done $0x0  }
0x65: {  	[sflag:s26] =	ssyncadd.s32 $0xFFFFFF80  }
0x66: {  	_ =	swait.ge [sflag:s7], $0x4000  }
0x67: {  	[sflag:s7] =	ssyncset.done $0x0  }
0x68: {  	s15 =	simm.s32 $0x280;
	[sflag:s7] =	ssyncadd.s32 $0xFFFFC000  }
0x69: {  	[tilespmem:s28], [sflag:$0x6] =	stream.indirect.gather [hbm4b:s4+s23], $0x80, s15, s23, $0xb8;
	[tilespmem:$0x1EA00] =	vst v63  }
0x6a: {  	s9 =	simm.s32 $0x800;
	s10 =	sadd.s32 $0x40, s16;
	_ =	swait.ge [sflag:s29], $0x4000  }
0x6b: {  	s6 =	sadd.s32 $0x40, s14;
	[sflag:s29] =	ssyncset.done $0x0;
	s13 =	rddreg [dreg:$0xd]  }
0x6c: {  	s12 =	sadd.s32 $0x40, s12;
	[sflag:s29] =	ssyncadd.s32 $0xFFFFC000;
	s11 =	sadd.s32 $0x40, s13  }
0x6d: {  	[spmem:s2] =	stream.indirect.scatter.add.f32 [tilespmem:s24], [sflag:$0x7], $0x80, s18, s23, $0xb8;
	[tilespmem:$0x1EA00] =	vst v63  }
.LBB2_2:
0x6e: {  	[tilespmem:s30], [sflag:$0x4] =	stream.linear.gather [hbm4b:s13+s3], $0x80, $0x38;
	[tilespmem:$0x1EA00] =	vst v63  }
0x6f: {  	s14 =	smov.u32 s9;
	s13 =	smov.u32 s11  }
0x70: {  	p0 =	sne.s32 s9, $0x9000;
	s9 =	sadd.s32 $0x800, s9;
	_ =	swait.ge [sflag:s31], $0x80  }
0x71: {  	[sflag:s31] =	ssyncset.done $0x0  }
0x72: {  	[sflag:s31] =	ssyncadd.s32 $0xFFFFFF80  }
0x73: {  	_ =	swait.ge [sflag:s0], $0x4000  }
0x74: {  	s14 =	sshra.s32 s14, $0x2;
	[sflag:s0] =	ssyncset.done $0x0  }
0x75: {  	s15 =	sadd.s32 $0x100, s14;
	[sflag:s0] =	ssyncadd.s32 $0xFFFFC000  }
0x76: {  	[tilespmem:s24], [sflag:$0x5] =	stream.indirect.gather [hbm4b:s4+s23], $0x80, s15, s23, $0xb8;
	[tilespmem:$0x1EA00] =	vst v63  }
0x77: {  	_ =	swait.ge [sflag:s1], $0x4000  }
0x78: {  	[sflag:s1] =	ssyncset.done $0x0  }
0x79: {  	[sflag:s1] =	ssyncadd.s32 $0xFFFFC000  }
0x7a: {  	[spmem:s2] =	stream.indirect.scatter.add.f32 [tilespmem:s28], [sflag:$0x8], $0x80, s19, s23, $0xb8;
	[tilespmem:$0x1EA00] =	vst v63  }
0x7b: {  	_ = 	snop  }
0x7c: {  	[tilespmem:s18], [sflag:$0x1] =	stream.linear.gather [hbm4b:s10+s3], $0x80, $0x38;
	[tilespmem:$0x1EA00] =	vst v63  }
0x7d: {  	_ =	swait.ge [sflag:s5], $0x80  }
0x7e: {  	[sflag:s5] =	ssyncset.done $0x0  }
0x7f: {  	[sflag:s5] =	ssyncadd.s32 $0xFFFFFF80  }
0x80: {  	_ =	swait.ge [sflag:s7], $0x4000  }
0x81: {  	[sflag:s7] =	ssyncset.done $0x0  }
0x82: {  	s15 =	sadd.s32 $0x180, s14;
	[sflag:s7] =	ssyncadd.s32 $0xFFFFC000  }
0x83: {  	[tilespmem:s28], [sflag:$0x6] =	stream.indirect.gather [hbm4b:s4+s23], $0x80, s15, s23, $0xb8;
	[tilespmem:$0x1EA00] =	vst v63  }
0x84: {  	_ =	swait.ge [sflag:s29], $0x4000  }
0x85: {  	[sflag:s29] =	ssyncset.done $0x0  }
0x86: {  	[sflag:s29] =	ssyncadd.s32 $0xFFFFC000  }
0x87: {  	[spmem:s2] =	stream.indirect.scatter.add.f32 [tilespmem:s24], [sflag:$0x7], $0x80, s25, s23, $0xb8;
	[tilespmem:$0x1EA00] =	vst v63  }
0x88: {  	_ = 	snop  }
0x89: {  	[tilespmem:s19], [sflag:$0x2] =	stream.linear.gather [hbm4b:s6+s3], $0x80, $0x38;
	[tilespmem:$0x1EA00] =	vst v63  }
0x8a: {  	_ =	swait.ge [sflag:s22], $0x80  }
0x8b: {  	[sflag:s22] =	ssyncset.done $0x0  }
0x8c: {  	[sflag:s22] =	ssyncadd.s32 $0xFFFFFF80  }
0x8d: {  	_ =	swait.ge [sflag:s0], $0x4000  }
0x8e: {  	[sflag:s0] =	ssyncset.done $0x0  }
0x8f: {  	s15 =	sadd.s32 $0x200, s14;
	[sflag:s0] =	ssyncadd.s32 $0xFFFFC000  }
0x90: {  	[tilespmem:s24], [sflag:$0x5] =	stream.indirect.gather [hbm4b:s4+s23], $0x80, s15, s23, $0xb8;
	[tilespmem:$0x1EA00] =	vst v63  }
0x91: {  	_ =	swait.ge [sflag:s1], $0x4000  }
0x92: {  	[sflag:s1] =	ssyncset.done $0x0  }
0x93: {  	[sflag:s1] =	ssyncadd.s32 $0xFFFFC000  }
0x94: {  	[spmem:s2] =	stream.indirect.scatter.add.f32 [tilespmem:s28], [sflag:$0x8], $0x80, s30, s23, $0xb8;
	[tilespmem:$0x1EA00] =	vst v63  }
0x95: {  	_ = 	snop  }
0x96: {  	[tilespmem:s25], [sflag:$0x3] =	stream.linear.gather [hbm4b:s12+s3], $0x80, $0x38;
	[tilespmem:$0x1EA00] =	vst v63  }
0x97: {  	_ =	swait.ge [sflag:s26], $0x80  }
0x98: {  	[sflag:s26] =	ssyncset.done $0x0  }
0x99: {  	[sflag:s26] =	ssyncadd.s32 $0xFFFFFF80  }
0x9a: {  	_ =	swait.ge [sflag:s7], $0x4000  }
0x9b: {  	[sflag:s7] =	ssyncset.done $0x0  }
0x9c: {  	s14 =	sadd.s32 $0x280, s14;
	[sflag:s7] =	ssyncadd.s32 $0xFFFFC000  }
0x9d: {  	[tilespmem:s28], [sflag:$0x6] =	stream.indirect.gather [hbm4b:s4+s23], $0x80, s14, s23, $0xb8;
	[tilespmem:$0x1EA00] =	vst v63  }
.Ltmp0:
0x9e: {  	_ =	swait.ge [sflag:s29], $0x4000;
	(pc) =	sbr.rel @p0 .LBB2_2-.Ltmp0, $4  }
0x9f: {  	[sflag:s29] =	ssyncset.done $0x0  }
0xa0: {  	s10 =	sadd.s32 $0x40, s10;
	[sflag:s29] =	ssyncadd.s32 $0xFFFFC000  }
0xa1: {  	[spmem:s2] =	stream.indirect.scatter.add.f32 [tilespmem:s24], [sflag:$0x7], $0x80, s18, s23, $0xb8;
	[tilespmem:$0x1EA00] =	vst v63  }
0xa2: {  	s11 =	sadd.s32 $0x40, s11;
	s6 =	sadd.s32 $0x40, s6;
	s12 =	sadd.s32 $0x40, s12  }
0xa3: {  	[tilespmem:s30], [sflag:$0x4] =	stream.linear.gather [hbm4b:s13+s3], $0x80, $0x38;
	[tilespmem:$0x1EA00] =	vst v63  }
0xa4: {  	_ =	swait.ge [sflag:s31], $0x80  }
0xa5: {  	[sflag:s31] =	ssyncset.done $0x0  }
0xa6: {  	[sflag:s31] =	ssyncadd.s32 $0xFFFFFF80  }
0xa7: {  	_ =	swait.ge [sflag:s0], $0x4000  }
0xa8: {  	[sflag:s0] =	ssyncset.done $0x0  }
0xa9: {  	s6 =	simm.s32 $0x2700;
	[sflag:s0] =	ssyncadd.s32 $0xFFFFC000  }
0xaa: {  	[tilespmem:s24], [sflag:$0x5] =	stream.indirect.gather [hbm4b:s4+s23], $0x80, s6, s23, $0xb8;
	[tilespmem:$0x1EA00] =	vst v63  }
0xab: {  	_ =	swait.ge [sflag:s1], $0x4000  }
0xac: {  	[sflag:s1] =	ssyncset.done $0x0  }
0xad: {  	[sflag:s1] =	ssyncadd.s32 $0xFFFFC000  }
0xae: {  	[spmem:s2] =	stream.indirect.scatter.add.f32 [tilespmem:s28], [sflag:$0x8], $0x80, s19, s23, $0xb8;
	[tilespmem:$0x1EA00] =	vst v63  }
0xaf: {  	_ =	swait.ge [sflag:s5], $0x80  }
0xb0: {  	[sflag:s5] =	ssyncset.done $0x0  }
0xb1: {  	[sflag:s5] =	ssyncadd.s32 $0xFFFFFF80  }
0xb2: {  	_ =	swait.ge [sflag:s7], $0x4000  }
0xb3: {  	[sflag:s7] =	ssyncset.done $0x0  }
0xb4: {  	s13 =	simm.s32 $0x2780;
	[sflag:s7] =	ssyncadd.s32 $0xFFFFC000  }
0xb5: {  	[tilespmem:s28], [sflag:$0x6] =	stream.indirect.gather [hbm4b:s4+s23], $0x80, s13, s23, $0xb8;
	[tilespmem:$0x1EA00] =	vst v63  }
0xb6: {  	_ =	swait.ge [sflag:s29], $0x4000  }
0xb7: {  	[sflag:s29] =	ssyncset.done $0x0  }
0xb8: {  	[sflag:s29] =	ssyncadd.s32 $0xFFFFC000  }
0xb9: {  	[spmem:s2] =	stream.indirect.scatter.add.f32 [tilespmem:s24], [sflag:$0x7], $0x80, s25, s23, $0xb8;
	[tilespmem:$0x1EA00] =	vst v63  }
0xba: {  	_ =	swait.ge [sflag:s1], $0x4000  }
0xbb: {  	[sflag:s1] =	ssyncset.done $0x0  }
0xbc: {  	[sflag:s1] =	ssyncadd.s32 $0xFFFFC000  }
0xbd: {  	[spmem:s2] =	stream.indirect.scatter.add.f32 [tilespmem:s28], [sflag:$0x8], $0x80, s30, s23, $0xb8;
	[tilespmem:$0x1EA00] =	vst v63  }
0xbe: {  	_ =	swait.ge [sflag:s0], $0x4000  }
0xbf: {  	[sflag:s0] =	ssyncset.done $0x0  }
0xc0: {  	[sflag:s0] =	ssyncadd.s32 $0xFFFFC000  }
0xc1: {  	_ =	swait.ge [sflag:s7], $0x4000  }
0xc2: {  	[sflag:s7] =	ssyncset.done $0x0  }
0xc3: {  	[sflag:s7] =	ssyncadd.s32 $0xFFFFC000  }
0xc4: {  	[bflag:$0x0] =	sbarrier.arrive $0xFFFF  }
0xc5: {  	s14 =	rddreg [dreg:$0xb]  }
0xc6: {  	[hbm:s14], [sflag:s20] =	dma.local [spmem:s21], $0x2800  }
0xc7: {  	_ =	swait.ge [sflag:s17], $0x2800  }
0xc8: {  	s8 =	sadd.s32 $0x1, s8;
	s15 =	rddreg [dreg:$0xc]  }
0xc9: {  	p0 =	sne.s32 s8, s15  }
.Ltmp1:
0xca: {  	_ = 	snop;
	(pc) =	sbr.rel @p0 .LBB2_1-.Ltmp1, $3  }
0xcb: {  	_ =	sdelay $0x1  }
0xcc: {  	[sflag:s17] =	ssyncset.done $0x0  }
0xcd: {  	[sflag:s17] =	ssyncadd.s32 $0xFFFFD800  }
0xce: {  	_ =	sfence.sel $0x180000  }
0xcf: {  	[bflag:$0x0] =	sbarrier.arrive $0xFFFF  }
0xd0: {  	_ =	strace $0x90000050  }
0xd1: {  	s0 =	stileid.u32;
	[bflag:$0x2] =	sbarrier.arrive $0xFFFF  }
0xd2: {  	p0 =	sne.s32 s0, $0x0;
	s0 =	rddreg [dreg:$0x4]  }
0xd3: {  	s0 =	sadd.s32 @!p0 $0x100000, s0  }
0xd4: {  	[sflag:s0] =	ssyncadd.tile.s32 @!p0 $0x1;
	_ =	shalt  }
.Lfunc_end2:
_tile_overlayer_lowered:
.L_overlay_start_2:
0xd5: {  	(tag) =	ssettag $0x2  }
0xd6: {  	s0 =	rddreg [dreg:$0x0];
	s2 =	stileid.u32  }
0xd7: {  	s1 =	rddreg [dreg:$0x1];
	p0 =	sne.s32 s2, $0x0  }
0xd8: {  	s3 =	rddreg [dreg:$0x2];
	[bflag:$0x3] =	sbarrier.arrive $0xFFFF;
	s2 =	simm.s32 @!p0 $0x1C09  }
0xd9: {  	[timem:s3], [sflag:s2] =	dma.local @!p0 [hbm:s0], s1  }
0xda: {  	s0 =	simm.s32 @!p0 $0x9  }
0xdb: {  	_ =	swait.ge @!p0 [sflag:s0], s1  }
0xdc: {  	s1 =	ssub.s32 @!p0 $0x0, s1;
	[sflag:s0] =	ssyncset.done @!p0 $0x0  }
0xdd: {  	[sflag:s0] =	ssyncadd.s32 @!p0 s1  }
0xde: {  	[bflag:$0x3] =	sbarrier.arrive $0xFFFF  }
0xdf: {  	_ =	shalt  }

// kernel: kernel.23.cloned.1.call-start
scs
__scs_entry_jumppad:
0x0: {  	(pc) =	sbr.rel $0x88, $3  }
0x1: {  	(tag) =	ssettag $0x0;
	lr =	simm.s32 $0x1  }
0x2: {  	[smem:$0x3F92] =	sst lr;
	_ =	strace $0xD0000000  }
0x3: {  	_ = 	snop  }
0x4: {  	_ = 	snop  }
0x5: {  	_ = 	snop  }
0x6: {  	_ = 	snop  }
0x7: {  	_ = 	snop  }
__scs_overlays_trampoline_lowered:
0x8: {  	[smem:$0x3FA1] =	sst s0  }
0x9: {  	[smem:$0x3FA2] =	sst s1  }
0xa: {  	[smem:$0x3FA3] =	sst s2  }
0xb: {  	[smem:$0x3FA4] =	sst s3  }
0xc: {  	[smem:$0x3FA5] =	sst s4  }
0xd: {  	[smem:$0x3FA6] =	sst s5  }
0xe: {  	[smem:$0x3FA7] =	sst s6  }
0xf: {  	[smem:$0x3FA8] =	sst s7  }
0x10: {  	[smem:$0x3FA9] =	sst s8  }
0x11: {  	[smem:$0x3FAA] =	sst s9;
	s0 =	simm.s32 @!p0 $0x0  }
0x12: {  	s1 =	sld [smem:$0x3F90];
	s0 =	simm.s32 @p0 $0x1  }
0x13: {  	[smem:$0x3FAB] =	sst s0;
	s0 =	simm.s32 @!p1 $0x0  }
0x14: {  	s2 =	sld [smem:$0x3F8F];
	s0 =	simm.s32 @p1 $0x1  }
0x15: {  	[smem:$0x3FAC] =	sst s0;
	s0 =	simm.s32 @!p2 $0x0  }
0x16: {  	s3 =	sld [smem:$0x3FDB];
	s0 =	simm.s32 @p2 $0x1  }
0x17: {  	s4 =	simm.s32 $0x1BF5;
	[smem:$0x3FAE] =	sst s0  }
0x18: {  	s0 =	sld [smem:$0x3F91];
	_ =	swait.ge [sflag:s4], $0x0  }
0x19: {  	s7 =	sld [smem:$0x3F92]  }
0x1a: {  	s8 =	sadd.s32 $0xFFFFE003, lr  }
0x1b: {  	s9 =	sadd.s32 $0xFFFFFEF7, lr;
	s5 =	simm.s32 $0xFFFFFFFF;
	p2 =	slt.u32 s8, $0xFFFFF086  }
0x1c: {  	p1 =	slt.u32 s9, $0xF7A;
	s5 =	simm.s32 @!p2 $0x0  }
0x1d: {  	s5 =	simm.s32 @p1 $0x1;
	p0 =	seq.s32 s7, s2  }
0x1e: {  	s7 =	smul.u32 @!p0 $0xF7A, s2;
	p2 =	seq.s32 @!p0 s5, $0x0  }
0x1f: {  	s9 =	smul.u32 $0xF7A, s1;
	s8 =	simm.s32 @!p0 $0x1BF5;
	p2 =	por !p2, p0  }
0x20: {  	[sflag:s8] =	ssyncset.s32 @!p0 $0xFFFFF086;
	s6 =	sadd.s32 @!p0 s3, s7;
	s7 =	simm.s32 @!p0 $0x108  }
0x21: {  	s3 =	sadd.s32 s3, s9;
	s6 =	sadd.s32 @!p0 $0x88, s6;
	s7 =	simm.s32 @p2 $0x1082  }
0x22: {  	[simem:s7], [sflag:s8] =	dma.local @!p0 [hbm:s6], $0xF7A  }
0x23: {  	s9 =	sor.u32 $0xD0000000, s2;
	s6 =	simm.s32 $0x108;
	_ =	swait.ge @!p0 [sflag:s8], $0x0  }
0x24: {  	s3 =	sadd.s32 $0x88, s3;
	s6 =	simm.s32 @!p1 $0x1082;
	[sflag:s4] =	ssyncset.s32 $0xFFFFF086  }
0x25: {  	[simem:s6], [sflag:s4] =	dma.local [hbm:s3], $0xF7A  }
0x26: {  	[smem:$0x3F92] =	sst s1;
	(tag) =	ssettag s2;
	_ =	strace s9  }
0x27: {  	s1 =	sld [smem:$0x3FA2]  }
0x28: {  	s2 =	sld [smem:$0x3FA3]  }
0x29: {  	s4 =	sld [smem:$0x3FA5]  }
0x2a: {  	p0 =	seq.s32 s5, $0x0;
	s5 =	sld [smem:$0x3FA6]  }
0x2b: {  	s6 =	sld [smem:$0x3FA7]  }
0x2c: {  	s7 =	sld [smem:$0x3FA8]  }
0x2d: {  	s3 =	simm.s32 $0x108;
	s8 =	sld [smem:$0x3FA9]  }
0x2e: {  	s3 =	simm.s32 @!p0 $0x1082;
	s9 =	sld [smem:$0x3FAA]  }
0x2f: {  	lr =	sadd.s32 s0, s3;
	s0 =	sld [smem:$0x3FA1]  }
0x30: {  	s3 =	sld [smem:$0x3FA4]  }
0x31: {  	[smem:$0x3FAD] =	sst s10  }
0x32: {  	s10 =	sld [smem:$0x3FAB];
	_ =	sdelay $0x3  }
0x33: {  	p0 =	seq.s32 s10, $0x1;
	s10 =	sld [smem:$0x3FAD];
	_ =	sdelay $0x3  }
0x34: {  	[smem:$0x3FAD] =	sst s10  }
0x35: {  	s10 =	sld [smem:$0x3FAC];
	_ =	sdelay $0x3  }
0x36: {  	p1 =	seq.s32 s10, $0x1;
	s10 =	sld [smem:$0x3FAD];
	_ =	sdelay $0x3  }
0x37: {  	[smem:$0x3FAD] =	sst s10  }
0x38: {  	s10 =	sld [smem:$0x3FAE]  }
0x39: {  	_ = 	snop;
	(pc) =	sbr.ind lr, $3  }
0x3a: {  	_ = 	snop  }
0x3b: {  	_ = 	snop  }
0x3c: {  	p2 =	seq.s32 s10, $0x1;
	s10 =	sld [smem:$0x3FAD]  }
0x3d: {  	_ =	shalt  }
0x3e: {  	_ =	shalt  }
0x3f: {  	_ =	shalt  }
0x40: {  	_ =	shalt  }
0x41: {  	_ =	shalt  }
0x42: {  	_ =	shalt  }
0x43: {  	_ =	shalt  }
0x44: {  	_ =	shalt  }
0x45: {  	_ =	shalt  }
0x46: {  	_ =	shalt  }
0x47: {  	_ =	shalt  }
0x48: {  	_ =	shalt  }
0x49: {  	_ =	shalt  }
0x4a: {  	_ =	shalt  }
0x4b: {  	_ =	shalt  }
0x4c: {  	_ =	shalt  }
0x4d: {  	_ =	shalt  }
0x4e: {  	_ =	shalt  }
0x4f: {  	_ =	shalt  }
0x50: {  	_ =	shalt  }
0x51: {  	_ =	shalt  }
0x52: {  	_ =	shalt  }
0x53: {  	_ =	shalt  }
0x54: {  	_ =	shalt  }
0x55: {  	_ =	shalt  }
0x56: {  	_ =	shalt  }
0x57: {  	_ =	shalt  }
0x58: {  	_ =	shalt  }
0x59: {  	_ =	shalt  }
0x5a: {  	_ =	shalt  }
0x5b: {  	_ =	shalt  }
0x5c: {  	_ =	shalt  }
0x5d: {  	_ =	shalt  }
0x5e: {  	_ =	shalt  }
0x5f: {  	_ =	shalt  }
0x60: {  	_ =	shalt  }
0x61: {  	_ =	shalt  }
0x62: {  	_ =	shalt  }
0x63: {  	_ =	shalt  }
0x64: {  	_ =	shalt  }
0x65: {  	_ =	shalt  }
0x66: {  	_ =	shalt  }
0x67: {  	_ =	shalt  }
0x68: {  	_ =	shalt  }
0x69: {  	_ =	shalt  }
0x6a: {  	_ =	shalt  }
0x6b: {  	_ =	shalt  }
0x6c: {  	_ =	shalt  }
0x6d: {  	_ =	shalt  }
0x6e: {  	_ =	shalt  }
0x6f: {  	_ =	shalt  }
0x70: {  	_ =	shalt  }
0x71: {  	_ =	shalt  }
0x72: {  	_ =	shalt  }
0x73: {  	_ =	shalt  }
0x74: {  	_ =	shalt  }
0x75: {  	_ =	shalt  }
0x76: {  	_ =	shalt  }
0x77: {  	_ =	shalt  }
0x78: {  	_ =	shalt  }
0x79: {  	_ =	shalt  }
0x7a: {  	_ =	shalt  }
0x7b: {  	_ =	shalt  }
0x7c: {  	_ =	shalt  }
0x7d: {  	_ =	shalt  }
0x7e: {  	_ =	shalt  }
0x7f: {  	_ =	shalt  }
0x80: {  	_ =	shalt  }
0x81: {  	_ =	shalt  }
0x82: {  	_ =	shalt  }
0x83: {  	_ =	shalt  }
0x84: {  	_ =	shalt  }
0x85: {  	_ =	shalt  }
0x86: {  	_ =	shalt  }
0x87: {  	_ =	shalt  }
.Lfunc_end0:
.L_simem_size_0:
called_computation.4_lowered:
.L_overlay_start_0:
0x88: {  	s2 =	sld [smem:$0x3FD9]  }
0x89: {  	s3 =	sld [smem:$0x3FFE];
	_ =	sdelay $0x1  }
0x8a: {  	s1 =	srdreg.scid  }
0x8b: {  	s0 =	sand.u32 $0x1, s1  }
0x8c: {  	s14 =	sshll.u32 s0, $0xA;
	s2 =	sadd.s32 s3, s2  }
0x8d: {  	s2 =	sadd.s32 s2, s14  }
0x8e: {  	[smem:$0x3FB9] =	sst s2  }
0x8f: {  	_ = 	snop  }
0x90: {  	s2 =	sld [smem:$0x3FD0];
	_ =	sdelay $0x2  }
0x91: {  	s15 =	simm.s32 $0xA;
	s4 =	simm.s32 $0x10  }
0x92: {  	[smem:s4], [sflag:s15] =	dma.local [hbm:s2], $0x1  }
0x93: {  	_ =	swait.eq [sflag:s15], $0x1  }
0x94: {  	[sflag:s15] =	ssyncset.done $0x0  }
0x95: {  	[sflag:s15] =	ssyncadd.s32 $0xFFFFFFFF  }
0x96: {  	s16 =	sld [smem:$0x11];
	(tm) =	ssettm $0x1  }
0x97: {  	s17 =	sld [smem:$0x3FFB];
	_ =	sdelay $0x3  }
0x98: {  	_ =	strace s17  }
0x99: {  	s3 =	sld [smem:$0x3FFC];
	_ =	sdelay $0x3  }
0x9a: {  	_ =	strace s3  }
0x9b: {  	s3 =	sld [smem:$0x3FFD];
	_ =	sdelay $0x3  }
0x9c: {  	_ =	strace s3  }
0x9d: {  	_ =	strace $0x8FFFFFFF  }
0x9e: {  	s18 =	sld [smem:$0x3FDB];
	_ =	sdelay $0x1  }
0x9f: {  	s19 =	simm.s32 $_scs_section_size  }
0xa0: {  	s5 =	simm.s32 $_size__tile_overlayer_lowered;
	s6 =	simm.s32 $_tile_overlayer_lowered  }
0xa1: {  	s22 =	simm.s32 $0x1BFF;
	s21 =	sshll.u32 s6, $0x1;
	s3 =	sadd.s32 s19, s18  }
0xa2: {  	s7 =	simm.s32 $0x0;
	s20 =	sshll.u32 s5, $0x1;
	s5 =	sadd.s32 s21, s3  }
0xa3: {  	[timem:s7], [sflag:s22] =	dma.local [hbm:s5], s20  }
0xa4: {  	_ =	swait.ge [sflag:s22], s20  }
0xa5: {  	s4 =	ssub.s32 $0x0, s20;
	[sflag:s22] =	ssyncset.done $0x0  }
0xa6: {  	[sflag:s22] =	ssyncadd.s32 s4;
	_ =	sdelay $0x1  }
0xa7: {  	s23 =	simm.s32 $0x1B8B  }
0xa8: {  	_ =	swait.ge [sflag:s23], $0x1  }
0xa9: {  	[sflag:s23] =	ssyncset.done $0x0  }
0xaa: {  	s25 =	simm.s32 $0x1B8E;
	s24 =	sld [smem:$0x3FFE];
	[sflag:s23] =	ssyncadd.s32 $0xFFFFFFFF  }
0xab: {  	s26 =	simm.s32 $execute0_lowered;
	[smem:$0x3FD2] =	sst s25  }
0xac: {  	s5 =	sshll.u32 s26, $0x1;
	_ =	strace $0x80000052;
	[dreg:$0x1] =	wrdreg $0xFFFFFFFF  }
0xad: {  	s28 =	simm.s32 $_size_execute0_lowered;
	s3 =	sadd.s32 s3, s5;
	[dreg:$0x0] =	wrdreg $0x0  }
0xae: {  	s5 =	sshll.u32 s28, $0x1;
	[dreg:$0x2] =	wrdreg s3  }
0xaf: {  	[dreg:$0x3] =	wrdreg s5  }
0xb0: {  	[dreg:$0x4] =	wrdreg $0xC0  }
0xb1: {  	_ =	task [dreg:s7], $0x5FFFF  }
0xb2: {  	[dreg:$0x1] =	wrdreg $0xFFFFFFFF  }
0xb3: {  	[dreg:$0x0] =	wrdreg $0x60  }
0xb4: {  	[dreg:$0x2] =	wrdreg s24  }
0xb5: {  	[dreg:$0x3] =	wrdreg s16  }
0xb6: {  	[dreg:$0x4] =	wrdreg $0x9  }
0xb7: {  	_ =	task.clear_ibuf [dreg:s7], $0x5FFFF;
	_ =	strace $0x90000052  }
0xb8: {  	s29 =	simm.s32 $0x9;
	_ =	strace $0x80000054  }
0xb9: {  	_ =	swait.ge [sflag:s29], $0x1  }
0xba: {  	[sflag:s29] =	ssyncadd.s32 $0xFFFFFFFF  }
0xbb: {  	_ =	strace $0x90000054  }
0xbc: {  	_ =	sfence  }
0xbd: {  	s30 =	sld [smem:$0x0];
	_ =	sdelay $0x2  }
0xbe: {  	s31 =	sshll.u32 s1, $0xD;
	s1 =	sshrl.u32 s1, $0x2  }
0xbf: {  	s3 =	sand.u32 $0x4000, s31;
	s1 =	sadd.s32 s1, s30  }
0xc0: {  	s0 =	sor.u32 s3, s0;
	s1 =	sshll.u32 s1, $0x11  }
0xc1: {  	s0 =	sor.u32 s1, s0  }
0xc2: {  	s0 =	sadd.s32 $0x8F2B, s0  }
0xc3: {  	[sflag:s0] =	ssyncadd.remote.s32 $0x1  }
0xc4: {  	_ =	sfence.sel $0xFFFF  }
0xc5: {  	[dreg:$0x0] =	wrdreg $0xFFFFFFFF;
	(pc) =	sbr.abs _section_cstart, $3  }
0xc6: {  	[dreg:$0x1] =	wrdreg $0xFFFFFFFF  }
0xc7: {  	_ =	task.clear_ibuf [dreg:s7], $0x2FFFF;
	_ =	strace $0x9FFFFFFF  }
0xc8: {  	(tm) =	ssettm $0x7FFFFFFF  }
0xc9: {  	_ =	shalt  }
tec
execute0_lowered:
.L_overlay_start_1:
0x0: {  	(tag) =	ssettag $0x1  }
0x1: {  	s0 =	srdreg.scid  }
0x2: {  	s14 =	sand.u32 $0x1, s0  }
0x3: {  	s0 =	stileid.u32;
	s1 =	sshll.u32 s14, $0x4  }
0x4: {  	s11 =	rddreg [dreg:$0x0];
	s9 =	sor.u32 s0, s1  }
0x5: {  	s12 =	rddreg [dreg:$0x1];
	s2 =	simm.s32 $0x0;
	s13 =	smul.u32 $0xA0, s9  }
0x6: {  	[smem:$0x7FF] =	sst s2  }
0x7: {  	s1 =	rddreg [dreg:$0x2];
	s3 =	sshrl.u32 s13, $0x3  }
0x8: {  	_ =	strace $0x80000053;
	s4 =	sadd.s32 s12, s3;
	s3 =	simm.s32 $0x2  }
0x9: {  	[tilespmem:s2], [sflag:$0x2] =	stream.linear.gather [hbm4b:s4+s2], $0x50, $0x38;
	[tilespmem:$0x2880] =	vst v63  }
0xa: {  	_ =	swait.ge [sflag:s3], $0x50  }
0xb: {  	s6 =	simm.s32 $0x50;
	s7 =	simm.s32 $0x80;
	[sflag:s3] =	ssyncset.done $0x0  }
0xc: {  	s8 =	simm.s32 $0x1;
	s5 =	sadd.s32 $0x7E200, s11;
	[sflag:s3] =	ssyncadd.s32 $0xFFFFFFB0  }
0xd: {  	[tilespmem:s7], [sflag:$0x1] =	stream.indirect.gather [hbm4b:s5+s6], $0x80, s2, s6, $0xb8;
	[tilespmem:$0x2880] =	vst v63  }
0xe: {  	s15 =	smul.u32 $0xA00, s9;
	_ =	swait.ge [sflag:s8], $0x2800  }
0xf: {  	s16 =	sadd.s32 $0x2DA00, s11;
	[sflag:s8] =	ssyncset.done $0x0  }
0x10: {  	s9 =	sadd.s32 s16, s15;
	[sflag:s8] =	ssyncadd.s32 $0xFFFFD800  }
0x11: {  	[hbm4b:s9+s2] =	stream.linear.scatter [tilespmem:s7], [sflag:$0x2], $0x2800, $0x38;
	[tilespmem:$0x2880] =	vst v63  }
0x12: {  	_ =	swait.ge [sflag:s3], $0x2800  }
0x13: {  	[sflag:s3] =	ssyncset.done $0x0  }
0x14: {  	s10 =	sadd.s32 $0x5A00, s11;
	[sflag:s3] =	ssyncadd.s32 $0xFFFFD800  }
0x15: {  	[tilespmem:s7], [sflag:$0x1] =	stream.indirect.gather [hbm4b:s10+s6], $0x80, s2, s6, $0xb8;
	[tilespmem:$0x2880] =	vst v63  }
0x16: {  	_ =	swait.ge [sflag:s8], $0x2800  }
0x17: {  	s17 =	sadd.s32 $0x41A00, s11;
	[sflag:s8] =	ssyncset.done $0x0  }
0x18: {  	s11 =	sadd.s32 s17, s15;
	[sflag:s8] =	ssyncadd.s32 $0xFFFFD800  }
0x19: {  	[hbm4b:s11+s2] =	stream.linear.scatter [tilespmem:s7], [sflag:$0x2], $0x2800, $0x38;
	[tilespmem:$0x2880] =	vst v63  }
0x1a: {  	s13 =	sadd.s32 $0x50, s13;
	_ =	swait.ge [sflag:s3], $0x2800  }
0x1b: {  	s28 =	sshrl.u32 s13, $0x3;
	[sflag:s3] =	ssyncset.done $0x0  }
0x1c: {  	s12 =	sadd.s32 s12, s28;
	[sflag:s3] =	ssyncadd.s32 $0xFFFFD800  }
0x1d: {  	[tilespmem:s2], [sflag:$0x2] =	stream.linear.gather [hbm4b:s12+s2], $0x50, $0x38;
	[tilespmem:$0x2880] =	vst v63  }
0x1e: {  	_ =	swait.ge [sflag:s3], $0x50  }
0x1f: {  	[sflag:s3] =	ssyncset.done $0x0  }
0x20: {  	[sflag:s3] =	ssyncadd.s32 $0xFFFFFFB0  }
0x21: {  	[tilespmem:s7], [sflag:$0x1] =	stream.indirect.gather [hbm4b:s5+s6], $0x80, s2, s6, $0xb8;
	[tilespmem:$0x2880] =	vst v63  }
0x22: {  	_ =	swait.ge [sflag:s8], $0x2800  }
0x23: {  	s29 =	sshll.u32 s13, $0x4;
	[sflag:s8] =	ssyncset.done $0x0  }
0x24: {  	s14 =	ssub.s32 $0x2, s14;
	s13 =	sadd.s32 s16, s29;
	[sflag:s8] =	ssyncadd.s32 $0xFFFFD800  }
0x25: {  	[hbm4b:s13+s2] =	stream.linear.scatter [tilespmem:s7], [sflag:$0x2], $0x2800, $0x38;
	[tilespmem:$0x2880] =	vst v63  }
0x26: {  	s30 =	sshrl.u32 s14, $0x1;
	_ =	swait.ge [sflag:s3], $0x2800  }
0x27: {  	s16 =	ssub.s32 s14, s30;
	[sflag:s3] =	ssyncset.done $0x0  }
0x28: {  	s31 =	smax.u32 s16, $0x1;
	[sflag:s3] =	ssyncadd.s32 $0xFFFFD800  }
0x29: {  	[tilespmem:s7], [sflag:$0x1] =	stream.indirect.gather [hbm4b:s10+s6], $0x80, s2, s6, $0xb8;
	[tilespmem:$0x2880] =	vst v63  }
0x2a: {  	p0 =	sne.s32 s31, $0x1;
	_ =	swait.ge [sflag:s8], $0x2800  }
.Ltmp0:
0x2b: {  	[sflag:s8] =	ssyncset.done $0x0;
	(pc) =	sbr.rel @!p0 .LBB2_2-.Ltmp0, $4  }
0x2c: {  	s14 =	sadd.s32 s17, s29;
	[sflag:s8] =	ssyncadd.s32 $0xFFFFD800  }
0x2d: {  	[hbm4b:s14+s2] =	stream.linear.scatter [tilespmem:s7], [sflag:$0x2], $0x2800, $0x38;
	[tilespmem:$0x2880] =	vst v63  }
0x2e: {  	_ =	swait.ge [sflag:s3], $0x2800  }
0x2f: {  	s15 =	sadd.s32 $0xFFFFFFFF, s31;
	[sflag:s3] =	ssyncset.done $0x0  }
.LBB2_1:
0x30: {  	p0 =	sne.s32 s15, $0x1;
	s15 =	sadd.s32 $0xFFFFFFFF, s15;
	[sflag:s3] =	ssyncadd.s32 $0xFFFFD800  }
0x31: {  	[tilespmem:s2], [sflag:$0x2] =	stream.linear.gather [hbm4b:s4+s2], $0x50, $0x38;
	[tilespmem:$0x2880] =	vst v63  }
0x32: {  	_ =	swait.ge [sflag:s3], $0x50  }
0x33: {  	[sflag:s3] =	ssyncset.done $0x0  }
0x34: {  	[sflag:s3] =	ssyncadd.s32 $0xFFFFFFB0  }
0x35: {  	[tilespmem:s7], [sflag:$0x1] =	stream.indirect.gather [hbm4b:s5+s6], $0x80, s2, s6, $0xb8;
	[tilespmem:$0x2880] =	vst v63  }
0x36: {  	_ =	swait.ge [sflag:s8], $0x2800  }
0x37: {  	[sflag:s8] =	ssyncset.done $0x0  }
0x38: {  	[sflag:s8] =	ssyncadd.s32 $0xFFFFD800  }
0x39: {  	[hbm4b:s9+s2] =	stream.linear.scatter [tilespmem:s7], [sflag:$0x2], $0x2800, $0x38;
	[tilespmem:$0x2880] =	vst v63  }
0x3a: {  	_ =	swait.ge [sflag:s3], $0x2800  }
0x3b: {  	[sflag:s3] =	ssyncset.done $0x0  }
0x3c: {  	[sflag:s3] =	ssyncadd.s32 $0xFFFFD800  }
0x3d: {  	[tilespmem:s7], [sflag:$0x1] =	stream.indirect.gather [hbm4b:s10+s6], $0x80, s2, s6, $0xb8;
	[tilespmem:$0x2880] =	vst v63  }
0x3e: {  	_ =	swait.ge [sflag:s8], $0x2800  }
0x3f: {  	[sflag:s8] =	ssyncset.done $0x0  }
0x40: {  	[sflag:s8] =	ssyncadd.s32 $0xFFFFD800  }
0x41: {  	[hbm4b:s11+s2] =	stream.linear.scatter [tilespmem:s7], [sflag:$0x2], $0x2800, $0x38;
	[tilespmem:$0x2880] =	vst v63  }
0x42: {  	_ =	swait.ge [sflag:s3], $0x2800  }
0x43: {  	[sflag:s3] =	ssyncset.done $0x0  }
0x44: {  	[sflag:s3] =	ssyncadd.s32 $0xFFFFD800  }
0x45: {  	[tilespmem:s2], [sflag:$0x2] =	stream.linear.gather [hbm4b:s12+s2], $0x50, $0x38;
	[tilespmem:$0x2880] =	vst v63  }
0x46: {  	_ =	swait.ge [sflag:s3], $0x50  }
0x47: {  	[sflag:s3] =	ssyncset.done $0x0  }
0x48: {  	[sflag:s3] =	ssyncadd.s32 $0xFFFFFFB0  }
0x49: {  	[tilespmem:s7], [sflag:$0x1] =	stream.indirect.gather [hbm4b:s5+s6], $0x80, s2, s6, $0xb8;
	[tilespmem:$0x2880] =	vst v63  }
0x4a: {  	_ =	swait.ge [sflag:s8], $0x2800  }
0x4b: {  	[sflag:s8] =	ssyncset.done $0x0  }
0x4c: {  	[sflag:s8] =	ssyncadd.s32 $0xFFFFD800  }
0x4d: {  	[hbm4b:s13+s2] =	stream.linear.scatter [tilespmem:s7], [sflag:$0x2], $0x2800, $0x38;
	[tilespmem:$0x2880] =	vst v63  }
0x4e: {  	_ =	swait.ge [sflag:s3], $0x2800  }
0x4f: {  	[sflag:s3] =	ssyncset.done $0x0  }
0x50: {  	[sflag:s3] =	ssyncadd.s32 $0xFFFFD800  }
0x51: {  	[tilespmem:s7], [sflag:$0x1] =	stream.indirect.gather [hbm4b:s10+s6], $0x80, s2, s6, $0xb8;
	[tilespmem:$0x2880] =	vst v63  }
0x52: {  	_ =	swait.ge [sflag:s8], $0x2800  }
.Ltmp1:
0x53: {  	[sflag:s8] =	ssyncset.done $0x0;
	(pc) =	sbr.rel @p0 .LBB2_1-.Ltmp1, $4  }
0x54: {  	[sflag:s8] =	ssyncadd.s32 $0xFFFFD800  }
0x55: {  	[hbm4b:s14+s2] =	stream.linear.scatter [tilespmem:s7], [sflag:$0x2], $0x2800, $0x38;
	[tilespmem:$0x2880] =	vst v63  }
0x56: {  	_ =	swait.ge [sflag:s3], $0x2800  }
0x57: {  	[sflag:s3] =	ssyncset.done $0x0  }
.LBB2_2:
0x58: {  	[sflag:s3] =	ssyncadd.s32 $0xFFFFD800  }
0x59: {  	_ =	sfence.sel $0x180000  }
0x5a: {  	[bflag:$0x0] =	sbarrier.arrive $0xFFFF  }
0x5b: {  	p0 =	sne.s32 s0, $0x0;
	_ =	strace $0x90000053  }
0x5c: {  	s0 =	sadd.s32 @!p0 $0x100000, s1;
	[bflag:$0x2] =	sbarrier.arrive $0xFFFF  }
0x5d: {  	[sflag:s0] =	ssyncadd.tile.s32 @!p0 $0x1;
	_ =	shalt  }
.Lfunc_end2:
_tile_overlayer_lowered:
.L_overlay_start_2:
0x5e: {  	(tag) =	ssettag $0x2  }
0x5f: {  	s0 =	rddreg [dreg:$0x0];
	s2 =	stileid.u32  }
0x60: {  	s1 =	rddreg [dreg:$0x1];
	p0 =	sne.s32 s2, $0x0  }
0x61: {  	s3 =	rddreg [dreg:$0x2];
	[bflag:$0x3] =	sbarrier.arrive $0xFFFF;
	s2 =	simm.s32 @!p0 $0x1C02  }
0x62: {  	[timem:s3], [sflag:s2] =	dma.local @!p0 [hbm:s0], s1  }
0x63: {  	s0 =	simm.s32 @!p0 $0x2  }
0x64: {  	_ =	swait.ge @!p0 [sflag:s0], s1  }
0x65: {  	s1 =	ssub.s32 @!p0 $0x0, s1;
	[sflag:s0] =	ssyncset.done @!p0 $0x0  }
0x66: {  	[sflag:s0] =	ssyncadd.s32 @!p0 s1  }
0x67: {  	[bflag:$0x3] =	sbarrier.arrive $0xFFFF  }
0x68: {  	_ =	shalt  }

</sc_bundles>
